<compile_context>
chip_gen: v7x
topology: tpu7x:2x2x1
jax: 0.10.2.dev20260603
libtpu: 0.0.44.dev20260713+nightly
codegen_flags: <defaults>
</compile_context>

<pallas_src>
import jax
import jax.numpy as jnp
from jax import lax
from jax.experimental import pallas as pl
from jax.experimental.pallas import tpu as pltpu
from jax.experimental.pallas import tpu_sc as plsc

N = 10000
NDUM = 112
NP = N + NDUM
E = 320000
D = 16
IN_CH = 128

NC = 2
NS = 16
TILES = NC * NS
SB = 128
NSTREAM = 80
EP = TILES * NSTREAM * SB
RPT = NSTREAM
MROWS = E // SB
MTAIL = MROWS - (TILES - 1) * RPT
SPT = NP // NS

_MESH = dict(core_axis_name="c", subcore_axis_name="s", num_cores=NC,
             num_subcores=NS)
_SC_PARAMS = pltpu.CompilerParams(use_tc_tiling_on_sc=False)


def _fill_rows(ref, value):
    def body(i, _):
        ref[i, :] = jnp.full((D,), value, jnp.float32)
        return 0
    lax.fori_loop(0, ref.shape[0], body, 0, unroll=8)


def _fill_flat(ref, value):
    L = ref.shape[0]
    v = jnp.full((16,), value, jnp.float32)
    for off in range(0, L - 15, 16):
        ref[pl.ds(off, 16)] = v
    if L % 16:
        ref[pl.ds(L - 16, 16)] = v


def _edge_loop(table_s, acc_s, gidx_v, sidx_v, rows0_v, rows1_v, g0_sem,
               g1_sem, deg=None):
    pltpu.async_copy(table_s.at[gidx_v.at[0]], rows0_v, g0_sem)

    def pair(p, _):
        jj = 2 * p
        pltpu.async_copy(table_s.at[gidx_v.at[jj + 1]], rows1_v, g1_sem)
        pltpu.make_async_copy(table_s.at[gidx_v.at[jj]], rows0_v, g0_sem).wait()
        if deg is not None:
            dn_s, de_s, ones_v, a_sem, b_sem = deg
            d1 = pltpu.async_copy(ones_v, dn_s.at[gidx_v.at[jj]], a_sem,
                                  add=True)
            d2 = pltpu.async_copy(ones_v, de_s.at[sidx_v.at[jj]], b_sem,
                                  add=True)
        pltpu.sync_copy(rows0_v, acc_s.at[sidx_v.at[jj]], add=True)
        if deg is not None:
            d1.wait()
            d2.wait()

        @pl.when(jj + 2 < NSTREAM)
        def _():
            pltpu.async_copy(table_s.at[gidx_v.at[jj + 2]], rows0_v, g0_sem)

        pltpu.make_async_copy(table_s.at[gidx_v.at[jj + 1]], rows1_v,
                              g1_sem).wait()
        if deg is not None:
            d3 = pltpu.async_copy(ones_v, dn_s.at[gidx_v.at[jj + 1]], a_sem,
                                  add=True)
            d4 = pltpu.async_copy(ones_v, de_s.at[sidx_v.at[jj + 1]], b_sem,
                                  add=True)
        pltpu.sync_copy(rows1_v, acc_s.at[sidx_v.at[jj + 1]], add=True)
        if deg is not None:
            d3.wait()
            d4.wait()
        return 0

    lax.fori_loop(0, NSTREAM // 2, pair, 0)


def _load_indices(h4_hbm, gax, sax, gidx_v, sidx_v, wid, g0_sem, g1_sem):
    r0 = wid * RPT

    @pl.when(wid < TILES - 1)
    def _():
        pltpu.async_copy(h4_hbm.at[pl.ds(r0, RPT), gax], gidx_v, g0_sem)
        pltpu.async_copy(h4_hbm.at[pl.ds(r0, RPT), sax], sidx_v, g1_sem)

    @pl.when(wid == TILES - 1)
    def _():
        m0 = (TILES - 1) * RPT
        pltpu.async_copy(h4_hbm.at[pl.ds(m0, MTAIL), gax],
                         gidx_v.at[pl.ds(0, MTAIL)], g0_sem)
        pltpu.async_copy(h4_hbm.at[pl.ds(m0, MTAIL), sax],
                         sidx_v.at[pl.ds(0, MTAIL)], g1_sem)
        base = lax.broadcasted_iota(jnp.int32, (16,), 0)

        def pad_row(r, _):
            for k in range(SB // 16):
                v = N + ((r * SB + 16 * k + base) % NDUM)
                gidx_v[r, pl.ds(16 * k, 16)] = v
                sidx_v[r, pl.ds(16 * k, 16)] = v
            return 0

        lax.fori_loop(MTAIL, RPT, pad_row, 0)


def _wait_indices(h4_hbm, gidx_v, sidx_v, wid, g0_sem, g1_sem):
    @pl.when(wid < TILES - 1)
    def _():
        pltpu.make_async_copy(h4_hbm.at[pl.ds(0, RPT), 0], gidx_v,
                              g0_sem).wait()
        pltpu.make_async_copy(h4_hbm.at[pl.ds(0, RPT), 0], sidx_v,
                              g1_sem).wait()

    @pl.when(wid == TILES - 1)
    def _():
        pltpu.make_async_copy(h4_hbm.at[pl.ds(0, MTAIL), 0],
                              gidx_v.at[pl.ds(0, MTAIL)], g0_sem).wait()
        pltpu.make_async_copy(h4_hbm.at[pl.ds(0, MTAIL), 0],
                              sidx_v.at[pl.ds(0, MTAIL)], g1_sem).wait()


def _sc_pass_deg_body(table_hbm, h4_hbm, out_hbm, dn_hbm, de_hbm,
                      table_s, acc_s, dn_s, de_s, gidx_v, sidx_v, rows0_v,
                      rows1_v, zrow_v, zflat_v, ones_v, g0_sem, g1_sem, a_sem,
                      b_sem):
    c = lax.axis_index("c")
    s = lax.axis_index("s")
    row0 = s * SPT
    slc = pl.ds(row0, SPT)
    wid = c * NS + s
    _load_indices(h4_hbm, 0, 1, gidx_v, sidx_v, wid, g0_sem, g1_sem)
    d_tbl = pltpu.async_copy(table_hbm.at[slc], table_s.at[slc], a_sem)
    _fill_rows(zrow_v, 0.0)
    _fill_flat(zflat_v, 0.0)
    _fill_flat(ones_v, 1.0)
    pltpu.sync_copy(zrow_v, acc_s.at[slc])
    pltpu.sync_copy(zflat_v, dn_s.at[pl.ds(row0, SPT)])
    pltpu.sync_copy(zflat_v, de_s.at[pl.ds(row0, SPT)])
    d_tbl.wait()
    _wait_indices(h4_hbm, gidx_v, sidx_v, wid, g0_sem, g1_sem)
    plsc.subcore_barrier()
    _edge_loop(table_s, acc_s, gidx_v, sidx_v, rows0_v, rows1_v, g0_sem,
               g1_sem, deg=(dn_s, de_s, ones_v, a_sem, b_sem))
    plsc.subcore_barrier()
    pltpu.sync_copy(acc_s.at[slc], out_hbm.at[c, slc])
    pltpu.sync_copy(dn_s.at[pl.ds(row0, SPT)], dn_hbm.at[c, pl.ds(row0, SPT)])
    pltpu.sync_copy(de_s.at[pl.ds(row0, SPT)], de_hbm.at[c, pl.ds(row0, SPT)])


_sc_pass_deg = pl.kernel(
    _sc_pass_deg_body,
    out_type=(jax.ShapeDtypeStruct((NC, NP, D), jnp.float32),
              jax.ShapeDtypeStruct((NC, NP), jnp.float32),
              jax.ShapeDtypeStruct((NC, NP), jnp.float32)),
    mesh=plsc.VectorSubcoreMesh(**_MESH),
    scratch_types=[
        pltpu.VMEM_SHARED((NP, D), jnp.float32),
        pltpu.VMEM_SHARED((NP, D), jnp.float32),
        pltpu.VMEM_SHARED((NP,), jnp.float32),
        pltpu.VMEM_SHARED((NP,), jnp.float32),
        pltpu.VMEM((RPT, SB), jnp.int32),
        pltpu.VMEM((RPT, SB), jnp.int32),
        pltpu.VMEM((SB, D), jnp.float32),
        pltpu.VMEM((SB, D), jnp.float32),
        pltpu.VMEM((SPT, D), jnp.float32),
        pltpu.VMEM((SPT,), jnp.float32),
        pltpu.VMEM((SB,), jnp.float32),
        pltpu.SemaphoreType.DMA,
        pltpu.SemaphoreType.DMA,
        pltpu.SemaphoreType.DMA,
        pltpu.SemaphoreType.DMA,
    ],
    compiler_params=_SC_PARAMS,
    name="hgnn_sc_pass_deg",
)


def _make_sc_pass(gax, sax, name):
    def body(table_hbm, h4_hbm, out_hbm, table_s, acc_s, gidx_v, sidx_v,
             rows0_v, rows1_v, zrow_v, g0_sem, g1_sem, a_sem):
        c = lax.axis_index("c")
        s = lax.axis_index("s")
        row0 = s * SPT
        slc = pl.ds(row0, SPT)
        wid = c * NS + s
        _load_indices(h4_hbm, gax, sax, gidx_v, sidx_v, wid, g0_sem, g1_sem)
        d_tbl = pltpu.async_copy(table_hbm.at[slc], table_s.at[slc], a_sem)
        _fill_rows(zrow_v, 0.0)
        pltpu.sync_copy(zrow_v, acc_s.at[slc])
        d_tbl.wait()
        _wait_indices(h4_hbm, gidx_v, sidx_v, wid, g0_sem, g1_sem)
        plsc.subcore_barrier()
        _edge_loop(table_s, acc_s, gidx_v, sidx_v, rows0_v, rows1_v, g0_sem,
                   g1_sem)
        plsc.subcore_barrier()
        pltpu.sync_copy(acc_s.at[slc], out_hbm.at[c, slc])

    return pl.kernel(
        body,
        out_type=jax.ShapeDtypeStruct((NC, NP, D), jnp.float32),
        mesh=plsc.VectorSubcoreMesh(**_MESH),
        scratch_types=[
            pltpu.VMEM_SHARED((NP, D), jnp.float32),
            pltpu.VMEM_SHARED((NP, D), jnp.float32),
            pltpu.VMEM((RPT, SB), jnp.int32),
            pltpu.VMEM((RPT, SB), jnp.int32),
            pltpu.VMEM((SB, D), jnp.float32),
            pltpu.VMEM((SB, D), jnp.float32),
            pltpu.VMEM((SPT, D), jnp.float32),
            pltpu.SemaphoreType.DMA,
            pltpu.SemaphoreType.DMA,
            pltpu.SemaphoreType.DMA,
        ],
        compiler_params=_SC_PARAMS,
        name=name,
    )


_sc_pass_a = _make_sc_pass(0, 1, "hgnn_sc_pass_a")
_sc_pass_b = _make_sc_pass(1, 0, "hgnn_sc_pass_b")


PK = 128
PR = NP * D // PK
PRN = N * D // PK
DR = NP // PK


def _tc1_body(x_ref, w_ref, b_ref, o_ref):
    wt = jnp.concatenate([w_ref[...]] * 8, axis=1)
    bt = jnp.concatenate([b_ref[...]] * 8, axis=1)
    y_rep = jnp.dot(x_ref[...], wt,
                    preferred_element_type=jnp.float32) + bt
    t = y_rep.reshape(PRN, 8, PK)
    grp = lax.broadcasted_iota(jnp.int32, (PRN, 8, PK), 2) // D
    sub = lax.broadcasted_iota(jnp.int32, (PRN, 8, PK), 1)
    out = jnp.sum(jnp.where(grp == sub, t, 0.0), axis=1)
    o_ref[...] = jnp.concatenate(
        [out, jnp.zeros((PR - PRN, PK), jnp.float32)], axis=0)


_tc1 = pl.pallas_call(
    _tc1_body,
    out_shape=jax.ShapeDtypeStruct((PR, PK), jnp.float32),
    name="hgnn_tc_in_proj",
)


def _deg_packed(dp_ref):
    m = lax.broadcasted_iota(jnp.int32, (PK, D * PK), 0)
    c = lax.broadcasted_iota(jnp.int32, (PK, D * PK), 1)
    sel = jnp.where(m == 8 * (c // PK) + (c % PK) // D, 1.0, 0.0)
    d = dp_ref[0] + dp_ref[1]
    r = jnp.where(d > 0, 1.0 / d, 0.0)
    b = jnp.dot(r, sel, preferred_element_type=jnp.float32)
    return b.reshape(DR, D, PK).reshape(PR, PK)


def _tc_norm_body(pp_ref, dep_ref, o_ref):
    o_ref[...] = (pp_ref[0] + pp_ref[1]) * _deg_packed(dep_ref)


_tc_norm = pl.pallas_call(
    _tc_norm_body,
    out_shape=jax.ShapeDtypeStruct((PR, PK), jnp.float32),
    name="hgnn_tc_norm",
)


def _tc3_body(xnp_ref, dnp_ref, w_ref, b_ref, o_ref):
    wrep = jnp.concatenate([jnp.concatenate([w_ref[...]] * 8, axis=0)] * 8,
                           axis=1)
    bi = lax.broadcasted_iota(jnp.int32, (PK, PK), 0) // D
    bj = lax.broadcasted_iota(jnp.int32, (PK, PK), 1) // D
    wb = jnp.where(bi == bj, wrep, 0.0)
    bt = jnp.concatenate([b_ref[...]] * 8, axis=1)
    h = (xnp_ref[0] + xnp_ref[1]) * _deg_packed(dnp_ref)
    h = jnp.where(h >= 0, h, 0.01 * h)
    y = jnp.dot(h, wb, preferred_element_type=jnp.float32) + bt
    rows = lax.broadcasted_iota(jnp.int32, (PR, PK), 0)
    o_ref[...] = jnp.where(rows < PRN, y, 0.0)


_tc3 = pl.pallas_call(
    _tc3_body,
    out_shape=jax.ShapeDtypeStruct((PR, PK), jnp.float32),
    name="hgnn_tc_mid",
)


def _tc5_body(xnp_ref, dnp_ref, o_ref):
    z = (xnp_ref[0] + xnp_ref[1]) * _deg_packed(dnp_ref)
    gl = lax.broadcasted_iota(jnp.int32, (PK, PK), 0) // D
    gc = lax.broadcasted_iota(jnp.int32, (PK, PK), 1) // D
    gsum = jnp.where(gl == gc, 1.0, 0.0)
    e = jnp.exp(z)
    s = jnp.dot(e, gsum, preferred_element_type=jnp.float32)
    o_ref[...] = z - jnp.log(s)


_tc5 = pl.pallas_call(
    _tc5_body,
    out_shape=jax.ShapeDtypeStruct((PR, PK), jnp.float32),
    name="hgnn_tc_out",
)


def kernel(x, H, W1, b1, W2, b2):
    h4 = jnp.transpose(H.reshape(2, MROWS, SB), (1, 0, 2))

    tbl1 = _tc1(x, W1, b1.reshape(1, D)).reshape(NP, D)
    xe_p, dn_p, de_p = _sc_pass_deg(tbl1, h4)
    dn_pp = dn_p.reshape(NC, DR, PK)
    de_pp = de_p.reshape(NC, DR, PK)
    xen = _tc_norm(xe_p.reshape(NC, PR, PK), de_pp).reshape(NP, D)
    xn_p = _sc_pass_b(xen, h4)
    tbl2 = _tc3(xn_p.reshape(NC, PR, PK), dn_pp, W2,
                b2.reshape(1, D)).reshape(NP, D)
    xe2_p = _sc_pass_a(tbl2, h4)
    xen2 = _tc_norm(xe2_p.reshape(NC, PR, PK), de_pp).reshape(NP, D)
    xn2_p = _sc_pass_b(xen2, h4)
    out = _tc5(xn2_p.reshape(NC, PR, PK), dn_pp)
    return out.reshape(NP, D)[0:N]

# --- scband reference (transcript-rebuilt; emitter-appended) ---
"""Pipeline reference for scband-hgnn-10986526343470 (READ-ONLY COPY).

The authoritative reference and input builder live on the scoring server;
editing this copy changes nothing except your own understanding.
"""

import jax, jax.numpy as jnp
import numpy as np

N_NODES = 10000
N_HYEDGES = 10000
N_EDGES = 320000
IN_CH = 128
HID = 16
N_CLASS = 16


def _hyconv(x, node_idx, hyedge_idx, W, b):
    # feature transform (nn.Linear)
    x = x @ W + b
    # node -> hyperedge gathering, normalized by hyperedge degree
    De = jnp.bincount(hyedge_idx, length=N_HYEDGES).astype(jnp.float32)
    hyedge_norm = 1.0 / De[hyedge_idx]
    x_e = jax.ops.segment_sum(x[node_idx] * hyedge_norm[:, None], hyedge_idx, num_segments=N_HYEDGES)
    # hyperedge -> node scattering, normalized by node degree
    Dn = jnp.bincount(node_idx, length=N_NODES).astype(jnp.float32)
    node_norm = 1.0 / Dn[node_idx]
    x_n = jax.ops.segment_sum(x_e[hyedge_idx] * node_norm[:, None], node_idx, num_segments=N_NODES)
    return x_n


def setup_inputs(seed: int = 0) -> dict:
    key = jax.random.key(seed)
    k = jax.random.split(key, 6)
    x = jax.random.normal(k[0], (N_NODES, IN_CH), dtype=jnp.float32)
    H = jax.random.randint(k[1], (2, N_EDGES), 0, N_NODES, dtype=jnp.int32)
    W1 = jax.random.normal(k[2], (IN_CH, HID), dtype=jnp.float32) * (1.0 / np.sqrt(IN_CH))
    b1 = jnp.zeros((HID,), dtype=jnp.float32)
    W2 = jax.random.normal(k[3], (HID, N_CLASS), dtype=jnp.float32) * (1.0 / np.sqrt(HID))
    b2 = jnp.zeros((N_CLASS,), dtype=jnp.float32)
    return {"x": x, "H": H, "W1": W1, "b1": b1, "W2": W2, "b2": b2}


def reference(x, H, W1, b1, W2, b2):
    node_idx = H[0]
    hyedge_idx = H[1]
    h = _hyconv(x, node_idx, hyedge_idx, W1, b1)
    h = jax.nn.leaky_relu(h, negative_slope=0.01)
    # F.dropout with p=0.0 -> identity
    h = _hyconv(h, node_idx, hyedge_idx, W2, b2)
    return jax.nn.log_softmax(h, axis=1)

if __name__ == "__main__":
    import jax
    _d = setup_inputs()
    print(jax.jit(kernel)(*tuple(_d.values())))

</pallas_src>

<mosaic_0001>
#map = affine_map<(d0, d1) -> (0, 0)>
#map1 = affine_map<(d0, d1) -> (0, 0, 0)>
module attributes {stable_mosaic.version = 14 : i64} {
  func.func @hgnn_sc_pass_a(%arg0: i32, %arg1: i32, %arg2: memref<10112x16xf32, #tpu.memory_space<hbm>>, %arg3: memref<2500x2x128xi32, #tpu.memory_space<hbm>>, %arg4: memref<2x10112x16xf32, #tpu.memory_space<hbm>>, %arg5: memref<10112x16xf32, #tpu.memory_space<vmem_shared>>, %arg6: memref<10112x16xf32, #tpu.memory_space<vmem_shared>>, %arg7: memref<80x128xi32, #tpu.memory_space<vmem>>, %arg8: memref<80x128xi32, #tpu.memory_space<vmem>>, %arg9: memref<128x16xf32, #tpu.memory_space<vmem>>, %arg10: memref<128x16xf32, #tpu.memory_space<vmem>>, %arg11: memref<632x16xf32, #tpu.memory_space<vmem>>, %arg12: memref<!tpu.dma_semaphore, #tpu.memory_space<semaphore_mem>>, %arg13: memref<!tpu.dma_semaphore, #tpu.memory_space<semaphore_mem>>, %arg14: memref<!tpu.dma_semaphore, #tpu.memory_space<semaphore_mem>>) attributes {dimension_semantics = [#tpu.dimension_semantics<core_parallel>, #tpu.dimension_semantics<subcore_parallel>], iteration_bounds = array<i64: 2, 16>, scalar_prefetch = 0 : i64, scratch_operands = 10 : i64, tpu.core_type = #tpu.core_type<sc_vector_subcore>, window_params = [{transform_indices = #map}, {transform_indices = #map1}, {transform_indices = #map1}]} {
    %mul3A = arith.constant 632 : i32
    %mul3A_0 = arith.muli %arg1, %mul3A : i32
    %mul3A_1 = arith.constant 16 : i32
    %mul3A_2 = arith.muli %arg0, %mul3A_1 : i32
    %add3A = arith.addi %mul3A_2, %arg1 : i32
    %mul3A_3 = arith.constant 80 : i32
    %mul3A_4 = arith.muli %add3A, %mul3A_3 : i32
    %lt3A = arith.constant 31 : i32
    %lt3A_5 = arith.cmpi slt, %add3A, %lt3A : i32
    %convert_element_type3A = arith.extui %lt3A_5 : i1 to i32
    %cond3A = arith.constant 0 : i32
    %cond3A_6 = arith.cmpi ne, %convert_element_type3A, %cond3A : i32
    scf.if %cond3A_6 {
      %dma_start3A_48 = arith.constant 0 : i32
      %dma_start3A_49 = arith.constant 0 : i32
      %dma_start3A_50 = tpu.memref_slice %arg3[%mul3A_4, %dma_start3A_48, %dma_start3A_49] : memref<2500x2x128xi32, #tpu.memory_space<hbm>> -> memref<80x1x128xi32, #tpu.memory_space<hbm>>
      %dma_start3A_51 = tpu.memref_squeeze %dma_start3A_50 : memref<80x1x128xi32, #tpu.memory_space<hbm>> -> memref<80x128xi32, #tpu.memory_space<hbm>>
      %dma_start3A_52 = arith.constant 0 : i32
      %dma_start3A_53 = tpu.memref_slice %arg3[%mul3A_4, %dma_start3A_48, %dma_start3A_52] : memref<2500x2x128xi32, #tpu.memory_space<hbm>> -> memref<80x1x128xi32, #tpu.memory_space<hbm>>
      %dma_start3A_54 = tpu.memref_squeeze %dma_start3A_53 : memref<80x1x128xi32, #tpu.memory_space<hbm>> -> memref<80x128xi32, #tpu.memory_space<hbm>>
      tpu.enqueue_dma source(%dma_start3A_54 : memref<80x128xi32, #tpu.memory_space<hbm>>) target(%arg7 : memref<80x128xi32, #tpu.memory_space<vmem>>) target_semaphore(%arg12 : memref<!tpu.dma_semaphore, #tpu.memory_space<semaphore_mem>>)
      %dma_start3A_55 = arith.constant 1 : i32
      %dma_start3A_56 = arith.constant 0 : i32
      %dma_start3A_57 = tpu.memref_slice %arg3[%mul3A_4, %dma_start3A_55, %dma_start3A_56] : memref<2500x2x128xi32, #tpu.memory_space<hbm>> -> memref<80x1x128xi32, #tpu.memory_space<hbm>>
      %dma_start3A_58 = tpu.memref_squeeze %dma_start3A_57 : memref<80x1x128xi32, #tpu.memory_space<hbm>> -> memref<80x128xi32, #tpu.memory_space<hbm>>
      %dma_start3A_59 = arith.constant 0 : i32
      %dma_start3A_60 = tpu.memref_slice %arg3[%mul3A_4, %dma_start3A_55, %dma_start3A_59] : memref<2500x2x128xi32, #tpu.memory_space<hbm>> -> memref<80x1x128xi32, #tpu.memory_space<hbm>>
      %dma_start3A_61 = tpu.memref_squeeze %dma_start3A_60 : memref<80x1x128xi32, #tpu.memory_space<hbm>> -> memref<80x128xi32, #tpu.memory_space<hbm>>
      tpu.enqueue_dma source(%dma_start3A_61 : memref<80x128xi32, #tpu.memory_space<hbm>>) target(%arg8 : memref<80x128xi32, #tpu.memory_space<vmem>>) target_semaphore(%arg13 : memref<!tpu.dma_semaphore, #tpu.memory_space<semaphore_mem>>)
    } else {
    }
    %eq3A = arith.constant 31 : i32
    %eq3A_7 = arith.cmpi eq, %add3A, %eq3A : i32
    %convert_element_type3A_8 = arith.extui %eq3A_7 : i1 to i32
    %cond3A_9 = arith.constant 0 : i32
    %cond3A_10 = arith.cmpi ne, %convert_element_type3A_8, %cond3A_9 : i32
    scf.if %cond3A_10 {
      %dma_start3A_48 = arith.constant 0 : i32
      %dma_start3A_49 = arith.constant 0 : i32
      %dma_start3A_50 = arith.constant 0 : i32
      %dma_start3A_51 = tpu.memref_slice %arg7[%dma_start3A_49, %dma_start3A_50] : memref<80x128xi32, #tpu.memory_space<vmem>> -> memref<20x128xi32, #tpu.memory_space<vmem>>
      %dma_start3A_52 = arith.constant 2480 : i32
      %dma_start3A_53 = arith.constant 0 : i32
      %dma_start3A_54 = tpu.memref_slice %arg3[%dma_start3A_52, %dma_start3A_48, %dma_start3A_53] : memref<2500x2x128xi32, #tpu.memory_space<hbm>> -> memref<20x1x128xi32, #tpu.memory_space<hbm>>
      %dma_start3A_55 = tpu.memref_squeeze %dma_start3A_54 : memref<20x1x128xi32, #tpu.memory_space<hbm>> -> memref<20x128xi32, #tpu.memory_space<hbm>>
      %dma_start3A_56 = arith.constant 0 : i32
      %dma_start3A_57 = arith.constant 0 : i32
      %dma_start3A_58 = tpu.memref_slice %arg7[%dma_start3A_56, %dma_start3A_57] : memref<80x128xi32, #tpu.memory_space<vmem>> -> memref<20x128xi32, #tpu.memory_space<vmem>>
      %dma_start3A_59 = arith.constant 2480 : i32
      %dma_start3A_60 = arith.constant 0 : i32
      %dma_start3A_61 = tpu.memref_slice %arg3[%dma_start3A_59, %dma_start3A_48, %dma_start3A_60] : memref<2500x2x128xi32, #tpu.memory_space<hbm>> -> memref<20x1x128xi32, #tpu.memory_space<hbm>>
      %dma_start3A_62 = tpu.memref_squeeze %dma_start3A_61 : memref<20x1x128xi32, #tpu.memory_space<hbm>> -> memref<20x128xi32, #tpu.memory_space<hbm>>
      tpu.enqueue_dma source(%dma_start3A_62 : memref<20x128xi32, #tpu.memory_space<hbm>>) target(%dma_start3A_58 : memref<20x128xi32, #tpu.memory_space<vmem>>) target_semaphore(%arg12 : memref<!tpu.dma_semaphore, #tpu.memory_space<semaphore_mem>>)
      %dma_start3A_63 = arith.constant 1 : i32
      %dma_start3A_64 = arith.constant 0 : i32
      %dma_start3A_65 = arith.constant 0 : i32
      %dma_start3A_66 = tpu.memref_slice %arg8[%dma_start3A_64, %dma_start3A_65] : memref<80x128xi32, #tpu.memory_space<vmem>> -> memref<20x128xi32, #tpu.memory_space<vmem>>
      %dma_start3A_67 = arith.constant 2480 : i32
      %dma_start3A_68 = arith.constant 0 : i32
      %dma_start3A_69 = tpu.memref_slice %arg3[%dma_start3A_67, %dma_start3A_63, %dma_start3A_68] : memref<2500x2x128xi32, #tpu.memory_space<hbm>> -> memref<20x1x128xi32, #tpu.memory_space<hbm>>
      %dma_start3A_70 = tpu.memref_squeeze %dma_start3A_69 : memref<20x1x128xi32, #tpu.memory_space<hbm>> -> memref<20x128xi32, #tpu.memory_space<hbm>>
      %dma_start3A_71 = arith.constant 0 : i32
      %dma_start3A_72 = arith.constant 0 : i32
      %dma_start3A_73 = tpu.memref_slice %arg8[%dma_start3A_71, %dma_start3A_72] : memref<80x128xi32, #tpu.memory_space<vmem>> -> memref<20x128xi32, #tpu.memory_space<vmem>>
      %dma_start3A_74 = arith.constant 2480 : i32
      %dma_start3A_75 = arith.constant 0 : i32
      %dma_start3A_76 = tpu.memref_slice %arg3[%dma_start3A_74, %dma_start3A_63, %dma_start3A_75] : memref<2500x2x128xi32, #tpu.memory_space<hbm>> -> memref<20x1x128xi32, #tpu.memory_space<hbm>>
      %dma_start3A_77 = tpu.memref_squeeze %dma_start3A_76 : memref<20x1x128xi32, #tpu.memory_space<hbm>> -> memref<20x128xi32, #tpu.memory_space<hbm>>
      tpu.enqueue_dma source(%dma_start3A_77 : memref<20x128xi32, #tpu.memory_space<hbm>>) target(%dma_start3A_73 : memref<20x128xi32, #tpu.memory_space<vmem>>) target_semaphore(%arg13 : memref<!tpu.dma_semaphore, #tpu.memory_space<semaphore_mem>>)
      %iota3A = tpu.iota {dimensions = array<i32: 0>} : vector<16xi32>
      %scan3A_78 = arith.constant 0 : i32
      %scan3A_79 = arith.constant 20 : i32
      %scan3A_80 = arith.constant 60 : i32
      %scan3A_81 = arith.addi %scan3A_79, %scan3A_80 : i32
      %scan3A_82 = arith.constant 1 : i32
      %scan3A_83 = scf.for %scan3A_85 = %scan3A_79 to %scan3A_81 step %scan3A_82 iter_args(%scan3A_86 = %scan3A_78) -> (i32)  : i32 {
        %mul3A_87 = arith.constant 128 : i32
        %mul3A_88 = arith.muli %scan3A_85, %mul3A_87 : i32
        %add3A_89 = arith.constant 0 : i32
        %add3A_90 = arith.addi %mul3A_88, %add3A_89 : i32
        %add3A_91 = vector.broadcast %add3A_90 : i32 to vector<16xi32>
        %add3A_92 = arith.addi %add3A_91, %iota3A : vector<16xi32>
        %jit3A = arith.constant 112 : i32
        %eq3A_93 = arith.constant 0 : i32
        %eq3A_94 = arith.cmpi eq, %jit3A, %eq3A_93 : i32
        %jit3A_95 = arith.constant 1 : i32
        %select_n3A = arith.select %eq3A_94, %jit3A_95, %jit3A : i32
        %rem3A = vector.broadcast %select_n3A : i32 to vector<16xi32>
        %rem3A_96 = arith.remsi %add3A_92, %rem3A : vector<16xi32>
        %ne3A = arith.constant 0 : i32
        %ne3A_97 = vector.broadcast %ne3A : i32 to vector<16xi32>
        %ne3A_98 = arith.cmpi ne, %rem3A_96, %ne3A_97 : vector<16xi32>
        %lt3A_99 = arith.constant 0 : i32
        %lt3A_100 = vector.broadcast %lt3A_99 : i32 to vector<16xi32>
        %lt3A_101 = arith.cmpi slt, %rem3A_96, %lt3A_100 : vector<16xi32>
        %lt3A_102 = arith.constant 0 : i32
        %lt3A_103 = arith.cmpi slt, %select_n3A, %lt3A_102 : i32
        %ne3A_104 = vector.broadcast %lt3A_103 : i1 to vector<16xi1>
        %ne3A_105 = vector.broadcast %ne3A_104 : vector<16xi1> to vector<16xi1>
        %ne3A_106 = arith.xori %lt3A_101, %ne3A_105 : vector<16xi1>
        %and3A = arith.andi %ne3A_106, %ne3A_98 : vector<16xi1>
        %add3A_107 = vector.broadcast %select_n3A : i32 to vector<16xi32>
        %add3A_108 = arith.addi %rem3A_96, %add3A_107 : vector<16xi32>
        %select_n3A_109 = arith.select %and3A, %add3A_108, %rem3A_96 : vector<16xi1>, vector<16xi32>
        %add3A_110 = arith.constant 10000 : i32
        %add3A_111 = vector.broadcast %add3A_110 : i32 to vector<16xi32>
        %add3A_112 = arith.addi %add3A_111, %select_n3A_109 : vector<16xi32>
        %swap3A = arith.index_cast %scan3A_85 : i32 to index
        %swap3A_113 = arith.constant 0 : index
        %swap3A_114 = tpu.vector_load %arg7[%swap3A, %swap3A_113] {strides = array<i32>} : memref<80x128xi32, #tpu.memory_space<vmem>>, vector<1x16xi32>,
        %swap3A_115 = vector.shape_cast %swap3A_114 : vector<1x16xi32> to vector<16xi32>
        %swap3A_116 = vector.shape_cast %add3A_112 : vector<16xi32> to vector<1x16xi32>
        tpu.vector_store %arg7[%swap3A, %swap3A_113], %swap3A_116 {strides = array<i32>} : memref<80x128xi32, #tpu.memory_space<vmem>>, vector<1x16xi32>,
        %swap3A_117 = arith.index_cast %scan3A_85 : i32 to index
        %swap3A_118 = arith.constant 0 : index
        %swap3A_119 = tpu.vector_load %arg8[%swap3A_117, %swap3A_118] {strides = array<i32>} : memref<80x128xi32, #tpu.memory_space<vmem>>, vector<1x16xi32>,
        %swap3A_120 = vector.shape_cast %swap3A_119 : vector<1x16xi32> to vector<16xi32>
        %swap3A_121 = vector.shape_cast %add3A_112 : vector<16xi32> to vector<1x16xi32>
        tpu.vector_store %arg8[%swap3A_117, %swap3A_118], %swap3A_121 {strides = array<i32>} : memref<80x128xi32, #tpu.memory_space<vmem>>, vector<1x16xi32>,
        %mul3A_122 = arith.constant 128 : i32
        %mul3A_123 = arith.muli %scan3A_85, %mul3A_122 : i32
        %add3A_124 = arith.constant 16 : i32
        %add3A_125 = arith.addi %mul3A_123, %add3A_124 : i32
        %add3A_126 = vector.broadcast %add3A_125 : i32 to vector<16xi32>
        %add3A_127 = arith.addi %add3A_126, %iota3A : vector<16xi32>
        %jit3A_128 = arith.constant 112 : i32
        %eq3A_129 = arith.constant 0 : i32
        %eq3A_130 = arith.cmpi eq, %jit3A_128, %eq3A_129 : i32
        %jit3A_131 = arith.constant 1 : i32
        %select_n3A_132 = arith.select %eq3A_130, %jit3A_131, %jit3A_128 : i32
        %rem3A_133 = vector.broadcast %select_n3A_132 : i32 to vector<16xi32>
        %rem3A_134 = arith.remsi %add3A_127, %rem3A_133 : vector<16xi32>
        %ne3A_135 = arith.constant 0 : i32
        %ne3A_136 = vector.broadcast %ne3A_135 : i32 to vector<16xi32>
        %ne3A_137 = arith.cmpi ne, %rem3A_134, %ne3A_136 : vector<16xi32>
        %lt3A_138 = arith.constant 0 : i32
        %lt3A_139 = vector.broadcast %lt3A_138 : i32 to vector<16xi32>
        %lt3A_140 = arith.cmpi slt, %rem3A_134, %lt3A_139 : vector<16xi32>
        %lt3A_141 = arith.constant 0 : i32
        %lt3A_142 = arith.cmpi slt, %select_n3A_132, %lt3A_141 : i32
        %ne3A_143 = vector.broadcast %lt3A_142 : i1 to vector<16xi1>
        %ne3A_144 = vector.broadcast %ne3A_143 : vector<16xi1> to vector<16xi1>
        %ne3A_145 = arith.xori %lt3A_140, %ne3A_144 : vector<16xi1>
        %and3A_146 = arith.andi %ne3A_145, %ne3A_137 : vector<16xi1>
        %add3A_147 = vector.broadcast %select_n3A_132 : i32 to vector<16xi32>
        %add3A_148 = arith.addi %rem3A_134, %add3A_147 : vector<16xi32>
        %select_n3A_149 = arith.select %and3A_146, %add3A_148, %rem3A_134 : vector<16xi1>, vector<16xi32>
        %add3A_150 = arith.constant 10000 : i32
        %add3A_151 = vector.broadcast %add3A_150 : i32 to vector<16xi32>
        %add3A_152 = arith.addi %add3A_151, %select_n3A_149 : vector<16xi32>
        %swap3A_153 = arith.index_cast %scan3A_85 : i32 to index
        %swap3A_154 = arith.constant 16 : index
        %swap3A_155 = tpu.vector_load %arg7[%swap3A_153, %swap3A_154] {strides = array<i32>} : memref<80x128xi32, #tpu.memory_space<vmem>>, vector<1x16xi32>,
        %swap3A_156 = vector.shape_cast %swap3A_155 : vector<1x16xi32> to vector<16xi32>
        %swap3A_157 = vector.shape_cast %add3A_152 : vector<16xi32> to vector<1x16xi32>
        tpu.vector_store %arg7[%swap3A_153, %swap3A_154], %swap3A_157 {strides = array<i32>} : memref<80x128xi32, #tpu.memory_space<vmem>>, vector<1x16xi32>,
        %swap3A_158 = arith.index_cast %scan3A_85 : i32 to index
        %swap3A_159 = arith.constant 16 : index
        %swap3A_160 = tpu.vector_load %arg8[%swap3A_158, %swap3A_159] {strides = array<i32>} : memref<80x128xi32, #tpu.memory_space<vmem>>, vector<1x16xi32>,
        %swap3A_161 = vector.shape_cast %swap3A_160 : vector<1x16xi32> to vector<16xi32>
        %swap3A_162 = vector.shape_cast %add3A_152 : vector<16xi32> to vector<1x16xi32>
        tpu.vector_store %arg8[%swap3A_158, %swap3A_159], %swap3A_162 {strides = array<i32>} : memref<80x128xi32, #tpu.memory_space<vmem>>, vector<1x16xi32>,
        %mul3A_163 = arith.constant 128 : i32
        %mul3A_164 = arith.muli %scan3A_85, %mul3A_163 : i32
        %add3A_165 = arith.constant 32 : i32
        %add3A_166 = arith.addi %mul3A_164, %add3A_165 : i32
        %add3A_167 = vector.broadcast %add3A_166 : i32 to vector<16xi32>
        %add3A_168 = arith.addi %add3A_167, %iota3A : vector<16xi32>
        %jit3A_169 = arith.constant 112 : i32
        %eq3A_170 = arith.constant 0 : i32
        %eq3A_171 = arith.cmpi eq, %jit3A_169, %eq3A_170 : i32
        %jit3A_172 = arith.constant 1 : i32
        %select_n3A_173 = arith.select %eq3A_171, %jit3A_172, %jit3A_169 : i32
        %rem3A_174 = vector.broadcast %select_n3A_173 : i32 to vector<16xi32>
        %rem3A_175 = arith.remsi %add3A_168, %rem3A_174 : vector<16xi32>
        %ne3A_176 = arith.constant 0 : i32
        %ne3A_177 = vector.broadcast %ne3A_176 : i32 to vector<16xi32>
        %ne3A_178 = arith.cmpi ne, %rem3A_175, %ne3A_177 : vector<16xi32>
        %lt3A_179 = arith.constant 0 : i32
        %lt3A_180 = vector.broadcast %lt3A_179 : i32 to vector<16xi32>
        %lt3A_181 = arith.cmpi slt, %rem3A_175, %lt3A_180 : vector<16xi32>
        %lt3A_182 = arith.constant 0 : i32
        %lt3A_183 = arith.cmpi slt, %select_n3A_173, %lt3A_182 : i32
        %ne3A_184 = vector.broadcast %lt3A_183 : i1 to vector<16xi1>
        %ne3A_185 = vector.broadcast %ne3A_184 : vector<16xi1> to vector<16xi1>
        %ne3A_186 = arith.xori %lt3A_181, %ne3A_185 : vector<16xi1>
        %and3A_187 = arith.andi %ne3A_186, %ne3A_178 : vector<16xi1>
        %add3A_188 = vector.broadcast %select_n3A_173 : i32 to vector<16xi32>
        %add3A_189 = arith.addi %rem3A_175, %add3A_188 : vector<16xi32>
        %select_n3A_190 = arith.select %and3A_187, %add3A_189, %rem3A_175 : vector<16xi1>, vector<16xi32>
        %add3A_191 = arith.constant 10000 : i32
        %add3A_192 = vector.broadcast %add3A_191 : i32 to vector<16xi32>
        %add3A_193 = arith.addi %add3A_192, %select_n3A_190 : vector<16xi32>
        %swap3A_194 = arith.index_cast %scan3A_85 : i32 to index
        %swap3A_195 = arith.constant 32 : index
        %swap3A_196 = tpu.vector_load %arg7[%swap3A_194, %swap3A_195] {strides = array<i32>} : memref<80x128xi32, #tpu.memory_space<vmem>>, vector<1x16xi32>,
        %swap3A_197 = vector.shape_cast %swap3A_196 : vector<1x16xi32> to vector<16xi32>
        %swap3A_198 = vector.shape_cast %add3A_193 : vector<16xi32> to vector<1x16xi32>
        tpu.vector_store %arg7[%swap3A_194, %swap3A_195], %swap3A_198 {strides = array<i32>} : memref<80x128xi32, #tpu.memory_space<vmem>>, vector<1x16xi32>,
        %swap3A_199 = arith.index_cast %scan3A_85 : i32 to index
        %swap3A_200 = arith.constant 32 : index
        %swap3A_201 = tpu.vector_load %arg8[%swap3A_199, %swap3A_200] {strides = array<i32>} : memref<80x128xi32, #tpu.memory_space<vmem>>, vector<1x16xi32>,
        %swap3A_202 = vector.shape_cast %swap3A_201 : vector<1x16xi32> to vector<16xi32>
        %swap3A_203 = vector.shape_cast %add3A_193 : vector<16xi32> to vector<1x16xi32>
        tpu.vector_store %arg8[%swap3A_199, %swap3A_200], %swap3A_203 {strides = array<i32>} : memref<80x128xi32, #tpu.memory_space<vmem>>, vector<1x16xi32>,
        %mul3A_204 = arith.constant 128 : i32
        %mul3A_205 = arith.muli %scan3A_85, %mul3A_204 : i32
        %add3A_206 = arith.constant 48 : i32
        %add3A_207 = arith.addi %mul3A_205, %add3A_206 : i32
        %add3A_208 = vector.broadcast %add3A_207 : i32 to vector<16xi32>
        %add3A_209 = arith.addi %add3A_208, %iota3A : vector<16xi32>
        %jit3A_210 = arith.constant 112 : i32
        %eq3A_211 = arith.constant 0 : i32
        %eq3A_212 = arith.cmpi eq, %jit3A_210, %eq3A_211 : i32
        %jit3A_213 = arith.constant 1 : i32
        %select_n3A_214 = arith.select %eq3A_212, %jit3A_213, %jit3A_210 : i32
        %rem3A_215 = vector.broadcast %select_n3A_214 : i32 to vector<16xi32>
        %rem3A_216 = arith.remsi %add3A_209, %rem3A_215 : vector<16xi32>
        %ne3A_217 = arith.constant 0 : i32
        %ne3A_218 = vector.broadcast %ne3A_217 : i32 to vector<16xi32>
        %ne3A_219 = arith.cmpi ne, %rem3A_216, %ne3A_218 : vector<16xi32>
        %lt3A_220 = arith.constant 0 : i32
        %lt3A_221 = vector.broadcast %lt3A_220 : i32 to vector<16xi32>
        %lt3A_222 = arith.cmpi slt, %rem3A_216, %lt3A_221 : vector<16xi32>
        %lt3A_223 = arith.constant 0 : i32
        %lt3A_224 = arith.cmpi slt, %select_n3A_214, %lt3A_223 : i32
        %ne3A_225 = vector.broadcast %lt3A_224 : i1 to vector<16xi1>
        %ne3A_226 = vector.broadcast %ne3A_225 : vector<16xi1> to vector<16xi1>
        %ne3A_227 = arith.xori %lt3A_222, %ne3A_226 : vector<16xi1>
        %and3A_228 = arith.andi %ne3A_227, %ne3A_219 : vector<16xi1>
        %add3A_229 = vector.broadcast %select_n3A_214 : i32 to vector<16xi32>
        %add3A_230 = arith.addi %rem3A_216, %add3A_229 : vector<16xi32>
        %select_n3A_231 = arith.select %and3A_228, %add3A_230, %rem3A_216 : vector<16xi1>, vector<16xi32>
        %add3A_232 = arith.constant 10000 : i32
        %add3A_233 = vector.broadcast %add3A_232 : i32 to vector<16xi32>
        %add3A_234 = arith.addi %add3A_233, %select_n3A_231 : vector<16xi32>
        %swap3A_235 = arith.index_cast %scan3A_85 : i32 to index
        %swap3A_236 = arith.constant 48 : index
        %swap3A_237 = tpu.vector_load %arg7[%swap3A_235, %swap3A_236] {strides = array<i32>} : memref<80x128xi32, #tpu.memory_space<vmem>>, vector<1x16xi32>,
        %swap3A_238 = vector.shape_cast %swap3A_237 : vector<1x16xi32> to vector<16xi32>
        %swap3A_239 = vector.shape_cast %add3A_234 : vector<16xi32> to vector<1x16xi32>
        tpu.vector_store %arg7[%swap3A_235, %swap3A_236], %swap3A_239 {strides = array<i32>} : memref<80x128xi32, #tpu.memory_space<vmem>>, vector<1x16xi32>,
        %swap3A_240 = arith.index_cast %scan3A_85 : i32 to index
        %swap3A_241 = arith.constant 48 : index
        %swap3A_242 = tpu.vector_load %arg8[%swap3A_240, %swap3A_241] {strides = array<i32>} : memref<80x128xi32, #tpu.memory_space<vmem>>, vector<1x16xi32>,
        %swap3A_243 = vector.shape_cast %swap3A_242 : vector<1x16xi32> to vector<16xi32>
        %swap3A_244 = vector.shape_cast %add3A_234 : vector<16xi32> to vector<1x16xi32>
        tpu.vector_store %arg8[%swap3A_240, %swap3A_241], %swap3A_244 {strides = array<i32>} : memref<80x128xi32, #tpu.memory_space<vmem>>, vector<1x16xi32>,
        %mul3A_245 = arith.constant 128 : i32
        %mul3A_246 = arith.muli %scan3A_85, %mul3A_245 : i32
        %add3A_247 = arith.constant 64 : i32
        %add3A_248 = arith.addi %mul3A_246, %add3A_247 : i32
        %add3A_249 = vector.broadcast %add3A_248 : i32 to vector<16xi32>
        %add3A_250 = arith.addi %add3A_249, %iota3A : vector<16xi32>
        %jit3A_251 = arith.constant 112 : i32
        %eq3A_252 = arith.constant 0 : i32
        %eq3A_253 = arith.cmpi eq, %jit3A_251, %eq3A_252 : i32
        %jit3A_254 = arith.constant 1 : i32
        %select_n3A_255 = arith.select %eq3A_253, %jit3A_254, %jit3A_251 : i32
        %rem3A_256 = vector.broadcast %select_n3A_255 : i32 to vector<16xi32>
        %rem3A_257 = arith.remsi %add3A_250, %rem3A_256 : vector<16xi32>
        %ne3A_258 = arith.constant 0 : i32
        %ne3A_259 = vector.broadcast %ne3A_258 : i32 to vector<16xi32>
        %ne3A_260 = arith.cmpi ne, %rem3A_257, %ne3A_259 : vector<16xi32>
        %lt3A_261 = arith.constant 0 : i32
        %lt3A_262 = vector.broadcast %lt3A_261 : i32 to vector<16xi32>
        %lt3A_263 = arith.cmpi slt, %rem3A_257, %lt3A_262 : vector<16xi32>
        %lt3A_264 = arith.constant 0 : i32
        %lt3A_265 = arith.cmpi slt, %select_n3A_255, %lt3A_264 : i32
        %ne3A_266 = vector.broadcast %lt3A_265 : i1 to vector<16xi1>
        %ne3A_267 = vector.broadcast %ne3A_266 : vector<16xi1> to vector<16xi1>
        %ne3A_268 = arith.xori %lt3A_263, %ne3A_267 : vector<16xi1>
        %and3A_269 = arith.andi %ne3A_268, %ne3A_260 : vector<16xi1>
        %add3A_270 = vector.broadcast %select_n3A_255 : i32 to vector<16xi32>
        %add3A_271 = arith.addi %rem3A_257, %add3A_270 : vector<16xi32>
        %select_n3A_272 = arith.select %and3A_269, %add3A_271, %rem3A_257 : vector<16xi1>, vector<16xi32>
        %add3A_273 = arith.constant 10000 : i32
        %add3A_274 = vector.broadcast %add3A_273 : i32 to vector<16xi32>
        %add3A_275 = arith.addi %add3A_274, %select_n3A_272 : vector<16xi32>
        %swap3A_276 = arith.index_cast %scan3A_85 : i32 to index
        %swap3A_277 = arith.constant 64 : index
        %swap3A_278 = tpu.vector_load %arg7[%swap3A_276, %swap3A_277] {strides = array<i32>} : memref<80x128xi32, #tpu.memory_space<vmem>>, vector<1x16xi32>,
        %swap3A_279 = vector.shape_cast %swap3A_278 : vector<1x16xi32> to vector<16xi32>
        %swap3A_280 = vector.shape_cast %add3A_275 : vector<16xi32> to vector<1x16xi32>
        tpu.vector_store %arg7[%swap3A_276, %swap3A_277], %swap3A_280 {strides = array<i32>} : memref<80x128xi32, #tpu.memory_space<vmem>>, vector<1x16xi32>,
        %swap3A_281 = arith.index_cast %scan3A_85 : i32 to index
        %swap3A_282 = arith.constant 64 : index
        %swap3A_283 = tpu.vector_load %arg8[%swap3A_281, %swap3A_282] {strides = array<i32>} : memref<80x128xi32, #tpu.memory_space<vmem>>, vector<1x16xi32>,
        %swap3A_284 = vector.shape_cast %swap3A_283 : vector<1x16xi32> to vector<16xi32>
        %swap3A_285 = vector.shape_cast %add3A_275 : vector<16xi32> to vector<1x16xi32>
        tpu.vector_store %arg8[%swap3A_281, %swap3A_282], %swap3A_285 {strides = array<i32>} : memref<80x128xi32, #tpu.memory_space<vmem>>, vector<1x16xi32>,
        %mul3A_286 = arith.constant 128 : i32
        %mul3A_287 = arith.muli %scan3A_85, %mul3A_286 : i32
        %add3A_288 = arith.constant 80 : i32
        %add3A_289 = arith.addi %mul3A_287, %add3A_288 : i32
        %add3A_290 = vector.broadcast %add3A_289 : i32 to vector<16xi32>
        %add3A_291 = arith.addi %add3A_290, %iota3A : vector<16xi32>
        %jit3A_292 = arith.constant 112 : i32
        %eq3A_293 = arith.constant 0 : i32
        %eq3A_294 = arith.cmpi eq, %jit3A_292, %eq3A_293 : i32
        %jit3A_295 = arith.constant 1 : i32
        %select_n3A_296 = arith.select %eq3A_294, %jit3A_295, %jit3A_292 : i32
        %rem3A_297 = vector.broadcast %select_n3A_296 : i32 to vector<16xi32>
        %rem3A_298 = arith.remsi %add3A_291, %rem3A_297 : vector<16xi32>
        %ne3A_299 = arith.constant 0 : i32
        %ne3A_300 = vector.broadcast %ne3A_299 : i32 to vector<16xi32>
        %ne3A_301 = arith.cmpi ne, %rem3A_298, %ne3A_300 : vector<16xi32>
        %lt3A_302 = arith.constant 0 : i32
        %lt3A_303 = vector.broadcast %lt3A_302 : i32 to vector<16xi32>
        %lt3A_304 = arith.cmpi slt, %rem3A_298, %lt3A_303 : vector<16xi32>
        %lt3A_305 = arith.constant 0 : i32
        %lt3A_306 = arith.cmpi slt, %select_n3A_296, %lt3A_305 : i32
        %ne3A_307 = vector.broadcast %lt3A_306 : i1 to vector<16xi1>
        %ne3A_308 = vector.broadcast %ne3A_307 : vector<16xi1> to vector<16xi1>
        %ne3A_309 = arith.xori %lt3A_304, %ne3A_308 : vector<16xi1>
        %and3A_310 = arith.andi %ne3A_309, %ne3A_301 : vector<16xi1>
        %add3A_311 = vector.broadcast %select_n3A_296 : i32 to vector<16xi32>
        %add3A_312 = arith.addi %rem3A_298, %add3A_311 : vector<16xi32>
        %select_n3A_313 = arith.select %and3A_310, %add3A_312, %rem3A_298 : vector<16xi1>, vector<16xi32>
        %add3A_314 = arith.constant 10000 : i32
        %add3A_315 = vector.broadcast %add3A_314 : i32 to vector<16xi32>
        %add3A_316 = arith.addi %add3A_315, %select_n3A_313 : vector<16xi32>
        %swap3A_317 = arith.index_cast %scan3A_85 : i32 to index
        %swap3A_318 = arith.constant 80 : index
        %swap3A_319 = tpu.vector_load %arg7[%swap3A_317, %swap3A_318] {strides = array<i32>} : memref<80x128xi32, #tpu.memory_space<vmem>>, vector<1x16xi32>,
        %swap3A_320 = vector.shape_cast %swap3A_319 : vector<1x16xi32> to vector<16xi32>
        %swap3A_321 = vector.shape_cast %add3A_316 : vector<16xi32> to vector<1x16xi32>
        tpu.vector_store %arg7[%swap3A_317, %swap3A_318], %swap3A_321 {strides = array<i32>} : memref<80x128xi32, #tpu.memory_space<vmem>>, vector<1x16xi32>,
        %swap3A_322 = arith.index_cast %scan3A_85 : i32 to index
        %swap3A_323 = arith.constant 80 : index
        %swap3A_324 = tpu.vector_load %arg8[%swap3A_322, %swap3A_323] {strides = array<i32>} : memref<80x128xi32, #tpu.memory_space<vmem>>, vector<1x16xi32>,
        %swap3A_325 = vector.shape_cast %swap3A_324 : vector<1x16xi32> to vector<16xi32>
        %swap3A_326 = vector.shape_cast %add3A_316 : vector<16xi32> to vector<1x16xi32>
        tpu.vector_store %arg8[%swap3A_322, %swap3A_323], %swap3A_326 {strides = array<i32>} : memref<80x128xi32, #tpu.memory_space<vmem>>, vector<1x16xi32>,
        %mul3A_327 = arith.constant 128 : i32
        %mul3A_328 = arith.muli %scan3A_85, %mul3A_327 : i32
        %add3A_329 = arith.constant 96 : i32
        %add3A_330 = arith.addi %mul3A_328, %add3A_329 : i32
        %add3A_331 = vector.broadcast %add3A_330 : i32 to vector<16xi32>
        %add3A_332 = arith.addi %add3A_331, %iota3A : vector<16xi32>
        %jit3A_333 = arith.constant 112 : i32
        %eq3A_334 = arith.constant 0 : i32
        %eq3A_335 = arith.cmpi eq, %jit3A_333, %eq3A_334 : i32
        %jit3A_336 = arith.constant 1 : i32
        %select_n3A_337 = arith.select %eq3A_335, %jit3A_336, %jit3A_333 : i32
        %rem3A_338 = vector.broadcast %select_n3A_337 : i32 to vector<16xi32>
        %rem3A_339 = arith.remsi %add3A_332, %rem3A_338 : vector<16xi32>
        %ne3A_340 = arith.constant 0 : i32
        %ne3A_341 = vector.broadcast %ne3A_340 : i32 to vector<16xi32>
        %ne3A_342 = arith.cmpi ne, %rem3A_339, %ne3A_341 : vector<16xi32>
        %lt3A_343 = arith.constant 0 : i32
        %lt3A_344 = vector.broadcast %lt3A_343 : i32 to vector<16xi32>
        %lt3A_345 = arith.cmpi slt, %rem3A_339, %lt3A_344 : vector<16xi32>
        %lt3A_346 = arith.constant 0 : i32
        %lt3A_347 = arith.cmpi slt, %select_n3A_337, %lt3A_346 : i32
        %ne3A_348 = vector.broadcast %lt3A_347 : i1 to vector<16xi1>
        %ne3A_349 = vector.broadcast %ne3A_348 : vector<16xi1> to vector<16xi1>
        %ne3A_350 = arith.xori %lt3A_345, %ne3A_349 : vector<16xi1>
        %and3A_351 = arith.andi %ne3A_350, %ne3A_342 : vector<16xi1>
        %add3A_352 = vector.broadcast %select_n3A_337 : i32 to vector<16xi32>
        %add3A_353 = arith.addi %rem3A_339, %add3A_352 : vector<16xi32>
        %select_n3A_354 = arith.select %and3A_351, %add3A_353, %rem3A_339 : vector<16xi1>, vector<16xi32>
        %add3A_355 = arith.constant 10000 : i32
        %add3A_356 = vector.broadcast %add3A_355 : i32 to vector<16xi32>
        %add3A_357 = arith.addi %add3A_356, %select_n3A_354 : vector<16xi32>
        %swap3A_358 = arith.index_cast %scan3A_85 : i32 to index
        %swap3A_359 = arith.constant 96 : index
        %swap3A_360 = tpu.vector_load %arg7[%swap3A_358, %swap3A_359] {strides = array<i32>} : memref<80x128xi32, #tpu.memory_space<vmem>>, vector<1x16xi32>,
        %swap3A_361 = vector.shape_cast %swap3A_360 : vector<1x16xi32> to vector<16xi32>
        %swap3A_362 = vector.shape_cast %add3A_357 : vector<16xi32> to vector<1x16xi32>
        tpu.vector_store %arg7[%swap3A_358, %swap3A_359], %swap3A_362 {strides = array<i32>} : memref<80x128xi32, #tpu.memory_space<vmem>>, vector<1x16xi32>,
        %swap3A_363 = arith.index_cast %scan3A_85 : i32 to index
        %swap3A_364 = arith.constant 96 : index
        %swap3A_365 = tpu.vector_load %arg8[%swap3A_363, %swap3A_364] {strides = array<i32>} : memref<80x128xi32, #tpu.memory_space<vmem>>, vector<1x16xi32>,
        %swap3A_366 = vector.shape_cast %swap3A_365 : vector<1x16xi32> to vector<16xi32>
        %swap3A_367 = vector.shape_cast %add3A_357 : vector<16xi32> to vector<1x16xi32>
        tpu.vector_store %arg8[%swap3A_363, %swap3A_364], %swap3A_367 {strides = array<i32>} : memref<80x128xi32, #tpu.memory_space<vmem>>, vector<1x16xi32>,
        %mul3A_368 = arith.constant 128 : i32
        %mul3A_369 = arith.muli %scan3A_85, %mul3A_368 : i32
        %add3A_370 = arith.constant 112 : i32
        %add3A_371 = arith.addi %mul3A_369, %add3A_370 : i32
        %add3A_372 = vector.broadcast %add3A_371 : i32 to vector<16xi32>
        %add3A_373 = arith.addi %add3A_372, %iota3A : vector<16xi32>
        %jit3A_374 = arith.constant 112 : i32
        %eq3A_375 = arith.constant 0 : i32
        %eq3A_376 = arith.cmpi eq, %jit3A_374, %eq3A_375 : i32
        %jit3A_377 = arith.constant 1 : i32
        %select_n3A_378 = arith.select %eq3A_376, %jit3A_377, %jit3A_374 : i32
        %rem3A_379 = vector.broadcast %select_n3A_378 : i32 to vector<16xi32>
        %rem3A_380 = arith.remsi %add3A_373, %rem3A_379 : vector<16xi32>
        %ne3A_381 = arith.constant 0 : i32
        %ne3A_382 = vector.broadcast %ne3A_381 : i32 to vector<16xi32>
        %ne3A_383 = arith.cmpi ne, %rem3A_380, %ne3A_382 : vector<16xi32>
        %lt3A_384 = arith.constant 0 : i32
        %lt3A_385 = vector.broadcast %lt3A_384 : i32 to vector<16xi32>
        %lt3A_386 = arith.cmpi slt, %rem3A_380, %lt3A_385 : vector<16xi32>
        %lt3A_387 = arith.constant 0 : i32
        %lt3A_388 = arith.cmpi slt, %select_n3A_378, %lt3A_387 : i32
        %ne3A_389 = vector.broadcast %lt3A_388 : i1 to vector<16xi1>
        %ne3A_390 = vector.broadcast %ne3A_389 : vector<16xi1> to vector<16xi1>
        %ne3A_391 = arith.xori %lt3A_386, %ne3A_390 : vector<16xi1>
        %and3A_392 = arith.andi %ne3A_391, %ne3A_383 : vector<16xi1>
        %add3A_393 = vector.broadcast %select_n3A_378 : i32 to vector<16xi32>
        %add3A_394 = arith.addi %rem3A_380, %add3A_393 : vector<16xi32>
        %select_n3A_395 = arith.select %and3A_392, %add3A_394, %rem3A_380 : vector<16xi1>, vector<16xi32>
        %add3A_396 = arith.constant 10000 : i32
        %add3A_397 = vector.broadcast %add3A_396 : i32 to vector<16xi32>
        %add3A_398 = arith.addi %add3A_397, %select_n3A_395 : vector<16xi32>
        %swap3A_399 = arith.index_cast %scan3A_85 : i32 to index
        %swap3A_400 = arith.constant 112 : index
        %swap3A_401 = tpu.vector_load %arg7[%swap3A_399, %swap3A_400] {strides = array<i32>} : memref<80x128xi32, #tpu.memory_space<vmem>>, vector<1x16xi32>,
        %swap3A_402 = vector.shape_cast %swap3A_401 : vector<1x16xi32> to vector<16xi32>
        %swap3A_403 = vector.shape_cast %add3A_398 : vector<16xi32> to vector<1x16xi32>
        tpu.vector_store %arg7[%swap3A_399, %swap3A_400], %swap3A_403 {strides = array<i32>} : memref<80x128xi32, #tpu.memory_space<vmem>>, vector<1x16xi32>,
        %swap3A_404 = arith.index_cast %scan3A_85 : i32 to index
        %swap3A_405 = arith.constant 112 : index
        %swap3A_406 = tpu.vector_load %arg8[%swap3A_404, %swap3A_405] {strides = array<i32>} : memref<80x128xi32, #tpu.memory_space<vmem>>, vector<1x16xi32>,
        %swap3A_407 = vector.shape_cast %swap3A_406 : vector<1x16xi32> to vector<16xi32>
        %swap3A_408 = vector.shape_cast %add3A_398 : vector<16xi32> to vector<1x16xi32>
        tpu.vector_store %arg8[%swap3A_404, %swap3A_405], %swap3A_408 {strides = array<i32>} : memref<80x128xi32, #tpu.memory_space<vmem>>, vector<1x16xi32>,
        %scan3A_409 = arith.constant 0 : i32
        scf.yield %scan3A_409 : i32
      }
      %scan3A_84 = arith.constant 60 : i32
    } else {
    }
    %dma_start3A = arith.constant 0 : i32
    %dma_start3A_11 = tpu.memref_slice %arg5[%mul3A_0, %dma_start3A] : memref<10112x16xf32, #tpu.memory_space<vmem_shared>> -> memref<632x16xf32, #tpu.memory_space<vmem_shared>>
    %dma_start3A_12 = arith.constant 0 : i32
    %dma_start3A_13 = tpu.memref_slice %arg2[%mul3A_0, %dma_start3A_12] : memref<10112x16xf32, #tpu.memory_space<hbm>> -> memref<632x16xf32, #tpu.memory_space<hbm>>
    tpu.enqueue_dma source(%dma_start3A_13 : memref<632x16xf32, #tpu.memory_space<hbm>>) target(%dma_start3A_11 : memref<632x16xf32, #tpu.memory_space<vmem_shared>>) target_semaphore(%arg14 : memref<!tpu.dma_semaphore, #tpu.memory_space<semaphore_mem>>)
    %scan3A = arith.constant 0 : i32
    %scan3A_14 = arith.constant 0 : i32
    %scan3A_15 = arith.constant 632 : i32
    %scan3A_16 = arith.addi %scan3A_14, %scan3A_15 : i32
    %scan3A_17 = arith.constant 8 : i32
    %scan3A_18 = scf.for %scan3A_48 = %scan3A_14 to %scan3A_16 step %scan3A_17 iter_args(%scan3A_49 = %scan3A) -> (i32)  : i32 {
      %broadcast_in_dim3A = arith.constant 0.000000e+00 : f32
      %broadcast_in_dim3A_50 = vector.broadcast %broadcast_in_dim3A : f32 to vector<16xf32>
      %swap3A = arith.index_cast %scan3A_48 : i32 to index
      %swap3A_51 = arith.constant 0 : index
      %swap3A_52 = tpu.vector_load %arg11[%swap3A, %swap3A_51] {strides = array<i32>} : memref<632x16xf32, #tpu.memory_space<vmem>>, vector<1x16xf32>,
      %swap3A_53 = vector.shape_cast %swap3A_52 : vector<1x16xf32> to vector<16xf32>
      %swap3A_54 = vector.shape_cast %broadcast_in_dim3A_50 : vector<16xf32> to vector<1x16xf32>
      tpu.vector_store %arg11[%swap3A, %swap3A_51], %swap3A_54 {strides = array<i32>} : memref<632x16xf32, #tpu.memory_space<vmem>>, vector<1x16xf32>,
      %scan3A_55 = arith.constant 0 : i32
      %scan3A_56 = arith.constant 1 : i32
      %scan3A_57 = arith.addi %scan3A_48, %scan3A_56 : i32
      %broadcast_in_dim3A_58 = arith.constant 0.000000e+00 : f32
      %broadcast_in_dim3A_59 = vector.broadcast %broadcast_in_dim3A_58 : f32 to vector<16xf32>
      %swap3A_60 = arith.index_cast %scan3A_57 : i32 to index
      %swap3A_61 = arith.constant 0 : index
      %swap3A_62 = tpu.vector_load %arg11[%swap3A_60, %swap3A_61] {strides = array<i32>} : memref<632x16xf32, #tpu.memory_space<vmem>>, vector<1x16xf32>,
      %swap3A_63 = vector.shape_cast %swap3A_62 : vector<1x16xf32> to vector<16xf32>
      %swap3A_64 = vector.shape_cast %broadcast_in_dim3A_59 : vector<16xf32> to vector<1x16xf32>
      tpu.vector_store %arg11[%swap3A_60, %swap3A_61], %swap3A_64 {strides = array<i32>} : memref<632x16xf32, #tpu.memory_space<vmem>>, vector<1x16xf32>,
      %scan3A_65 = arith.constant 0 : i32
      %scan3A_66 = arith.constant 2 : i32
      %scan3A_67 = arith.addi %scan3A_48, %scan3A_66 : i32
      %broadcast_in_dim3A_68 = arith.constant 0.000000e+00 : f32
      %broadcast_in_dim3A_69 = vector.broadcast %broadcast_in_dim3A_68 : f32 to vector<16xf32>
      %swap3A_70 = arith.index_cast %scan3A_67 : i32 to index
      %swap3A_71 = arith.constant 0 : index
      %swap3A_72 = tpu.vector_load %arg11[%swap3A_70, %swap3A_71] {strides = array<i32>} : memref<632x16xf32, #tpu.memory_space<vmem>>, vector<1x16xf32>,
      %swap3A_73 = vector.shape_cast %swap3A_72 : vector<1x16xf32> to vector<16xf32>
      %swap3A_74 = vector.shape_cast %broadcast_in_dim3A_69 : vector<16xf32> to vector<1x16xf32>
      tpu.vector_store %arg11[%swap3A_70, %swap3A_71], %swap3A_74 {strides = array<i32>} : memref<632x16xf32, #tpu.memory_space<vmem>>, vector<1x16xf32>,
      %scan3A_75 = arith.constant 0 : i32
      %scan3A_76 = arith.constant 3 : i32
      %scan3A_77 = arith.addi %scan3A_48, %scan3A_76 : i32
      %broadcast_in_dim3A_78 = arith.constant 0.000000e+00 : f32
      %broadcast_in_dim3A_79 = vector.broadcast %broadcast_in_dim3A_78 : f32 to vector<16xf32>
      %swap3A_80 = arith.index_cast %scan3A_77 : i32 to index
      %swap3A_81 = arith.constant 0 : index
      %swap3A_82 = tpu.vector_load %arg11[%swap3A_80, %swap3A_81] {strides = array<i32>} : memref<632x16xf32, #tpu.memory_space<vmem>>, vector<1x16xf32>,
      %swap3A_83 = vector.shape_cast %swap3A_82 : vector<1x16xf32> to vector<16xf32>
      %swap3A_84 = vector.shape_cast %broadcast_in_dim3A_79 : vector<16xf32> to vector<1x16xf32>
      tpu.vector_store %arg11[%swap3A_80, %swap3A_81], %swap3A_84 {strides = array<i32>} : memref<632x16xf32, #tpu.memory_space<vmem>>, vector<1x16xf32>,
      %scan3A_85 = arith.constant 0 : i32
      %scan3A_86 = arith.constant 4 : i32
      %scan3A_87 = arith.addi %scan3A_48, %scan3A_86 : i32
      %broadcast_in_dim3A_88 = arith.constant 0.000000e+00 : f32
      %broadcast_in_dim3A_89 = vector.broadcast %broadcast_in_dim3A_88 : f32 to vector<16xf32>
      %swap3A_90 = arith.index_cast %scan3A_87 : i32 to index
      %swap3A_91 = arith.constant 0 : index
      %swap3A_92 = tpu.vector_load %arg11[%swap3A_90, %swap3A_91] {strides = array<i32>} : memref<632x16xf32, #tpu.memory_space<vmem>>, vector<1x16xf32>,
      %swap3A_93 = vector.shape_cast %swap3A_92 : vector<1x16xf32> to vector<16xf32>
      %swap3A_94 = vector.shape_cast %broadcast_in_dim3A_89 : vector<16xf32> to vector<1x16xf32>
      tpu.vector_store %arg11[%swap3A_90, %swap3A_91], %swap3A_94 {strides = array<i32>} : memref<632x16xf32, #tpu.memory_space<vmem>>, vector<1x16xf32>,
      %scan3A_95 = arith.constant 0 : i32
      %scan3A_96 = arith.constant 5 : i32
      %scan3A_97 = arith.addi %scan3A_48, %scan3A_96 : i32
      %broadcast_in_dim3A_98 = arith.constant 0.000000e+00 : f32
      %broadcast_in_dim3A_99 = vector.broadcast %broadcast_in_dim3A_98 : f32 to vector<16xf32>
      %swap3A_100 = arith.index_cast %scan3A_97 : i32 to index
      %swap3A_101 = arith.constant 0 : index
      %swap3A_102 = tpu.vector_load %arg11[%swap3A_100, %swap3A_101] {strides = array<i32>} : memref<632x16xf32, #tpu.memory_space<vmem>>, vector<1x16xf32>,
      %swap3A_103 = vector.shape_cast %swap3A_102 : vector<1x16xf32> to vector<16xf32>
      %swap3A_104 = vector.shape_cast %broadcast_in_dim3A_99 : vector<16xf32> to vector<1x16xf32>
      tpu.vector_store %arg11[%swap3A_100, %swap3A_101], %swap3A_104 {strides = array<i32>} : memref<632x16xf32, #tpu.memory_space<vmem>>, vector<1x16xf32>,
      %scan3A_105 = arith.constant 0 : i32
      %scan3A_106 = arith.constant 6 : i32
      %scan3A_107 = arith.addi %scan3A_48, %scan3A_106 : i32
      %broadcast_in_dim3A_108 = arith.constant 0.000000e+00 : f32
      %broadcast_in_dim3A_109 = vector.broadcast %broadcast_in_dim3A_108 : f32 to vector<16xf32>
      %swap3A_110 = arith.index_cast %scan3A_107 : i32 to index
      %swap3A_111 = arith.constant 0 : index
      %swap3A_112 = tpu.vector_load %arg11[%swap3A_110, %swap3A_111] {strides = array<i32>} : memref<632x16xf32, #tpu.memory_space<vmem>>, vector<1x16xf32>,
      %swap3A_113 = vector.shape_cast %swap3A_112 : vector<1x16xf32> to vector<16xf32>
      %swap3A_114 = vector.shape_cast %broadcast_in_dim3A_109 : vector<16xf32> to vector<1x16xf32>
      tpu.vector_store %arg11[%swap3A_110, %swap3A_111], %swap3A_114 {strides = array<i32>} : memref<632x16xf32, #tpu.memory_space<vmem>>, vector<1x16xf32>,
      %scan3A_115 = arith.constant 0 : i32
      %scan3A_116 = arith.constant 7 : i32
      %scan3A_117 = arith.addi %scan3A_48, %scan3A_116 : i32
      %broadcast_in_dim3A_118 = arith.constant 0.000000e+00 : f32
      %broadcast_in_dim3A_119 = vector.broadcast %broadcast_in_dim3A_118 : f32 to vector<16xf32>
      %swap3A_120 = arith.index_cast %scan3A_117 : i32 to index
      %swap3A_121 = arith.constant 0 : index
      %swap3A_122 = tpu.vector_load %arg11[%swap3A_120, %swap3A_121] {strides = array<i32>} : memref<632x16xf32, #tpu.memory_space<vmem>>, vector<1x16xf32>,
      %swap3A_123 = vector.shape_cast %swap3A_122 : vector<1x16xf32> to vector<16xf32>
      %swap3A_124 = vector.shape_cast %broadcast_in_dim3A_119 : vector<16xf32> to vector<1x16xf32>
      tpu.vector_store %arg11[%swap3A_120, %swap3A_121], %swap3A_124 {strides = array<i32>} : memref<632x16xf32, #tpu.memory_space<vmem>>, vector<1x16xf32>,
      %scan3A_125 = arith.constant 0 : i32
      scf.yield %scan3A_125 : i32
    }
    %scan3A_19 = arith.constant 632 : i32
    "tpu.region"() ({
      %run_scoped3A = tpu.sem_alloc : memref<!tpu.dma_semaphore, #tpu.memory_space<semaphore_mem>>
      %dma_start3A_48 = arith.constant 0 : i32
      %dma_start3A_49 = tpu.memref_slice %arg6[%mul3A_0, %dma_start3A_48] : memref<10112x16xf32, #tpu.memory_space<vmem_shared>> -> memref<632x16xf32, #tpu.memory_space<vmem_shared>>
      %dma_start3A_50 = arith.constant 0 : i32
      %dma_start3A_51 = tpu.memref_slice %arg6[%mul3A_0, %dma_start3A_50] : memref<10112x16xf32, #tpu.memory_space<vmem_shared>> -> memref<632x16xf32, #tpu.memory_space<vmem_shared>>
      tpu.enqueue_dma source(%arg11 : memref<632x16xf32, #tpu.memory_space<vmem>>) target(%dma_start3A_51 : memref<632x16xf32, #tpu.memory_space<vmem_shared>>) target_semaphore(%run_scoped3A : memref<!tpu.dma_semaphore, #tpu.memory_space<semaphore_mem>>)
      %dma_wait3A_52 = arith.constant 0 : i32
      %dma_wait3A_53 = tpu.memref_slice %arg6[%mul3A_0, %dma_wait3A_52] : memref<10112x16xf32, #tpu.memory_space<vmem_shared>> -> memref<632x16xf32, #tpu.memory_space<vmem_shared>>
      %dma_wait3A_54 = arith.constant 0 : i32
      %dma_wait3A_55 = tpu.memref_slice %arg6[%mul3A_0, %dma_wait3A_54] : memref<10112x16xf32, #tpu.memory_space<vmem_shared>> -> memref<632x16xf32, #tpu.memory_space<vmem_shared>>
      tpu.wait_dma2 semaphore(%run_scoped3A : memref<!tpu.dma_semaphore, #tpu.memory_space<semaphore_mem>>) src(%arg11 : memref<632x16xf32, #tpu.memory_space<vmem>>) dst(%dma_wait3A_55 : memref<632x16xf32, #tpu.memory_space<vmem_shared>>)
      tpu.yield
    }) : () -> ()
    %dma_wait3A = arith.constant 0 : i32
    %dma_wait3A_20 = tpu.memref_slice %arg5[%mul3A_0, %dma_wait3A] : memref<10112x16xf32, #tpu.memory_space<vmem_shared>> -> memref<632x16xf32, #tpu.memory_space<vmem_shared>>
    %dma_wait3A_21 = arith.constant 0 : i32
    %dma_wait3A_22 = tpu.memref_slice %arg2[%mul3A_0, %dma_wait3A_21] : memref<10112x16xf32, #tpu.memory_space<hbm>> -> memref<632x16xf32, #tpu.memory_space<hbm>>
    tpu.wait_dma2 semaphore(%arg14 : memref<!tpu.dma_semaphore, #tpu.memory_space<semaphore_mem>>) src(%dma_wait3A_22 : memref<632x16xf32, #tpu.memory_space<hbm>>) dst(%dma_wait3A_20 : memref<632x16xf32, #tpu.memory_space<vmem_shared>>)
    %lt3A_23 = arith.constant 31 : i32
    %lt3A_24 = arith.cmpi slt, %add3A, %lt3A_23 : i32
    %convert_element_type3A_25 = arith.extui %lt3A_24 : i1 to i32
    %cond3A_26 = arith.constant 0 : i32
    %cond3A_27 = arith.cmpi ne, %convert_element_type3A_25, %cond3A_26 : i32
    scf.if %cond3A_27 {
      %dma_wait3A_48 = arith.constant 0 : i32
      %dma_wait3A_49 = arith.constant 0 : i32
      %dma_wait3A_50 = arith.constant 0 : i32
      %dma_wait3A_51 = tpu.memref_slice %arg3[%dma_wait3A_49, %dma_wait3A_48, %dma_wait3A_50] : memref<2500x2x128xi32, #tpu.memory_space<hbm>> -> memref<80x1x128xi32, #tpu.memory_space<hbm>>
      %dma_wait3A_52 = tpu.memref_squeeze %dma_wait3A_51 : memref<80x1x128xi32, #tpu.memory_space<hbm>> -> memref<80x128xi32, #tpu.memory_space<hbm>>
      %dma_wait3A_53 = arith.constant 0 : i32
      %dma_wait3A_54 = arith.constant 0 : i32
      %dma_wait3A_55 = tpu.memref_slice %arg3[%dma_wait3A_53, %dma_wait3A_48, %dma_wait3A_54] : memref<2500x2x128xi32, #tpu.memory_space<hbm>> -> memref<80x1x128xi32, #tpu.memory_space<hbm>>
      %dma_wait3A_56 = tpu.memref_squeeze %dma_wait3A_55 : memref<80x1x128xi32, #tpu.memory_space<hbm>> -> memref<80x128xi32, #tpu.memory_space<hbm>>
      tpu.wait_dma2 semaphore(%arg12 : memref<!tpu.dma_semaphore, #tpu.memory_space<semaphore_mem>>) src(%dma_wait3A_56 : memref<80x128xi32, #tpu.memory_space<hbm>>) dst(%arg7 : memref<80x128xi32, #tpu.memory_space<vmem>>)
      %dma_wait3A_57 = arith.constant 0 : i32
      %dma_wait3A_58 = arith.constant 0 : i32
      %dma_wait3A_59 = arith.constant 0 : i32
      %dma_wait3A_60 = tpu.memref_slice %arg3[%dma_wait3A_58, %dma_wait3A_57, %dma_wait3A_59] : memref<2500x2x128xi32, #tpu.memory_space<hbm>> -> memref<80x1x128xi32, #tpu.memory_space<hbm>>
      %dma_wait3A_61 = tpu.memref_squeeze %dma_wait3A_60 : memref<80x1x128xi32, #tpu.memory_space<hbm>> -> memref<80x128xi32, #tpu.memory_space<hbm>>
      %dma_wait3A_62 = arith.constant 0 : i32
      %dma_wait3A_63 = arith.constant 0 : i32
      %dma_wait3A_64 = tpu.memref_slice %arg3[%dma_wait3A_62, %dma_wait3A_57, %dma_wait3A_63] : memref<2500x2x128xi32, #tpu.memory_space<hbm>> -> memref<80x1x128xi32, #tpu.memory_space<hbm>>
      %dma_wait3A_65 = tpu.memref_squeeze %dma_wait3A_64 : memref<80x1x128xi32, #tpu.memory_space<hbm>> -> memref<80x128xi32, #tpu.memory_space<hbm>>
      tpu.wait_dma2 semaphore(%arg13 : memref<!tpu.dma_semaphore, #tpu.memory_space<semaphore_mem>>) src(%dma_wait3A_65 : memref<80x128xi32, #tpu.memory_space<hbm>>) dst(%arg8 : memref<80x128xi32, #tpu.memory_space<vmem>>)
    } else {
    }
    %eq3A_28 = arith.constant 31 : i32
    %eq3A_29 = arith.cmpi eq, %add3A, %eq3A_28 : i32
    %convert_element_type3A_30 = arith.extui %eq3A_29 : i1 to i32
    %cond3A_31 = arith.constant 0 : i32
    %cond3A_32 = arith.cmpi ne, %convert_element_type3A_30, %cond3A_31 : i32
    scf.if %cond3A_32 {
      %dma_wait3A_48 = arith.constant 0 : i32
      %dma_wait3A_49 = arith.constant 0 : i32
      %dma_wait3A_50 = arith.constant 0 : i32
      %dma_wait3A_51 = tpu.memref_slice %arg7[%dma_wait3A_49, %dma_wait3A_50] : memref<80x128xi32, #tpu.memory_space<vmem>> -> memref<20x128xi32, #tpu.memory_space<vmem>>
      %dma_wait3A_52 = arith.constant 0 : i32
      %dma_wait3A_53 = arith.constant 0 : i32
      %dma_wait3A_54 = tpu.memref_slice %arg3[%dma_wait3A_52, %dma_wait3A_48, %dma_wait3A_53] : memref<2500x2x128xi32, #tpu.memory_space<hbm>> -> memref<20x1x128xi32, #tpu.memory_space<hbm>>
      %dma_wait3A_55 = tpu.memref_squeeze %dma_wait3A_54 : memref<20x1x128xi32, #tpu.memory_space<hbm>> -> memref<20x128xi32, #tpu.memory_space<hbm>>
      %dma_wait3A_56 = arith.constant 0 : i32
      %dma_wait3A_57 = arith.constant 0 : i32
      %dma_wait3A_58 = tpu.memref_slice %arg7[%dma_wait3A_56, %dma_wait3A_57] : memref<80x128xi32, #tpu.memory_space<vmem>> -> memref<20x128xi32, #tpu.memory_space<vmem>>
      %dma_wait3A_59 = arith.constant 0 : i32
      %dma_wait3A_60 = arith.constant 0 : i32
      %dma_wait3A_61 = tpu.memref_slice %arg3[%dma_wait3A_59, %dma_wait3A_48, %dma_wait3A_60] : memref<2500x2x128xi32, #tpu.memory_space<hbm>> -> memref<20x1x128xi32, #tpu.memory_space<hbm>>
      %dma_wait3A_62 = tpu.memref_squeeze %dma_wait3A_61 : memref<20x1x128xi32, #tpu.memory_space<hbm>> -> memref<20x128xi32, #tpu.memory_space<hbm>>
      tpu.wait_dma2 semaphore(%arg12 : memref<!tpu.dma_semaphore, #tpu.memory_space<semaphore_mem>>) src(%dma_wait3A_62 : memref<20x128xi32, #tpu.memory_space<hbm>>) dst(%dma_wait3A_58 : memref<20x128xi32, #tpu.memory_space<vmem>>)
      %dma_wait3A_63 = arith.constant 0 : i32
      %dma_wait3A_64 = arith.constant 0 : i32
      %dma_wait3A_65 = arith.constant 0 : i32
      %dma_wait3A_66 = tpu.memref_slice %arg8[%dma_wait3A_64, %dma_wait3A_65] : memref<80x128xi32, #tpu.memory_space<vmem>> -> memref<20x128xi32, #tpu.memory_space<vmem>>
      %dma_wait3A_67 = arith.constant 0 : i32
      %dma_wait3A_68 = arith.constant 0 : i32
      %dma_wait3A_69 = tpu.memref_slice %arg3[%dma_wait3A_67, %dma_wait3A_63, %dma_wait3A_68] : memref<2500x2x128xi32, #tpu.memory_space<hbm>> -> memref<20x1x128xi32, #tpu.memory_space<hbm>>
      %dma_wait3A_70 = tpu.memref_squeeze %dma_wait3A_69 : memref<20x1x128xi32, #tpu.memory_space<hbm>> -> memref<20x128xi32, #tpu.memory_space<hbm>>
      %dma_wait3A_71 = arith.constant 0 : i32
      %dma_wait3A_72 = arith.constant 0 : i32
      %dma_wait3A_73 = tpu.memref_slice %arg8[%dma_wait3A_71, %dma_wait3A_72] : memref<80x128xi32, #tpu.memory_space<vmem>> -> memref<20x128xi32, #tpu.memory_space<vmem>>
      %dma_wait3A_74 = arith.constant 0 : i32
      %dma_wait3A_75 = arith.constant 0 : i32
      %dma_wait3A_76 = tpu.memref_slice %arg3[%dma_wait3A_74, %dma_wait3A_63, %dma_wait3A_75] : memref<2500x2x128xi32, #tpu.memory_space<hbm>> -> memref<20x1x128xi32, #tpu.memory_space<hbm>>
      %dma_wait3A_77 = tpu.memref_squeeze %dma_wait3A_76 : memref<20x1x128xi32, #tpu.memory_space<hbm>> -> memref<20x128xi32, #tpu.memory_space<hbm>>
      tpu.wait_dma2 semaphore(%arg13 : memref<!tpu.dma_semaphore, #tpu.memory_space<semaphore_mem>>) src(%dma_wait3A_77 : memref<20x128xi32, #tpu.memory_space<hbm>>) dst(%dma_wait3A_73 : memref<20x128xi32, #tpu.memory_space<vmem>>)
    } else {
    }
    %barrier3A = arith.constant 0 : index
    tpu.barrier barrier_id(%barrier3A)
    %dma_start3A_33 = arith.constant 0 : i32
    %dma_start3A_34 = arith.constant 0 : i32
    %dma_start3A_35 = tpu.memref_slice %arg7[%dma_start3A_33, %dma_start3A_34] : memref<80x128xi32, #tpu.memory_space<vmem>> -> memref<1x128xi32, #tpu.memory_space<vmem>>
    %dma_start3A_36 = tpu.memref_squeeze %dma_start3A_35 : memref<1x128xi32, #tpu.memory_space<vmem>> -> memref<128xi32, #tpu.memory_space<vmem>>
    %dma_start3A_37 = arith.constant 0 : i32
    %dma_start3A_38 = arith.constant 0 : i32
    %dma_start3A_39 = tpu.memref_slice %arg5[%dma_start3A_37, %dma_start3A_38] : memref<10112x16xf32, #tpu.memory_space<vmem_shared>> -> memref<10112x16xf32, #tpu.memory_space<vmem_shared>>
    tpu.enqueue_indirect_dma source(%dma_start3A_39 : memref<10112x16xf32, #tpu.memory_space<vmem_shared>>) target(%arg9 : memref<128x16xf32, #tpu.memory_space<vmem>>) offsets(%dma_start3A_36 : memref<128xi32, #tpu.memory_space<vmem>>) semaphore(%arg12 : memref<!tpu.dma_semaphore, #tpu.memory_space<semaphore_mem>>)
    %scan3A_40 = arith.constant 0 : i32
    %scan3A_41 = arith.constant 0 : i32
    %scan3A_42 = arith.constant 40 : i32
    %scan3A_43 = arith.addi %scan3A_41, %scan3A_42 : i32
    %scan3A_44 = arith.constant 1 : i32
    %scan3A_45 = scf.for %scan3A_48 = %scan3A_41 to %scan3A_43 step %scan3A_44 iter_args(%scan3A_49 = %scan3A_40) -> (i32)  : i32 {
      %mul3A_50 = arith.constant 2 : i32
      %mul3A_51 = arith.muli %mul3A_50, %scan3A_48 : i32
      %add3A_52 = arith.constant 1 : i32
      %add3A_53 = arith.addi %mul3A_51, %add3A_52 : i32
      %dma_start3A_54 = arith.constant 0 : i32
      %dma_start3A_55 = tpu.memref_slice %arg7[%add3A_53, %dma_start3A_54] : memref<80x128xi32, #tpu.memory_space<vmem>> -> memref<1x128xi32, #tpu.memory_space<vmem>>
      %dma_start3A_56 = tpu.memref_squeeze %dma_start3A_55 : memref<1x128xi32, #tpu.memory_space<vmem>> -> memref<128xi32, #tpu.memory_space<vmem>>
      %dma_start3A_57 = arith.constant 0 : i32
      %dma_start3A_58 = arith.constant 0 : i32
      %dma_start3A_59 = tpu.memref_slice %arg5[%dma_start3A_57, %dma_start3A_58] : memref<10112x16xf32, #tpu.memory_space<vmem_shared>> -> memref<10112x16xf32, #tpu.memory_space<vmem_shared>>
      tpu.enqueue_indirect_dma source(%dma_start3A_59 : memref<10112x16xf32, #tpu.memory_space<vmem_shared>>) target(%arg10 : memref<128x16xf32, #tpu.memory_space<vmem>>) offsets(%dma_start3A_56 : memref<128xi32, #tpu.memory_space<vmem>>) semaphore(%arg13 : memref<!tpu.dma_semaphore, #tpu.memory_space<semaphore_mem>>)
      %dma_wait3A_60 = arith.constant 0 : i32
      %dma_wait3A_61 = tpu.memref_slice %arg7[%mul3A_51, %dma_wait3A_60] : memref<80x128xi32, #tpu.memory_space<vmem>> -> memref<1x128xi32, #tpu.memory_space<vmem>>
      %dma_wait3A_62 = tpu.memref_squeeze %dma_wait3A_61 : memref<1x128xi32, #tpu.memory_space<vmem>> -> memref<128xi32, #tpu.memory_space<vmem>>
      %dma_wait3A_63 = arith.constant 0 : i32
      %dma_wait3A_64 = arith.constant 0 : i32
      %dma_wait3A_65 = tpu.memref_slice %arg5[%dma_wait3A_63, %dma_wait3A_64] : memref<10112x16xf32, #tpu.memory_space<vmem_shared>> -> memref<10112x16xf32, #tpu.memory_space<vmem_shared>>
      tpu.wait_indirect_dma semaphore(%arg12 : memref<!tpu.dma_semaphore, #tpu.memory_space<semaphore_mem>>) src(%dma_wait3A_65 : memref<10112x16xf32, #tpu.memory_space<vmem_shared>>) dst(%arg9 : memref<128x16xf32, #tpu.memory_space<vmem>>)
      "tpu.region"() ({
        %run_scoped3A = tpu.sem_alloc : memref<!tpu.dma_semaphore, #tpu.memory_space<semaphore_mem>>
        %dma_start3A_84 = arith.constant 0 : i32
        %dma_start3A_85 = tpu.memref_slice %arg8[%mul3A_51, %dma_start3A_84] : memref<80x128xi32, #tpu.memory_space<vmem>> -> memref<1x128xi32, #tpu.memory_space<vmem>>
        %dma_start3A_86 = tpu.memref_squeeze %dma_start3A_85 : memref<1x128xi32, #tpu.memory_space<vmem>> -> memref<128xi32, #tpu.memory_space<vmem>>
        %dma_start3A_87 = arith.constant 0 : i32
        %dma_start3A_88 = arith.constant 0 : i32
        %dma_start3A_89 = tpu.memref_slice %arg6[%dma_start3A_87, %dma_start3A_88] : memref<10112x16xf32, #tpu.memory_space<vmem_shared>> -> memref<10112x16xf32, #tpu.memory_space<vmem_shared>>
        tpu.enqueue_indirect_dma source(%arg9 : memref<128x16xf32, #tpu.memory_space<vmem>>) target(%dma_start3A_89 : memref<10112x16xf32, #tpu.memory_space<vmem_shared>>) offsets(%dma_start3A_86 : memref<128xi32, #tpu.memory_space<vmem>>) semaphore(%run_scoped3A : memref<!tpu.dma_semaphore, #tpu.memory_space<semaphore_mem>>) {add = true}
        %dma_wait3A_90 = arith.constant 0 : i32
        %dma_wait3A_91 = tpu.memref_slice %arg8[%mul3A_51, %dma_wait3A_90] : memref<80x128xi32, #tpu.memory_space<vmem>> -> memref<1x128xi32, #tpu.memory_space<vmem>>
        %dma_wait3A_92 = tpu.memref_squeeze %dma_wait3A_91 : memref<1x128xi32, #tpu.memory_space<vmem>> -> memref<128xi32, #tpu.memory_space<vmem>>
        %dma_wait3A_93 = arith.constant 0 : i32
        %dma_wait3A_94 = arith.constant 0 : i32
        %dma_wait3A_95 = tpu.memref_slice %arg6[%dma_wait3A_93, %dma_wait3A_94] : memref<10112x16xf32, #tpu.memory_space<vmem_shared>> -> memref<10112x16xf32, #tpu.memory_space<vmem_shared>>
        tpu.wait_indirect_dma semaphore(%run_scoped3A : memref<!tpu.dma_semaphore, #tpu.memory_space<semaphore_mem>>) src(%arg9 : memref<128x16xf32, #tpu.memory_space<vmem>>) dst(%dma_wait3A_95 : memref<10112x16xf32, #tpu.memory_space<vmem_shared>>)
        tpu.yield
      }) : () -> ()
      %add3A_66 = arith.constant 2 : i32
      %add3A_67 = arith.addi %mul3A_51, %add3A_66 : i32
      %lt3A_68 = arith.constant 80 : i32
      %lt3A_69 = arith.cmpi slt, %add3A_67, %lt3A_68 : i32
      %convert_element_type3A_70 = arith.extui %lt3A_69 : i1 to i32
      %cond3A_71 = arith.constant 0 : i32
      %cond3A_72 = arith.cmpi ne, %convert_element_type3A_70, %cond3A_71 : i32
      scf.if %cond3A_72 {
        %add3A_84 = arith.constant 2 : i32
        %add3A_85 = arith.addi %mul3A_51, %add3A_84 : i32
        %dma_start3A_86 = arith.constant 0 : i32
        %dma_start3A_87 = tpu.memref_slice %arg7[%add3A_85, %dma_start3A_86] : memref<80x128xi32, #tpu.memory_space<vmem>> -> memref<1x128xi32, #tpu.memory_space<vmem>>
        %dma_start3A_88 = tpu.memref_squeeze %dma_start3A_87 : memref<1x128xi32, #tpu.memory_space<vmem>> -> memref<128xi32, #tpu.memory_space<vmem>>
        %dma_start3A_89 = arith.constant 0 : i32
        %dma_start3A_90 = arith.constant 0 : i32
        %dma_start3A_91 = tpu.memref_slice %arg5[%dma_start3A_89, %dma_start3A_90] : memref<10112x16xf32, #tpu.memory_space<vmem_shared>> -> memref<10112x16xf32, #tpu.memory_space<vmem_shared>>
        tpu.enqueue_indirect_dma source(%dma_start3A_91 : memref<10112x16xf32, #tpu.memory_space<vmem_shared>>) target(%arg9 : memref<128x16xf32, #tpu.memory_space<vmem>>) offsets(%dma_start3A_88 : memref<128xi32, #tpu.memory_space<vmem>>) semaphore(%arg12 : memref<!tpu.dma_semaphore, #tpu.memory_space<semaphore_mem>>)
      } else {
      }
      %add3A_73 = arith.constant 1 : i32
      %add3A_74 = arith.addi %mul3A_51, %add3A_73 : i32
      %dma_wait3A_75 = arith.constant 0 : i32
      %dma_wait3A_76 = tpu.memref_slice %arg7[%add3A_74, %dma_wait3A_75] : memref<80x128xi32, #tpu.memory_space<vmem>> -> memref<1x128xi32, #tpu.memory_space<vmem>>
      %dma_wait3A_77 = tpu.memref_squeeze %dma_wait3A_76 : memref<1x128xi32, #tpu.memory_space<vmem>> -> memref<128xi32, #tpu.memory_space<vmem>>
      %dma_wait3A_78 = arith.constant 0 : i32
      %dma_wait3A_79 = arith.constant 0 : i32
      %dma_wait3A_80 = tpu.memref_slice %arg5[%dma_wait3A_78, %dma_wait3A_79] : memref<10112x16xf32, #tpu.memory_space<vmem_shared>> -> memref<10112x16xf32, #tpu.memory_space<vmem_shared>>
      tpu.wait_indirect_dma semaphore(%arg13 : memref<!tpu.dma_semaphore, #tpu.memory_space<semaphore_mem>>) src(%dma_wait3A_80 : memref<10112x16xf32, #tpu.memory_space<vmem_shared>>) dst(%arg10 : memref<128x16xf32, #tpu.memory_space<vmem>>)
      %add3A_81 = arith.constant 1 : i32
      %add3A_82 = arith.addi %mul3A_51, %add3A_81 : i32
      "tpu.region"() ({
        %run_scoped3A = tpu.sem_alloc : memref<!tpu.dma_semaphore, #tpu.memory_space<semaphore_mem>>
        %dma_start3A_84 = arith.constant 0 : i32
        %dma_start3A_85 = tpu.memref_slice %arg8[%add3A_82, %dma_start3A_84] : memref<80x128xi32, #tpu.memory_space<vmem>> -> memref<1x128xi32, #tpu.memory_space<vmem>>
        %dma_start3A_86 = tpu.memref_squeeze %dma_start3A_85 : memref<1x128xi32, #tpu.memory_space<vmem>> -> memref<128xi32, #tpu.memory_space<vmem>>
        %dma_start3A_87 = arith.constant 0 : i32
        %dma_start3A_88 = arith.constant 0 : i32
        %dma_start3A_89 = tpu.memref_slice %arg6[%dma_start3A_87, %dma_start3A_88] : memref<10112x16xf32, #tpu.memory_space<vmem_shared>> -> memref<10112x16xf32, #tpu.memory_space<vmem_shared>>
        tpu.enqueue_indirect_dma source(%arg10 : memref<128x16xf32, #tpu.memory_space<vmem>>) target(%dma_start3A_89 : memref<10112x16xf32, #tpu.memory_space<vmem_shared>>) offsets(%dma_start3A_86 : memref<128xi32, #tpu.memory_space<vmem>>) semaphore(%run_scoped3A : memref<!tpu.dma_semaphore, #tpu.memory_space<semaphore_mem>>) {add = true}
        %dma_wait3A_90 = arith.constant 0 : i32
        %dma_wait3A_91 = tpu.memref_slice %arg8[%add3A_82, %dma_wait3A_90] : memref<80x128xi32, #tpu.memory_space<vmem>> -> memref<1x128xi32, #tpu.memory_space<vmem>>
        %dma_wait3A_92 = tpu.memref_squeeze %dma_wait3A_91 : memref<1x128xi32, #tpu.memory_space<vmem>> -> memref<128xi32, #tpu.memory_space<vmem>>
        %dma_wait3A_93 = arith.constant 0 : i32
        %dma_wait3A_94 = arith.constant 0 : i32
        %dma_wait3A_95 = tpu.memref_slice %arg6[%dma_wait3A_93, %dma_wait3A_94] : memref<10112x16xf32, #tpu.memory_space<vmem_shared>> -> memref<10112x16xf32, #tpu.memory_space<vmem_shared>>
        tpu.wait_indirect_dma semaphore(%run_scoped3A : memref<!tpu.dma_semaphore, #tpu.memory_space<semaphore_mem>>) src(%arg10 : memref<128x16xf32, #tpu.memory_space<vmem>>) dst(%dma_wait3A_95 : memref<10112x16xf32, #tpu.memory_space<vmem_shared>>)
        tpu.yield
      }) : () -> ()
      %scan3A_83 = arith.constant 0 : i32
      scf.yield %scan3A_83 : i32
    }
    %scan3A_46 = arith.constant 40 : i32
    %barrier3A_47 = arith.constant 0 : index
    tpu.barrier barrier_id(%barrier3A_47)
    "tpu.region"() ({
      %run_scoped3A = tpu.sem_alloc : memref<!tpu.dma_semaphore, #tpu.memory_space<semaphore_mem>>
      %dma_start3A_48 = arith.constant 0 : i32
      %dma_start3A_49 = tpu.memref_slice %arg4[%arg0, %mul3A_0, %dma_start3A_48] : memref<2x10112x16xf32, #tpu.memory_space<hbm>> -> memref<1x632x16xf32, #tpu.memory_space<hbm>>
      %dma_start3A_50 = tpu.memref_squeeze %dma_start3A_49 : memref<1x632x16xf32, #tpu.memory_space<hbm>> -> memref<632x16xf32, #tpu.memory_space<hbm>>
      %dma_start3A_51 = arith.constant 0 : i32
      %dma_start3A_52 = tpu.memref_slice %arg6[%mul3A_0, %dma_start3A_51] : memref<10112x16xf32, #tpu.memory_space<vmem_shared>> -> memref<632x16xf32, #tpu.memory_space<vmem_shared>>
      tpu.enqueue_dma source(%dma_start3A_52 : memref<632x16xf32, #tpu.memory_space<vmem_shared>>) target(%dma_start3A_50 : memref<632x16xf32, #tpu.memory_space<hbm>>) target_semaphore(%run_scoped3A : memref<!tpu.dma_semaphore, #tpu.memory_space<semaphore_mem>>)
      %dma_wait3A_53 = arith.constant 0 : i32
      %dma_wait3A_54 = tpu.memref_slice %arg4[%arg0, %mul3A_0, %dma_wait3A_53] : memref<2x10112x16xf32, #tpu.memory_space<hbm>> -> memref<1x632x16xf32, #tpu.memory_space<hbm>>
      %dma_wait3A_55 = tpu.memref_squeeze %dma_wait3A_54 : memref<1x632x16xf32, #tpu.memory_space<hbm>> -> memref<632x16xf32, #tpu.memory_space<hbm>>
      %dma_wait3A_56 = arith.constant 0 : i32
      %dma_wait3A_57 = tpu.memref_slice %arg6[%mul3A_0, %dma_wait3A_56] : memref<10112x16xf32, #tpu.memory_space<vmem_shared>> -> memref<632x16xf32, #tpu.memory_space<vmem_shared>>
      tpu.wait_dma2 semaphore(%run_scoped3A : memref<!tpu.dma_semaphore, #tpu.memory_space<semaphore_mem>>) src(%dma_wait3A_57 : memref<632x16xf32, #tpu.memory_space<vmem_shared>>) dst(%dma_wait3A_55 : memref<632x16xf32, #tpu.memory_space<hbm>>)
      tpu.yield
    }) : () -> ()
    return
  }
}

#map = affine_map<(d0, d1) -> (0, 0)>
#map1 = affine_map<(d0, d1) -> (0, 0, 0)>
module attributes {stable_mosaic.version = 14 : i64} {
  func.func @hgnn_sc_pass_b(%arg0: i32, %arg1: i32, %arg2: memref<10112x16xf32, #tpu.memory_space<hbm>>, %arg3: memref<2500x2x128xi32, #tpu.memory_space<hbm>>, %arg4: memref<2x10112x16xf32, #tpu.memory_space<hbm>>, %arg5: memref<10112x16xf32, #tpu.memory_space<vmem_shared>>, %arg6: memref<10112x16xf32, #tpu.memory_space<vmem_shared>>, %arg7: memref<80x128xi32, #tpu.memory_space<vmem>>, %arg8: memref<80x128xi32, #tpu.memory_space<vmem>>, %arg9: memref<128x16xf32, #tpu.memory_space<vmem>>, %arg10: memref<128x16xf32, #tpu.memory_space<vmem>>, %arg11: memref<632x16xf32, #tpu.memory_space<vmem>>, %arg12: memref<!tpu.dma_semaphore, #tpu.memory_space<semaphore_mem>>, %arg13: memref<!tpu.dma_semaphore, #tpu.memory_space<semaphore_mem>>, %arg14: memref<!tpu.dma_semaphore, #tpu.memory_space<semaphore_mem>>) attributes {dimension_semantics = [#tpu.dimension_semantics<core_parallel>, #tpu.dimension_semantics<subcore_parallel>], iteration_bounds = array<i64: 2, 16>, scalar_prefetch = 0 : i64, scratch_operands = 10 : i64, tpu.core_type = #tpu.core_type<sc_vector_subcore>, window_params = [{transform_indices = #map}, {transform_indices = #map1}, {transform_indices = #map1}]} {
    %mul3A = arith.constant 632 : i32
    %mul3A_0 = arith.muli %arg1, %mul3A : i32
    %mul3A_1 = arith.constant 16 : i32
    %mul3A_2 = arith.muli %arg0, %mul3A_1 : i32
    %add3A = arith.addi %mul3A_2, %arg1 : i32
    %mul3A_3 = arith.constant 80 : i32
    %mul3A_4 = arith.muli %add3A, %mul3A_3 : i32
    %lt3A = arith.constant 31 : i32
    %lt3A_5 = arith.cmpi slt, %add3A, %lt3A : i32
    %convert_element_type3A = arith.extui %lt3A_5 : i1 to i32
    %cond3A = arith.constant 0 : i32
    %cond3A_6 = arith.cmpi ne, %convert_element_type3A, %cond3A : i32
    scf.if %cond3A_6 {
      %dma_start3A_48 = arith.constant 1 : i32
      %dma_start3A_49 = arith.constant 0 : i32
      %dma_start3A_50 = tpu.memref_slice %arg3[%mul3A_4, %dma_start3A_48, %dma_start3A_49] : memref<2500x2x128xi32, #tpu.memory_space<hbm>> -> memref<80x1x128xi32, #tpu.memory_space<hbm>>
      %dma_start3A_51 = tpu.memref_squeeze %dma_start3A_50 : memref<80x1x128xi32, #tpu.memory_space<hbm>> -> memref<80x128xi32, #tpu.memory_space<hbm>>
      %dma_start3A_52 = arith.constant 0 : i32
      %dma_start3A_53 = tpu.memref_slice %arg3[%mul3A_4, %dma_start3A_48, %dma_start3A_52] : memref<2500x2x128xi32, #tpu.memory_space<hbm>> -> memref<80x1x128xi32, #tpu.memory_space<hbm>>
      %dma_start3A_54 = tpu.memref_squeeze %dma_start3A_53 : memref<80x1x128xi32, #tpu.memory_space<hbm>> -> memref<80x128xi32, #tpu.memory_space<hbm>>
      tpu.enqueue_dma source(%dma_start3A_54 : memref<80x128xi32, #tpu.memory_space<hbm>>) target(%arg7 : memref<80x128xi32, #tpu.memory_space<vmem>>) target_semaphore(%arg12 : memref<!tpu.dma_semaphore, #tpu.memory_space<semaphore_mem>>)
      %dma_start3A_55 = arith.constant 0 : i32
      %dma_start3A_56 = arith.constant 0 : i32
      %dma_start3A_57 = tpu.memref_slice %arg3[%mul3A_4, %dma_start3A_55, %dma_start3A_56] : memref<2500x2x128xi32, #tpu.memory_space<hbm>> -> memref<80x1x128xi32, #tpu.memory_space<hbm>>
      %dma_start3A_58 = tpu.memref_squeeze %dma_start3A_57 : memref<80x1x128xi32, #tpu.memory_space<hbm>> -> memref<80x128xi32, #tpu.memory_space<hbm>>
      %dma_start3A_59 = arith.constant 0 : i32
      %dma_start3A_60 = tpu.memref_slice %arg3[%mul3A_4, %dma_start3A_55, %dma_start3A_59] : memref<2500x2x128xi32, #tpu.memory_space<hbm>> -> memref<80x1x128xi32, #tpu.memory_space<hbm>>
      %dma_start3A_61 = tpu.memref_squeeze %dma_start3A_60 : memref<80x1x128xi32, #tpu.memory_space<hbm>> -> memref<80x128xi32, #tpu.memory_space<hbm>>
      tpu.enqueue_dma source(%dma_start3A_61 : memref<80x128xi32, #tpu.memory_space<hbm>>) target(%arg8 : memref<80x128xi32, #tpu.memory_space<vmem>>) target_semaphore(%arg13 : memref<!tpu.dma_semaphore, #tpu.memory_space<semaphore_mem>>)
    } else {
    }
    %eq3A = arith.constant 31 : i32
    %eq3A_7 = arith.cmpi eq, %add3A, %eq3A : i32
    %convert_element_type3A_8 = arith.extui %eq3A_7 : i1 to i32
    %cond3A_9 = arith.constant 0 : i32
    %cond3A_10 = arith.cmpi ne, %convert_element_type3A_8, %cond3A_9 : i32
    scf.if %cond3A_10 {
      %dma_start3A_48 = arith.constant 1 : i32
      %dma_start3A_49 = arith.constant 0 : i32
      %dma_start3A_50 = arith.constant 0 : i32
      %dma_start3A_51 = tpu.memref_slice %arg7[%dma_start3A_49, %dma_start3A_50] : memref<80x128xi32, #tpu.memory_space<vmem>> -> memref<20x128xi32, #tpu.memory_space<vmem>>
      %dma_start3A_52 = arith.constant 2480 : i32
      %dma_start3A_53 = arith.constant 0 : i32
      %dma_start3A_54 = tpu.memref_slice %arg3[%dma_start3A_52, %dma_start3A_48, %dma_start3A_53] : memref<2500x2x128xi32, #tpu.memory_space<hbm>> -> memref<20x1x128xi32, #tpu.memory_space<hbm>>
      %dma_start3A_55 = tpu.memref_squeeze %dma_start3A_54 : memref<20x1x128xi32, #tpu.memory_space<hbm>> -> memref<20x128xi32, #tpu.memory_space<hbm>>
      %dma_start3A_56 = arith.constant 0 : i32
      %dma_start3A_57 = arith.constant 0 : i32
      %dma_start3A_58 = tpu.memref_slice %arg7[%dma_start3A_56, %dma_start3A_57] : memref<80x128xi32, #tpu.memory_space<vmem>> -> memref<20x128xi32, #tpu.memory_space<vmem>>
      %dma_start3A_59 = arith.constant 2480 : i32
      %dma_start3A_60 = arith.constant 0 : i32
      %dma_start3A_61 = tpu.memref_slice %arg3[%dma_start3A_59, %dma_start3A_48, %dma_start3A_60] : memref<2500x2x128xi32, #tpu.memory_space<hbm>> -> memref<20x1x128xi32, #tpu.memory_space<hbm>>
      %dma_start3A_62 = tpu.memref_squeeze %dma_start3A_61 : memref<20x1x128xi32, #tpu.memory_space<hbm>> -> memref<20x128xi32, #tpu.memory_space<hbm>>
      tpu.enqueue_dma source(%dma_start3A_62 : memref<20x128xi32, #tpu.memory_space<hbm>>) target(%dma_start3A_58 : memref<20x128xi32, #tpu.memory_space<vmem>>) target_semaphore(%arg12 : memref<!tpu.dma_semaphore, #tpu.memory_space<semaphore_mem>>)
      %dma_start3A_63 = arith.constant 0 : i32
      %dma_start3A_64 = arith.constant 0 : i32
      %dma_start3A_65 = arith.constant 0 : i32
      %dma_start3A_66 = tpu.memref_slice %arg8[%dma_start3A_64, %dma_start3A_65] : memref<80x128xi32, #tpu.memory_space<vmem>> -> memref<20x128xi32, #tpu.memory_space<vmem>>
      %dma_start3A_67 = arith.constant 2480 : i32
      %dma_start3A_68 = arith.constant 0 : i32
      %dma_start3A_69 = tpu.memref_slice %arg3[%dma_start3A_67, %dma_start3A_63, %dma_start3A_68] : memref<2500x2x128xi32, #tpu.memory_space<hbm>> -> memref<20x1x128xi32, #tpu.memory_space<hbm>>
      %dma_start3A_70 = tpu.memref_squeeze %dma_start3A_69 : memref<20x1x128xi32, #tpu.memory_space<hbm>> -> memref<20x128xi32, #tpu.memory_space<hbm>>
      %dma_start3A_71 = arith.constant 0 : i32
      %dma_start3A_72 = arith.constant 0 : i32
      %dma_start3A_73 = tpu.memref_slice %arg8[%dma_start3A_71, %dma_start3A_72] : memref<80x128xi32, #tpu.memory_space<vmem>> -> memref<20x128xi32, #tpu.memory_space<vmem>>
      %dma_start3A_74 = arith.constant 2480 : i32
      %dma_start3A_75 = arith.constant 0 : i32
      %dma_start3A_76 = tpu.memref_slice %arg3[%dma_start3A_74, %dma_start3A_63, %dma_start3A_75] : memref<2500x2x128xi32, #tpu.memory_space<hbm>> -> memref<20x1x128xi32, #tpu.memory_space<hbm>>
      %dma_start3A_77 = tpu.memref_squeeze %dma_start3A_76 : memref<20x1x128xi32, #tpu.memory_space<hbm>> -> memref<20x128xi32, #tpu.memory_space<hbm>>
      tpu.enqueue_dma source(%dma_start3A_77 : memref<20x128xi32, #tpu.memory_space<hbm>>) target(%dma_start3A_73 : memref<20x128xi32, #tpu.memory_space<vmem>>) target_semaphore(%arg13 : memref<!tpu.dma_semaphore, #tpu.memory_space<semaphore_mem>>)
      %iota3A = tpu.iota {dimensions = array<i32: 0>} : vector<16xi32>
      %scan3A_78 = arith.constant 0 : i32
      %scan3A_79 = arith.constant 20 : i32
      %scan3A_80 = arith.constant 60 : i32
      %scan3A_81 = arith.addi %scan3A_79, %scan3A_80 : i32
      %scan3A_82 = arith.constant 1 : i32
      %scan3A_83 = scf.for %scan3A_85 = %scan3A_79 to %scan3A_81 step %scan3A_82 iter_args(%scan3A_86 = %scan3A_78) -> (i32)  : i32 {
        %mul3A_87 = arith.constant 128 : i32
        %mul3A_88 = arith.muli %scan3A_85, %mul3A_87 : i32
        %add3A_89 = arith.constant 0 : i32
        %add3A_90 = arith.addi %mul3A_88, %add3A_89 : i32
        %add3A_91 = vector.broadcast %add3A_90 : i32 to vector<16xi32>
        %add3A_92 = arith.addi %add3A_91, %iota3A : vector<16xi32>
        %jit3A = arith.constant 112 : i32
        %eq3A_93 = arith.constant 0 : i32
        %eq3A_94 = arith.cmpi eq, %jit3A, %eq3A_93 : i32
        %jit3A_95 = arith.constant 1 : i32
        %select_n3A = arith.select %eq3A_94, %jit3A_95, %jit3A : i32
        %rem3A = vector.broadcast %select_n3A : i32 to vector<16xi32>
        %rem3A_96 = arith.remsi %add3A_92, %rem3A : vector<16xi32>
        %ne3A = arith.constant 0 : i32
        %ne3A_97 = vector.broadcast %ne3A : i32 to vector<16xi32>
        %ne3A_98 = arith.cmpi ne, %rem3A_96, %ne3A_97 : vector<16xi32>
        %lt3A_99 = arith.constant 0 : i32
        %lt3A_100 = vector.broadcast %lt3A_99 : i32 to vector<16xi32>
        %lt3A_101 = arith.cmpi slt, %rem3A_96, %lt3A_100 : vector<16xi32>
        %lt3A_102 = arith.constant 0 : i32
        %lt3A_103 = arith.cmpi slt, %select_n3A, %lt3A_102 : i32
        %ne3A_104 = vector.broadcast %lt3A_103 : i1 to vector<16xi1>
        %ne3A_105 = vector.broadcast %ne3A_104 : vector<16xi1> to vector<16xi1>
        %ne3A_106 = arith.xori %lt3A_101, %ne3A_105 : vector<16xi1>
        %and3A = arith.andi %ne3A_106, %ne3A_98 : vector<16xi1>
        %add3A_107 = vector.broadcast %select_n3A : i32 to vector<16xi32>
        %add3A_108 = arith.addi %rem3A_96, %add3A_107 : vector<16xi32>
        %select_n3A_109 = arith.select %and3A, %add3A_108, %rem3A_96 : vector<16xi1>, vector<16xi32>
        %add3A_110 = arith.constant 10000 : i32
        %add3A_111 = vector.broadcast %add3A_110 : i32 to vector<16xi32>
        %add3A_112 = arith.addi %add3A_111, %select_n3A_109 : vector<16xi32>
        %swap3A = arith.index_cast %scan3A_85 : i32 to index
        %swap3A_113 = arith.constant 0 : index
        %swap3A_114 = tpu.vector_load %arg7[%swap3A, %swap3A_113] {strides = array<i32>} : memref<80x128xi32, #tpu.memory_space<vmem>>, vector<1x16xi32>,
        %swap3A_115 = vector.shape_cast %swap3A_114 : vector<1x16xi32> to vector<16xi32>
        %swap3A_116 = vector.shape_cast %add3A_112 : vector<16xi32> to vector<1x16xi32>
        tpu.vector_store %arg7[%swap3A, %swap3A_113], %swap3A_116 {strides = array<i32>} : memref<80x128xi32, #tpu.memory_space<vmem>>, vector<1x16xi32>,
        %swap3A_117 = arith.index_cast %scan3A_85 : i32 to index
        %swap3A_118 = arith.constant 0 : index
        %swap3A_119 = tpu.vector_load %arg8[%swap3A_117, %swap3A_118] {strides = array<i32>} : memref<80x128xi32, #tpu.memory_space<vmem>>, vector<1x16xi32>,
        %swap3A_120 = vector.shape_cast %swap3A_119 : vector<1x16xi32> to vector<16xi32>
        %swap3A_121 = vector.shape_cast %add3A_112 : vector<16xi32> to vector<1x16xi32>
        tpu.vector_store %arg8[%swap3A_117, %swap3A_118], %swap3A_121 {strides = array<i32>} : memref<80x128xi32, #tpu.memory_space<vmem>>, vector<1x16xi32>,
        %mul3A_122 = arith.constant 128 : i32
        %mul3A_123 = arith.muli %scan3A_85, %mul3A_122 : i32
        %add3A_124 = arith.constant 16 : i32
        %add3A_125 = arith.addi %mul3A_123, %add3A_124 : i32
        %add3A_126 = vector.broadcast %add3A_125 : i32 to vector<16xi32>
        %add3A_127 = arith.addi %add3A_126, %iota3A : vector<16xi32>
        %jit3A_128 = arith.constant 112 : i32
        %eq3A_129 = arith.constant 0 : i32
        %eq3A_130 = arith.cmpi eq, %jit3A_128, %eq3A_129 : i32
        %jit3A_131 = arith.constant 1 : i32
        %select_n3A_132 = arith.select %eq3A_130, %jit3A_131, %jit3A_128 : i32
        %rem3A_133 = vector.broadcast %select_n3A_132 : i32 to vector<16xi32>
        %rem3A_134 = arith.remsi %add3A_127, %rem3A_133 : vector<16xi32>
        %ne3A_135 = arith.constant 0 : i32
        %ne3A_136 = vector.broadcast %ne3A_135 : i32 to vector<16xi32>
        %ne3A_137 = arith.cmpi ne, %rem3A_134, %ne3A_136 : vector<16xi32>
        %lt3A_138 = arith.constant 0 : i32
        %lt3A_139 = vector.broadcast %lt3A_138 : i32 to vector<16xi32>
        %lt3A_140 = arith.cmpi slt, %rem3A_134, %lt3A_139 : vector<16xi32>
        %lt3A_141 = arith.constant 0 : i32
        %lt3A_142 = arith.cmpi slt, %select_n3A_132, %lt3A_141 : i32
        %ne3A_143 = vector.broadcast %lt3A_142 : i1 to vector<16xi1>
        %ne3A_144 = vector.broadcast %ne3A_143 : vector<16xi1> to vector<16xi1>
        %ne3A_145 = arith.xori %lt3A_140, %ne3A_144 : vector<16xi1>
        %and3A_146 = arith.andi %ne3A_145, %ne3A_137 : vector<16xi1>
        %add3A_147 = vector.broadcast %select_n3A_132 : i32 to vector<16xi32>
        %add3A_148 = arith.addi %rem3A_134, %add3A_147 : vector<16xi32>
        %select_n3A_149 = arith.select %and3A_146, %add3A_148, %rem3A_134 : vector<16xi1>, vector<16xi32>
        %add3A_150 = arith.constant 10000 : i32
        %add3A_151 = vector.broadcast %add3A_150 : i32 to vector<16xi32>
        %add3A_152 = arith.addi %add3A_151, %select_n3A_149 : vector<16xi32>
        %swap3A_153 = arith.index_cast %scan3A_85 : i32 to index
        %swap3A_154 = arith.constant 16 : index
        %swap3A_155 = tpu.vector_load %arg7[%swap3A_153, %swap3A_154] {strides = array<i32>} : memref<80x128xi32, #tpu.memory_space<vmem>>, vector<1x16xi32>,
        %swap3A_156 = vector.shape_cast %swap3A_155 : vector<1x16xi32> to vector<16xi32>
        %swap3A_157 = vector.shape_cast %add3A_152 : vector<16xi32> to vector<1x16xi32>
        tpu.vector_store %arg7[%swap3A_153, %swap3A_154], %swap3A_157 {strides = array<i32>} : memref<80x128xi32, #tpu.memory_space<vmem>>, vector<1x16xi32>,
        %swap3A_158 = arith.index_cast %scan3A_85 : i32 to index
        %swap3A_159 = arith.constant 16 : index
        %swap3A_160 = tpu.vector_load %arg8[%swap3A_158, %swap3A_159] {strides = array<i32>} : memref<80x128xi32, #tpu.memory_space<vmem>>, vector<1x16xi32>,
        %swap3A_161 = vector.shape_cast %swap3A_160 : vector<1x16xi32> to vector<16xi32>
        %swap3A_162 = vector.shape_cast %add3A_152 : vector<16xi32> to vector<1x16xi32>
        tpu.vector_store %arg8[%swap3A_158, %swap3A_159], %swap3A_162 {strides = array<i32>} : memref<80x128xi32, #tpu.memory_space<vmem>>, vector<1x16xi32>,
        %mul3A_163 = arith.constant 128 : i32
        %mul3A_164 = arith.muli %scan3A_85, %mul3A_163 : i32
        %add3A_165 = arith.constant 32 : i32
        %add3A_166 = arith.addi %mul3A_164, %add3A_165 : i32
        %add3A_167 = vector.broadcast %add3A_166 : i32 to vector<16xi32>
        %add3A_168 = arith.addi %add3A_167, %iota3A : vector<16xi32>
        %jit3A_169 = arith.constant 112 : i32
        %eq3A_170 = arith.constant 0 : i32
        %eq3A_171 = arith.cmpi eq, %jit3A_169, %eq3A_170 : i32
        %jit3A_172 = arith.constant 1 : i32
        %select_n3A_173 = arith.select %eq3A_171, %jit3A_172, %jit3A_169 : i32
        %rem3A_174 = vector.broadcast %select_n3A_173 : i32 to vector<16xi32>
        %rem3A_175 = arith.remsi %add3A_168, %rem3A_174 : vector<16xi32>
        %ne3A_176 = arith.constant 0 : i32
        %ne3A_177 = vector.broadcast %ne3A_176 : i32 to vector<16xi32>
        %ne3A_178 = arith.cmpi ne, %rem3A_175, %ne3A_177 : vector<16xi32>
        %lt3A_179 = arith.constant 0 : i32
        %lt3A_180 = vector.broadcast %lt3A_179 : i32 to vector<16xi32>
        %lt3A_181 = arith.cmpi slt, %rem3A_175, %lt3A_180 : vector<16xi32>
        %lt3A_182 = arith.constant 0 : i32
        %lt3A_183 = arith.cmpi slt, %select_n3A_173, %lt3A_182 : i32
        %ne3A_184 = vector.broadcast %lt3A_183 : i1 to vector<16xi1>
        %ne3A_185 = vector.broadcast %ne3A_184 : vector<16xi1> to vector<16xi1>
        %ne3A_186 = arith.xori %lt3A_181, %ne3A_185 : vector<16xi1>
        %and3A_187 = arith.andi %ne3A_186, %ne3A_178 : vector<16xi1>
        %add3A_188 = vector.broadcast %select_n3A_173 : i32 to vector<16xi32>
        %add3A_189 = arith.addi %rem3A_175, %add3A_188 : vector<16xi32>
        %select_n3A_190 = arith.select %and3A_187, %add3A_189, %rem3A_175 : vector<16xi1>, vector<16xi32>
        %add3A_191 = arith.constant 10000 : i32
        %add3A_192 = vector.broadcast %add3A_191 : i32 to vector<16xi32>
        %add3A_193 = arith.addi %add3A_192, %select_n3A_190 : vector<16xi32>
        %swap3A_194 = arith.index_cast %scan3A_85 : i32 to index
        %swap3A_195 = arith.constant 32 : index
        %swap3A_196 = tpu.vector_load %arg7[%swap3A_194, %swap3A_195] {strides = array<i32>} : memref<80x128xi32, #tpu.memory_space<vmem>>, vector<1x16xi32>,
        %swap3A_197 = vector.shape_cast %swap3A_196 : vector<1x16xi32> to vector<16xi32>
        %swap3A_198 = vector.shape_cast %add3A_193 : vector<16xi32> to vector<1x16xi32>
        tpu.vector_store %arg7[%swap3A_194, %swap3A_195], %swap3A_198 {strides = array<i32>} : memref<80x128xi32, #tpu.memory_space<vmem>>, vector<1x16xi32>,
        %swap3A_199 = arith.index_cast %scan3A_85 : i32 to index
        %swap3A_200 = arith.constant 32 : index
        %swap3A_201 = tpu.vector_load %arg8[%swap3A_199, %swap3A_200] {strides = array<i32>} : memref<80x128xi32, #tpu.memory_space<vmem>>, vector<1x16xi32>,
        %swap3A_202 = vector.shape_cast %swap3A_201 : vector<1x16xi32> to vector<16xi32>
        %swap3A_203 = vector.shape_cast %add3A_193 : vector<16xi32> to vector<1x16xi32>
        tpu.vector_store %arg8[%swap3A_199, %swap3A_200], %swap3A_203 {strides = array<i32>} : memref<80x128xi32, #tpu.memory_space<vmem>>, vector<1x16xi32>,
        %mul3A_204 = arith.constant 128 : i32
        %mul3A_205 = arith.muli %scan3A_85, %mul3A_204 : i32
        %add3A_206 = arith.constant 48 : i32
        %add3A_207 = arith.addi %mul3A_205, %add3A_206 : i32
        %add3A_208 = vector.broadcast %add3A_207 : i32 to vector<16xi32>
        %add3A_209 = arith.addi %add3A_208, %iota3A : vector<16xi32>
        %jit3A_210 = arith.constant 112 : i32
        %eq3A_211 = arith.constant 0 : i32
        %eq3A_212 = arith.cmpi eq, %jit3A_210, %eq3A_211 : i32
        %jit3A_213 = arith.constant 1 : i32
        %select_n3A_214 = arith.select %eq3A_212, %jit3A_213, %jit3A_210 : i32
        %rem3A_215 = vector.broadcast %select_n3A_214 : i32 to vector<16xi32>
        %rem3A_216 = arith.remsi %add3A_209, %rem3A_215 : vector<16xi32>
        %ne3A_217 = arith.constant 0 : i32
        %ne3A_218 = vector.broadcast %ne3A_217 : i32 to vector<16xi32>
        %ne3A_219 = arith.cmpi ne, %rem3A_216, %ne3A_218 : vector<16xi32>
        %lt3A_220 = arith.constant 0 : i32
        %lt3A_221 = vector.broadcast %lt3A_220 : i32 to vector<16xi32>
        %lt3A_222 = arith.cmpi slt, %rem3A_216, %lt3A_221 : vector<16xi32>
        %lt3A_223 = arith.constant 0 : i32
        %lt3A_224 = arith.cmpi slt, %select_n3A_214, %lt3A_223 : i32
        %ne3A_225 = vector.broadcast %lt3A_224 : i1 to vector<16xi1>
        %ne3A_226 = vector.broadcast %ne3A_225 : vector<16xi1> to vector<16xi1>
        %ne3A_227 = arith.xori %lt3A_222, %ne3A_226 : vector<16xi1>
        %and3A_228 = arith.andi %ne3A_227, %ne3A_219 : vector<16xi1>
        %add3A_229 = vector.broadcast %select_n3A_214 : i32 to vector<16xi32>
        %add3A_230 = arith.addi %rem3A_216, %add3A_229 : vector<16xi32>
        %select_n3A_231 = arith.select %and3A_228, %add3A_230, %rem3A_216 : vector<16xi1>, vector<16xi32>
        %add3A_232 = arith.constant 10000 : i32
        %add3A_233 = vector.broadcast %add3A_232 : i32 to vector<16xi32>
        %add3A_234 = arith.addi %add3A_233, %select_n3A_231 : vector<16xi32>
        %swap3A_235 = arith.index_cast %scan3A_85 : i32 to index
        %swap3A_236 = arith.constant 48 : index
        %swap3A_237 = tpu.vector_load %arg7[%swap3A_235, %swap3A_236] {strides = array<i32>} : memref<80x128xi32, #tpu.memory_space<vmem>>, vector<1x16xi32>,
        %swap3A_238 = vector.shape_cast %swap3A_237 : vector<1x16xi32> to vector<16xi32>
        %swap3A_239 = vector.shape_cast %add3A_234 : vector<16xi32> to vector<1x16xi32>
        tpu.vector_store %arg7[%swap3A_235, %swap3A_236], %swap3A_239 {strides = array<i32>} : memref<80x128xi32, #tpu.memory_space<vmem>>, vector<1x16xi32>,
        %swap3A_240 = arith.index_cast %scan3A_85 : i32 to index
        %swap3A_241 = arith.constant 48 : index
        %swap3A_242 = tpu.vector_load %arg8[%swap3A_240, %swap3A_241] {strides = array<i32>} : memref<80x128xi32, #tpu.memory_space<vmem>>, vector<1x16xi32>,
        %swap3A_243 = vector.shape_cast %swap3A_242 : vector<1x16xi32> to vector<16xi32>
        %swap3A_244 = vector.shape_cast %add3A_234 : vector<16xi32> to vector<1x16xi32>
        tpu.vector_store %arg8[%swap3A_240, %swap3A_241], %swap3A_244 {strides = array<i32>} : memref<80x128xi32, #tpu.memory_space<vmem>>, vector<1x16xi32>,
        %mul3A_245 = arith.constant 128 : i32
        %mul3A_246 = arith.muli %scan3A_85, %mul3A_245 : i32
        %add3A_247 = arith.constant 64 : i32
        %add3A_248 = arith.addi %mul3A_246, %add3A_247 : i32
        %add3A_249 = vector.broadcast %add3A_248 : i32 to vector<16xi32>
        %add3A_250 = arith.addi %add3A_249, %iota3A : vector<16xi32>
        %jit3A_251 = arith.constant 112 : i32
        %eq3A_252 = arith.constant 0 : i32
        %eq3A_253 = arith.cmpi eq, %jit3A_251, %eq3A_252 : i32
        %jit3A_254 = arith.constant 1 : i32
        %select_n3A_255 = arith.select %eq3A_253, %jit3A_254, %jit3A_251 : i32
        %rem3A_256 = vector.broadcast %select_n3A_255 : i32 to vector<16xi32>
        %rem3A_257 = arith.remsi %add3A_250, %rem3A_256 : vector<16xi32>
        %ne3A_258 = arith.constant 0 : i32
        %ne3A_259 = vector.broadcast %ne3A_258 : i32 to vector<16xi32>
        %ne3A_260 = arith.cmpi ne, %rem3A_257, %ne3A_259 : vector<16xi32>
        %lt3A_261 = arith.constant 0 : i32
        %lt3A_262 = vector.broadcast %lt3A_261 : i32 to vector<16xi32>
        %lt3A_263 = arith.cmpi slt, %rem3A_257, %lt3A_262 : vector<16xi32>
        %lt3A_264 = arith.constant 0 : i32
        %lt3A_265 = arith.cmpi slt, %select_n3A_255, %lt3A_264 : i32
        %ne3A_266 = vector.broadcast %lt3A_265 : i1 to vector<16xi1>
        %ne3A_267 = vector.broadcast %ne3A_266 : vector<16xi1> to vector<16xi1>
        %ne3A_268 = arith.xori %lt3A_263, %ne3A_267 : vector<16xi1>
        %and3A_269 = arith.andi %ne3A_268, %ne3A_260 : vector<16xi1>
        %add3A_270 = vector.broadcast %select_n3A_255 : i32 to vector<16xi32>
        %add3A_271 = arith.addi %rem3A_257, %add3A_270 : vector<16xi32>
        %select_n3A_272 = arith.select %and3A_269, %add3A_271, %rem3A_257 : vector<16xi1>, vector<16xi32>
        %add3A_273 = arith.constant 10000 : i32
        %add3A_274 = vector.broadcast %add3A_273 : i32 to vector<16xi32>
        %add3A_275 = arith.addi %add3A_274, %select_n3A_272 : vector<16xi32>
        %swap3A_276 = arith.index_cast %scan3A_85 : i32 to index
        %swap3A_277 = arith.constant 64 : index
        %swap3A_278 = tpu.vector_load %arg7[%swap3A_276, %swap3A_277] {strides = array<i32>} : memref<80x128xi32, #tpu.memory_space<vmem>>, vector<1x16xi32>,
        %swap3A_279 = vector.shape_cast %swap3A_278 : vector<1x16xi32> to vector<16xi32>
        %swap3A_280 = vector.shape_cast %add3A_275 : vector<16xi32> to vector<1x16xi32>
        tpu.vector_store %arg7[%swap3A_276, %swap3A_277], %swap3A_280 {strides = array<i32>} : memref<80x128xi32, #tpu.memory_space<vmem>>, vector<1x16xi32>,
        %swap3A_281 = arith.index_cast %scan3A_85 : i32 to index
        %swap3A_282 = arith.constant 64 : index
        %swap3A_283 = tpu.vector_load %arg8[%swap3A_281, %swap3A_282] {strides = array<i32>} : memref<80x128xi32, #tpu.memory_space<vmem>>, vector<1x16xi32>,
        %swap3A_284 = vector.shape_cast %swap3A_283 : vector<1x16xi32> to vector<16xi32>
        %swap3A_285 = vector.shape_cast %add3A_275 : vector<16xi32> to vector<1x16xi32>
        tpu.vector_store %arg8[%swap3A_281, %swap3A_282], %swap3A_285 {strides = array<i32>} : memref<80x128xi32, #tpu.memory_space<vmem>>, vector<1x16xi32>,
        %mul3A_286 = arith.constant 128 : i32
        %mul3A_287 = arith.muli %scan3A_85, %mul3A_286 : i32
        %add3A_288 = arith.constant 80 : i32
        %add3A_289 = arith.addi %mul3A_287, %add3A_288 : i32
        %add3A_290 = vector.broadcast %add3A_289 : i32 to vector<16xi32>
        %add3A_291 = arith.addi %add3A_290, %iota3A : vector<16xi32>
        %jit3A_292 = arith.constant 112 : i32
        %eq3A_293 = arith.constant 0 : i32
        %eq3A_294 = arith.cmpi eq, %jit3A_292, %eq3A_293 : i32
        %jit3A_295 = arith.constant 1 : i32
        %select_n3A_296 = arith.select %eq3A_294, %jit3A_295, %jit3A_292 : i32
        %rem3A_297 = vector.broadcast %select_n3A_296 : i32 to vector<16xi32>
        %rem3A_298 = arith.remsi %add3A_291, %rem3A_297 : vector<16xi32>
        %ne3A_299 = arith.constant 0 : i32
        %ne3A_300 = vector.broadcast %ne3A_299 : i32 to vector<16xi32>
        %ne3A_301 = arith.cmpi ne, %rem3A_298, %ne3A_300 : vector<16xi32>
        %lt3A_302 = arith.constant 0 : i32
        %lt3A_303 = vector.broadcast %lt3A_302 : i32 to vector<16xi32>
        %lt3A_304 = arith.cmpi slt, %rem3A_298, %lt3A_303 : vector<16xi32>
        %lt3A_305 = arith.constant 0 : i32
        %lt3A_306 = arith.cmpi slt, %select_n3A_296, %lt3A_305 : i32
        %ne3A_307 = vector.broadcast %lt3A_306 : i1 to vector<16xi1>
        %ne3A_308 = vector.broadcast %ne3A_307 : vector<16xi1> to vector<16xi1>
        %ne3A_309 = arith.xori %lt3A_304, %ne3A_308 : vector<16xi1>
        %and3A_310 = arith.andi %ne3A_309, %ne3A_301 : vector<16xi1>
        %add3A_311 = vector.broadcast %select_n3A_296 : i32 to vector<16xi32>
        %add3A_312 = arith.addi %rem3A_298, %add3A_311 : vector<16xi32>
        %select_n3A_313 = arith.select %and3A_310, %add3A_312, %rem3A_298 : vector<16xi1>, vector<16xi32>
        %add3A_314 = arith.constant 10000 : i32
        %add3A_315 = vector.broadcast %add3A_314 : i32 to vector<16xi32>
        %add3A_316 = arith.addi %add3A_315, %select_n3A_313 : vector<16xi32>
        %swap3A_317 = arith.index_cast %scan3A_85 : i32 to index
        %swap3A_318 = arith.constant 80 : index
        %swap3A_319 = tpu.vector_load %arg7[%swap3A_317, %swap3A_318] {strides = array<i32>} : memref<80x128xi32, #tpu.memory_space<vmem>>, vector<1x16xi32>,
        %swap3A_320 = vector.shape_cast %swap3A_319 : vector<1x16xi32> to vector<16xi32>
        %swap3A_321 = vector.shape_cast %add3A_316 : vector<16xi32> to vector<1x16xi32>
        tpu.vector_store %arg7[%swap3A_317, %swap3A_318], %swap3A_321 {strides = array<i32>} : memref<80x128xi32, #tpu.memory_space<vmem>>, vector<1x16xi32>,
        %swap3A_322 = arith.index_cast %scan3A_85 : i32 to index
        %swap3A_323 = arith.constant 80 : index
        %swap3A_324 = tpu.vector_load %arg8[%swap3A_322, %swap3A_323] {strides = array<i32>} : memref<80x128xi32, #tpu.memory_space<vmem>>, vector<1x16xi32>,
        %swap3A_325 = vector.shape_cast %swap3A_324 : vector<1x16xi32> to vector<16xi32>
        %swap3A_326 = vector.shape_cast %add3A_316 : vector<16xi32> to vector<1x16xi32>
        tpu.vector_store %arg8[%swap3A_322, %swap3A_323], %swap3A_326 {strides = array<i32>} : memref<80x128xi32, #tpu.memory_space<vmem>>, vector<1x16xi32>,
        %mul3A_327 = arith.constant 128 : i32
        %mul3A_328 = arith.muli %scan3A_85, %mul3A_327 : i32
        %add3A_329 = arith.constant 96 : i32
        %add3A_330 = arith.addi %mul3A_328, %add3A_329 : i32
        %add3A_331 = vector.broadcast %add3A_330 : i32 to vector<16xi32>
        %add3A_332 = arith.addi %add3A_331, %iota3A : vector<16xi32>
        %jit3A_333 = arith.constant 112 : i32
        %eq3A_334 = arith.constant 0 : i32
        %eq3A_335 = arith.cmpi eq, %jit3A_333, %eq3A_334 : i32
        %jit3A_336 = arith.constant 1 : i32
        %select_n3A_337 = arith.select %eq3A_335, %jit3A_336, %jit3A_333 : i32
        %rem3A_338 = vector.broadcast %select_n3A_337 : i32 to vector<16xi32>
        %rem3A_339 = arith.remsi %add3A_332, %rem3A_338 : vector<16xi32>
        %ne3A_340 = arith.constant 0 : i32
        %ne3A_341 = vector.broadcast %ne3A_340 : i32 to vector<16xi32>
        %ne3A_342 = arith.cmpi ne, %rem3A_339, %ne3A_341 : vector<16xi32>
        %lt3A_343 = arith.constant 0 : i32
        %lt3A_344 = vector.broadcast %lt3A_343 : i32 to vector<16xi32>
        %lt3A_345 = arith.cmpi slt, %rem3A_339, %lt3A_344 : vector<16xi32>
        %lt3A_346 = arith.constant 0 : i32
        %lt3A_347 = arith.cmpi slt, %select_n3A_337, %lt3A_346 : i32
        %ne3A_348 = vector.broadcast %lt3A_347 : i1 to vector<16xi1>
        %ne3A_349 = vector.broadcast %ne3A_348 : vector<16xi1> to vector<16xi1>
        %ne3A_350 = arith.xori %lt3A_345, %ne3A_349 : vector<16xi1>
        %and3A_351 = arith.andi %ne3A_350, %ne3A_342 : vector<16xi1>
        %add3A_352 = vector.broadcast %select_n3A_337 : i32 to vector<16xi32>
        %add3A_353 = arith.addi %rem3A_339, %add3A_352 : vector<16xi32>
        %select_n3A_354 = arith.select %and3A_351, %add3A_353, %rem3A_339 : vector<16xi1>, vector<16xi32>
        %add3A_355 = arith.constant 10000 : i32
        %add3A_356 = vector.broadcast %add3A_355 : i32 to vector<16xi32>
        %add3A_357 = arith.addi %add3A_356, %select_n3A_354 : vector<16xi32>
        %swap3A_358 = arith.index_cast %scan3A_85 : i32 to index
        %swap3A_359 = arith.constant 96 : index
        %swap3A_360 = tpu.vector_load %arg7[%swap3A_358, %swap3A_359] {strides = array<i32>} : memref<80x128xi32, #tpu.memory_space<vmem>>, vector<1x16xi32>,
        %swap3A_361 = vector.shape_cast %swap3A_360 : vector<1x16xi32> to vector<16xi32>
        %swap3A_362 = vector.shape_cast %add3A_357 : vector<16xi32> to vector<1x16xi32>
        tpu.vector_store %arg7[%swap3A_358, %swap3A_359], %swap3A_362 {strides = array<i32>} : memref<80x128xi32, #tpu.memory_space<vmem>>, vector<1x16xi32>,
        %swap3A_363 = arith.index_cast %scan3A_85 : i32 to index
        %swap3A_364 = arith.constant 96 : index
        %swap3A_365 = tpu.vector_load %arg8[%swap3A_363, %swap3A_364] {strides = array<i32>} : memref<80x128xi32, #tpu.memory_space<vmem>>, vector<1x16xi32>,
        %swap3A_366 = vector.shape_cast %swap3A_365 : vector<1x16xi32> to vector<16xi32>
        %swap3A_367 = vector.shape_cast %add3A_357 : vector<16xi32> to vector<1x16xi32>
        tpu.vector_store %arg8[%swap3A_363, %swap3A_364], %swap3A_367 {strides = array<i32>} : memref<80x128xi32, #tpu.memory_space<vmem>>, vector<1x16xi32>,
        %mul3A_368 = arith.constant 128 : i32
        %mul3A_369 = arith.muli %scan3A_85, %mul3A_368 : i32
        %add3A_370 = arith.constant 112 : i32
        %add3A_371 = arith.addi %mul3A_369, %add3A_370 : i32
        %add3A_372 = vector.broadcast %add3A_371 : i32 to vector<16xi32>
        %add3A_373 = arith.addi %add3A_372, %iota3A : vector<16xi32>
        %jit3A_374 = arith.constant 112 : i32
        %eq3A_375 = arith.constant 0 : i32
        %eq3A_376 = arith.cmpi eq, %jit3A_374, %eq3A_375 : i32
        %jit3A_377 = arith.constant 1 : i32
        %select_n3A_378 = arith.select %eq3A_376, %jit3A_377, %jit3A_374 : i32
        %rem3A_379 = vector.broadcast %select_n3A_378 : i32 to vector<16xi32>
        %rem3A_380 = arith.remsi %add3A_373, %rem3A_379 : vector<16xi32>
        %ne3A_381 = arith.constant 0 : i32
        %ne3A_382 = vector.broadcast %ne3A_381 : i32 to vector<16xi32>
        %ne3A_383 = arith.cmpi ne, %rem3A_380, %ne3A_382 : vector<16xi32>
        %lt3A_384 = arith.constant 0 : i32
        %lt3A_385 = vector.broadcast %lt3A_384 : i32 to vector<16xi32>
        %lt3A_386 = arith.cmpi slt, %rem3A_380, %lt3A_385 : vector<16xi32>
        %lt3A_387 = arith.constant 0 : i32
        %lt3A_388 = arith.cmpi slt, %select_n3A_378, %lt3A_387 : i32
        %ne3A_389 = vector.broadcast %lt3A_388 : i1 to vector<16xi1>
        %ne3A_390 = vector.broadcast %ne3A_389 : vector<16xi1> to vector<16xi1>
        %ne3A_391 = arith.xori %lt3A_386, %ne3A_390 : vector<16xi1>
        %and3A_392 = arith.andi %ne3A_391, %ne3A_383 : vector<16xi1>
        %add3A_393 = vector.broadcast %select_n3A_378 : i32 to vector<16xi32>
        %add3A_394 = arith.addi %rem3A_380, %add3A_393 : vector<16xi32>
        %select_n3A_395 = arith.select %and3A_392, %add3A_394, %rem3A_380 : vector<16xi1>, vector<16xi32>
        %add3A_396 = arith.constant 10000 : i32
        %add3A_397 = vector.broadcast %add3A_396 : i32 to vector<16xi32>
        %add3A_398 = arith.addi %add3A_397, %select_n3A_395 : vector<16xi32>
        %swap3A_399 = arith.index_cast %scan3A_85 : i32 to index
        %swap3A_400 = arith.constant 112 : index
        %swap3A_401 = tpu.vector_load %arg7[%swap3A_399, %swap3A_400] {strides = array<i32>} : memref<80x128xi32, #tpu.memory_space<vmem>>, vector<1x16xi32>,
        %swap3A_402 = vector.shape_cast %swap3A_401 : vector<1x16xi32> to vector<16xi32>
        %swap3A_403 = vector.shape_cast %add3A_398 : vector<16xi32> to vector<1x16xi32>
        tpu.vector_store %arg7[%swap3A_399, %swap3A_400], %swap3A_403 {strides = array<i32>} : memref<80x128xi32, #tpu.memory_space<vmem>>, vector<1x16xi32>,
        %swap3A_404 = arith.index_cast %scan3A_85 : i32 to index
        %swap3A_405 = arith.constant 112 : index
        %swap3A_406 = tpu.vector_load %arg8[%swap3A_404, %swap3A_405] {strides = array<i32>} : memref<80x128xi32, #tpu.memory_space<vmem>>, vector<1x16xi32>,
        %swap3A_407 = vector.shape_cast %swap3A_406 : vector<1x16xi32> to vector<16xi32>
        %swap3A_408 = vector.shape_cast %add3A_398 : vector<16xi32> to vector<1x16xi32>
        tpu.vector_store %arg8[%swap3A_404, %swap3A_405], %swap3A_408 {strides = array<i32>} : memref<80x128xi32, #tpu.memory_space<vmem>>, vector<1x16xi32>,
        %scan3A_409 = arith.constant 0 : i32
        scf.yield %scan3A_409 : i32
      }
      %scan3A_84 = arith.constant 60 : i32
    } else {
    }
    %dma_start3A = arith.constant 0 : i32
    %dma_start3A_11 = tpu.memref_slice %arg5[%mul3A_0, %dma_start3A] : memref<10112x16xf32, #tpu.memory_space<vmem_shared>> -> memref<632x16xf32, #tpu.memory_space<vmem_shared>>
    %dma_start3A_12 = arith.constant 0 : i32
    %dma_start3A_13 = tpu.memref_slice %arg2[%mul3A_0, %dma_start3A_12] : memref<10112x16xf32, #tpu.memory_space<hbm>> -> memref<632x16xf32, #tpu.memory_space<hbm>>
    tpu.enqueue_dma source(%dma_start3A_13 : memref<632x16xf32, #tpu.memory_space<hbm>>) target(%dma_start3A_11 : memref<632x16xf32, #tpu.memory_space<vmem_shared>>) target_semaphore(%arg14 : memref<!tpu.dma_semaphore, #tpu.memory_space<semaphore_mem>>)
    %scan3A = arith.constant 0 : i32
    %scan3A_14 = arith.constant 0 : i32
    %scan3A_15 = arith.constant 632 : i32
    %scan3A_16 = arith.addi %scan3A_14, %scan3A_15 : i32
    %scan3A_17 = arith.constant 8 : i32
    %scan3A_18 = scf.for %scan3A_48 = %scan3A_14 to %scan3A_16 step %scan3A_17 iter_args(%scan3A_49 = %scan3A) -> (i32)  : i32 {
      %broadcast_in_dim3A = arith.constant 0.000000e+00 : f32
      %broadcast_in_dim3A_50 = vector.broadcast %broadcast_in_dim3A : f32 to vector<16xf32>
      %swap3A = arith.index_cast %scan3A_48 : i32 to index
      %swap3A_51 = arith.constant 0 : index
      %swap3A_52 = tpu.vector_load %arg11[%swap3A, %swap3A_51] {strides = array<i32>} : memref<632x16xf32, #tpu.memory_space<vmem>>, vector<1x16xf32>,
      %swap3A_53 = vector.shape_cast %swap3A_52 : vector<1x16xf32> to vector<16xf32>
      %swap3A_54 = vector.shape_cast %broadcast_in_dim3A_50 : vector<16xf32> to vector<1x16xf32>
      tpu.vector_store %arg11[%swap3A, %swap3A_51], %swap3A_54 {strides = array<i32>} : memref<632x16xf32, #tpu.memory_space<vmem>>, vector<1x16xf32>,
      %scan3A_55 = arith.constant 0 : i32
      %scan3A_56 = arith.constant 1 : i32
      %scan3A_57 = arith.addi %scan3A_48, %scan3A_56 : i32
      %broadcast_in_dim3A_58 = arith.constant 0.000000e+00 : f32
      %broadcast_in_dim3A_59 = vector.broadcast %broadcast_in_dim3A_58 : f32 to vector<16xf32>
      %swap3A_60 = arith.index_cast %scan3A_57 : i32 to index
      %swap3A_61 = arith.constant 0 : index
      %swap3A_62 = tpu.vector_load %arg11[%swap3A_60, %swap3A_61] {strides = array<i32>} : memref<632x16xf32, #tpu.memory_space<vmem>>, vector<1x16xf32>,
      %swap3A_63 = vector.shape_cast %swap3A_62 : vector<1x16xf32> to vector<16xf32>
      %swap3A_64 = vector.shape_cast %broadcast_in_dim3A_59 : vector<16xf32> to vector<1x16xf32>
      tpu.vector_store %arg11[%swap3A_60, %swap3A_61], %swap3A_64 {strides = array<i32>} : memref<632x16xf32, #tpu.memory_space<vmem>>, vector<1x16xf32>,
      %scan3A_65 = arith.constant 0 : i32
      %scan3A_66 = arith.constant 2 : i32
      %scan3A_67 = arith.addi %scan3A_48, %scan3A_66 : i32
      %broadcast_in_dim3A_68 = arith.constant 0.000000e+00 : f32
      %broadcast_in_dim3A_69 = vector.broadcast %broadcast_in_dim3A_68 : f32 to vector<16xf32>
      %swap3A_70 = arith.index_cast %scan3A_67 : i32 to index
      %swap3A_71 = arith.constant 0 : index
      %swap3A_72 = tpu.vector_load %arg11[%swap3A_70, %swap3A_71] {strides = array<i32>} : memref<632x16xf32, #tpu.memory_space<vmem>>, vector<1x16xf32>,
      %swap3A_73 = vector.shape_cast %swap3A_72 : vector<1x16xf32> to vector<16xf32>
      %swap3A_74 = vector.shape_cast %broadcast_in_dim3A_69 : vector<16xf32> to vector<1x16xf32>
      tpu.vector_store %arg11[%swap3A_70, %swap3A_71], %swap3A_74 {strides = array<i32>} : memref<632x16xf32, #tpu.memory_space<vmem>>, vector<1x16xf32>,
      %scan3A_75 = arith.constant 0 : i32
      %scan3A_76 = arith.constant 3 : i32
      %scan3A_77 = arith.addi %scan3A_48, %scan3A_76 : i32
      %broadcast_in_dim3A_78 = arith.constant 0.000000e+00 : f32
      %broadcast_in_dim3A_79 = vector.broadcast %broadcast_in_dim3A_78 : f32 to vector<16xf32>
      %swap3A_80 = arith.index_cast %scan3A_77 : i32 to index
      %swap3A_81 = arith.constant 0 : index
      %swap3A_82 = tpu.vector_load %arg11[%swap3A_80, %swap3A_81] {strides = array<i32>} : memref<632x16xf32, #tpu.memory_space<vmem>>, vector<1x16xf32>,
      %swap3A_83 = vector.shape_cast %swap3A_82 : vector<1x16xf32> to vector<16xf32>
      %swap3A_84 = vector.shape_cast %broadcast_in_dim3A_79 : vector<16xf32> to vector<1x16xf32>
      tpu.vector_store %arg11[%swap3A_80, %swap3A_81], %swap3A_84 {strides = array<i32>} : memref<632x16xf32, #tpu.memory_space<vmem>>, vector<1x16xf32>,
      %scan3A_85 = arith.constant 0 : i32
      %scan3A_86 = arith.constant 4 : i32
      %scan3A_87 = arith.addi %scan3A_48, %scan3A_86 : i32
      %broadcast_in_dim3A_88 = arith.constant 0.000000e+00 : f32
      %broadcast_in_dim3A_89 = vector.broadcast %broadcast_in_dim3A_88 : f32 to vector<16xf32>
      %swap3A_90 = arith.index_cast %scan3A_87 : i32 to index
      %swap3A_91 = arith.constant 0 : index
      %swap3A_92 = tpu.vector_load %arg11[%swap3A_90, %swap3A_91] {strides = array<i32>} : memref<632x16xf32, #tpu.memory_space<vmem>>, vector<1x16xf32>,
      %swap3A_93 = vector.shape_cast %swap3A_92 : vector<1x16xf32> to vector<16xf32>
      %swap3A_94 = vector.shape_cast %broadcast_in_dim3A_89 : vector<16xf32> to vector<1x16xf32>
      tpu.vector_store %arg11[%swap3A_90, %swap3A_91], %swap3A_94 {strides = array<i32>} : memref<632x16xf32, #tpu.memory_space<vmem>>, vector<1x16xf32>,
      %scan3A_95 = arith.constant 0 : i32
      %scan3A_96 = arith.constant 5 : i32
      %scan3A_97 = arith.addi %scan3A_48, %scan3A_96 : i32
      %broadcast_in_dim3A_98 = arith.constant 0.000000e+00 : f32
      %broadcast_in_dim3A_99 = vector.broadcast %broadcast_in_dim3A_98 : f32 to vector<16xf32>
      %swap3A_100 = arith.index_cast %scan3A_97 : i32 to index
      %swap3A_101 = arith.constant 0 : index
      %swap3A_102 = tpu.vector_load %arg11[%swap3A_100, %swap3A_101] {strides = array<i32>} : memref<632x16xf32, #tpu.memory_space<vmem>>, vector<1x16xf32>,
      %swap3A_103 = vector.shape_cast %swap3A_102 : vector<1x16xf32> to vector<16xf32>
      %swap3A_104 = vector.shape_cast %broadcast_in_dim3A_99 : vector<16xf32> to vector<1x16xf32>
      tpu.vector_store %arg11[%swap3A_100, %swap3A_101], %swap3A_104 {strides = array<i32>} : memref<632x16xf32, #tpu.memory_space<vmem>>, vector<1x16xf32>,
      %scan3A_105 = arith.constant 0 : i32
      %scan3A_106 = arith.constant 6 : i32
      %scan3A_107 = arith.addi %scan3A_48, %scan3A_106 : i32
      %broadcast_in_dim3A_108 = arith.constant 0.000000e+00 : f32
      %broadcast_in_dim3A_109 = vector.broadcast %broadcast_in_dim3A_108 : f32 to vector<16xf32>
      %swap3A_110 = arith.index_cast %scan3A_107 : i32 to index
      %swap3A_111 = arith.constant 0 : index
      %swap3A_112 = tpu.vector_load %arg11[%swap3A_110, %swap3A_111] {strides = array<i32>} : memref<632x16xf32, #tpu.memory_space<vmem>>, vector<1x16xf32>,
      %swap3A_113 = vector.shape_cast %swap3A_112 : vector<1x16xf32> to vector<16xf32>
      %swap3A_114 = vector.shape_cast %broadcast_in_dim3A_109 : vector<16xf32> to vector<1x16xf32>
      tpu.vector_store %arg11[%swap3A_110, %swap3A_111], %swap3A_114 {strides = array<i32>} : memref<632x16xf32, #tpu.memory_space<vmem>>, vector<1x16xf32>,
      %scan3A_115 = arith.constant 0 : i32
      %scan3A_116 = arith.constant 7 : i32
      %scan3A_117 = arith.addi %scan3A_48, %scan3A_116 : i32
      %broadcast_in_dim3A_118 = arith.constant 0.000000e+00 : f32
      %broadcast_in_dim3A_119 = vector.broadcast %broadcast_in_dim3A_118 : f32 to vector<16xf32>
      %swap3A_120 = arith.index_cast %scan3A_117 : i32 to index
      %swap3A_121 = arith.constant 0 : index
      %swap3A_122 = tpu.vector_load %arg11[%swap3A_120, %swap3A_121] {strides = array<i32>} : memref<632x16xf32, #tpu.memory_space<vmem>>, vector<1x16xf32>,
      %swap3A_123 = vector.shape_cast %swap3A_122 : vector<1x16xf32> to vector<16xf32>
      %swap3A_124 = vector.shape_cast %broadcast_in_dim3A_119 : vector<16xf32> to vector<1x16xf32>
      tpu.vector_store %arg11[%swap3A_120, %swap3A_121], %swap3A_124 {strides = array<i32>} : memref<632x16xf32, #tpu.memory_space<vmem>>, vector<1x16xf32>,
      %scan3A_125 = arith.constant 0 : i32
      scf.yield %scan3A_125 : i32
    }
    %scan3A_19 = arith.constant 632 : i32
    "tpu.region"() ({
      %run_scoped3A = tpu.sem_alloc : memref<!tpu.dma_semaphore, #tpu.memory_space<semaphore_mem>>
      %dma_start3A_48 = arith.constant 0 : i32
      %dma_start3A_49 = tpu.memref_slice %arg6[%mul3A_0, %dma_start3A_48] : memref<10112x16xf32, #tpu.memory_space<vmem_shared>> -> memref<632x16xf32, #tpu.memory_space<vmem_shared>>
      %dma_start3A_50 = arith.constant 0 : i32
      %dma_start3A_51 = tpu.memref_slice %arg6[%mul3A_0, %dma_start3A_50] : memref<10112x16xf32, #tpu.memory_space<vmem_shared>> -> memref<632x16xf32, #tpu.memory_space<vmem_shared>>
      tpu.enqueue_dma source(%arg11 : memref<632x16xf32, #tpu.memory_space<vmem>>) target(%dma_start3A_51 : memref<632x16xf32, #tpu.memory_space<vmem_shared>>) target_semaphore(%run_scoped3A : memref<!tpu.dma_semaphore, #tpu.memory_space<semaphore_mem>>)
      %dma_wait3A_52 = arith.constant 0 : i32
      %dma_wait3A_53 = tpu.memref_slice %arg6[%mul3A_0, %dma_wait3A_52] : memref<10112x16xf32, #tpu.memory_space<vmem_shared>> -> memref<632x16xf32, #tpu.memory_space<vmem_shared>>
      %dma_wait3A_54 = arith.constant 0 : i32
      %dma_wait3A_55 = tpu.memref_slice %arg6[%mul3A_0, %dma_wait3A_54] : memref<10112x16xf32, #tpu.memory_space<vmem_shared>> -> memref<632x16xf32, #tpu.memory_space<vmem_shared>>
      tpu.wait_dma2 semaphore(%run_scoped3A : memref<!tpu.dma_semaphore, #tpu.memory_space<semaphore_mem>>) src(%arg11 : memref<632x16xf32, #tpu.memory_space<vmem>>) dst(%dma_wait3A_55 : memref<632x16xf32, #tpu.memory_space<vmem_shared>>)
      tpu.yield
    }) : () -> ()
    %dma_wait3A = arith.constant 0 : i32
    %dma_wait3A_20 = tpu.memref_slice %arg5[%mul3A_0, %dma_wait3A] : memref<10112x16xf32, #tpu.memory_space<vmem_shared>> -> memref<632x16xf32, #tpu.memory_space<vmem_shared>>
    %dma_wait3A_21 = arith.constant 0 : i32
    %dma_wait3A_22 = tpu.memref_slice %arg2[%mul3A_0, %dma_wait3A_21] : memref<10112x16xf32, #tpu.memory_space<hbm>> -> memref<632x16xf32, #tpu.memory_space<hbm>>
    tpu.wait_dma2 semaphore(%arg14 : memref<!tpu.dma_semaphore, #tpu.memory_space<semaphore_mem>>) src(%dma_wait3A_22 : memref<632x16xf32, #tpu.memory_space<hbm>>) dst(%dma_wait3A_20 : memref<632x16xf32, #tpu.memory_space<vmem_shared>>)
    %lt3A_23 = arith.constant 31 : i32
    %lt3A_24 = arith.cmpi slt, %add3A, %lt3A_23 : i32
    %convert_element_type3A_25 = arith.extui %lt3A_24 : i1 to i32
    %cond3A_26 = arith.constant 0 : i32
    %cond3A_27 = arith.cmpi ne, %convert_element_type3A_25, %cond3A_26 : i32
    scf.if %cond3A_27 {
      %dma_wait3A_48 = arith.constant 0 : i32
      %dma_wait3A_49 = arith.constant 0 : i32
      %dma_wait3A_50 = arith.constant 0 : i32
      %dma_wait3A_51 = tpu.memref_slice %arg3[%dma_wait3A_49, %dma_wait3A_48, %dma_wait3A_50] : memref<2500x2x128xi32, #tpu.memory_space<hbm>> -> memref<80x1x128xi32, #tpu.memory_space<hbm>>
      %dma_wait3A_52 = tpu.memref_squeeze %dma_wait3A_51 : memref<80x1x128xi32, #tpu.memory_space<hbm>> -> memref<80x128xi32, #tpu.memory_space<hbm>>
      %dma_wait3A_53 = arith.constant 0 : i32
      %dma_wait3A_54 = arith.constant 0 : i32
      %dma_wait3A_55 = tpu.memref_slice %arg3[%dma_wait3A_53, %dma_wait3A_48, %dma_wait3A_54] : memref<2500x2x128xi32, #tpu.memory_space<hbm>> -> memref<80x1x128xi32, #tpu.memory_space<hbm>>
      %dma_wait3A_56 = tpu.memref_squeeze %dma_wait3A_55 : memref<80x1x128xi32, #tpu.memory_space<hbm>> -> memref<80x128xi32, #tpu.memory_space<hbm>>
      tpu.wait_dma2 semaphore(%arg12 : memref<!tpu.dma_semaphore, #tpu.memory_space<semaphore_mem>>) src(%dma_wait3A_56 : memref<80x128xi32, #tpu.memory_space<hbm>>) dst(%arg7 : memref<80x128xi32, #tpu.memory_space<vmem>>)
      %dma_wait3A_57 = arith.constant 0 : i32
      %dma_wait3A_58 = arith.constant 0 : i32
      %dma_wait3A_59 = arith.constant 0 : i32
      %dma_wait3A_60 = tpu.memref_slice %arg3[%dma_wait3A_58, %dma_wait3A_57, %dma_wait3A_59] : memref<2500x2x128xi32, #tpu.memory_space<hbm>> -> memref<80x1x128xi32, #tpu.memory_space<hbm>>
      %dma_wait3A_61 = tpu.memref_squeeze %dma_wait3A_60 : memref<80x1x128xi32, #tpu.memory_space<hbm>> -> memref<80x128xi32, #tpu.memory_space<hbm>>
      %dma_wait3A_62 = arith.constant 0 : i32
      %dma_wait3A_63 = arith.constant 0 : i32
      %dma_wait3A_64 = tpu.memref_slice %arg3[%dma_wait3A_62, %dma_wait3A_57, %dma_wait3A_63] : memref<2500x2x128xi32, #tpu.memory_space<hbm>> -> memref<80x1x128xi32, #tpu.memory_space<hbm>>
      %dma_wait3A_65 = tpu.memref_squeeze %dma_wait3A_64 : memref<80x1x128xi32, #tpu.memory_space<hbm>> -> memref<80x128xi32, #tpu.memory_space<hbm>>
      tpu.wait_dma2 semaphore(%arg13 : memref<!tpu.dma_semaphore, #tpu.memory_space<semaphore_mem>>) src(%dma_wait3A_65 : memref<80x128xi32, #tpu.memory_space<hbm>>) dst(%arg8 : memref<80x128xi32, #tpu.memory_space<vmem>>)
    } else {
    }
    %eq3A_28 = arith.constant 31 : i32
    %eq3A_29 = arith.cmpi eq, %add3A, %eq3A_28 : i32
    %convert_element_type3A_30 = arith.extui %eq3A_29 : i1 to i32
    %cond3A_31 = arith.constant 0 : i32
    %cond3A_32 = arith.cmpi ne, %convert_element_type3A_30, %cond3A_31 : i32
    scf.if %cond3A_32 {
      %dma_wait3A_48 = arith.constant 0 : i32
      %dma_wait3A_49 = arith.constant 0 : i32
      %dma_wait3A_50 = arith.constant 0 : i32
      %dma_wait3A_51 = tpu.memref_slice %arg7[%dma_wait3A_49, %dma_wait3A_50] : memref<80x128xi32, #tpu.memory_space<vmem>> -> memref<20x128xi32, #tpu.memory_space<vmem>>
      %dma_wait3A_52 = arith.constant 0 : i32
      %dma_wait3A_53 = arith.constant 0 : i32
      %dma_wait3A_54 = tpu.memref_slice %arg3[%dma_wait3A_52, %dma_wait3A_48, %dma_wait3A_53] : memref<2500x2x128xi32, #tpu.memory_space<hbm>> -> memref<20x1x128xi32, #tpu.memory_space<hbm>>
      %dma_wait3A_55 = tpu.memref_squeeze %dma_wait3A_54 : memref<20x1x128xi32, #tpu.memory_space<hbm>> -> memref<20x128xi32, #tpu.memory_space<hbm>>
      %dma_wait3A_56 = arith.constant 0 : i32
      %dma_wait3A_57 = arith.constant 0 : i32
      %dma_wait3A_58 = tpu.memref_slice %arg7[%dma_wait3A_56, %dma_wait3A_57] : memref<80x128xi32, #tpu.memory_space<vmem>> -> memref<20x128xi32, #tpu.memory_space<vmem>>
      %dma_wait3A_59 = arith.constant 0 : i32
      %dma_wait3A_60 = arith.constant 0 : i32
      %dma_wait3A_61 = tpu.memref_slice %arg3[%dma_wait3A_59, %dma_wait3A_48, %dma_wait3A_60] : memref<2500x2x128xi32, #tpu.memory_space<hbm>> -> memref<20x1x128xi32, #tpu.memory_space<hbm>>
      %dma_wait3A_62 = tpu.memref_squeeze %dma_wait3A_61 : memref<20x1x128xi32, #tpu.memory_space<hbm>> -> memref<20x128xi32, #tpu.memory_space<hbm>>
      tpu.wait_dma2 semaphore(%arg12 : memref<!tpu.dma_semaphore, #tpu.memory_space<semaphore_mem>>) src(%dma_wait3A_62 : memref<20x128xi32, #tpu.memory_space<hbm>>) dst(%dma_wait3A_58 : memref<20x128xi32, #tpu.memory_space<vmem>>)
      %dma_wait3A_63 = arith.constant 0 : i32
      %dma_wait3A_64 = arith.constant 0 : i32
      %dma_wait3A_65 = arith.constant 0 : i32
      %dma_wait3A_66 = tpu.memref_slice %arg8[%dma_wait3A_64, %dma_wait3A_65] : memref<80x128xi32, #tpu.memory_space<vmem>> -> memref<20x128xi32, #tpu.memory_space<vmem>>
      %dma_wait3A_67 = arith.constant 0 : i32
      %dma_wait3A_68 = arith.constant 0 : i32
      %dma_wait3A_69 = tpu.memref_slice %arg3[%dma_wait3A_67, %dma_wait3A_63, %dma_wait3A_68] : memref<2500x2x128xi32, #tpu.memory_space<hbm>> -> memref<20x1x128xi32, #tpu.memory_space<hbm>>
      %dma_wait3A_70 = tpu.memref_squeeze %dma_wait3A_69 : memref<20x1x128xi32, #tpu.memory_space<hbm>> -> memref<20x128xi32, #tpu.memory_space<hbm>>
      %dma_wait3A_71 = arith.constant 0 : i32
      %dma_wait3A_72 = arith.constant 0 : i32
      %dma_wait3A_73 = tpu.memref_slice %arg8[%dma_wait3A_71, %dma_wait3A_72] : memref<80x128xi32, #tpu.memory_space<vmem>> -> memref<20x128xi32, #tpu.memory_space<vmem>>
      %dma_wait3A_74 = arith.constant 0 : i32
      %dma_wait3A_75 = arith.constant 0 : i32
      %dma_wait3A_76 = tpu.memref_slice %arg3[%dma_wait3A_74, %dma_wait3A_63, %dma_wait3A_75] : memref<2500x2x128xi32, #tpu.memory_space<hbm>> -> memref<20x1x128xi32, #tpu.memory_space<hbm>>
      %dma_wait3A_77 = tpu.memref_squeeze %dma_wait3A_76 : memref<20x1x128xi32, #tpu.memory_space<hbm>> -> memref<20x128xi32, #tpu.memory_space<hbm>>
      tpu.wait_dma2 semaphore(%arg13 : memref<!tpu.dma_semaphore, #tpu.memory_space<semaphore_mem>>) src(%dma_wait3A_77 : memref<20x128xi32, #tpu.memory_space<hbm>>) dst(%dma_wait3A_73 : memref<20x128xi32, #tpu.memory_space<vmem>>)
    } else {
    }
    %barrier3A = arith.constant 0 : index
    tpu.barrier barrier_id(%barrier3A)
    %dma_start3A_33 = arith.constant 0 : i32
    %dma_start3A_34 = arith.constant 0 : i32
    %dma_start3A_35 = tpu.memref_slice %arg7[%dma_start3A_33, %dma_start3A_34] : memref<80x128xi32, #tpu.memory_space<vmem>> -> memref<1x128xi32, #tpu.memory_space<vmem>>
    %dma_start3A_36 = tpu.memref_squeeze %dma_start3A_35 : memref<1x128xi32, #tpu.memory_space<vmem>> -> memref<128xi32, #tpu.memory_space<vmem>>
    %dma_start3A_37 = arith.constant 0 : i32
    %dma_start3A_38 = arith.constant 0 : i32
    %dma_start3A_39 = tpu.memref_slice %arg5[%dma_start3A_37, %dma_start3A_38] : memref<10112x16xf32, #tpu.memory_space<vmem_shared>> -> memref<10112x16xf32, #tpu.memory_space<vmem_shared>>
    tpu.enqueue_indirect_dma source(%dma_start3A_39 : memref<10112x16xf32, #tpu.memory_space<vmem_shared>>) target(%arg9 : memref<128x16xf32, #tpu.memory_space<vmem>>) offsets(%dma_start3A_36 : memref<128xi32, #tpu.memory_space<vmem>>) semaphore(%arg12 : memref<!tpu.dma_semaphore, #tpu.memory_space<semaphore_mem>>)
    %scan3A_40 = arith.constant 0 : i32
    %scan3A_41 = arith.constant 0 : i32
    %scan3A_42 = arith.constant 40 : i32
    %scan3A_43 = arith.addi %scan3A_41, %scan3A_42 : i32
    %scan3A_44 = arith.constant 1 : i32
    %scan3A_45 = scf.for %scan3A_48 = %scan3A_41 to %scan3A_43 step %scan3A_44 iter_args(%scan3A_49 = %scan3A_40) -> (i32)  : i32 {
      %mul3A_50 = arith.constant 2 : i32
      %mul3A_51 = arith.muli %mul3A_50, %scan3A_48 : i32
      %add3A_52 = arith.constant 1 : i32
      %add3A_53 = arith.addi %mul3A_51, %add3A_52 : i32
      %dma_start3A_54 = arith.constant 0 : i32
      %dma_start3A_55 = tpu.memref_slice %arg7[%add3A_53, %dma_start3A_54] : memref<80x128xi32, #tpu.memory_space<vmem>> -> memref<1x128xi32, #tpu.memory_space<vmem>>
      %dma_start3A_56 = tpu.memref_squeeze %dma_start3A_55 : memref<1x128xi32, #tpu.memory_space<vmem>> -> memref<128xi32, #tpu.memory_space<vmem>>
      %dma_start3A_57 = arith.constant 0 : i32
      %dma_start3A_58 = arith.constant 0 : i32
      %dma_start3A_59 = tpu.memref_slice %arg5[%dma_start3A_57, %dma_start3A_58] : memref<10112x16xf32, #tpu.memory_space<vmem_shared>> -> memref<10112x16xf32, #tpu.memory_space<vmem_shared>>
      tpu.enqueue_indirect_dma source(%dma_start3A_59 : memref<10112x16xf32, #tpu.memory_space<vmem_shared>>) target(%arg10 : memref<128x16xf32, #tpu.memory_space<vmem>>) offsets(%dma_start3A_56 : memref<128xi32, #tpu.memory_space<vmem>>) semaphore(%arg13 : memref<!tpu.dma_semaphore, #tpu.memory_space<semaphore_mem>>)
      %dma_wait3A_60 = arith.constant 0 : i32
      %dma_wait3A_61 = tpu.memref_slice %arg7[%mul3A_51, %dma_wait3A_60] : memref<80x128xi32, #tpu.memory_space<vmem>> -> memref<1x128xi32, #tpu.memory_space<vmem>>
      %dma_wait3A_62 = tpu.memref_squeeze %dma_wait3A_61 : memref<1x128xi32, #tpu.memory_space<vmem>> -> memref<128xi32, #tpu.memory_space<vmem>>
      %dma_wait3A_63 = arith.constant 0 : i32
      %dma_wait3A_64 = arith.constant 0 : i32
      %dma_wait3A_65 = tpu.memref_slice %arg5[%dma_wait3A_63, %dma_wait3A_64] : memref<10112x16xf32, #tpu.memory_space<vmem_shared>> -> memref<10112x16xf32, #tpu.memory_space<vmem_shared>>
      tpu.wait_indirect_dma semaphore(%arg12 : memref<!tpu.dma_semaphore, #tpu.memory_space<semaphore_mem>>) src(%dma_wait3A_65 : memref<10112x16xf32, #tpu.memory_space<vmem_shared>>) dst(%arg9 : memref<128x16xf32, #tpu.memory_space<vmem>>)
      "tpu.region"() ({
        %run_scoped3A = tpu.sem_alloc : memref<!tpu.dma_semaphore, #tpu.memory_space<semaphore_mem>>
        %dma_start3A_84 = arith.constant 0 : i32
        %dma_start3A_85 = tpu.memref_slice %arg8[%mul3A_51, %dma_start3A_84] : memref<80x128xi32, #tpu.memory_space<vmem>> -> memref<1x128xi32, #tpu.memory_space<vmem>>
        %dma_start3A_86 = tpu.memref_squeeze %dma_start3A_85 : memref<1x128xi32, #tpu.memory_space<vmem>> -> memref<128xi32, #tpu.memory_space<vmem>>
        %dma_start3A_87 = arith.constant 0 : i32
        %dma_start3A_88 = arith.constant 0 : i32
        %dma_start3A_89 = tpu.memref_slice %arg6[%dma_start3A_87, %dma_start3A_88] : memref<10112x16xf32, #tpu.memory_space<vmem_shared>> -> memref<10112x16xf32, #tpu.memory_space<vmem_shared>>
        tpu.enqueue_indirect_dma source(%arg9 : memref<128x16xf32, #tpu.memory_space<vmem>>) target(%dma_start3A_89 : memref<10112x16xf32, #tpu.memory_space<vmem_shared>>) offsets(%dma_start3A_86 : memref<128xi32, #tpu.memory_space<vmem>>) semaphore(%run_scoped3A : memref<!tpu.dma_semaphore, #tpu.memory_space<semaphore_mem>>) {add = true}
        %dma_wait3A_90 = arith.constant 0 : i32
        %dma_wait3A_91 = tpu.memref_slice %arg8[%mul3A_51, %dma_wait3A_90] : memref<80x128xi32, #tpu.memory_space<vmem>> -> memref<1x128xi32, #tpu.memory_space<vmem>>
        %dma_wait3A_92 = tpu.memref_squeeze %dma_wait3A_91 : memref<1x128xi32, #tpu.memory_space<vmem>> -> memref<128xi32, #tpu.memory_space<vmem>>
        %dma_wait3A_93 = arith.constant 0 : i32
        %dma_wait3A_94 = arith.constant 0 : i32
        %dma_wait3A_95 = tpu.memref_slice %arg6[%dma_wait3A_93, %dma_wait3A_94] : memref<10112x16xf32, #tpu.memory_space<vmem_shared>> -> memref<10112x16xf32, #tpu.memory_space<vmem_shared>>
        tpu.wait_indirect_dma semaphore(%run_scoped3A : memref<!tpu.dma_semaphore, #tpu.memory_space<semaphore_mem>>) src(%arg9 : memref<128x16xf32, #tpu.memory_space<vmem>>) dst(%dma_wait3A_95 : memref<10112x16xf32, #tpu.memory_space<vmem_shared>>)
        tpu.yield
      }) : () -> ()
      %add3A_66 = arith.constant 2 : i32
      %add3A_67 = arith.addi %mul3A_51, %add3A_66 : i32
      %lt3A_68 = arith.constant 80 : i32
      %lt3A_69 = arith.cmpi slt, %add3A_67, %lt3A_68 : i32
      %convert_element_type3A_70 = arith.extui %lt3A_69 : i1 to i32
      %cond3A_71 = arith.constant 0 : i32
      %cond3A_72 = arith.cmpi ne, %convert_element_type3A_70, %cond3A_71 : i32
      scf.if %cond3A_72 {
        %add3A_84 = arith.constant 2 : i32
        %add3A_85 = arith.addi %mul3A_51, %add3A_84 : i32
        %dma_start3A_86 = arith.constant 0 : i32
        %dma_start3A_87 = tpu.memref_slice %arg7[%add3A_85, %dma_start3A_86] : memref<80x128xi32, #tpu.memory_space<vmem>> -> memref<1x128xi32, #tpu.memory_space<vmem>>
        %dma_start3A_88 = tpu.memref_squeeze %dma_start3A_87 : memref<1x128xi32, #tpu.memory_space<vmem>> -> memref<128xi32, #tpu.memory_space<vmem>>
        %dma_start3A_89 = arith.constant 0 : i32
        %dma_start3A_90 = arith.constant 0 : i32
        %dma_start3A_91 = tpu.memref_slice %arg5[%dma_start3A_89, %dma_start3A_90] : memref<10112x16xf32, #tpu.memory_space<vmem_shared>> -> memref<10112x16xf32, #tpu.memory_space<vmem_shared>>
        tpu.enqueue_indirect_dma source(%dma_start3A_91 : memref<10112x16xf32, #tpu.memory_space<vmem_shared>>) target(%arg9 : memref<128x16xf32, #tpu.memory_space<vmem>>) offsets(%dma_start3A_88 : memref<128xi32, #tpu.memory_space<vmem>>) semaphore(%arg12 : memref<!tpu.dma_semaphore, #tpu.memory_space<semaphore_mem>>)
      } else {
      }
      %add3A_73 = arith.constant 1 : i32
      %add3A_74 = arith.addi %mul3A_51, %add3A_73 : i32
      %dma_wait3A_75 = arith.constant 0 : i32
      %dma_wait3A_76 = tpu.memref_slice %arg7[%add3A_74, %dma_wait3A_75] : memref<80x128xi32, #tpu.memory_space<vmem>> -> memref<1x128xi32, #tpu.memory_space<vmem>>
      %dma_wait3A_77 = tpu.memref_squeeze %dma_wait3A_76 : memref<1x128xi32, #tpu.memory_space<vmem>> -> memref<128xi32, #tpu.memory_space<vmem>>
      %dma_wait3A_78 = arith.constant 0 : i32
      %dma_wait3A_79 = arith.constant 0 : i32
      %dma_wait3A_80 = tpu.memref_slice %arg5[%dma_wait3A_78, %dma_wait3A_79] : memref<10112x16xf32, #tpu.memory_space<vmem_shared>> -> memref<10112x16xf32, #tpu.memory_space<vmem_shared>>
      tpu.wait_indirect_dma semaphore(%arg13 : memref<!tpu.dma_semaphore, #tpu.memory_space<semaphore_mem>>) src(%dma_wait3A_80 : memref<10112x16xf32, #tpu.memory_space<vmem_shared>>) dst(%arg10 : memref<128x16xf32, #tpu.memory_space<vmem>>)
      %add3A_81 = arith.constant 1 : i32
      %add3A_82 = arith.addi %mul3A_51, %add3A_81 : i32
      "tpu.region"() ({
        %run_scoped3A = tpu.sem_alloc : memref<!tpu.dma_semaphore, #tpu.memory_space<semaphore_mem>>
        %dma_start3A_84 = arith.constant 0 : i32
        %dma_start3A_85 = tpu.memref_slice %arg8[%add3A_82, %dma_start3A_84] : memref<80x128xi32, #tpu.memory_space<vmem>> -> memref<1x128xi32, #tpu.memory_space<vmem>>
        %dma_start3A_86 = tpu.memref_squeeze %dma_start3A_85 : memref<1x128xi32, #tpu.memory_space<vmem>> -> memref<128xi32, #tpu.memory_space<vmem>>
        %dma_start3A_87 = arith.constant 0 : i32
        %dma_start3A_88 = arith.constant 0 : i32
        %dma_start3A_89 = tpu.memref_slice %arg6[%dma_start3A_87, %dma_start3A_88] : memref<10112x16xf32, #tpu.memory_space<vmem_shared>> -> memref<10112x16xf32, #tpu.memory_space<vmem_shared>>
        tpu.enqueue_indirect_dma source(%arg10 : memref<128x16xf32, #tpu.memory_space<vmem>>) target(%dma_start3A_89 : memref<10112x16xf32, #tpu.memory_space<vmem_shared>>) offsets(%dma_start3A_86 : memref<128xi32, #tpu.memory_space<vmem>>) semaphore(%run_scoped3A : memref<!tpu.dma_semaphore, #tpu.memory_space<semaphore_mem>>) {add = true}
        %dma_wait3A_90 = arith.constant 0 : i32
        %dma_wait3A_91 = tpu.memref_slice %arg8[%add3A_82, %dma_wait3A_90] : memref<80x128xi32, #tpu.memory_space<vmem>> -> memref<1x128xi32, #tpu.memory_space<vmem>>
        %dma_wait3A_92 = tpu.memref_squeeze %dma_wait3A_91 : memref<1x128xi32, #tpu.memory_space<vmem>> -> memref<128xi32, #tpu.memory_space<vmem>>
        %dma_wait3A_93 = arith.constant 0 : i32
        %dma_wait3A_94 = arith.constant 0 : i32
        %dma_wait3A_95 = tpu.memref_slice %arg6[%dma_wait3A_93, %dma_wait3A_94] : memref<10112x16xf32, #tpu.memory_space<vmem_shared>> -> memref<10112x16xf32, #tpu.memory_space<vmem_shared>>
        tpu.wait_indirect_dma semaphore(%run_scoped3A : memref<!tpu.dma_semaphore, #tpu.memory_space<semaphore_mem>>) src(%arg10 : memref<128x16xf32, #tpu.memory_space<vmem>>) dst(%dma_wait3A_95 : memref<10112x16xf32, #tpu.memory_space<vmem_shared>>)
        tpu.yield
      }) : () -> ()
      %scan3A_83 = arith.constant 0 : i32
      scf.yield %scan3A_83 : i32
    }
    %scan3A_46 = arith.constant 40 : i32
    %barrier3A_47 = arith.constant 0 : index
    tpu.barrier barrier_id(%barrier3A_47)
    "tpu.region"() ({
      %run_scoped3A = tpu.sem_alloc : memref<!tpu.dma_semaphore, #tpu.memory_space<semaphore_mem>>
      %dma_start3A_48 = arith.constant 0 : i32
      %dma_start3A_49 = tpu.memref_slice %arg4[%arg0, %mul3A_0, %dma_start3A_48] : memref<2x10112x16xf32, #tpu.memory_space<hbm>> -> memref<1x632x16xf32, #tpu.memory_space<hbm>>
      %dma_start3A_50 = tpu.memref_squeeze %dma_start3A_49 : memref<1x632x16xf32, #tpu.memory_space<hbm>> -> memref<632x16xf32, #tpu.memory_space<hbm>>
      %dma_start3A_51 = arith.constant 0 : i32
      %dma_start3A_52 = tpu.memref_slice %arg6[%mul3A_0, %dma_start3A_51] : memref<10112x16xf32, #tpu.memory_space<vmem_shared>> -> memref<632x16xf32, #tpu.memory_space<vmem_shared>>
      tpu.enqueue_dma source(%dma_start3A_52 : memref<632x16xf32, #tpu.memory_space<vmem_shared>>) target(%dma_start3A_50 : memref<632x16xf32, #tpu.memory_space<hbm>>) target_semaphore(%run_scoped3A : memref<!tpu.dma_semaphore, #tpu.memory_space<semaphore_mem>>)
      %dma_wait3A_53 = arith.constant 0 : i32
      %dma_wait3A_54 = tpu.memref_slice %arg4[%arg0, %mul3A_0, %dma_wait3A_53] : memref<2x10112x16xf32, #tpu.memory_space<hbm>> -> memref<1x632x16xf32, #tpu.memory_space<hbm>>
      %dma_wait3A_55 = tpu.memref_squeeze %dma_wait3A_54 : memref<1x632x16xf32, #tpu.memory_space<hbm>> -> memref<632x16xf32, #tpu.memory_space<hbm>>
      %dma_wait3A_56 = arith.constant 0 : i32
      %dma_wait3A_57 = tpu.memref_slice %arg6[%mul3A_0, %dma_wait3A_56] : memref<10112x16xf32, #tpu.memory_space<vmem_shared>> -> memref<632x16xf32, #tpu.memory_space<vmem_shared>>
      tpu.wait_dma2 semaphore(%run_scoped3A : memref<!tpu.dma_semaphore, #tpu.memory_space<semaphore_mem>>) src(%dma_wait3A_57 : memref<632x16xf32, #tpu.memory_space<vmem_shared>>) dst(%dma_wait3A_55 : memref<632x16xf32, #tpu.memory_space<hbm>>)
      tpu.yield
    }) : () -> ()
    return
  }
}

#map = affine_map<(d0, d1) -> (0, 0)>
#map1 = affine_map<(d0, d1) -> (0, 0, 0)>
module attributes {stable_mosaic.version = 14 : i64} {
  func.func @hgnn_sc_pass_b(%arg0: i32, %arg1: i32, %arg2: memref<10112x16xf32, #tpu.memory_space<hbm>>, %arg3: memref<2500x2x128xi32, #tpu.memory_space<hbm>>, %arg4: memref<2x10112x16xf32, #tpu.memory_space<hbm>>, %arg5: memref<10112x16xf32, #tpu.memory_space<vmem_shared>>, %arg6: memref<10112x16xf32, #tpu.memory_space<vmem_shared>>, %arg7: memref<80x128xi32, #tpu.memory_space<vmem>>, %arg8: memref<80x128xi32, #tpu.memory_space<vmem>>, %arg9: memref<128x16xf32, #tpu.memory_space<vmem>>, %arg10: memref<128x16xf32, #tpu.memory_space<vmem>>, %arg11: memref<632x16xf32, #tpu.memory_space<vmem>>, %arg12: memref<!tpu.dma_semaphore, #tpu.memory_space<semaphore_mem>>, %arg13: memref<!tpu.dma_semaphore, #tpu.memory_space<semaphore_mem>>, %arg14: memref<!tpu.dma_semaphore, #tpu.memory_space<semaphore_mem>>) attributes {dimension_semantics = [#tpu.dimension_semantics<core_parallel>, #tpu.dimension_semantics<subcore_parallel>], iteration_bounds = array<i64: 2, 16>, scalar_prefetch = 0 : i64, scratch_operands = 10 : i64, tpu.core_type = #tpu.core_type<sc_vector_subcore>, window_params = [{transform_indices = #map}, {transform_indices = #map1}, {transform_indices = #map1}]} {
    %mul3A = arith.constant 632 : i32
    %mul3A_0 = arith.muli %arg1, %mul3A : i32
    %mul3A_1 = arith.constant 16 : i32
    %mul3A_2 = arith.muli %arg0, %mul3A_1 : i32
    %add3A = arith.addi %mul3A_2, %arg1 : i32
    %mul3A_3 = arith.constant 80 : i32
    %mul3A_4 = arith.muli %add3A, %mul3A_3 : i32
    %lt3A = arith.constant 31 : i32
    %lt3A_5 = arith.cmpi slt, %add3A, %lt3A : i32
    %convert_element_type3A = arith.extui %lt3A_5 : i1 to i32
    %cond3A = arith.constant 0 : i32
    %cond3A_6 = arith.cmpi ne, %convert_element_type3A, %cond3A : i32
    scf.if %cond3A_6 {
      %dma_start3A_48 = arith.constant 1 : i32
      %dma_start3A_49 = arith.constant 0 : i32
      %dma_start3A_50 = tpu.memref_slice %arg3[%mul3A_4, %dma_start3A_48, %dma_start3A_49] : memref<2500x2x128xi32, #tpu.memory_space<hbm>> -> memref<80x1x128xi32, #tpu.memory_space<hbm>>
      %dma_start3A_51 = tpu.memref_squeeze %dma_start3A_50 : memref<80x1x128xi32, #tpu.memory_space<hbm>> -> memref<80x128xi32, #tpu.memory_space<hbm>>
      %dma_start3A_52 = arith.constant 0 : i32
      %dma_start3A_53 = tpu.memref_slice %arg3[%mul3A_4, %dma_start3A_48, %dma_start3A_52] : memref<2500x2x128xi32, #tpu.memory_space<hbm>> -> memref<80x1x128xi32, #tpu.memory_space<hbm>>
      %dma_start3A_54 = tpu.memref_squeeze %dma_start3A_53 : memref<80x1x128xi32, #tpu.memory_space<hbm>> -> memref<80x128xi32, #tpu.memory_space<hbm>>
      tpu.enqueue_dma source(%dma_start3A_54 : memref<80x128xi32, #tpu.memory_space<hbm>>) target(%arg7 : memref<80x128xi32, #tpu.memory_space<vmem>>) target_semaphore(%arg12 : memref<!tpu.dma_semaphore, #tpu.memory_space<semaphore_mem>>)
      %dma_start3A_55 = arith.constant 0 : i32
      %dma_start3A_56 = arith.constant 0 : i32
      %dma_start3A_57 = tpu.memref_slice %arg3[%mul3A_4, %dma_start3A_55, %dma_start3A_56] : memref<2500x2x128xi32, #tpu.memory_space<hbm>> -> memref<80x1x128xi32, #tpu.memory_space<hbm>>
      %dma_start3A_58 = tpu.memref_squeeze %dma_start3A_57 : memref<80x1x128xi32, #tpu.memory_space<hbm>> -> memref<80x128xi32, #tpu.memory_space<hbm>>
      %dma_start3A_59 = arith.constant 0 : i32
      %dma_start3A_60 = tpu.memref_slice %arg3[%mul3A_4, %dma_start3A_55, %dma_start3A_59] : memref<2500x2x128xi32, #tpu.memory_space<hbm>> -> memref<80x1x128xi32, #tpu.memory_space<hbm>>
      %dma_start3A_61 = tpu.memref_squeeze %dma_start3A_60 : memref<80x1x128xi32, #tpu.memory_space<hbm>> -> memref<80x128xi32, #tpu.memory_space<hbm>>
      tpu.enqueue_dma source(%dma_start3A_61 : memref<80x128xi32, #tpu.memory_space<hbm>>) target(%arg8 : memref<80x128xi32, #tpu.memory_space<vmem>>) target_semaphore(%arg13 : memref<!tpu.dma_semaphore, #tpu.memory_space<semaphore_mem>>)
    } else {
    }
    %eq3A = arith.constant 31 : i32
    %eq3A_7 = arith.cmpi eq, %add3A, %eq3A : i32
    %convert_element_type3A_8 = arith.extui %eq3A_7 : i1 to i32
    %cond3A_9 = arith.constant 0 : i32
    %cond3A_10 = arith.cmpi ne, %convert_element_type3A_8, %cond3A_9 : i32
    scf.if %cond3A_10 {
      %dma_start3A_48 = arith.constant 1 : i32
      %dma_start3A_49 = arith.constant 0 : i32
      %dma_start3A_50 = arith.constant 0 : i32
      %dma_start3A_51 = tpu.memref_slice %arg7[%dma_start3A_49, %dma_start3A_50] : memref<80x128xi32, #tpu.memory_space<vmem>> -> memref<20x128xi32, #tpu.memory_space<vmem>>
      %dma_start3A_52 = arith.constant 2480 : i32
      %dma_start3A_53 = arith.constant 0 : i32
      %dma_start3A_54 = tpu.memref_slice %arg3[%dma_start3A_52, %dma_start3A_48, %dma_start3A_53] : memref<2500x2x128xi32, #tpu.memory_space<hbm>> -> memref<20x1x128xi32, #tpu.memory_space<hbm>>
      %dma_start3A_55 = tpu.memref_squeeze %dma_start3A_54 : memref<20x1x128xi32, #tpu.memory_space<hbm>> -> memref<20x128xi32, #tpu.memory_space<hbm>>
      %dma_start3A_56 = arith.constant 0 : i32
      %dma_start3A_57 = arith.constant 0 : i32
      %dma_start3A_58 = tpu.memref_slice %arg7[%dma_start3A_56, %dma_start3A_57] : memref<80x128xi32, #tpu.memory_space<vmem>> -> memref<20x128xi32, #tpu.memory_space<vmem>>
      %dma_start3A_59 = arith.constant 2480 : i32
      %dma_start3A_60 = arith.constant 0 : i32
      %dma_start3A_61 = tpu.memref_slice %arg3[%dma_start3A_59, %dma_start3A_48, %dma_start3A_60] : memref<2500x2x128xi32, #tpu.memory_space<hbm>> -> memref<20x1x128xi32, #tpu.memory_space<hbm>>
      %dma_start3A_62 = tpu.memref_squeeze %dma_start3A_61 : memref<20x1x128xi32, #tpu.memory_space<hbm>> -> memref<20x128xi32, #tpu.memory_space<hbm>>
      tpu.enqueue_dma source(%dma_start3A_62 : memref<20x128xi32, #tpu.memory_space<hbm>>) target(%dma_start3A_58 : memref<20x128xi32, #tpu.memory_space<vmem>>) target_semaphore(%arg12 : memref<!tpu.dma_semaphore, #tpu.memory_space<semaphore_mem>>)
      %dma_start3A_63 = arith.constant 0 : i32
      %dma_start3A_64 = arith.constant 0 : i32
      %dma_start3A_65 = arith.constant 0 : i32
      %dma_start3A_66 = tpu.memref_slice %arg8[%dma_start3A_64, %dma_start3A_65] : memref<80x128xi32, #tpu.memory_space<vmem>> -> memref<20x128xi32, #tpu.memory_space<vmem>>
      %dma_start3A_67 = arith.constant 2480 : i32
      %dma_start3A_68 = arith.constant 0 : i32
      %dma_start3A_69 = tpu.memref_slice %arg3[%dma_start3A_67, %dma_start3A_63, %dma_start3A_68] : memref<2500x2x128xi32, #tpu.memory_space<hbm>> -> memref<20x1x128xi32, #tpu.memory_space<hbm>>
      %dma_start3A_70 = tpu.memref_squeeze %dma_start3A_69 : memref<20x1x128xi32, #tpu.memory_space<hbm>> -> memref<20x128xi32, #tpu.memory_space<hbm>>
      %dma_start3A_71 = arith.constant 0 : i32
      %dma_start3A_72 = arith.constant 0 : i32
      %dma_start3A_73 = tpu.memref_slice %arg8[%dma_start3A_71, %dma_start3A_72] : memref<80x128xi32, #tpu.memory_space<vmem>> -> memref<20x128xi32, #tpu.memory_space<vmem>>
      %dma_start3A_74 = arith.constant 2480 : i32
      %dma_start3A_75 = arith.constant 0 : i32
      %dma_start3A_76 = tpu.memref_slice %arg3[%dma_start3A_74, %dma_start3A_63, %dma_start3A_75] : memref<2500x2x128xi32, #tpu.memory_space<hbm>> -> memref<20x1x128xi32, #tpu.memory_space<hbm>>
      %dma_start3A_77 = tpu.memref_squeeze %dma_start3A_76 : memref<20x1x128xi32, #tpu.memory_space<hbm>> -> memref<20x128xi32, #tpu.memory_space<hbm>>
      tpu.enqueue_dma source(%dma_start3A_77 : memref<20x128xi32, #tpu.memory_space<hbm>>) target(%dma_start3A_73 : memref<20x128xi32, #tpu.memory_space<vmem>>) target_semaphore(%arg13 : memref<!tpu.dma_semaphore, #tpu.memory_space<semaphore_mem>>)
      %iota3A = tpu.iota {dimensions = array<i32: 0>} : vector<16xi32>
      %scan3A_78 = arith.constant 0 : i32
      %scan3A_79 = arith.constant 20 : i32
      %scan3A_80 = arith.constant 60 : i32
      %scan3A_81 = arith.addi %scan3A_79, %scan3A_80 : i32
      %scan3A_82 = arith.constant 1 : i32
      %scan3A_83 = scf.for %scan3A_85 = %scan3A_79 to %scan3A_81 step %scan3A_82 iter_args(%scan3A_86 = %scan3A_78) -> (i32)  : i32 {
        %mul3A_87 = arith.constant 128 : i32
        %mul3A_88 = arith.muli %scan3A_85, %mul3A_87 : i32
        %add3A_89 = arith.constant 0 : i32
        %add3A_90 = arith.addi %mul3A_88, %add3A_89 : i32
        %add3A_91 = vector.broadcast %add3A_90 : i32 to vector<16xi32>
        %add3A_92 = arith.addi %add3A_91, %iota3A : vector<16xi32>
        %jit3A = arith.constant 112 : i32
        %eq3A_93 = arith.constant 0 : i32
        %eq3A_94 = arith.cmpi eq, %jit3A, %eq3A_93 : i32
        %jit3A_95 = arith.constant 1 : i32
        %select_n3A = arith.select %eq3A_94, %jit3A_95, %jit3A : i32
        %rem3A = vector.broadcast %select_n3A : i32 to vector<16xi32>
        %rem3A_96 = arith.remsi %add3A_92, %rem3A : vector<16xi32>
        %ne3A = arith.constant 0 : i32
        %ne3A_97 = vector.broadcast %ne3A : i32 to vector<16xi32>
        %ne3A_98 = arith.cmpi ne, %rem3A_96, %ne3A_97 : vector<16xi32>
        %lt3A_99 = arith.constant 0 : i32
        %lt3A_100 = vector.broadcast %lt3A_99 : i32 to vector<16xi32>
        %lt3A_101 = arith.cmpi slt, %rem3A_96, %lt3A_100 : vector<16xi32>
        %lt3A_102 = arith.constant 0 : i32
        %lt3A_103 = arith.cmpi slt, %select_n3A, %lt3A_102 : i32
        %ne3A_104 = vector.broadcast %lt3A_103 : i1 to vector<16xi1>
        %ne3A_105 = vector.broadcast %ne3A_104 : vector<16xi1> to vector<16xi1>
        %ne3A_106 = arith.xori %lt3A_101, %ne3A_105 : vector<16xi1>
        %and3A = arith.andi %ne3A_106, %ne3A_98 : vector<16xi1>
        %add3A_107 = vector.broadcast %select_n3A : i32 to vector<16xi32>
        %add3A_108 = arith.addi %rem3A_96, %add3A_107 : vector<16xi32>
        %select_n3A_109 = arith.select %and3A, %add3A_108, %rem3A_96 : vector<16xi1>, vector<16xi32>
        %add3A_110 = arith.constant 10000 : i32
        %add3A_111 = vector.broadcast %add3A_110 : i32 to vector<16xi32>
        %add3A_112 = arith.addi %add3A_111, %select_n3A_109 : vector<16xi32>
        %swap3A = arith.index_cast %scan3A_85 : i32 to index
        %swap3A_113 = arith.constant 0 : index
        %swap3A_114 = tpu.vector_load %arg7[%swap3A, %swap3A_113] {strides = array<i32>} : memref<80x128xi32, #tpu.memory_space<vmem>>, vector<1x16xi32>,
        %swap3A_115 = vector.shape_cast %swap3A_114 : vector<1x16xi32> to vector<16xi32>
        %swap3A_116 = vector.shape_cast %add3A_112 : vector<16xi32> to vector<1x16xi32>
        tpu.vector_store %arg7[%swap3A, %swap3A_113], %swap3A_116 {strides = array<i32>} : memref<80x128xi32, #tpu.memory_space<vmem>>, vector<1x16xi32>,
        %swap3A_117 = arith.index_cast %scan3A_85 : i32 to index
        %swap3A_118 = arith.constant 0 : index
        %swap3A_119 = tpu.vector_load %arg8[%swap3A_117, %swap3A_118] {strides = array<i32>} : memref<80x128xi32, #tpu.memory_space<vmem>>, vector<1x16xi32>,
        %swap3A_120 = vector.shape_cast %swap3A_119 : vector<1x16xi32> to vector<16xi32>
        %swap3A_121 = vector.shape_cast %add3A_112 : vector<16xi32> to vector<1x16xi32>
        tpu.vector_store %arg8[%swap3A_117, %swap3A_118], %swap3A_121 {strides = array<i32>} : memref<80x128xi32, #tpu.memory_space<vmem>>, vector<1x16xi32>,
        %mul3A_122 = arith.constant 128 : i32
        %mul3A_123 = arith.muli %scan3A_85, %mul3A_122 : i32
        %add3A_124 = arith.constant 16 : i32
        %add3A_125 = arith.addi %mul3A_123, %add3A_124 : i32
        %add3A_126 = vector.broadcast %add3A_125 : i32 to vector<16xi32>
        %add3A_127 = arith.addi %add3A_126, %iota3A : vector<16xi32>
        %jit3A_128 = arith.constant 112 : i32
        %eq3A_129 = arith.constant 0 : i32
        %eq3A_130 = arith.cmpi eq, %jit3A_128, %eq3A_129 : i32
        %jit3A_131 = arith.constant 1 : i32
        %select_n3A_132 = arith.select %eq3A_130, %jit3A_131, %jit3A_128 : i32
        %rem3A_133 = vector.broadcast %select_n3A_132 : i32 to vector<16xi32>
        %rem3A_134 = arith.remsi %add3A_127, %rem3A_133 : vector<16xi32>
        %ne3A_135 = arith.constant 0 : i32
        %ne3A_136 = vector.broadcast %ne3A_135 : i32 to vector<16xi32>
        %ne3A_137 = arith.cmpi ne, %rem3A_134, %ne3A_136 : vector<16xi32>
        %lt3A_138 = arith.constant 0 : i32
        %lt3A_139 = vector.broadcast %lt3A_138 : i32 to vector<16xi32>
        %lt3A_140 = arith.cmpi slt, %rem3A_134, %lt3A_139 : vector<16xi32>
        %lt3A_141 = arith.constant 0 : i32
        %lt3A_142 = arith.cmpi slt, %select_n3A_132, %lt3A_141 : i32
        %ne3A_143 = vector.broadcast %lt3A_142 : i1 to vector<16xi1>
        %ne3A_144 = vector.broadcast %ne3A_143 : vector<16xi1> to vector<16xi1>
        %ne3A_145 = arith.xori %lt3A_140, %ne3A_144 : vector<16xi1>
        %and3A_146 = arith.andi %ne3A_145, %ne3A_137 : vector<16xi1>
        %add3A_147 = vector.broadcast %select_n3A_132 : i32 to vector<16xi32>
        %add3A_148 = arith.addi %rem3A_134, %add3A_147 : vector<16xi32>
        %select_n3A_149 = arith.select %and3A_146, %add3A_148, %rem3A_134 : vector<16xi1>, vector<16xi32>
        %add3A_150 = arith.constant 10000 : i32
        %add3A_151 = vector.broadcast %add3A_150 : i32 to vector<16xi32>
        %add3A_152 = arith.addi %add3A_151, %select_n3A_149 : vector<16xi32>
        %swap3A_153 = arith.index_cast %scan3A_85 : i32 to index
        %swap3A_154 = arith.constant 16 : index
        %swap3A_155 = tpu.vector_load %arg7[%swap3A_153, %swap3A_154] {strides = array<i32>} : memref<80x128xi32, #tpu.memory_space<vmem>>, vector<1x16xi32>,
        %swap3A_156 = vector.shape_cast %swap3A_155 : vector<1x16xi32> to vector<16xi32>
        %swap3A_157 = vector.shape_cast %add3A_152 : vector<16xi32> to vector<1x16xi32>
        tpu.vector_store %arg7[%swap3A_153, %swap3A_154], %swap3A_157 {strides = array<i32>} : memref<80x128xi32, #tpu.memory_space<vmem>>, vector<1x16xi32>,
        %swap3A_158 = arith.index_cast %scan3A_85 : i32 to index
        %swap3A_159 = arith.constant 16 : index
        %swap3A_160 = tpu.vector_load %arg8[%swap3A_158, %swap3A_159] {strides = array<i32>} : memref<80x128xi32, #tpu.memory_space<vmem>>, vector<1x16xi32>,
        %swap3A_161 = vector.shape_cast %swap3A_160 : vector<1x16xi32> to vector<16xi32>
        %swap3A_162 = vector.shape_cast %add3A_152 : vector<16xi32> to vector<1x16xi32>
        tpu.vector_store %arg8[%swap3A_158, %swap3A_159], %swap3A_162 {strides = array<i32>} : memref<80x128xi32, #tpu.memory_space<vmem>>, vector<1x16xi32>,
        %mul3A_163 = arith.constant 128 : i32
        %mul3A_164 = arith.muli %scan3A_85, %mul3A_163 : i32
        %add3A_165 = arith.constant 32 : i32
        %add3A_166 = arith.addi %mul3A_164, %add3A_165 : i32
        %add3A_167 = vector.broadcast %add3A_166 : i32 to vector<16xi32>
        %add3A_168 = arith.addi %add3A_167, %iota3A : vector<16xi32>
        %jit3A_169 = arith.constant 112 : i32
        %eq3A_170 = arith.constant 0 : i32
        %eq3A_171 = arith.cmpi eq, %jit3A_169, %eq3A_170 : i32
        %jit3A_172 = arith.constant 1 : i32
        %select_n3A_173 = arith.select %eq3A_171, %jit3A_172, %jit3A_169 : i32
        %rem3A_174 = vector.broadcast %select_n3A_173 : i32 to vector<16xi32>
        %rem3A_175 = arith.remsi %add3A_168, %rem3A_174 : vector<16xi32>
        %ne3A_176 = arith.constant 0 : i32
        %ne3A_177 = vector.broadcast %ne3A_176 : i32 to vector<16xi32>
        %ne3A_178 = arith.cmpi ne, %rem3A_175, %ne3A_177 : vector<16xi32>
        %lt3A_179 = arith.constant 0 : i32
        %lt3A_180 = vector.broadcast %lt3A_179 : i32 to vector<16xi32>
        %lt3A_181 = arith.cmpi slt, %rem3A_175, %lt3A_180 : vector<16xi32>
        %lt3A_182 = arith.constant 0 : i32
        %lt3A_183 = arith.cmpi slt, %select_n3A_173, %lt3A_182 : i32
        %ne3A_184 = vector.broadcast %lt3A_183 : i1 to vector<16xi1>
        %ne3A_185 = vector.broadcast %ne3A_184 : vector<16xi1> to vector<16xi1>
        %ne3A_186 = arith.xori %lt3A_181, %ne3A_185 : vector<16xi1>
        %and3A_187 = arith.andi %ne3A_186, %ne3A_178 : vector<16xi1>
        %add3A_188 = vector.broadcast %select_n3A_173 : i32 to vector<16xi32>
        %add3A_189 = arith.addi %rem3A_175, %add3A_188 : vector<16xi32>
        %select_n3A_190 = arith.select %and3A_187, %add3A_189, %rem3A_175 : vector<16xi1>, vector<16xi32>
        %add3A_191 = arith.constant 10000 : i32
        %add3A_192 = vector.broadcast %add3A_191 : i32 to vector<16xi32>
        %add3A_193 = arith.addi %add3A_192, %select_n3A_190 : vector<16xi32>
        %swap3A_194 = arith.index_cast %scan3A_85 : i32 to index
        %swap3A_195 = arith.constant 32 : index
        %swap3A_196 = tpu.vector_load %arg7[%swap3A_194, %swap3A_195] {strides = array<i32>} : memref<80x128xi32, #tpu.memory_space<vmem>>, vector<1x16xi32>,
        %swap3A_197 = vector.shape_cast %swap3A_196 : vector<1x16xi32> to vector<16xi32>
        %swap3A_198 = vector.shape_cast %add3A_193 : vector<16xi32> to vector<1x16xi32>
        tpu.vector_store %arg7[%swap3A_194, %swap3A_195], %swap3A_198 {strides = array<i32>} : memref<80x128xi32, #tpu.memory_space<vmem>>, vector<1x16xi32>,
        %swap3A_199 = arith.index_cast %scan3A_85 : i32 to index
        %swap3A_200 = arith.constant 32 : index
        %swap3A_201 = tpu.vector_load %arg8[%swap3A_199, %swap3A_200] {strides = array<i32>} : memref<80x128xi32, #tpu.memory_space<vmem>>, vector<1x16xi32>,
        %swap3A_202 = vector.shape_cast %swap3A_201 : vector<1x16xi32> to vector<16xi32>
        %swap3A_203 = vector.shape_cast %add3A_193 : vector<16xi32> to vector<1x16xi32>
        tpu.vector_store %arg8[%swap3A_199, %swap3A_200], %swap3A_203 {strides = array<i32>} : memref<80x128xi32, #tpu.memory_space<vmem>>, vector<1x16xi32>,
        %mul3A_204 = arith.constant 128 : i32
        %mul3A_205 = arith.muli %scan3A_85, %mul3A_204 : i32
        %add3A_206 = arith.constant 48 : i32
        %add3A_207 = arith.addi %mul3A_205, %add3A_206 : i32
        %add3A_208 = vector.broadcast %add3A_207 : i32 to vector<16xi32>
        %add3A_209 = arith.addi %add3A_208, %iota3A : vector<16xi32>
        %jit3A_210 = arith.constant 112 : i32
        %eq3A_211 = arith.constant 0 : i32
        %eq3A_212 = arith.cmpi eq, %jit3A_210, %eq3A_211 : i32
        %jit3A_213 = arith.constant 1 : i32
        %select_n3A_214 = arith.select %eq3A_212, %jit3A_213, %jit3A_210 : i32
        %rem3A_215 = vector.broadcast %select_n3A_214 : i32 to vector<16xi32>
        %rem3A_216 = arith.remsi %add3A_209, %rem3A_215 : vector<16xi32>
        %ne3A_217 = arith.constant 0 : i32
        %ne3A_218 = vector.broadcast %ne3A_217 : i32 to vector<16xi32>
        %ne3A_219 = arith.cmpi ne, %rem3A_216, %ne3A_218 : vector<16xi32>
        %lt3A_220 = arith.constant 0 : i32
        %lt3A_221 = vector.broadcast %lt3A_220 : i32 to vector<16xi32>
        %lt3A_222 = arith.cmpi slt, %rem3A_216, %lt3A_221 : vector<16xi32>
        %lt3A_223 = arith.constant 0 : i32
        %lt3A_224 = arith.cmpi slt, %select_n3A_214, %lt3A_223 : i32
        %ne3A_225 = vector.broadcast %lt3A_224 : i1 to vector<16xi1>
        %ne3A_226 = vector.broadcast %ne3A_225 : vector<16xi1> to vector<16xi1>
        %ne3A_227 = arith.xori %lt3A_222, %ne3A_226 : vector<16xi1>
        %and3A_228 = arith.andi %ne3A_227, %ne3A_219 : vector<16xi1>
        %add3A_229 = vector.broadcast %select_n3A_214 : i32 to vector<16xi32>
        %add3A_230 = arith.addi %rem3A_216, %add3A_229 : vector<16xi32>
        %select_n3A_231 = arith.select %and3A_228, %add3A_230, %rem3A_216 : vector<16xi1>, vector<16xi32>
        %add3A_232 = arith.constant 10000 : i32
        %add3A_233 = vector.broadcast %add3A_232 : i32 to vector<16xi32>
        %add3A_234 = arith.addi %add3A_233, %select_n3A_231 : vector<16xi32>
        %swap3A_235 = arith.index_cast %scan3A_85 : i32 to index
        %swap3A_236 = arith.constant 48 : index
        %swap3A_237 = tpu.vector_load %arg7[%swap3A_235, %swap3A_236] {strides = array<i32>} : memref<80x128xi32, #tpu.memory_space<vmem>>, vector<1x16xi32>,
        %swap3A_238 = vector.shape_cast %swap3A_237 : vector<1x16xi32> to vector<16xi32>
        %swap3A_239 = vector.shape_cast %add3A_234 : vector<16xi32> to vector<1x16xi32>
        tpu.vector_store %arg7[%swap3A_235, %swap3A_236], %swap3A_239 {strides = array<i32>} : memref<80x128xi32, #tpu.memory_space<vmem>>, vector<1x16xi32>,
        %swap3A_240 = arith.index_cast %scan3A_85 : i32 to index
        %swap3A_241 = arith.constant 48 : index
        %swap3A_242 = tpu.vector_load %arg8[%swap3A_240, %swap3A_241] {strides = array<i32>} : memref<80x128xi32, #tpu.memory_space<vmem>>, vector<1x16xi32>,
        %swap3A_243 = vector.shape_cast %swap3A_242 : vector<1x16xi32> to vector<16xi32>
        %swap3A_244 = vector.shape_cast %add3A_234 : vector<16xi32> to vector<1x16xi32>
        tpu.vector_store %arg8[%swap3A_240, %swap3A_241], %swap3A_244 {strides = array<i32>} : memref<80x128xi32, #tpu.memory_space<vmem>>, vector<1x16xi32>,
        %mul3A_245 = arith.constant 128 : i32
        %mul3A_246 = arith.muli %scan3A_85, %mul3A_245 : i32
        %add3A_247 = arith.constant 64 : i32
        %add3A_248 = arith.addi %mul3A_246, %add3A_247 : i32
        %add3A_249 = vector.broadcast %add3A_248 : i32 to vector<16xi32>
        %add3A_250 = arith.addi %add3A_249, %iota3A : vector<16xi32>
        %jit3A_251 = arith.constant 112 : i32
        %eq3A_252 = arith.constant 0 : i32
        %eq3A_253 = arith.cmpi eq, %jit3A_251, %eq3A_252 : i32
        %jit3A_254 = arith.constant 1 : i32
        %select_n3A_255 = arith.select %eq3A_253, %jit3A_254, %jit3A_251 : i32
        %rem3A_256 = vector.broadcast %select_n3A_255 : i32 to vector<16xi32>
        %rem3A_257 = arith.remsi %add3A_250, %rem3A_256 : vector<16xi32>
        %ne3A_258 = arith.constant 0 : i32
        %ne3A_259 = vector.broadcast %ne3A_258 : i32 to vector<16xi32>
        %ne3A_260 = arith.cmpi ne, %rem3A_257, %ne3A_259 : vector<16xi32>
        %lt3A_261 = arith.constant 0 : i32
        %lt3A_262 = vector.broadcast %lt3A_261 : i32 to vector<16xi32>
        %lt3A_263 = arith.cmpi slt, %rem3A_257, %lt3A_262 : vector<16xi32>
        %lt3A_264 = arith.constant 0 : i32
        %lt3A_265 = arith.cmpi slt, %select_n3A_255, %lt3A_264 : i32
        %ne3A_266 = vector.broadcast %lt3A_265 : i1 to vector<16xi1>
        %ne3A_267 = vector.broadcast %ne3A_266 : vector<16xi1> to vector<16xi1>
        %ne3A_268 = arith.xori %lt3A_263, %ne3A_267 : vector<16xi1>
        %and3A_269 = arith.andi %ne3A_268, %ne3A_260 : vector<16xi1>
        %add3A_270 = vector.broadcast %select_n3A_255 : i32 to vector<16xi32>
        %add3A_271 = arith.addi %rem3A_257, %add3A_270 : vector<16xi32>
        %select_n3A_272 = arith.select %and3A_269, %add3A_271, %rem3A_257 : vector<16xi1>, vector<16xi32>
        %add3A_273 = arith.constant 10000 : i32
        %add3A_274 = vector.broadcast %add3A_273 : i32 to vector<16xi32>
        %add3A_275 = arith.addi %add3A_274, %select_n3A_272 : vector<16xi32>
        %swap3A_276 = arith.index_cast %scan3A_85 : i32 to index
        %swap3A_277 = arith.constant 64 : index
        %swap3A_278 = tpu.vector_load %arg7[%swap3A_276, %swap3A_277] {strides = array<i32>} : memref<80x128xi32, #tpu.memory_space<vmem>>, vector<1x16xi32>,
        %swap3A_279 = vector.shape_cast %swap3A_278 : vector<1x16xi32> to vector<16xi32>
        %swap3A_280 = vector.shape_cast %add3A_275 : vector<16xi32> to vector<1x16xi32>
        tpu.vector_store %arg7[%swap3A_276, %swap3A_277], %swap3A_280 {strides = array<i32>} : memref<80x128xi32, #tpu.memory_space<vmem>>, vector<1x16xi32>,
        %swap3A_281 = arith.index_cast %scan3A_85 : i32 to index
        %swap3A_282 = arith.constant 64 : index
        %swap3A_283 = tpu.vector_load %arg8[%swap3A_281, %swap3A_282] {strides = array<i32>} : memref<80x128xi32, #tpu.memory_space<vmem>>, vector<1x16xi32>,
        %swap3A_284 = vector.shape_cast %swap3A_283 : vector<1x16xi32> to vector<16xi32>
        %swap3A_285 = vector.shape_cast %add3A_275 : vector<16xi32> to vector<1x16xi32>
        tpu.vector_store %arg8[%swap3A_281, %swap3A_282], %swap3A_285 {strides = array<i32>} : memref<80x128xi32, #tpu.memory_space<vmem>>, vector<1x16xi32>,
        %mul3A_286 = arith.constant 128 : i32
        %mul3A_287 = arith.muli %scan3A_85, %mul3A_286 : i32
        %add3A_288 = arith.constant 80 : i32
        %add3A_289 = arith.addi %mul3A_287, %add3A_288 : i32
        %add3A_290 = vector.broadcast %add3A_289 : i32 to vector<16xi32>
        %add3A_291 = arith.addi %add3A_290, %iota3A : vector<16xi32>
        %jit3A_292 = arith.constant 112 : i32
        %eq3A_293 = arith.constant 0 : i32
        %eq3A_294 = arith.cmpi eq, %jit3A_292, %eq3A_293 : i32
        %jit3A_295 = arith.constant 1 : i32
        %select_n3A_296 = arith.select %eq3A_294, %jit3A_295, %jit3A_292 : i32
        %rem3A_297 = vector.broadcast %select_n3A_296 : i32 to vector<16xi32>
        %rem3A_298 = arith.remsi %add3A_291, %rem3A_297 : vector<16xi32>
        %ne3A_299 = arith.constant 0 : i32
        %ne3A_300 = vector.broadcast %ne3A_299 : i32 to vector<16xi32>
        %ne3A_301 = arith.cmpi ne, %rem3A_298, %ne3A_300 : vector<16xi32>
        %lt3A_302 = arith.constant 0 : i32
        %lt3A_303 = vector.broadcast %lt3A_302 : i32 to vector<16xi32>
        %lt3A_304 = arith.cmpi slt, %rem3A_298, %lt3A_303 : vector<16xi32>
        %lt3A_305 = arith.constant 0 : i32
        %lt3A_306 = arith.cmpi slt, %select_n3A_296, %lt3A_305 : i32
        %ne3A_307 = vector.broadcast %lt3A_306 : i1 to vector<16xi1>
        %ne3A_308 = vector.broadcast %ne3A_307 : vector<16xi1> to vector<16xi1>
        %ne3A_309 = arith.xori %lt3A_304, %ne3A_308 : vector<16xi1>
        %and3A_310 = arith.andi %ne3A_309, %ne3A_301 : vector<16xi1>
        %add3A_311 = vector.broadcast %select_n3A_296 : i32 to vector<16xi32>
        %add3A_312 = arith.addi %rem3A_298, %add3A_311 : vector<16xi32>
        %select_n3A_313 = arith.select %and3A_310, %add3A_312, %rem3A_298 : vector<16xi1>, vector<16xi32>
        %add3A_314 = arith.constant 10000 : i32
        %add3A_315 = vector.broadcast %add3A_314 : i32 to vector<16xi32>
        %add3A_316 = arith.addi %add3A_315, %select_n3A_313 : vector<16xi32>
        %swap3A_317 = arith.index_cast %scan3A_85 : i32 to index
        %swap3A_318 = arith.constant 80 : index
        %swap3A_319 = tpu.vector_load %arg7[%swap3A_317, %swap3A_318] {strides = array<i32>} : memref<80x128xi32, #tpu.memory_space<vmem>>, vector<1x16xi32>,
        %swap3A_320 = vector.shape_cast %swap3A_319 : vector<1x16xi32> to vector<16xi32>
        %swap3A_321 = vector.shape_cast %add3A_316 : vector<16xi32> to vector<1x16xi32>
        tpu.vector_store %arg7[%swap3A_317, %swap3A_318], %swap3A_321 {strides = array<i32>} : memref<80x128xi32, #tpu.memory_space<vmem>>, vector<1x16xi32>,
        %swap3A_322 = arith.index_cast %scan3A_85 : i32 to index
        %swap3A_323 = arith.constant 80 : index
        %swap3A_324 = tpu.vector_load %arg8[%swap3A_322, %swap3A_323] {strides = array<i32>} : memref<80x128xi32, #tpu.memory_space<vmem>>, vector<1x16xi32>,
        %swap3A_325 = vector.shape_cast %swap3A_324 : vector<1x16xi32> to vector<16xi32>
        %swap3A_326 = vector.shape_cast %add3A_316 : vector<16xi32> to vector<1x16xi32>
        tpu.vector_store %arg8[%swap3A_322, %swap3A_323], %swap3A_326 {strides = array<i32>} : memref<80x128xi32, #tpu.memory_space<vmem>>, vector<1x16xi32>,
        %mul3A_327 = arith.constant 128 : i32
        %mul3A_328 = arith.muli %scan3A_85, %mul3A_327 : i32
        %add3A_329 = arith.constant 96 : i32
        %add3A_330 = arith.addi %mul3A_328, %add3A_329 : i32
        %add3A_331 = vector.broadcast %add3A_330 : i32 to vector<16xi32>
        %add3A_332 = arith.addi %add3A_331, %iota3A : vector<16xi32>
        %jit3A_333 = arith.constant 112 : i32
        %eq3A_334 = arith.constant 0 : i32
        %eq3A_335 = arith.cmpi eq, %jit3A_333, %eq3A_334 : i32
        %jit3A_336 = arith.constant 1 : i32
        %select_n3A_337 = arith.select %eq3A_335, %jit3A_336, %jit3A_333 : i32
        %rem3A_338 = vector.broadcast %select_n3A_337 : i32 to vector<16xi32>
        %rem3A_339 = arith.remsi %add3A_332, %rem3A_338 : vector<16xi32>
        %ne3A_340 = arith.constant 0 : i32
        %ne3A_341 = vector.broadcast %ne3A_340 : i32 to vector<16xi32>
        %ne3A_342 = arith.cmpi ne, %rem3A_339, %ne3A_341 : vector<16xi32>
        %lt3A_343 = arith.constant 0 : i32
        %lt3A_344 = vector.broadcast %lt3A_343 : i32 to vector<16xi32>
        %lt3A_345 = arith.cmpi slt, %rem3A_339, %lt3A_344 : vector<16xi32>
        %lt3A_346 = arith.constant 0 : i32
        %lt3A_347 = arith.cmpi slt, %select_n3A_337, %lt3A_346 : i32
        %ne3A_348 = vector.broadcast %lt3A_347 : i1 to vector<16xi1>
        %ne3A_349 = vector.broadcast %ne3A_348 : vector<16xi1> to vector<16xi1>
        %ne3A_350 = arith.xori %lt3A_345, %ne3A_349 : vector<16xi1>
        %and3A_351 = arith.andi %ne3A_350, %ne3A_342 : vector<16xi1>
        %add3A_352 = vector.broadcast %select_n3A_337 : i32 to vector<16xi32>
        %add3A_353 = arith.addi %rem3A_339, %add3A_352 : vector<16xi32>
        %select_n3A_354 = arith.select %and3A_351, %add3A_353, %rem3A_339 : vector<16xi1>, vector<16xi32>
        %add3A_355 = arith.constant 10000 : i32
        %add3A_356 = vector.broadcast %add3A_355 : i32 to vector<16xi32>
        %add3A_357 = arith.addi %add3A_356, %select_n3A_354 : vector<16xi32>
        %swap3A_358 = arith.index_cast %scan3A_85 : i32 to index
        %swap3A_359 = arith.constant 96 : index
        %swap3A_360 = tpu.vector_load %arg7[%swap3A_358, %swap3A_359] {strides = array<i32>} : memref<80x128xi32, #tpu.memory_space<vmem>>, vector<1x16xi32>,
        %swap3A_361 = vector.shape_cast %swap3A_360 : vector<1x16xi32> to vector<16xi32>
        %swap3A_362 = vector.shape_cast %add3A_357 : vector<16xi32> to vector<1x16xi32>
        tpu.vector_store %arg7[%swap3A_358, %swap3A_359], %swap3A_362 {strides = array<i32>} : memref<80x128xi32, #tpu.memory_space<vmem>>, vector<1x16xi32>,
        %swap3A_363 = arith.index_cast %scan3A_85 : i32 to index
        %swap3A_364 = arith.constant 96 : index
        %swap3A_365 = tpu.vector_load %arg8[%swap3A_363, %swap3A_364] {strides = array<i32>} : memref<80x128xi32, #tpu.memory_space<vmem>>, vector<1x16xi32>,
        %swap3A_366 = vector.shape_cast %swap3A_365 : vector<1x16xi32> to vector<16xi32>
        %swap3A_367 = vector.shape_cast %add3A_357 : vector<16xi32> to vector<1x16xi32>
        tpu.vector_store %arg8[%swap3A_363, %swap3A_364], %swap3A_367 {strides = array<i32>} : memref<80x128xi32, #tpu.memory_space<vmem>>, vector<1x16xi32>,
        %mul3A_368 = arith.constant 128 : i32
        %mul3A_369 = arith.muli %scan3A_85, %mul3A_368 : i32
        %add3A_370 = arith.constant 112 : i32
        %add3A_371 = arith.addi %mul3A_369, %add3A_370 : i32
        %add3A_372 = vector.broadcast %add3A_371 : i32 to vector<16xi32>
        %add3A_373 = arith.addi %add3A_372, %iota3A : vector<16xi32>
        %jit3A_374 = arith.constant 112 : i32
        %eq3A_375 = arith.constant 0 : i32
        %eq3A_376 = arith.cmpi eq, %jit3A_374, %eq3A_375 : i32
        %jit3A_377 = arith.constant 1 : i32
        %select_n3A_378 = arith.select %eq3A_376, %jit3A_377, %jit3A_374 : i32
        %rem3A_379 = vector.broadcast %select_n3A_378 : i32 to vector<16xi32>
        %rem3A_380 = arith.remsi %add3A_373, %rem3A_379 : vector<16xi32>
        %ne3A_381 = arith.constant 0 : i32
        %ne3A_382 = vector.broadcast %ne3A_381 : i32 to vector<16xi32>
        %ne3A_383 = arith.cmpi ne, %rem3A_380, %ne3A_382 : vector<16xi32>
        %lt3A_384 = arith.constant 0 : i32
        %lt3A_385 = vector.broadcast %lt3A_384 : i32 to vector<16xi32>
        %lt3A_386 = arith.cmpi slt, %rem3A_380, %lt3A_385 : vector<16xi32>
        %lt3A_387 = arith.constant 0 : i32
        %lt3A_388 = arith.cmpi slt, %select_n3A_378, %lt3A_387 : i32
        %ne3A_389 = vector.broadcast %lt3A_388 : i1 to vector<16xi1>
        %ne3A_390 = vector.broadcast %ne3A_389 : vector<16xi1> to vector<16xi1>
        %ne3A_391 = arith.xori %lt3A_386, %ne3A_390 : vector<16xi1>
        %and3A_392 = arith.andi %ne3A_391, %ne3A_383 : vector<16xi1>
        %add3A_393 = vector.broadcast %select_n3A_378 : i32 to vector<16xi32>
        %add3A_394 = arith.addi %rem3A_380, %add3A_393 : vector<16xi32>
        %select_n3A_395 = arith.select %and3A_392, %add3A_394, %rem3A_380 : vector<16xi1>, vector<16xi32>
        %add3A_396 = arith.constant 10000 : i32
        %add3A_397 = vector.broadcast %add3A_396 : i32 to vector<16xi32>
        %add3A_398 = arith.addi %add3A_397, %select_n3A_395 : vector<16xi32>
        %swap3A_399 = arith.index_cast %scan3A_85 : i32 to index
        %swap3A_400 = arith.constant 112 : index
        %swap3A_401 = tpu.vector_load %arg7[%swap3A_399, %swap3A_400] {strides = array<i32>} : memref<80x128xi32, #tpu.memory_space<vmem>>, vector<1x16xi32>,
        %swap3A_402 = vector.shape_cast %swap3A_401 : vector<1x16xi32> to vector<16xi32>
        %swap3A_403 = vector.shape_cast %add3A_398 : vector<16xi32> to vector<1x16xi32>
        tpu.vector_store %arg7[%swap3A_399, %swap3A_400], %swap3A_403 {strides = array<i32>} : memref<80x128xi32, #tpu.memory_space<vmem>>, vector<1x16xi32>,
        %swap3A_404 = arith.index_cast %scan3A_85 : i32 to index
        %swap3A_405 = arith.constant 112 : index
        %swap3A_406 = tpu.vector_load %arg8[%swap3A_404, %swap3A_405] {strides = array<i32>} : memref<80x128xi32, #tpu.memory_space<vmem>>, vector<1x16xi32>,
        %swap3A_407 = vector.shape_cast %swap3A_406 : vector<1x16xi32> to vector<16xi32>
        %swap3A_408 = vector.shape_cast %add3A_398 : vector<16xi32> to vector<1x16xi32>
        tpu.vector_store %arg8[%swap3A_404, %swap3A_405], %swap3A_408 {strides = array<i32>} : memref<80x128xi32, #tpu.memory_space<vmem>>, vector<1x16xi32>,
        %scan3A_409 = arith.constant 0 : i32
        scf.yield %scan3A_409 : i32
      }
      %scan3A_84 = arith.constant 60 : i32
    } else {
    }
    %dma_start3A = arith.constant 0 : i32
    %dma_start3A_11 = tpu.memref_slice %arg5[%mul3A_0, %dma_start3A] : memref<10112x16xf32, #tpu.memory_space<vmem_shared>> -> memref<632x16xf32, #tpu.memory_space<vmem_shared>>
    %dma_start3A_12 = arith.constant 0 : i32
    %dma_start3A_13 = tpu.memref_slice %arg2[%mul3A_0, %dma_start3A_12] : memref<10112x16xf32, #tpu.memory_space<hbm>> -> memref<632x16xf32, #tpu.memory_space<hbm>>
    tpu.enqueue_dma source(%dma_start3A_13 : memref<632x16xf32, #tpu.memory_space<hbm>>) target(%dma_start3A_11 : memref<632x16xf32, #tpu.memory_space<vmem_shared>>) target_semaphore(%arg14 : memref<!tpu.dma_semaphore, #tpu.memory_space<semaphore_mem>>)
    %scan3A = arith.constant 0 : i32
    %scan3A_14 = arith.constant 0 : i32
    %scan3A_15 = arith.constant 632 : i32
    %scan3A_16 = arith.addi %scan3A_14, %scan3A_15 : i32
    %scan3A_17 = arith.constant 8 : i32
    %scan3A_18 = scf.for %scan3A_48 = %scan3A_14 to %scan3A_16 step %scan3A_17 iter_args(%scan3A_49 = %scan3A) -> (i32)  : i32 {
      %broadcast_in_dim3A = arith.constant 0.000000e+00 : f32
      %broadcast_in_dim3A_50 = vector.broadcast %broadcast_in_dim3A : f32 to vector<16xf32>
      %swap3A = arith.index_cast %scan3A_48 : i32 to index
      %swap3A_51 = arith.constant 0 : index
      %swap3A_52 = tpu.vector_load %arg11[%swap3A, %swap3A_51] {strides = array<i32>} : memref<632x16xf32, #tpu.memory_space<vmem>>, vector<1x16xf32>,
      %swap3A_53 = vector.shape_cast %swap3A_52 : vector<1x16xf32> to vector<16xf32>
      %swap3A_54 = vector.shape_cast %broadcast_in_dim3A_50 : vector<16xf32> to vector<1x16xf32>
      tpu.vector_store %arg11[%swap3A, %swap3A_51], %swap3A_54 {strides = array<i32>} : memref<632x16xf32, #tpu.memory_space<vmem>>, vector<1x16xf32>,
      %scan3A_55 = arith.constant 0 : i32
      %scan3A_56 = arith.constant 1 : i32
      %scan3A_57 = arith.addi %scan3A_48, %scan3A_56 : i32
      %broadcast_in_dim3A_58 = arith.constant 0.000000e+00 : f32
      %broadcast_in_dim3A_59 = vector.broadcast %broadcast_in_dim3A_58 : f32 to vector<16xf32>
      %swap3A_60 = arith.index_cast %scan3A_57 : i32 to index
      %swap3A_61 = arith.constant 0 : index
      %swap3A_62 = tpu.vector_load %arg11[%swap3A_60, %swap3A_61] {strides = array<i32>} : memref<632x16xf32, #tpu.memory_space<vmem>>, vector<1x16xf32>,
      %swap3A_63 = vector.shape_cast %swap3A_62 : vector<1x16xf32> to vector<16xf32>
      %swap3A_64 = vector.shape_cast %broadcast_in_dim3A_59 : vector<16xf32> to vector<1x16xf32>
      tpu.vector_store %arg11[%swap3A_60, %swap3A_61], %swap3A_64 {strides = array<i32>} : memref<632x16xf32, #tpu.memory_space<vmem>>, vector<1x16xf32>,
      %scan3A_65 = arith.constant 0 : i32
      %scan3A_66 = arith.constant 2 : i32
      %scan3A_67 = arith.addi %scan3A_48, %scan3A_66 : i32
      %broadcast_in_dim3A_68 = arith.constant 0.000000e+00 : f32
      %broadcast_in_dim3A_69 = vector.broadcast %broadcast_in_dim3A_68 : f32 to vector<16xf32>
      %swap3A_70 = arith.index_cast %scan3A_67 : i32 to index
      %swap3A_71 = arith.constant 0 : index
      %swap3A_72 = tpu.vector_load %arg11[%swap3A_70, %swap3A_71] {strides = array<i32>} : memref<632x16xf32, #tpu.memory_space<vmem>>, vector<1x16xf32>,
      %swap3A_73 = vector.shape_cast %swap3A_72 : vector<1x16xf32> to vector<16xf32>
      %swap3A_74 = vector.shape_cast %broadcast_in_dim3A_69 : vector<16xf32> to vector<1x16xf32>
      tpu.vector_store %arg11[%swap3A_70, %swap3A_71], %swap3A_74 {strides = array<i32>} : memref<632x16xf32, #tpu.memory_space<vmem>>, vector<1x16xf32>,
      %scan3A_75 = arith.constant 0 : i32
      %scan3A_76 = arith.constant 3 : i32
      %scan3A_77 = arith.addi %scan3A_48, %scan3A_76 : i32
      %broadcast_in_dim3A_78 = arith.constant 0.000000e+00 : f32
      %broadcast_in_dim3A_79 = vector.broadcast %broadcast_in_dim3A_78 : f32 to vector<16xf32>
      %swap3A_80 = arith.index_cast %scan3A_77 : i32 to index
      %swap3A_81 = arith.constant 0 : index
      %swap3A_82 = tpu.vector_load %arg11[%swap3A_80, %swap3A_81] {strides = array<i32>} : memref<632x16xf32, #tpu.memory_space<vmem>>, vector<1x16xf32>,
      %swap3A_83 = vector.shape_cast %swap3A_82 : vector<1x16xf32> to vector<16xf32>
      %swap3A_84 = vector.shape_cast %broadcast_in_dim3A_79 : vector<16xf32> to vector<1x16xf32>
      tpu.vector_store %arg11[%swap3A_80, %swap3A_81], %swap3A_84 {strides = array<i32>} : memref<632x16xf32, #tpu.memory_space<vmem>>, vector<1x16xf32>,
      %scan3A_85 = arith.constant 0 : i32
      %scan3A_86 = arith.constant 4 : i32
      %scan3A_87 = arith.addi %scan3A_48, %scan3A_86 : i32
      %broadcast_in_dim3A_88 = arith.constant 0.000000e+00 : f32
      %broadcast_in_dim3A_89 = vector.broadcast %broadcast_in_dim3A_88 : f32 to vector<16xf32>
      %swap3A_90 = arith.index_cast %scan3A_87 : i32 to index
      %swap3A_91 = arith.constant 0 : index
      %swap3A_92 = tpu.vector_load %arg11[%swap3A_90, %swap3A_91] {strides = array<i32>} : memref<632x16xf32, #tpu.memory_space<vmem>>, vector<1x16xf32>,
      %swap3A_93 = vector.shape_cast %swap3A_92 : vector<1x16xf32> to vector<16xf32>
      %swap3A_94 = vector.shape_cast %broadcast_in_dim3A_89 : vector<16xf32> to vector<1x16xf32>
      tpu.vector_store %arg11[%swap3A_90, %swap3A_91], %swap3A_94 {strides = array<i32>} : memref<632x16xf32, #tpu.memory_space<vmem>>, vector<1x16xf32>,
      %scan3A_95 = arith.constant 0 : i32
      %scan3A_96 = arith.constant 5 : i32
      %scan3A_97 = arith.addi %scan3A_48, %scan3A_96 : i32
      %broadcast_in_dim3A_98 = arith.constant 0.000000e+00 : f32
      %broadcast_in_dim3A_99 = vector.broadcast %broadcast_in_dim3A_98 : f32 to vector<16xf32>
      %swap3A_100 = arith.index_cast %scan3A_97 : i32 to index
      %swap3A_101 = arith.constant 0 : index
      %swap3A_102 = tpu.vector_load %arg11[%swap3A_100, %swap3A_101] {strides = array<i32>} : memref<632x16xf32, #tpu.memory_space<vmem>>, vector<1x16xf32>,
      %swap3A_103 = vector.shape_cast %swap3A_102 : vector<1x16xf32> to vector<16xf32>
      %swap3A_104 = vector.shape_cast %broadcast_in_dim3A_99 : vector<16xf32> to vector<1x16xf32>
      tpu.vector_store %arg11[%swap3A_100, %swap3A_101], %swap3A_104 {strides = array<i32>} : memref<632x16xf32, #tpu.memory_space<vmem>>, vector<1x16xf32>,
      %scan3A_105 = arith.constant 0 : i32
      %scan3A_106 = arith.constant 6 : i32
      %scan3A_107 = arith.addi %scan3A_48, %scan3A_106 : i32
      %broadcast_in_dim3A_108 = arith.constant 0.000000e+00 : f32
      %broadcast_in_dim3A_109 = vector.broadcast %broadcast_in_dim3A_108 : f32 to vector<16xf32>
      %swap3A_110 = arith.index_cast %scan3A_107 : i32 to index
      %swap3A_111 = arith.constant 0 : index
      %swap3A_112 = tpu.vector_load %arg11[%swap3A_110, %swap3A_111] {strides = array<i32>} : memref<632x16xf32, #tpu.memory_space<vmem>>, vector<1x16xf32>,
      %swap3A_113 = vector.shape_cast %swap3A_112 : vector<1x16xf32> to vector<16xf32>
      %swap3A_114 = vector.shape_cast %broadcast_in_dim3A_109 : vector<16xf32> to vector<1x16xf32>
      tpu.vector_store %arg11[%swap3A_110, %swap3A_111], %swap3A_114 {strides = array<i32>} : memref<632x16xf32, #tpu.memory_space<vmem>>, vector<1x16xf32>,
      %scan3A_115 = arith.constant 0 : i32
      %scan3A_116 = arith.constant 7 : i32
      %scan3A_117 = arith.addi %scan3A_48, %scan3A_116 : i32
      %broadcast_in_dim3A_118 = arith.constant 0.000000e+00 : f32
      %broadcast_in_dim3A_119 = vector.broadcast %broadcast_in_dim3A_118 : f32 to vector<16xf32>
      %swap3A_120 = arith.index_cast %scan3A_117 : i32 to index
      %swap3A_121 = arith.constant 0 : index
      %swap3A_122 = tpu.vector_load %arg11[%swap3A_120, %swap3A_121] {strides = array<i32>} : memref<632x16xf32, #tpu.memory_space<vmem>>, vector<1x16xf32>,
      %swap3A_123 = vector.shape_cast %swap3A_122 : vector<1x16xf32> to vector<16xf32>
      %swap3A_124 = vector.shape_cast %broadcast_in_dim3A_119 : vector<16xf32> to vector<1x16xf32>
      tpu.vector_store %arg11[%swap3A_120, %swap3A_121], %swap3A_124 {strides = array<i32>} : memref<632x16xf32, #tpu.memory_space<vmem>>, vector<1x16xf32>,
      %scan3A_125 = arith.constant 0 : i32
      scf.yield %scan3A_125 : i32
    }
    %scan3A_19 = arith.constant 632 : i32
    "tpu.region"() ({
      %run_scoped3A = tpu.sem_alloc : memref<!tpu.dma_semaphore, #tpu.memory_space<semaphore_mem>>
      %dma_start3A_48 = arith.constant 0 : i32
      %dma_start3A_49 = tpu.memref_slice %arg6[%mul3A_0, %dma_start3A_48] : memref<10112x16xf32, #tpu.memory_space<vmem_shared>> -> memref<632x16xf32, #tpu.memory_space<vmem_shared>>
      %dma_start3A_50 = arith.constant 0 : i32
      %dma_start3A_51 = tpu.memref_slice %arg6[%mul3A_0, %dma_start3A_50] : memref<10112x16xf32, #tpu.memory_space<vmem_shared>> -> memref<632x16xf32, #tpu.memory_space<vmem_shared>>
      tpu.enqueue_dma source(%arg11 : memref<632x16xf32, #tpu.memory_space<vmem>>) target(%dma_start3A_51 : memref<632x16xf32, #tpu.memory_space<vmem_shared>>) target_semaphore(%run_scoped3A : memref<!tpu.dma_semaphore, #tpu.memory_space<semaphore_mem>>)
      %dma_wait3A_52 = arith.constant 0 : i32
      %dma_wait3A_53 = tpu.memref_slice %arg6[%mul3A_0, %dma_wait3A_52] : memref<10112x16xf32, #tpu.memory_space<vmem_shared>> -> memref<632x16xf32, #tpu.memory_space<vmem_shared>>
      %dma_wait3A_54 = arith.constant 0 : i32
      %dma_wait3A_55 = tpu.memref_slice %arg6[%mul3A_0, %dma_wait3A_54] : memref<10112x16xf32, #tpu.memory_space<vmem_shared>> -> memref<632x16xf32, #tpu.memory_space<vmem_shared>>
      tpu.wait_dma2 semaphore(%run_scoped3A : memref<!tpu.dma_semaphore, #tpu.memory_space<semaphore_mem>>) src(%arg11 : memref<632x16xf32, #tpu.memory_space<vmem>>) dst(%dma_wait3A_55 : memref<632x16xf32, #tpu.memory_space<vmem_shared>>)
      tpu.yield
    }) : () -> ()
    %dma_wait3A = arith.constant 0 : i32
    %dma_wait3A_20 = tpu.memref_slice %arg5[%mul3A_0, %dma_wait3A] : memref<10112x16xf32, #tpu.memory_space<vmem_shared>> -> memref<632x16xf32, #tpu.memory_space<vmem_shared>>
    %dma_wait3A_21 = arith.constant 0 : i32
    %dma_wait3A_22 = tpu.memref_slice %arg2[%mul3A_0, %dma_wait3A_21] : memref<10112x16xf32, #tpu.memory_space<hbm>> -> memref<632x16xf32, #tpu.memory_space<hbm>>
    tpu.wait_dma2 semaphore(%arg14 : memref<!tpu.dma_semaphore, #tpu.memory_space<semaphore_mem>>) src(%dma_wait3A_22 : memref<632x16xf32, #tpu.memory_space<hbm>>) dst(%dma_wait3A_20 : memref<632x16xf32, #tpu.memory_space<vmem_shared>>)
    %lt3A_23 = arith.constant 31 : i32
    %lt3A_24 = arith.cmpi slt, %add3A, %lt3A_23 : i32
    %convert_element_type3A_25 = arith.extui %lt3A_24 : i1 to i32
    %cond3A_26 = arith.constant 0 : i32
    %cond3A_27 = arith.cmpi ne, %convert_element_type3A_25, %cond3A_26 : i32
    scf.if %cond3A_27 {
      %dma_wait3A_48 = arith.constant 0 : i32
      %dma_wait3A_49 = arith.constant 0 : i32
      %dma_wait3A_50 = arith.constant 0 : i32
      %dma_wait3A_51 = tpu.memref_slice %arg3[%dma_wait3A_49, %dma_wait3A_48, %dma_wait3A_50] : memref<2500x2x128xi32, #tpu.memory_space<hbm>> -> memref<80x1x128xi32, #tpu.memory_space<hbm>>
      %dma_wait3A_52 = tpu.memref_squeeze %dma_wait3A_51 : memref<80x1x128xi32, #tpu.memory_space<hbm>> -> memref<80x128xi32, #tpu.memory_space<hbm>>
      %dma_wait3A_53 = arith.constant 0 : i32
      %dma_wait3A_54 = arith.constant 0 : i32
      %dma_wait3A_55 = tpu.memref_slice %arg3[%dma_wait3A_53, %dma_wait3A_48, %dma_wait3A_54] : memref<2500x2x128xi32, #tpu.memory_space<hbm>> -> memref<80x1x128xi32, #tpu.memory_space<hbm>>
      %dma_wait3A_56 = tpu.memref_squeeze %dma_wait3A_55 : memref<80x1x128xi32, #tpu.memory_space<hbm>> -> memref<80x128xi32, #tpu.memory_space<hbm>>
      tpu.wait_dma2 semaphore(%arg12 : memref<!tpu.dma_semaphore, #tpu.memory_space<semaphore_mem>>) src(%dma_wait3A_56 : memref<80x128xi32, #tpu.memory_space<hbm>>) dst(%arg7 : memref<80x128xi32, #tpu.memory_space<vmem>>)
      %dma_wait3A_57 = arith.constant 0 : i32
      %dma_wait3A_58 = arith.constant 0 : i32
      %dma_wait3A_59 = arith.constant 0 : i32
      %dma_wait3A_60 = tpu.memref_slice %arg3[%dma_wait3A_58, %dma_wait3A_57, %dma_wait3A_59] : memref<2500x2x128xi32, #tpu.memory_space<hbm>> -> memref<80x1x128xi32, #tpu.memory_space<hbm>>
      %dma_wait3A_61 = tpu.memref_squeeze %dma_wait3A_60 : memref<80x1x128xi32, #tpu.memory_space<hbm>> -> memref<80x128xi32, #tpu.memory_space<hbm>>
      %dma_wait3A_62 = arith.constant 0 : i32
      %dma_wait3A_63 = arith.constant 0 : i32
      %dma_wait3A_64 = tpu.memref_slice %arg3[%dma_wait3A_62, %dma_wait3A_57, %dma_wait3A_63] : memref<2500x2x128xi32, #tpu.memory_space<hbm>> -> memref<80x1x128xi32, #tpu.memory_space<hbm>>
      %dma_wait3A_65 = tpu.memref_squeeze %dma_wait3A_64 : memref<80x1x128xi32, #tpu.memory_space<hbm>> -> memref<80x128xi32, #tpu.memory_space<hbm>>
      tpu.wait_dma2 semaphore(%arg13 : memref<!tpu.dma_semaphore, #tpu.memory_space<semaphore_mem>>) src(%dma_wait3A_65 : memref<80x128xi32, #tpu.memory_space<hbm>>) dst(%arg8 : memref<80x128xi32, #tpu.memory_space<vmem>>)
    } else {
    }
    %eq3A_28 = arith.constant 31 : i32
    %eq3A_29 = arith.cmpi eq, %add3A, %eq3A_28 : i32
    %convert_element_type3A_30 = arith.extui %eq3A_29 : i1 to i32
    %cond3A_31 = arith.constant 0 : i32
    %cond3A_32 = arith.cmpi ne, %convert_element_type3A_30, %cond3A_31 : i32
    scf.if %cond3A_32 {
      %dma_wait3A_48 = arith.constant 0 : i32
      %dma_wait3A_49 = arith.constant 0 : i32
      %dma_wait3A_50 = arith.constant 0 : i32
      %dma_wait3A_51 = tpu.memref_slice %arg7[%dma_wait3A_49, %dma_wait3A_50] : memref<80x128xi32, #tpu.memory_space<vmem>> -> memref<20x128xi32, #tpu.memory_space<vmem>>
      %dma_wait3A_52 = arith.constant 0 : i32
      %dma_wait3A_53 = arith.constant 0 : i32
      %dma_wait3A_54 = tpu.memref_slice %arg3[%dma_wait3A_52, %dma_wait3A_48, %dma_wait3A_53] : memref<2500x2x128xi32, #tpu.memory_space<hbm>> -> memref<20x1x128xi32, #tpu.memory_space<hbm>>
      %dma_wait3A_55 = tpu.memref_squeeze %dma_wait3A_54 : memref<20x1x128xi32, #tpu.memory_space<hbm>> -> memref<20x128xi32, #tpu.memory_space<hbm>>
      %dma_wait3A_56 = arith.constant 0 : i32
      %dma_wait3A_57 = arith.constant 0 : i32
      %dma_wait3A_58 = tpu.memref_slice %arg7[%dma_wait3A_56, %dma_wait3A_57] : memref<80x128xi32, #tpu.memory_space<vmem>> -> memref<20x128xi32, #tpu.memory_space<vmem>>
      %dma_wait3A_59 = arith.constant 0 : i32
      %dma_wait3A_60 = arith.constant 0 : i32
      %dma_wait3A_61 = tpu.memref_slice %arg3[%dma_wait3A_59, %dma_wait3A_48, %dma_wait3A_60] : memref<2500x2x128xi32, #tpu.memory_space<hbm>> -> memref<20x1x128xi32, #tpu.memory_space<hbm>>
      %dma_wait3A_62 = tpu.memref_squeeze %dma_wait3A_61 : memref<20x1x128xi32, #tpu.memory_space<hbm>> -> memref<20x128xi32, #tpu.memory_space<hbm>>
      tpu.wait_dma2 semaphore(%arg12 : memref<!tpu.dma_semaphore, #tpu.memory_space<semaphore_mem>>) src(%dma_wait3A_62 : memref<20x128xi32, #tpu.memory_space<hbm>>) dst(%dma_wait3A_58 : memref<20x128xi32, #tpu.memory_space<vmem>>)
      %dma_wait3A_63 = arith.constant 0 : i32
      %dma_wait3A_64 = arith.constant 0 : i32
      %dma_wait3A_65 = arith.constant 0 : i32
      %dma_wait3A_66 = tpu.memref_slice %arg8[%dma_wait3A_64, %dma_wait3A_65] : memref<80x128xi32, #tpu.memory_space<vmem>> -> memref<20x128xi32, #tpu.memory_space<vmem>>
      %dma_wait3A_67 = arith.constant 0 : i32
      %dma_wait3A_68 = arith.constant 0 : i32
      %dma_wait3A_69 = tpu.memref_slice %arg3[%dma_wait3A_67, %dma_wait3A_63, %dma_wait3A_68] : memref<2500x2x128xi32, #tpu.memory_space<hbm>> -> memref<20x1x128xi32, #tpu.memory_space<hbm>>
      %dma_wait3A_70 = tpu.memref_squeeze %dma_wait3A_69 : memref<20x1x128xi32, #tpu.memory_space<hbm>> -> memref<20x128xi32, #tpu.memory_space<hbm>>
      %dma_wait3A_71 = arith.constant 0 : i32
      %dma_wait3A_72 = arith.constant 0 : i32
      %dma_wait3A_73 = tpu.memref_slice %arg8[%dma_wait3A_71, %dma_wait3A_72] : memref<80x128xi32, #tpu.memory_space<vmem>> -> memref<20x128xi32, #tpu.memory_space<vmem>>
      %dma_wait3A_74 = arith.constant 0 : i32
      %dma_wait3A_75 = arith.constant 0 : i32
      %dma_wait3A_76 = tpu.memref_slice %arg3[%dma_wait3A_74, %dma_wait3A_63, %dma_wait3A_75] : memref<2500x2x128xi32, #tpu.memory_space<hbm>> -> memref<20x1x128xi32, #tpu.memory_space<hbm>>
      %dma_wait3A_77 = tpu.memref_squeeze %dma_wait3A_76 : memref<20x1x128xi32, #tpu.memory_space<hbm>> -> memref<20x128xi32, #tpu.memory_space<hbm>>
      tpu.wait_dma2 semaphore(%arg13 : memref<!tpu.dma_semaphore, #tpu.memory_space<semaphore_mem>>) src(%dma_wait3A_77 : memref<20x128xi32, #tpu.memory_space<hbm>>) dst(%dma_wait3A_73 : memref<20x128xi32, #tpu.memory_space<vmem>>)
    } else {
    }
    %barrier3A = arith.constant 0 : index
    tpu.barrier barrier_id(%barrier3A)
    %dma_start3A_33 = arith.constant 0 : i32
    %dma_start3A_34 = arith.constant 0 : i32
    %dma_start3A_35 = tpu.memref_slice %arg7[%dma_start3A_33, %dma_start3A_34] : memref<80x128xi32, #tpu.memory_space<vmem>> -> memref<1x128xi32, #tpu.memory_space<vmem>>
    %dma_start3A_36 = tpu.memref_squeeze %dma_start3A_35 : memref<1x128xi32, #tpu.memory_space<vmem>> -> memref<128xi32, #tpu.memory_space<vmem>>
    %dma_start3A_37 = arith.constant 0 : i32
    %dma_start3A_38 = arith.constant 0 : i32
    %dma_start3A_39 = tpu.memref_slice %arg5[%dma_start3A_37, %dma_start3A_38] : memref<10112x16xf32, #tpu.memory_space<vmem_shared>> -> memref<10112x16xf32, #tpu.memory_space<vmem_shared>>
    tpu.enqueue_indirect_dma source(%dma_start3A_39 : memref<10112x16xf32, #tpu.memory_space<vmem_shared>>) target(%arg9 : memref<128x16xf32, #tpu.memory_space<vmem>>) offsets(%dma_start3A_36 : memref<128xi32, #tpu.memory_space<vmem>>) semaphore(%arg12 : memref<!tpu.dma_semaphore, #tpu.memory_space<semaphore_mem>>)
    %scan3A_40 = arith.constant 0 : i32
    %scan3A_41 = arith.constant 0 : i32
    %scan3A_42 = arith.constant 40 : i32
    %scan3A_43 = arith.addi %scan3A_41, %scan3A_42 : i32
    %scan3A_44 = arith.constant 1 : i32
    %scan3A_45 = scf.for %scan3A_48 = %scan3A_41 to %scan3A_43 step %scan3A_44 iter_args(%scan3A_49 = %scan3A_40) -> (i32)  : i32 {
      %mul3A_50 = arith.constant 2 : i32
      %mul3A_51 = arith.muli %mul3A_50, %scan3A_48 : i32
      %add3A_52 = arith.constant 1 : i32
      %add3A_53 = arith.addi %mul3A_51, %add3A_52 : i32
      %dma_start3A_54 = arith.constant 0 : i32
      %dma_start3A_55 = tpu.memref_slice %arg7[%add3A_53, %dma_start3A_54] : memref<80x128xi32, #tpu.memory_space<vmem>> -> memref<1x128xi32, #tpu.memory_space<vmem>>
      %dma_start3A_56 = tpu.memref_squeeze %dma_start3A_55 : memref<1x128xi32, #tpu.memory_space<vmem>> -> memref<128xi32, #tpu.memory_space<vmem>>
      %dma_start3A_57 = arith.constant 0 : i32
      %dma_start3A_58 = arith.constant 0 : i32
      %dma_start3A_59 = tpu.memref_slice %arg5[%dma_start3A_57, %dma_start3A_58] : memref<10112x16xf32, #tpu.memory_space<vmem_shared>> -> memref<10112x16xf32, #tpu.memory_space<vmem_shared>>
      tpu.enqueue_indirect_dma source(%dma_start3A_59 : memref<10112x16xf32, #tpu.memory_space<vmem_shared>>) target(%arg10 : memref<128x16xf32, #tpu.memory_space<vmem>>) offsets(%dma_start3A_56 : memref<128xi32, #tpu.memory_space<vmem>>) semaphore(%arg13 : memref<!tpu.dma_semaphore, #tpu.memory_space<semaphore_mem>>)
      %dma_wait3A_60 = arith.constant 0 : i32
      %dma_wait3A_61 = tpu.memref_slice %arg7[%mul3A_51, %dma_wait3A_60] : memref<80x128xi32, #tpu.memory_space<vmem>> -> memref<1x128xi32, #tpu.memory_space<vmem>>
      %dma_wait3A_62 = tpu.memref_squeeze %dma_wait3A_61 : memref<1x128xi32, #tpu.memory_space<vmem>> -> memref<128xi32, #tpu.memory_space<vmem>>
      %dma_wait3A_63 = arith.constant 0 : i32
      %dma_wait3A_64 = arith.constant 0 : i32
      %dma_wait3A_65 = tpu.memref_slice %arg5[%dma_wait3A_63, %dma_wait3A_64] : memref<10112x16xf32, #tpu.memory_space<vmem_shared>> -> memref<10112x16xf32, #tpu.memory_space<vmem_shared>>
      tpu.wait_indirect_dma semaphore(%arg12 : memref<!tpu.dma_semaphore, #tpu.memory_space<semaphore_mem>>) src(%dma_wait3A_65 : memref<10112x16xf32, #tpu.memory_space<vmem_shared>>) dst(%arg9 : memref<128x16xf32, #tpu.memory_space<vmem>>)
      "tpu.region"() ({
        %run_scoped3A = tpu.sem_alloc : memref<!tpu.dma_semaphore, #tpu.memory_space<semaphore_mem>>
        %dma_start3A_84 = arith.constant 0 : i32
        %dma_start3A_85 = tpu.memref_slice %arg8[%mul3A_51, %dma_start3A_84] : memref<80x128xi32, #tpu.memory_space<vmem>> -> memref<1x128xi32, #tpu.memory_space<vmem>>
        %dma_start3A_86 = tpu.memref_squeeze %dma_start3A_85 : memref<1x128xi32, #tpu.memory_space<vmem>> -> memref<128xi32, #tpu.memory_space<vmem>>
        %dma_start3A_87 = arith.constant 0 : i32
        %dma_start3A_88 = arith.constant 0 : i32
        %dma_start3A_89 = tpu.memref_slice %arg6[%dma_start3A_87, %dma_start3A_88] : memref<10112x16xf32, #tpu.memory_space<vmem_shared>> -> memref<10112x16xf32, #tpu.memory_space<vmem_shared>>
        tpu.enqueue_indirect_dma source(%arg9 : memref<128x16xf32, #tpu.memory_space<vmem>>) target(%dma_start3A_89 : memref<10112x16xf32, #tpu.memory_space<vmem_shared>>) offsets(%dma_start3A_86 : memref<128xi32, #tpu.memory_space<vmem>>) semaphore(%run_scoped3A : memref<!tpu.dma_semaphore, #tpu.memory_space<semaphore_mem>>) {add = true}
        %dma_wait3A_90 = arith.constant 0 : i32
        %dma_wait3A_91 = tpu.memref_slice %arg8[%mul3A_51, %dma_wait3A_90] : memref<80x128xi32, #tpu.memory_space<vmem>> -> memref<1x128xi32, #tpu.memory_space<vmem>>
        %dma_wait3A_92 = tpu.memref_squeeze %dma_wait3A_91 : memref<1x128xi32, #tpu.memory_space<vmem>> -> memref<128xi32, #tpu.memory_space<vmem>>
        %dma_wait3A_93 = arith.constant 0 : i32
        %dma_wait3A_94 = arith.constant 0 : i32
        %dma_wait3A_95 = tpu.memref_slice %arg6[%dma_wait3A_93, %dma_wait3A_94] : memref<10112x16xf32, #tpu.memory_space<vmem_shared>> -> memref<10112x16xf32, #tpu.memory_space<vmem_shared>>
        tpu.wait_indirect_dma semaphore(%run_scoped3A : memref<!tpu.dma_semaphore, #tpu.memory_space<semaphore_mem>>) src(%arg9 : memref<128x16xf32, #tpu.memory_space<vmem>>) dst(%dma_wait3A_95 : memref<10112x16xf32, #tpu.memory_space<vmem_shared>>)
        tpu.yield
      }) : () -> ()
      %add3A_66 = arith.constant 2 : i32
      %add3A_67 = arith.addi %mul3A_51, %add3A_66 : i32
      %lt3A_68 = arith.constant 80 : i32
      %lt3A_69 = arith.cmpi slt, %add3A_67, %lt3A_68 : i32
      %convert_element_type3A_70 = arith.extui %lt3A_69 : i1 to i32
      %cond3A_71 = arith.constant 0 : i32
      %cond3A_72 = arith.cmpi ne, %convert_element_type3A_70, %cond3A_71 : i32
      scf.if %cond3A_72 {
        %add3A_84 = arith.constant 2 : i32
        %add3A_85 = arith.addi %mul3A_51, %add3A_84 : i32
        %dma_start3A_86 = arith.constant 0 : i32
        %dma_start3A_87 = tpu.memref_slice %arg7[%add3A_85, %dma_start3A_86] : memref<80x128xi32, #tpu.memory_space<vmem>> -> memref<1x128xi32, #tpu.memory_space<vmem>>
        %dma_start3A_88 = tpu.memref_squeeze %dma_start3A_87 : memref<1x128xi32, #tpu.memory_space<vmem>> -> memref<128xi32, #tpu.memory_space<vmem>>
        %dma_start3A_89 = arith.constant 0 : i32
        %dma_start3A_90 = arith.constant 0 : i32
        %dma_start3A_91 = tpu.memref_slice %arg5[%dma_start3A_89, %dma_start3A_90] : memref<10112x16xf32, #tpu.memory_space<vmem_shared>> -> memref<10112x16xf32, #tpu.memory_space<vmem_shared>>
        tpu.enqueue_indirect_dma source(%dma_start3A_91 : memref<10112x16xf32, #tpu.memory_space<vmem_shared>>) target(%arg9 : memref<128x16xf32, #tpu.memory_space<vmem>>) offsets(%dma_start3A_88 : memref<128xi32, #tpu.memory_space<vmem>>) semaphore(%arg12 : memref<!tpu.dma_semaphore, #tpu.memory_space<semaphore_mem>>)
      } else {
      }
      %add3A_73 = arith.constant 1 : i32
      %add3A_74 = arith.addi %mul3A_51, %add3A_73 : i32
      %dma_wait3A_75 = arith.constant 0 : i32
      %dma_wait3A_76 = tpu.memref_slice %arg7[%add3A_74, %dma_wait3A_75] : memref<80x128xi32, #tpu.memory_space<vmem>> -> memref<1x128xi32, #tpu.memory_space<vmem>>
      %dma_wait3A_77 = tpu.memref_squeeze %dma_wait3A_76 : memref<1x128xi32, #tpu.memory_space<vmem>> -> memref<128xi32, #tpu.memory_space<vmem>>
      %dma_wait3A_78 = arith.constant 0 : i32
      %dma_wait3A_79 = arith.constant 0 : i32
      %dma_wait3A_80 = tpu.memref_slice %arg5[%dma_wait3A_78, %dma_wait3A_79] : memref<10112x16xf32, #tpu.memory_space<vmem_shared>> -> memref<10112x16xf32, #tpu.memory_space<vmem_shared>>
      tpu.wait_indirect_dma semaphore(%arg13 : memref<!tpu.dma_semaphore, #tpu.memory_space<semaphore_mem>>) src(%dma_wait3A_80 : memref<10112x16xf32, #tpu.memory_space<vmem_shared>>) dst(%arg10 : memref<128x16xf32, #tpu.memory_space<vmem>>)
      %add3A_81 = arith.constant 1 : i32
      %add3A_82 = arith.addi %mul3A_51, %add3A_81 : i32
      "tpu.region"() ({
        %run_scoped3A = tpu.sem_alloc : memref<!tpu.dma_semaphore, #tpu.memory_space<semaphore_mem>>
        %dma_start3A_84 = arith.constant 0 : i32
        %dma_start3A_85 = tpu.memref_slice %arg8[%add3A_82, %dma_start3A_84] : memref<80x128xi32, #tpu.memory_space<vmem>> -> memref<1x128xi32, #tpu.memory_space<vmem>>
        %dma_start3A_86 = tpu.memref_squeeze %dma_start3A_85 : memref<1x128xi32, #tpu.memory_space<vmem>> -> memref<128xi32, #tpu.memory_space<vmem>>
        %dma_start3A_87 = arith.constant 0 : i32
        %dma_start3A_88 = arith.constant 0 : i32
        %dma_start3A_89 = tpu.memref_slice %arg6[%dma_start3A_87, %dma_start3A_88] : memref<10112x16xf32, #tpu.memory_space<vmem_shared>> -> memref<10112x16xf32, #tpu.memory_space<vmem_shared>>
        tpu.enqueue_indirect_dma source(%arg10 : memref<128x16xf32, #tpu.memory_space<vmem>>) target(%dma_start3A_89 : memref<10112x16xf32, #tpu.memory_space<vmem_shared>>) offsets(%dma_start3A_86 : memref<128xi32, #tpu.memory_space<vmem>>) semaphore(%run_scoped3A : memref<!tpu.dma_semaphore, #tpu.memory_space<semaphore_mem>>) {add = true}
        %dma_wait3A_90 = arith.constant 0 : i32
        %dma_wait3A_91 = tpu.memref_slice %arg8[%add3A_82, %dma_wait3A_90] : memref<80x128xi32, #tpu.memory_space<vmem>> -> memref<1x128xi32, #tpu.memory_space<vmem>>
        %dma_wait3A_92 = tpu.memref_squeeze %dma_wait3A_91 : memref<1x128xi32, #tpu.memory_space<vmem>> -> memref<128xi32, #tpu.memory_space<vmem>>
        %dma_wait3A_93 = arith.constant 0 : i32
        %dma_wait3A_94 = arith.constant 0 : i32
        %dma_wait3A_95 = tpu.memref_slice %arg6[%dma_wait3A_93, %dma_wait3A_94] : memref<10112x16xf32, #tpu.memory_space<vmem_shared>> -> memref<10112x16xf32, #tpu.memory_space<vmem_shared>>
        tpu.wait_indirect_dma semaphore(%run_scoped3A : memref<!tpu.dma_semaphore, #tpu.memory_space<semaphore_mem>>) src(%arg10 : memref<128x16xf32, #tpu.memory_space<vmem>>) dst(%dma_wait3A_95 : memref<10112x16xf32, #tpu.memory_space<vmem_shared>>)
        tpu.yield
      }) : () -> ()
      %scan3A_83 = arith.constant 0 : i32
      scf.yield %scan3A_83 : i32
    }
    %scan3A_46 = arith.constant 40 : i32
    %barrier3A_47 = arith.constant 0 : index
    tpu.barrier barrier_id(%barrier3A_47)
    "tpu.region"() ({
      %run_scoped3A = tpu.sem_alloc : memref<!tpu.dma_semaphore, #tpu.memory_space<semaphore_mem>>
      %dma_start3A_48 = arith.constant 0 : i32
      %dma_start3A_49 = tpu.memref_slice %arg4[%arg0, %mul3A_0, %dma_start3A_48] : memref<2x10112x16xf32, #tpu.memory_space<hbm>> -> memref<1x632x16xf32, #tpu.memory_space<hbm>>
      %dma_start3A_50 = tpu.memref_squeeze %dma_start3A_49 : memref<1x632x16xf32, #tpu.memory_space<hbm>> -> memref<632x16xf32, #tpu.memory_space<hbm>>
      %dma_start3A_51 = arith.constant 0 : i32
      %dma_start3A_52 = tpu.memref_slice %arg6[%mul3A_0, %dma_start3A_51] : memref<10112x16xf32, #tpu.memory_space<vmem_shared>> -> memref<632x16xf32, #tpu.memory_space<vmem_shared>>
      tpu.enqueue_dma source(%dma_start3A_52 : memref<632x16xf32, #tpu.memory_space<vmem_shared>>) target(%dma_start3A_50 : memref<632x16xf32, #tpu.memory_space<hbm>>) target_semaphore(%run_scoped3A : memref<!tpu.dma_semaphore, #tpu.memory_space<semaphore_mem>>)
      %dma_wait3A_53 = arith.constant 0 : i32
      %dma_wait3A_54 = tpu.memref_slice %arg4[%arg0, %mul3A_0, %dma_wait3A_53] : memref<2x10112x16xf32, #tpu.memory_space<hbm>> -> memref<1x632x16xf32, #tpu.memory_space<hbm>>
      %dma_wait3A_55 = tpu.memref_squeeze %dma_wait3A_54 : memref<1x632x16xf32, #tpu.memory_space<hbm>> -> memref<632x16xf32, #tpu.memory_space<hbm>>
      %dma_wait3A_56 = arith.constant 0 : i32
      %dma_wait3A_57 = tpu.memref_slice %arg6[%mul3A_0, %dma_wait3A_56] : memref<10112x16xf32, #tpu.memory_space<vmem_shared>> -> memref<632x16xf32, #tpu.memory_space<vmem_shared>>
      tpu.wait_dma2 semaphore(%run_scoped3A : memref<!tpu.dma_semaphore, #tpu.memory_space<semaphore_mem>>) src(%dma_wait3A_57 : memref<632x16xf32, #tpu.memory_space<vmem_shared>>) dst(%dma_wait3A_55 : memref<632x16xf32, #tpu.memory_space<hbm>>)
      tpu.yield
    }) : () -> ()
    return
  }
}

#map = affine_map<(d0, d1) -> (0, 0)>
#map1 = affine_map<(d0, d1) -> (0, 0, 0)>
module attributes {stable_mosaic.version = 14 : i64} {
  func.func @hgnn_sc_pass_deg(%arg0: i32, %arg1: i32, %arg2: memref<10112x16xf32, #tpu.memory_space<hbm>>, %arg3: memref<2500x2x128xi32, #tpu.memory_space<hbm>>, %arg4: memref<2x10112x16xf32, #tpu.memory_space<hbm>>, %arg5: memref<2x10112xf32, #tpu.memory_space<hbm>>, %arg6: memref<2x10112xf32, #tpu.memory_space<hbm>>, %arg7: memref<10112x16xf32, #tpu.memory_space<vmem_shared>>, %arg8: memref<10112x16xf32, #tpu.memory_space<vmem_shared>>, %arg9: memref<10112xf32, #tpu.memory_space<vmem_shared>>, %arg10: memref<10112xf32, #tpu.memory_space<vmem_shared>>, %arg11: memref<80x128xi32, #tpu.memory_space<vmem>>, %arg12: memref<80x128xi32, #tpu.memory_space<vmem>>, %arg13: memref<128x16xf32, #tpu.memory_space<vmem>>, %arg14: memref<128x16xf32, #tpu.memory_space<vmem>>, %arg15: memref<632x16xf32, #tpu.memory_space<vmem>>, %arg16: memref<632xf32, #tpu.memory_space<vmem>>, %arg17: memref<128xf32, #tpu.memory_space<vmem>>, %arg18: memref<!tpu.dma_semaphore, #tpu.memory_space<semaphore_mem>>, %arg19: memref<!tpu.dma_semaphore, #tpu.memory_space<semaphore_mem>>, %arg20: memref<!tpu.dma_semaphore, #tpu.memory_space<semaphore_mem>>, %arg21: memref<!tpu.dma_semaphore, #tpu.memory_space<semaphore_mem>>) attributes {dimension_semantics = [#tpu.dimension_semantics<core_parallel>, #tpu.dimension_semantics<subcore_parallel>], iteration_bounds = array<i64: 2, 16>, scalar_prefetch = 0 : i64, scratch_operands = 15 : i64, tpu.core_type = #tpu.core_type<sc_vector_subcore>, window_params = [{transform_indices = #map}, {transform_indices = #map1}, {transform_indices = #map1}, {transform_indices = #map}, {transform_indices = #map}]} {
    %mul3A = arith.constant 632 : i32
    %mul3A_0 = arith.muli %arg1, %mul3A : i32
    %mul3A_1 = arith.constant 16 : i32
    %mul3A_2 = arith.muli %arg0, %mul3A_1 : i32
    %add3A = arith.addi %mul3A_2, %arg1 : i32
    %mul3A_3 = arith.constant 80 : i32
    %mul3A_4 = arith.muli %add3A, %mul3A_3 : i32
    %lt3A = arith.constant 31 : i32
    %lt3A_5 = arith.cmpi slt, %add3A, %lt3A : i32
    %convert_element_type3A = arith.extui %lt3A_5 : i1 to i32
    %cond3A = arith.constant 0 : i32
    %cond3A_6 = arith.cmpi ne, %convert_element_type3A, %cond3A : i32
    scf.if %cond3A_6 {
      %dma_start3A_242 = arith.constant 0 : i32
      %dma_start3A_243 = arith.constant 0 : i32
      %dma_start3A_244 = tpu.memref_slice %arg3[%mul3A_4, %dma_start3A_242, %dma_start3A_243] : memref<2500x2x128xi32, #tpu.memory_space<hbm>> -> memref<80x1x128xi32, #tpu.memory_space<hbm>>
      %dma_start3A_245 = tpu.memref_squeeze %dma_start3A_244 : memref<80x1x128xi32, #tpu.memory_space<hbm>> -> memref<80x128xi32, #tpu.memory_space<hbm>>
      %dma_start3A_246 = arith.constant 0 : i32
      %dma_start3A_247 = tpu.memref_slice %arg3[%mul3A_4, %dma_start3A_242, %dma_start3A_246] : memref<2500x2x128xi32, #tpu.memory_space<hbm>> -> memref<80x1x128xi32, #tpu.memory_space<hbm>>
      %dma_start3A_248 = tpu.memref_squeeze %dma_start3A_247 : memref<80x1x128xi32, #tpu.memory_space<hbm>> -> memref<80x128xi32, #tpu.memory_space<hbm>>
      tpu.enqueue_dma source(%dma_start3A_248 : memref<80x128xi32, #tpu.memory_space<hbm>>) target(%arg11 : memref<80x128xi32, #tpu.memory_space<vmem>>) target_semaphore(%arg18 : memref<!tpu.dma_semaphore, #tpu.memory_space<semaphore_mem>>)
      %dma_start3A_249 = arith.constant 1 : i32
      %dma_start3A_250 = arith.constant 0 : i32
      %dma_start3A_251 = tpu.memref_slice %arg3[%mul3A_4, %dma_start3A_249, %dma_start3A_250] : memref<2500x2x128xi32, #tpu.memory_space<hbm>> -> memref<80x1x128xi32, #tpu.memory_space<hbm>>
      %dma_start3A_252 = tpu.memref_squeeze %dma_start3A_251 : memref<80x1x128xi32, #tpu.memory_space<hbm>> -> memref<80x128xi32, #tpu.memory_space<hbm>>
      %dma_start3A_253 = arith.constant 0 : i32
      %dma_start3A_254 = tpu.memref_slice %arg3[%mul3A_4, %dma_start3A_249, %dma_start3A_253] : memref<2500x2x128xi32, #tpu.memory_space<hbm>> -> memref<80x1x128xi32, #tpu.memory_space<hbm>>
      %dma_start3A_255 = tpu.memref_squeeze %dma_start3A_254 : memref<80x1x128xi32, #tpu.memory_space<hbm>> -> memref<80x128xi32, #tpu.memory_space<hbm>>
      tpu.enqueue_dma source(%dma_start3A_255 : memref<80x128xi32, #tpu.memory_space<hbm>>) target(%arg12 : memref<80x128xi32, #tpu.memory_space<vmem>>) target_semaphore(%arg19 : memref<!tpu.dma_semaphore, #tpu.memory_space<semaphore_mem>>)
    } else {
    }
    %eq3A = arith.constant 31 : i32
    %eq3A_7 = arith.cmpi eq, %add3A, %eq3A : i32
    %convert_element_type3A_8 = arith.extui %eq3A_7 : i1 to i32
    %cond3A_9 = arith.constant 0 : i32
    %cond3A_10 = arith.cmpi ne, %convert_element_type3A_8, %cond3A_9 : i32
    scf.if %cond3A_10 {
      %dma_start3A_242 = arith.constant 0 : i32
      %dma_start3A_243 = arith.constant 0 : i32
      %dma_start3A_244 = arith.constant 0 : i32
      %dma_start3A_245 = tpu.memref_slice %arg11[%dma_start3A_243, %dma_start3A_244] : memref<80x128xi32, #tpu.memory_space<vmem>> -> memref<20x128xi32, #tpu.memory_space<vmem>>
      %dma_start3A_246 = arith.constant 2480 : i32
      %dma_start3A_247 = arith.constant 0 : i32
      %dma_start3A_248 = tpu.memref_slice %arg3[%dma_start3A_246, %dma_start3A_242, %dma_start3A_247] : memref<2500x2x128xi32, #tpu.memory_space<hbm>> -> memref<20x1x128xi32, #tpu.memory_space<hbm>>
      %dma_start3A_249 = tpu.memref_squeeze %dma_start3A_248 : memref<20x1x128xi32, #tpu.memory_space<hbm>> -> memref<20x128xi32, #tpu.memory_space<hbm>>
      %dma_start3A_250 = arith.constant 0 : i32
      %dma_start3A_251 = arith.constant 0 : i32
      %dma_start3A_252 = tpu.memref_slice %arg11[%dma_start3A_250, %dma_start3A_251] : memref<80x128xi32, #tpu.memory_space<vmem>> -> memref<20x128xi32, #tpu.memory_space<vmem>>
      %dma_start3A_253 = arith.constant 2480 : i32
      %dma_start3A_254 = arith.constant 0 : i32
      %dma_start3A_255 = tpu.memref_slice %arg3[%dma_start3A_253, %dma_start3A_242, %dma_start3A_254] : memref<2500x2x128xi32, #tpu.memory_space<hbm>> -> memref<20x1x128xi32, #tpu.memory_space<hbm>>
      %dma_start3A_256 = tpu.memref_squeeze %dma_start3A_255 : memref<20x1x128xi32, #tpu.memory_space<hbm>> -> memref<20x128xi32, #tpu.memory_space<hbm>>
      tpu.enqueue_dma source(%dma_start3A_256 : memref<20x128xi32, #tpu.memory_space<hbm>>) target(%dma_start3A_252 : memref<20x128xi32, #tpu.memory_space<vmem>>) target_semaphore(%arg18 : memref<!tpu.dma_semaphore, #tpu.memory_space<semaphore_mem>>)
      %dma_start3A_257 = arith.constant 1 : i32
      %dma_start3A_258 = arith.constant 0 : i32
      %dma_start3A_259 = arith.constant 0 : i32
      %dma_start3A_260 = tpu.memref_slice %arg12[%dma_start3A_258, %dma_start3A_259] : memref<80x128xi32, #tpu.memory_space<vmem>> -> memref<20x128xi32, #tpu.memory_space<vmem>>
      %dma_start3A_261 = arith.constant 2480 : i32
      %dma_start3A_262 = arith.constant 0 : i32
      %dma_start3A_263 = tpu.memref_slice %arg3[%dma_start3A_261, %dma_start3A_257, %dma_start3A_262] : memref<2500x2x128xi32, #tpu.memory_space<hbm>> -> memref<20x1x128xi32, #tpu.memory_space<hbm>>
      %dma_start3A_264 = tpu.memref_squeeze %dma_start3A_263 : memref<20x1x128xi32, #tpu.memory_space<hbm>> -> memref<20x128xi32, #tpu.memory_space<hbm>>
      %dma_start3A_265 = arith.constant 0 : i32
      %dma_start3A_266 = arith.constant 0 : i32
      %dma_start3A_267 = tpu.memref_slice %arg12[%dma_start3A_265, %dma_start3A_266] : memref<80x128xi32, #tpu.memory_space<vmem>> -> memref<20x128xi32, #tpu.memory_space<vmem>>
      %dma_start3A_268 = arith.constant 2480 : i32
      %dma_start3A_269 = arith.constant 0 : i32
      %dma_start3A_270 = tpu.memref_slice %arg3[%dma_start3A_268, %dma_start3A_257, %dma_start3A_269] : memref<2500x2x128xi32, #tpu.memory_space<hbm>> -> memref<20x1x128xi32, #tpu.memory_space<hbm>>
      %dma_start3A_271 = tpu.memref_squeeze %dma_start3A_270 : memref<20x1x128xi32, #tpu.memory_space<hbm>> -> memref<20x128xi32, #tpu.memory_space<hbm>>
      tpu.enqueue_dma source(%dma_start3A_271 : memref<20x128xi32, #tpu.memory_space<hbm>>) target(%dma_start3A_267 : memref<20x128xi32, #tpu.memory_space<vmem>>) target_semaphore(%arg19 : memref<!tpu.dma_semaphore, #tpu.memory_space<semaphore_mem>>)
      %iota3A = tpu.iota {dimensions = array<i32: 0>} : vector<16xi32>
      %scan3A_272 = arith.constant 0 : i32
      %scan3A_273 = arith.constant 20 : i32
      %scan3A_274 = arith.constant 60 : i32
      %scan3A_275 = arith.addi %scan3A_273, %scan3A_274 : i32
      %scan3A_276 = arith.constant 1 : i32
      %scan3A_277 = scf.for %scan3A_279 = %scan3A_273 to %scan3A_275 step %scan3A_276 iter_args(%scan3A_280 = %scan3A_272) -> (i32)  : i32 {
        %mul3A_281 = arith.constant 128 : i32
        %mul3A_282 = arith.muli %scan3A_279, %mul3A_281 : i32
        %add3A_283 = arith.constant 0 : i32
        %add3A_284 = arith.addi %mul3A_282, %add3A_283 : i32
        %add3A_285 = vector.broadcast %add3A_284 : i32 to vector<16xi32>
        %add3A_286 = arith.addi %add3A_285, %iota3A : vector<16xi32>
        %jit3A = arith.constant 112 : i32
        %eq3A_287 = arith.constant 0 : i32
        %eq3A_288 = arith.cmpi eq, %jit3A, %eq3A_287 : i32
        %jit3A_289 = arith.constant 1 : i32
        %select_n3A = arith.select %eq3A_288, %jit3A_289, %jit3A : i32
        %rem3A = vector.broadcast %select_n3A : i32 to vector<16xi32>
        %rem3A_290 = arith.remsi %add3A_286, %rem3A : vector<16xi32>
        %ne3A = arith.constant 0 : i32
        %ne3A_291 = vector.broadcast %ne3A : i32 to vector<16xi32>
        %ne3A_292 = arith.cmpi ne, %rem3A_290, %ne3A_291 : vector<16xi32>
        %lt3A_293 = arith.constant 0 : i32
        %lt3A_294 = vector.broadcast %lt3A_293 : i32 to vector<16xi32>
        %lt3A_295 = arith.cmpi slt, %rem3A_290, %lt3A_294 : vector<16xi32>
        %lt3A_296 = arith.constant 0 : i32
        %lt3A_297 = arith.cmpi slt, %select_n3A, %lt3A_296 : i32
        %ne3A_298 = vector.broadcast %lt3A_297 : i1 to vector<16xi1>
        %ne3A_299 = vector.broadcast %ne3A_298 : vector<16xi1> to vector<16xi1>
        %ne3A_300 = arith.xori %lt3A_295, %ne3A_299 : vector<16xi1>
        %and3A = arith.andi %ne3A_300, %ne3A_292 : vector<16xi1>
        %add3A_301 = vector.broadcast %select_n3A : i32 to vector<16xi32>
        %add3A_302 = arith.addi %rem3A_290, %add3A_301 : vector<16xi32>
        %select_n3A_303 = arith.select %and3A, %add3A_302, %rem3A_290 : vector<16xi1>, vector<16xi32>
        %add3A_304 = arith.constant 10000 : i32
        %add3A_305 = vector.broadcast %add3A_304 : i32 to vector<16xi32>
        %add3A_306 = arith.addi %add3A_305, %select_n3A_303 : vector<16xi32>
        %swap3A_307 = arith.index_cast %scan3A_279 : i32 to index
        %swap3A_308 = arith.constant 0 : index
        %swap3A_309 = tpu.vector_load %arg11[%swap3A_307, %swap3A_308] {strides = array<i32>} : memref<80x128xi32, #tpu.memory_space<vmem>>, vector<1x16xi32>,
        %swap3A_310 = vector.shape_cast %swap3A_309 : vector<1x16xi32> to vector<16xi32>
        %swap3A_311 = vector.shape_cast %add3A_306 : vector<16xi32> to vector<1x16xi32>
        tpu.vector_store %arg11[%swap3A_307, %swap3A_308], %swap3A_311 {strides = array<i32>} : memref<80x128xi32, #tpu.memory_space<vmem>>, vector<1x16xi32>,
        %swap3A_312 = arith.index_cast %scan3A_279 : i32 to index
        %swap3A_313 = arith.constant 0 : index
        %swap3A_314 = tpu.vector_load %arg12[%swap3A_312, %swap3A_313] {strides = array<i32>} : memref<80x128xi32, #tpu.memory_space<vmem>>, vector<1x16xi32>,
        %swap3A_315 = vector.shape_cast %swap3A_314 : vector<1x16xi32> to vector<16xi32>
        %swap3A_316 = vector.shape_cast %add3A_306 : vector<16xi32> to vector<1x16xi32>
        tpu.vector_store %arg12[%swap3A_312, %swap3A_313], %swap3A_316 {strides = array<i32>} : memref<80x128xi32, #tpu.memory_space<vmem>>, vector<1x16xi32>,
        %mul3A_317 = arith.constant 128 : i32
        %mul3A_318 = arith.muli %scan3A_279, %mul3A_317 : i32
        %add3A_319 = arith.constant 16 : i32
        %add3A_320 = arith.addi %mul3A_318, %add3A_319 : i32
        %add3A_321 = vector.broadcast %add3A_320 : i32 to vector<16xi32>
        %add3A_322 = arith.addi %add3A_321, %iota3A : vector<16xi32>
        %jit3A_323 = arith.constant 112 : i32
        %eq3A_324 = arith.constant 0 : i32
        %eq3A_325 = arith.cmpi eq, %jit3A_323, %eq3A_324 : i32
        %jit3A_326 = arith.constant 1 : i32
        %select_n3A_327 = arith.select %eq3A_325, %jit3A_326, %jit3A_323 : i32
        %rem3A_328 = vector.broadcast %select_n3A_327 : i32 to vector<16xi32>
        %rem3A_329 = arith.remsi %add3A_322, %rem3A_328 : vector<16xi32>
        %ne3A_330 = arith.constant 0 : i32
        %ne3A_331 = vector.broadcast %ne3A_330 : i32 to vector<16xi32>
        %ne3A_332 = arith.cmpi ne, %rem3A_329, %ne3A_331 : vector<16xi32>
        %lt3A_333 = arith.constant 0 : i32
        %lt3A_334 = vector.broadcast %lt3A_333 : i32 to vector<16xi32>
        %lt3A_335 = arith.cmpi slt, %rem3A_329, %lt3A_334 : vector<16xi32>
        %lt3A_336 = arith.constant 0 : i32
        %lt3A_337 = arith.cmpi slt, %select_n3A_327, %lt3A_336 : i32
        %ne3A_338 = vector.broadcast %lt3A_337 : i1 to vector<16xi1>
        %ne3A_339 = vector.broadcast %ne3A_338 : vector<16xi1> to vector<16xi1>
        %ne3A_340 = arith.xori %lt3A_335, %ne3A_339 : vector<16xi1>
        %and3A_341 = arith.andi %ne3A_340, %ne3A_332 : vector<16xi1>
        %add3A_342 = vector.broadcast %select_n3A_327 : i32 to vector<16xi32>
        %add3A_343 = arith.addi %rem3A_329, %add3A_342 : vector<16xi32>
        %select_n3A_344 = arith.select %and3A_341, %add3A_343, %rem3A_329 : vector<16xi1>, vector<16xi32>
        %add3A_345 = arith.constant 10000 : i32
        %add3A_346 = vector.broadcast %add3A_345 : i32 to vector<16xi32>
        %add3A_347 = arith.addi %add3A_346, %select_n3A_344 : vector<16xi32>
        %swap3A_348 = arith.index_cast %scan3A_279 : i32 to index
        %swap3A_349 = arith.constant 16 : index
        %swap3A_350 = tpu.vector_load %arg11[%swap3A_348, %swap3A_349] {strides = array<i32>} : memref<80x128xi32, #tpu.memory_space<vmem>>, vector<1x16xi32>,
        %swap3A_351 = vector.shape_cast %swap3A_350 : vector<1x16xi32> to vector<16xi32>
        %swap3A_352 = vector.shape_cast %add3A_347 : vector<16xi32> to vector<1x16xi32>
        tpu.vector_store %arg11[%swap3A_348, %swap3A_349], %swap3A_352 {strides = array<i32>} : memref<80x128xi32, #tpu.memory_space<vmem>>, vector<1x16xi32>,
        %swap3A_353 = arith.index_cast %scan3A_279 : i32 to index
        %swap3A_354 = arith.constant 16 : index
        %swap3A_355 = tpu.vector_load %arg12[%swap3A_353, %swap3A_354] {strides = array<i32>} : memref<80x128xi32, #tpu.memory_space<vmem>>, vector<1x16xi32>,
        %swap3A_356 = vector.shape_cast %swap3A_355 : vector<1x16xi32> to vector<16xi32>
        %swap3A_357 = vector.shape_cast %add3A_347 : vector<16xi32> to vector<1x16xi32>
        tpu.vector_store %arg12[%swap3A_353, %swap3A_354], %swap3A_357 {strides = array<i32>} : memref<80x128xi32, #tpu.memory_space<vmem>>, vector<1x16xi32>,
        %mul3A_358 = arith.constant 128 : i32
        %mul3A_359 = arith.muli %scan3A_279, %mul3A_358 : i32
        %add3A_360 = arith.constant 32 : i32
        %add3A_361 = arith.addi %mul3A_359, %add3A_360 : i32
        %add3A_362 = vector.broadcast %add3A_361 : i32 to vector<16xi32>
        %add3A_363 = arith.addi %add3A_362, %iota3A : vector<16xi32>
        %jit3A_364 = arith.constant 112 : i32
        %eq3A_365 = arith.constant 0 : i32
        %eq3A_366 = arith.cmpi eq, %jit3A_364, %eq3A_365 : i32
        %jit3A_367 = arith.constant 1 : i32
        %select_n3A_368 = arith.select %eq3A_366, %jit3A_367, %jit3A_364 : i32
        %rem3A_369 = vector.broadcast %select_n3A_368 : i32 to vector<16xi32>
        %rem3A_370 = arith.remsi %add3A_363, %rem3A_369 : vector<16xi32>
        %ne3A_371 = arith.constant 0 : i32
        %ne3A_372 = vector.broadcast %ne3A_371 : i32 to vector<16xi32>
        %ne3A_373 = arith.cmpi ne, %rem3A_370, %ne3A_372 : vector<16xi32>
        %lt3A_374 = arith.constant 0 : i32
        %lt3A_375 = vector.broadcast %lt3A_374 : i32 to vector<16xi32>
        %lt3A_376 = arith.cmpi slt, %rem3A_370, %lt3A_375 : vector<16xi32>
        %lt3A_377 = arith.constant 0 : i32
        %lt3A_378 = arith.cmpi slt, %select_n3A_368, %lt3A_377 : i32
        %ne3A_379 = vector.broadcast %lt3A_378 : i1 to vector<16xi1>
        %ne3A_380 = vector.broadcast %ne3A_379 : vector<16xi1> to vector<16xi1>
        %ne3A_381 = arith.xori %lt3A_376, %ne3A_380 : vector<16xi1>
        %and3A_382 = arith.andi %ne3A_381, %ne3A_373 : vector<16xi1>
        %add3A_383 = vector.broadcast %select_n3A_368 : i32 to vector<16xi32>
        %add3A_384 = arith.addi %rem3A_370, %add3A_383 : vector<16xi32>
        %select_n3A_385 = arith.select %and3A_382, %add3A_384, %rem3A_370 : vector<16xi1>, vector<16xi32>
        %add3A_386 = arith.constant 10000 : i32
        %add3A_387 = vector.broadcast %add3A_386 : i32 to vector<16xi32>
        %add3A_388 = arith.addi %add3A_387, %select_n3A_385 : vector<16xi32>
        %swap3A_389 = arith.index_cast %scan3A_279 : i32 to index
        %swap3A_390 = arith.constant 32 : index
        %swap3A_391 = tpu.vector_load %arg11[%swap3A_389, %swap3A_390] {strides = array<i32>} : memref<80x128xi32, #tpu.memory_space<vmem>>, vector<1x16xi32>,
        %swap3A_392 = vector.shape_cast %swap3A_391 : vector<1x16xi32> to vector<16xi32>
        %swap3A_393 = vector.shape_cast %add3A_388 : vector<16xi32> to vector<1x16xi32>
        tpu.vector_store %arg11[%swap3A_389, %swap3A_390], %swap3A_393 {strides = array<i32>} : memref<80x128xi32, #tpu.memory_space<vmem>>, vector<1x16xi32>,
        %swap3A_394 = arith.index_cast %scan3A_279 : i32 to index
        %swap3A_395 = arith.constant 32 : index
        %swap3A_396 = tpu.vector_load %arg12[%swap3A_394, %swap3A_395] {strides = array<i32>} : memref<80x128xi32, #tpu.memory_space<vmem>>, vector<1x16xi32>,
        %swap3A_397 = vector.shape_cast %swap3A_396 : vector<1x16xi32> to vector<16xi32>
        %swap3A_398 = vector.shape_cast %add3A_388 : vector<16xi32> to vector<1x16xi32>
        tpu.vector_store %arg12[%swap3A_394, %swap3A_395], %swap3A_398 {strides = array<i32>} : memref<80x128xi32, #tpu.memory_space<vmem>>, vector<1x16xi32>,
        %mul3A_399 = arith.constant 128 : i32
        %mul3A_400 = arith.muli %scan3A_279, %mul3A_399 : i32
        %add3A_401 = arith.constant 48 : i32
        %add3A_402 = arith.addi %mul3A_400, %add3A_401 : i32
        %add3A_403 = vector.broadcast %add3A_402 : i32 to vector<16xi32>
        %add3A_404 = arith.addi %add3A_403, %iota3A : vector<16xi32>
        %jit3A_405 = arith.constant 112 : i32
        %eq3A_406 = arith.constant 0 : i32
        %eq3A_407 = arith.cmpi eq, %jit3A_405, %eq3A_406 : i32
        %jit3A_408 = arith.constant 1 : i32
        %select_n3A_409 = arith.select %eq3A_407, %jit3A_408, %jit3A_405 : i32
        %rem3A_410 = vector.broadcast %select_n3A_409 : i32 to vector<16xi32>
        %rem3A_411 = arith.remsi %add3A_404, %rem3A_410 : vector<16xi32>
        %ne3A_412 = arith.constant 0 : i32
        %ne3A_413 = vector.broadcast %ne3A_412 : i32 to vector<16xi32>
        %ne3A_414 = arith.cmpi ne, %rem3A_411, %ne3A_413 : vector<16xi32>
        %lt3A_415 = arith.constant 0 : i32
        %lt3A_416 = vector.broadcast %lt3A_415 : i32 to vector<16xi32>
        %lt3A_417 = arith.cmpi slt, %rem3A_411, %lt3A_416 : vector<16xi32>
        %lt3A_418 = arith.constant 0 : i32
        %lt3A_419 = arith.cmpi slt, %select_n3A_409, %lt3A_418 : i32
        %ne3A_420 = vector.broadcast %lt3A_419 : i1 to vector<16xi1>
        %ne3A_421 = vector.broadcast %ne3A_420 : vector<16xi1> to vector<16xi1>
        %ne3A_422 = arith.xori %lt3A_417, %ne3A_421 : vector<16xi1>
        %and3A_423 = arith.andi %ne3A_422, %ne3A_414 : vector<16xi1>
        %add3A_424 = vector.broadcast %select_n3A_409 : i32 to vector<16xi32>
        %add3A_425 = arith.addi %rem3A_411, %add3A_424 : vector<16xi32>
        %select_n3A_426 = arith.select %and3A_423, %add3A_425, %rem3A_411 : vector<16xi1>, vector<16xi32>
        %add3A_427 = arith.constant 10000 : i32
        %add3A_428 = vector.broadcast %add3A_427 : i32 to vector<16xi32>
        %add3A_429 = arith.addi %add3A_428, %select_n3A_426 : vector<16xi32>
        %swap3A_430 = arith.index_cast %scan3A_279 : i32 to index
        %swap3A_431 = arith.constant 48 : index
        %swap3A_432 = tpu.vector_load %arg11[%swap3A_430, %swap3A_431] {strides = array<i32>} : memref<80x128xi32, #tpu.memory_space<vmem>>, vector<1x16xi32>,
        %swap3A_433 = vector.shape_cast %swap3A_432 : vector<1x16xi32> to vector<16xi32>
        %swap3A_434 = vector.shape_cast %add3A_429 : vector<16xi32> to vector<1x16xi32>
        tpu.vector_store %arg11[%swap3A_430, %swap3A_431], %swap3A_434 {strides = array<i32>} : memref<80x128xi32, #tpu.memory_space<vmem>>, vector<1x16xi32>,
        %swap3A_435 = arith.index_cast %scan3A_279 : i32 to index
        %swap3A_436 = arith.constant 48 : index
        %swap3A_437 = tpu.vector_load %arg12[%swap3A_435, %swap3A_436] {strides = array<i32>} : memref<80x128xi32, #tpu.memory_space<vmem>>, vector<1x16xi32>,
        %swap3A_438 = vector.shape_cast %swap3A_437 : vector<1x16xi32> to vector<16xi32>
        %swap3A_439 = vector.shape_cast %add3A_429 : vector<16xi32> to vector<1x16xi32>
        tpu.vector_store %arg12[%swap3A_435, %swap3A_436], %swap3A_439 {strides = array<i32>} : memref<80x128xi32, #tpu.memory_space<vmem>>, vector<1x16xi32>,
        %mul3A_440 = arith.constant 128 : i32
        %mul3A_441 = arith.muli %scan3A_279, %mul3A_440 : i32
        %add3A_442 = arith.constant 64 : i32
        %add3A_443 = arith.addi %mul3A_441, %add3A_442 : i32
        %add3A_444 = vector.broadcast %add3A_443 : i32 to vector<16xi32>
        %add3A_445 = arith.addi %add3A_444, %iota3A : vector<16xi32>
        %jit3A_446 = arith.constant 112 : i32
        %eq3A_447 = arith.constant 0 : i32
        %eq3A_448 = arith.cmpi eq, %jit3A_446, %eq3A_447 : i32
        %jit3A_449 = arith.constant 1 : i32
        %select_n3A_450 = arith.select %eq3A_448, %jit3A_449, %jit3A_446 : i32
        %rem3A_451 = vector.broadcast %select_n3A_450 : i32 to vector<16xi32>
        %rem3A_452 = arith.remsi %add3A_445, %rem3A_451 : vector<16xi32>
        %ne3A_453 = arith.constant 0 : i32
        %ne3A_454 = vector.broadcast %ne3A_453 : i32 to vector<16xi32>
        %ne3A_455 = arith.cmpi ne, %rem3A_452, %ne3A_454 : vector<16xi32>
        %lt3A_456 = arith.constant 0 : i32
        %lt3A_457 = vector.broadcast %lt3A_456 : i32 to vector<16xi32>
        %lt3A_458 = arith.cmpi slt, %rem3A_452, %lt3A_457 : vector<16xi32>
        %lt3A_459 = arith.constant 0 : i32
        %lt3A_460 = arith.cmpi slt, %select_n3A_450, %lt3A_459 : i32
        %ne3A_461 = vector.broadcast %lt3A_460 : i1 to vector<16xi1>
        %ne3A_462 = vector.broadcast %ne3A_461 : vector<16xi1> to vector<16xi1>
        %ne3A_463 = arith.xori %lt3A_458, %ne3A_462 : vector<16xi1>
        %and3A_464 = arith.andi %ne3A_463, %ne3A_455 : vector<16xi1>
        %add3A_465 = vector.broadcast %select_n3A_450 : i32 to vector<16xi32>
        %add3A_466 = arith.addi %rem3A_452, %add3A_465 : vector<16xi32>
        %select_n3A_467 = arith.select %and3A_464, %add3A_466, %rem3A_452 : vector<16xi1>, vector<16xi32>
        %add3A_468 = arith.constant 10000 : i32
        %add3A_469 = vector.broadcast %add3A_468 : i32 to vector<16xi32>
        %add3A_470 = arith.addi %add3A_469, %select_n3A_467 : vector<16xi32>
        %swap3A_471 = arith.index_cast %scan3A_279 : i32 to index
        %swap3A_472 = arith.constant 64 : index
        %swap3A_473 = tpu.vector_load %arg11[%swap3A_471, %swap3A_472] {strides = array<i32>} : memref<80x128xi32, #tpu.memory_space<vmem>>, vector<1x16xi32>,
        %swap3A_474 = vector.shape_cast %swap3A_473 : vector<1x16xi32> to vector<16xi32>
        %swap3A_475 = vector.shape_cast %add3A_470 : vector<16xi32> to vector<1x16xi32>
        tpu.vector_store %arg11[%swap3A_471, %swap3A_472], %swap3A_475 {strides = array<i32>} : memref<80x128xi32, #tpu.memory_space<vmem>>, vector<1x16xi32>,
        %swap3A_476 = arith.index_cast %scan3A_279 : i32 to index
        %swap3A_477 = arith.constant 64 : index
        %swap3A_478 = tpu.vector_load %arg12[%swap3A_476, %swap3A_477] {strides = array<i32>} : memref<80x128xi32, #tpu.memory_space<vmem>>, vector<1x16xi32>,
        %swap3A_479 = vector.shape_cast %swap3A_478 : vector<1x16xi32> to vector<16xi32>
        %swap3A_480 = vector.shape_cast %add3A_470 : vector<16xi32> to vector<1x16xi32>
        tpu.vector_store %arg12[%swap3A_476, %swap3A_477], %swap3A_480 {strides = array<i32>} : memref<80x128xi32, #tpu.memory_space<vmem>>, vector<1x16xi32>,
        %mul3A_481 = arith.constant 128 : i32
        %mul3A_482 = arith.muli %scan3A_279, %mul3A_481 : i32
        %add3A_483 = arith.constant 80 : i32
        %add3A_484 = arith.addi %mul3A_482, %add3A_483 : i32
        %add3A_485 = vector.broadcast %add3A_484 : i32 to vector<16xi32>
        %add3A_486 = arith.addi %add3A_485, %iota3A : vector<16xi32>
        %jit3A_487 = arith.constant 112 : i32
        %eq3A_488 = arith.constant 0 : i32
        %eq3A_489 = arith.cmpi eq, %jit3A_487, %eq3A_488 : i32
        %jit3A_490 = arith.constant 1 : i32
        %select_n3A_491 = arith.select %eq3A_489, %jit3A_490, %jit3A_487 : i32
        %rem3A_492 = vector.broadcast %select_n3A_491 : i32 to vector<16xi32>
        %rem3A_493 = arith.remsi %add3A_486, %rem3A_492 : vector<16xi32>
        %ne3A_494 = arith.constant 0 : i32
        %ne3A_495 = vector.broadcast %ne3A_494 : i32 to vector<16xi32>
        %ne3A_496 = arith.cmpi ne, %rem3A_493, %ne3A_495 : vector<16xi32>
        %lt3A_497 = arith.constant 0 : i32
        %lt3A_498 = vector.broadcast %lt3A_497 : i32 to vector<16xi32>
        %lt3A_499 = arith.cmpi slt, %rem3A_493, %lt3A_498 : vector<16xi32>
        %lt3A_500 = arith.constant 0 : i32
        %lt3A_501 = arith.cmpi slt, %select_n3A_491, %lt3A_500 : i32
        %ne3A_502 = vector.broadcast %lt3A_501 : i1 to vector<16xi1>
        %ne3A_503 = vector.broadcast %ne3A_502 : vector<16xi1> to vector<16xi1>
        %ne3A_504 = arith.xori %lt3A_499, %ne3A_503 : vector<16xi1>
        %and3A_505 = arith.andi %ne3A_504, %ne3A_496 : vector<16xi1>
        %add3A_506 = vector.broadcast %select_n3A_491 : i32 to vector<16xi32>
        %add3A_507 = arith.addi %rem3A_493, %add3A_506 : vector<16xi32>
        %select_n3A_508 = arith.select %and3A_505, %add3A_507, %rem3A_493 : vector<16xi1>, vector<16xi32>
        %add3A_509 = arith.constant 10000 : i32
        %add3A_510 = vector.broadcast %add3A_509 : i32 to vector<16xi32>
        %add3A_511 = arith.addi %add3A_510, %select_n3A_508 : vector<16xi32>
        %swap3A_512 = arith.index_cast %scan3A_279 : i32 to index
        %swap3A_513 = arith.constant 80 : index
        %swap3A_514 = tpu.vector_load %arg11[%swap3A_512, %swap3A_513] {strides = array<i32>} : memref<80x128xi32, #tpu.memory_space<vmem>>, vector<1x16xi32>,
        %swap3A_515 = vector.shape_cast %swap3A_514 : vector<1x16xi32> to vector<16xi32>
        %swap3A_516 = vector.shape_cast %add3A_511 : vector<16xi32> to vector<1x16xi32>
        tpu.vector_store %arg11[%swap3A_512, %swap3A_513], %swap3A_516 {strides = array<i32>} : memref<80x128xi32, #tpu.memory_space<vmem>>, vector<1x16xi32>,
        %swap3A_517 = arith.index_cast %scan3A_279 : i32 to index
        %swap3A_518 = arith.constant 80 : index
        %swap3A_519 = tpu.vector_load %arg12[%swap3A_517, %swap3A_518] {strides = array<i32>} : memref<80x128xi32, #tpu.memory_space<vmem>>, vector<1x16xi32>,
        %swap3A_520 = vector.shape_cast %swap3A_519 : vector<1x16xi32> to vector<16xi32>
        %swap3A_521 = vector.shape_cast %add3A_511 : vector<16xi32> to vector<1x16xi32>
        tpu.vector_store %arg12[%swap3A_517, %swap3A_518], %swap3A_521 {strides = array<i32>} : memref<80x128xi32, #tpu.memory_space<vmem>>, vector<1x16xi32>,
        %mul3A_522 = arith.constant 128 : i32
        %mul3A_523 = arith.muli %scan3A_279, %mul3A_522 : i32
        %add3A_524 = arith.constant 96 : i32
        %add3A_525 = arith.addi %mul3A_523, %add3A_524 : i32
        %add3A_526 = vector.broadcast %add3A_525 : i32 to vector<16xi32>
        %add3A_527 = arith.addi %add3A_526, %iota3A : vector<16xi32>
        %jit3A_528 = arith.constant 112 : i32
        %eq3A_529 = arith.constant 0 : i32
        %eq3A_530 = arith.cmpi eq, %jit3A_528, %eq3A_529 : i32
        %jit3A_531 = arith.constant 1 : i32
        %select_n3A_532 = arith.select %eq3A_530, %jit3A_531, %jit3A_528 : i32
        %rem3A_533 = vector.broadcast %select_n3A_532 : i32 to vector<16xi32>
        %rem3A_534 = arith.remsi %add3A_527, %rem3A_533 : vector<16xi32>
        %ne3A_535 = arith.constant 0 : i32
        %ne3A_536 = vector.broadcast %ne3A_535 : i32 to vector<16xi32>
        %ne3A_537 = arith.cmpi ne, %rem3A_534, %ne3A_536 : vector<16xi32>
        %lt3A_538 = arith.constant 0 : i32
        %lt3A_539 = vector.broadcast %lt3A_538 : i32 to vector<16xi32>
        %lt3A_540 = arith.cmpi slt, %rem3A_534, %lt3A_539 : vector<16xi32>
        %lt3A_541 = arith.constant 0 : i32
        %lt3A_542 = arith.cmpi slt, %select_n3A_532, %lt3A_541 : i32
        %ne3A_543 = vector.broadcast %lt3A_542 : i1 to vector<16xi1>
        %ne3A_544 = vector.broadcast %ne3A_543 : vector<16xi1> to vector<16xi1>
        %ne3A_545 = arith.xori %lt3A_540, %ne3A_544 : vector<16xi1>
        %and3A_546 = arith.andi %ne3A_545, %ne3A_537 : vector<16xi1>
        %add3A_547 = vector.broadcast %select_n3A_532 : i32 to vector<16xi32>
        %add3A_548 = arith.addi %rem3A_534, %add3A_547 : vector<16xi32>
        %select_n3A_549 = arith.select %and3A_546, %add3A_548, %rem3A_534 : vector<16xi1>, vector<16xi32>
        %add3A_550 = arith.constant 10000 : i32
        %add3A_551 = vector.broadcast %add3A_550 : i32 to vector<16xi32>
        %add3A_552 = arith.addi %add3A_551, %select_n3A_549 : vector<16xi32>
        %swap3A_553 = arith.index_cast %scan3A_279 : i32 to index
        %swap3A_554 = arith.constant 96 : index
        %swap3A_555 = tpu.vector_load %arg11[%swap3A_553, %swap3A_554] {strides = array<i32>} : memref<80x128xi32, #tpu.memory_space<vmem>>, vector<1x16xi32>,
        %swap3A_556 = vector.shape_cast %swap3A_555 : vector<1x16xi32> to vector<16xi32>
        %swap3A_557 = vector.shape_cast %add3A_552 : vector<16xi32> to vector<1x16xi32>
        tpu.vector_store %arg11[%swap3A_553, %swap3A_554], %swap3A_557 {strides = array<i32>} : memref<80x128xi32, #tpu.memory_space<vmem>>, vector<1x16xi32>,
        %swap3A_558 = arith.index_cast %scan3A_279 : i32 to index
        %swap3A_559 = arith.constant 96 : index
        %swap3A_560 = tpu.vector_load %arg12[%swap3A_558, %swap3A_559] {strides = array<i32>} : memref<80x128xi32, #tpu.memory_space<vmem>>, vector<1x16xi32>,
        %swap3A_561 = vector.shape_cast %swap3A_560 : vector<1x16xi32> to vector<16xi32>
        %swap3A_562 = vector.shape_cast %add3A_552 : vector<16xi32> to vector<1x16xi32>
        tpu.vector_store %arg12[%swap3A_558, %swap3A_559], %swap3A_562 {strides = array<i32>} : memref<80x128xi32, #tpu.memory_space<vmem>>, vector<1x16xi32>,
        %mul3A_563 = arith.constant 128 : i32
        %mul3A_564 = arith.muli %scan3A_279, %mul3A_563 : i32
        %add3A_565 = arith.constant 112 : i32
        %add3A_566 = arith.addi %mul3A_564, %add3A_565 : i32
        %add3A_567 = vector.broadcast %add3A_566 : i32 to vector<16xi32>
        %add3A_568 = arith.addi %add3A_567, %iota3A : vector<16xi32>
        %jit3A_569 = arith.constant 112 : i32
        %eq3A_570 = arith.constant 0 : i32
        %eq3A_571 = arith.cmpi eq, %jit3A_569, %eq3A_570 : i32
        %jit3A_572 = arith.constant 1 : i32
        %select_n3A_573 = arith.select %eq3A_571, %jit3A_572, %jit3A_569 : i32
        %rem3A_574 = vector.broadcast %select_n3A_573 : i32 to vector<16xi32>
        %rem3A_575 = arith.remsi %add3A_568, %rem3A_574 : vector<16xi32>
        %ne3A_576 = arith.constant 0 : i32
        %ne3A_577 = vector.broadcast %ne3A_576 : i32 to vector<16xi32>
        %ne3A_578 = arith.cmpi ne, %rem3A_575, %ne3A_577 : vector<16xi32>
        %lt3A_579 = arith.constant 0 : i32
        %lt3A_580 = vector.broadcast %lt3A_579 : i32 to vector<16xi32>
        %lt3A_581 = arith.cmpi slt, %rem3A_575, %lt3A_580 : vector<16xi32>
        %lt3A_582 = arith.constant 0 : i32
        %lt3A_583 = arith.cmpi slt, %select_n3A_573, %lt3A_582 : i32
        %ne3A_584 = vector.broadcast %lt3A_583 : i1 to vector<16xi1>
        %ne3A_585 = vector.broadcast %ne3A_584 : vector<16xi1> to vector<16xi1>
        %ne3A_586 = arith.xori %lt3A_581, %ne3A_585 : vector<16xi1>
        %and3A_587 = arith.andi %ne3A_586, %ne3A_578 : vector<16xi1>
        %add3A_588 = vector.broadcast %select_n3A_573 : i32 to vector<16xi32>
        %add3A_589 = arith.addi %rem3A_575, %add3A_588 : vector<16xi32>
        %select_n3A_590 = arith.select %and3A_587, %add3A_589, %rem3A_575 : vector<16xi1>, vector<16xi32>
        %add3A_591 = arith.constant 10000 : i32
        %add3A_592 = vector.broadcast %add3A_591 : i32 to vector<16xi32>
        %add3A_593 = arith.addi %add3A_592, %select_n3A_590 : vector<16xi32>
        %swap3A_594 = arith.index_cast %scan3A_279 : i32 to index
        %swap3A_595 = arith.constant 112 : index
        %swap3A_596 = tpu.vector_load %arg11[%swap3A_594, %swap3A_595] {strides = array<i32>} : memref<80x128xi32, #tpu.memory_space<vmem>>, vector<1x16xi32>,
        %swap3A_597 = vector.shape_cast %swap3A_596 : vector<1x16xi32> to vector<16xi32>
        %swap3A_598 = vector.shape_cast %add3A_593 : vector<16xi32> to vector<1x16xi32>
        tpu.vector_store %arg11[%swap3A_594, %swap3A_595], %swap3A_598 {strides = array<i32>} : memref<80x128xi32, #tpu.memory_space<vmem>>, vector<1x16xi32>,
        %swap3A_599 = arith.index_cast %scan3A_279 : i32 to index
        %swap3A_600 = arith.constant 112 : index
        %swap3A_601 = tpu.vector_load %arg12[%swap3A_599, %swap3A_600] {strides = array<i32>} : memref<80x128xi32, #tpu.memory_space<vmem>>, vector<1x16xi32>,
        %swap3A_602 = vector.shape_cast %swap3A_601 : vector<1x16xi32> to vector<16xi32>
        %swap3A_603 = vector.shape_cast %add3A_593 : vector<16xi32> to vector<1x16xi32>
        tpu.vector_store %arg12[%swap3A_599, %swap3A_600], %swap3A_603 {strides = array<i32>} : memref<80x128xi32, #tpu.memory_space<vmem>>, vector<1x16xi32>,
        %scan3A_604 = arith.constant 0 : i32
        scf.yield %scan3A_604 : i32
      }
      %scan3A_278 = arith.constant 60 : i32
    } else {
    }
    %dma_start3A = arith.constant 0 : i32
    %dma_start3A_11 = tpu.memref_slice %arg7[%mul3A_0, %dma_start3A] : memref<10112x16xf32, #tpu.memory_space<vmem_shared>> -> memref<632x16xf32, #tpu.memory_space<vmem_shared>>
    %dma_start3A_12 = arith.constant 0 : i32
    %dma_start3A_13 = tpu.memref_slice %arg2[%mul3A_0, %dma_start3A_12] : memref<10112x16xf32, #tpu.memory_space<hbm>> -> memref<632x16xf32, #tpu.memory_space<hbm>>
    tpu.enqueue_dma source(%dma_start3A_13 : memref<632x16xf32, #tpu.memory_space<hbm>>) target(%dma_start3A_11 : memref<632x16xf32, #tpu.memory_space<vmem_shared>>) target_semaphore(%arg20 : memref<!tpu.dma_semaphore, #tpu.memory_space<semaphore_mem>>)
    %scan3A = arith.constant 0 : i32
    %scan3A_14 = arith.constant 0 : i32
    %scan3A_15 = arith.constant 632 : i32
    %scan3A_16 = arith.addi %scan3A_14, %scan3A_15 : i32
    %scan3A_17 = arith.constant 8 : i32
    %scan3A_18 = scf.for %scan3A_242 = %scan3A_14 to %scan3A_16 step %scan3A_17 iter_args(%scan3A_243 = %scan3A) -> (i32)  : i32 {
      %broadcast_in_dim3A_244 = arith.constant 0.000000e+00 : f32
      %broadcast_in_dim3A_245 = vector.broadcast %broadcast_in_dim3A_244 : f32 to vector<16xf32>
      %swap3A_246 = arith.index_cast %scan3A_242 : i32 to index
      %swap3A_247 = arith.constant 0 : index
      %swap3A_248 = tpu.vector_load %arg15[%swap3A_246, %swap3A_247] {strides = array<i32>} : memref<632x16xf32, #tpu.memory_space<vmem>>, vector<1x16xf32>,
      %swap3A_249 = vector.shape_cast %swap3A_248 : vector<1x16xf32> to vector<16xf32>
      %swap3A_250 = vector.shape_cast %broadcast_in_dim3A_245 : vector<16xf32> to vector<1x16xf32>
      tpu.vector_store %arg15[%swap3A_246, %swap3A_247], %swap3A_250 {strides = array<i32>} : memref<632x16xf32, #tpu.memory_space<vmem>>, vector<1x16xf32>,
      %scan3A_251 = arith.constant 0 : i32
      %scan3A_252 = arith.constant 1 : i32
      %scan3A_253 = arith.addi %scan3A_242, %scan3A_252 : i32
      %broadcast_in_dim3A_254 = arith.constant 0.000000e+00 : f32
      %broadcast_in_dim3A_255 = vector.broadcast %broadcast_in_dim3A_254 : f32 to vector<16xf32>
      %swap3A_256 = arith.index_cast %scan3A_253 : i32 to index
      %swap3A_257 = arith.constant 0 : index
      %swap3A_258 = tpu.vector_load %arg15[%swap3A_256, %swap3A_257] {strides = array<i32>} : memref<632x16xf32, #tpu.memory_space<vmem>>, vector<1x16xf32>,
      %swap3A_259 = vector.shape_cast %swap3A_258 : vector<1x16xf32> to vector<16xf32>
      %swap3A_260 = vector.shape_cast %broadcast_in_dim3A_255 : vector<16xf32> to vector<1x16xf32>
      tpu.vector_store %arg15[%swap3A_256, %swap3A_257], %swap3A_260 {strides = array<i32>} : memref<632x16xf32, #tpu.memory_space<vmem>>, vector<1x16xf32>,
      %scan3A_261 = arith.constant 0 : i32
      %scan3A_262 = arith.constant 2 : i32
      %scan3A_263 = arith.addi %scan3A_242, %scan3A_262 : i32
      %broadcast_in_dim3A_264 = arith.constant 0.000000e+00 : f32
      %broadcast_in_dim3A_265 = vector.broadcast %broadcast_in_dim3A_264 : f32 to vector<16xf32>
      %swap3A_266 = arith.index_cast %scan3A_263 : i32 to index
      %swap3A_267 = arith.constant 0 : index
      %swap3A_268 = tpu.vector_load %arg15[%swap3A_266, %swap3A_267] {strides = array<i32>} : memref<632x16xf32, #tpu.memory_space<vmem>>, vector<1x16xf32>,
      %swap3A_269 = vector.shape_cast %swap3A_268 : vector<1x16xf32> to vector<16xf32>
      %swap3A_270 = vector.shape_cast %broadcast_in_dim3A_265 : vector<16xf32> to vector<1x16xf32>
      tpu.vector_store %arg15[%swap3A_266, %swap3A_267], %swap3A_270 {strides = array<i32>} : memref<632x16xf32, #tpu.memory_space<vmem>>, vector<1x16xf32>,
      %scan3A_271 = arith.constant 0 : i32
      %scan3A_272 = arith.constant 3 : i32
      %scan3A_273 = arith.addi %scan3A_242, %scan3A_272 : i32
      %broadcast_in_dim3A_274 = arith.constant 0.000000e+00 : f32
      %broadcast_in_dim3A_275 = vector.broadcast %broadcast_in_dim3A_274 : f32 to vector<16xf32>
      %swap3A_276 = arith.index_cast %scan3A_273 : i32 to index
      %swap3A_277 = arith.constant 0 : index
      %swap3A_278 = tpu.vector_load %arg15[%swap3A_276, %swap3A_277] {strides = array<i32>} : memref<632x16xf32, #tpu.memory_space<vmem>>, vector<1x16xf32>,
      %swap3A_279 = vector.shape_cast %swap3A_278 : vector<1x16xf32> to vector<16xf32>
      %swap3A_280 = vector.shape_cast %broadcast_in_dim3A_275 : vector<16xf32> to vector<1x16xf32>
      tpu.vector_store %arg15[%swap3A_276, %swap3A_277], %swap3A_280 {strides = array<i32>} : memref<632x16xf32, #tpu.memory_space<vmem>>, vector<1x16xf32>,
      %scan3A_281 = arith.constant 0 : i32
      %scan3A_282 = arith.constant 4 : i32
      %scan3A_283 = arith.addi %scan3A_242, %scan3A_282 : i32
      %broadcast_in_dim3A_284 = arith.constant 0.000000e+00 : f32
      %broadcast_in_dim3A_285 = vector.broadcast %broadcast_in_dim3A_284 : f32 to vector<16xf32>
      %swap3A_286 = arith.index_cast %scan3A_283 : i32 to index
      %swap3A_287 = arith.constant 0 : index
      %swap3A_288 = tpu.vector_load %arg15[%swap3A_286, %swap3A_287] {strides = array<i32>} : memref<632x16xf32, #tpu.memory_space<vmem>>, vector<1x16xf32>,
      %swap3A_289 = vector.shape_cast %swap3A_288 : vector<1x16xf32> to vector<16xf32>
      %swap3A_290 = vector.shape_cast %broadcast_in_dim3A_285 : vector<16xf32> to vector<1x16xf32>
      tpu.vector_store %arg15[%swap3A_286, %swap3A_287], %swap3A_290 {strides = array<i32>} : memref<632x16xf32, #tpu.memory_space<vmem>>, vector<1x16xf32>,
      %scan3A_291 = arith.constant 0 : i32
      %scan3A_292 = arith.constant 5 : i32
      %scan3A_293 = arith.addi %scan3A_242, %scan3A_292 : i32
      %broadcast_in_dim3A_294 = arith.constant 0.000000e+00 : f32
      %broadcast_in_dim3A_295 = vector.broadcast %broadcast_in_dim3A_294 : f32 to vector<16xf32>
      %swap3A_296 = arith.index_cast %scan3A_293 : i32 to index
      %swap3A_297 = arith.constant 0 : index
      %swap3A_298 = tpu.vector_load %arg15[%swap3A_296, %swap3A_297] {strides = array<i32>} : memref<632x16xf32, #tpu.memory_space<vmem>>, vector<1x16xf32>,
      %swap3A_299 = vector.shape_cast %swap3A_298 : vector<1x16xf32> to vector<16xf32>
      %swap3A_300 = vector.shape_cast %broadcast_in_dim3A_295 : vector<16xf32> to vector<1x16xf32>
      tpu.vector_store %arg15[%swap3A_296, %swap3A_297], %swap3A_300 {strides = array<i32>} : memref<632x16xf32, #tpu.memory_space<vmem>>, vector<1x16xf32>,
      %scan3A_301 = arith.constant 0 : i32
      %scan3A_302 = arith.constant 6 : i32
      %scan3A_303 = arith.addi %scan3A_242, %scan3A_302 : i32
      %broadcast_in_dim3A_304 = arith.constant 0.000000e+00 : f32
      %broadcast_in_dim3A_305 = vector.broadcast %broadcast_in_dim3A_304 : f32 to vector<16xf32>
      %swap3A_306 = arith.index_cast %scan3A_303 : i32 to index
      %swap3A_307 = arith.constant 0 : index
      %swap3A_308 = tpu.vector_load %arg15[%swap3A_306, %swap3A_307] {strides = array<i32>} : memref<632x16xf32, #tpu.memory_space<vmem>>, vector<1x16xf32>,
      %swap3A_309 = vector.shape_cast %swap3A_308 : vector<1x16xf32> to vector<16xf32>
      %swap3A_310 = vector.shape_cast %broadcast_in_dim3A_305 : vector<16xf32> to vector<1x16xf32>
      tpu.vector_store %arg15[%swap3A_306, %swap3A_307], %swap3A_310 {strides = array<i32>} : memref<632x16xf32, #tpu.memory_space<vmem>>, vector<1x16xf32>,
      %scan3A_311 = arith.constant 0 : i32
      %scan3A_312 = arith.constant 7 : i32
      %scan3A_313 = arith.addi %scan3A_242, %scan3A_312 : i32
      %broadcast_in_dim3A_314 = arith.constant 0.000000e+00 : f32
      %broadcast_in_dim3A_315 = vector.broadcast %broadcast_in_dim3A_314 : f32 to vector<16xf32>
      %swap3A_316 = arith.index_cast %scan3A_313 : i32 to index
      %swap3A_317 = arith.constant 0 : index
      %swap3A_318 = tpu.vector_load %arg15[%swap3A_316, %swap3A_317] {strides = array<i32>} : memref<632x16xf32, #tpu.memory_space<vmem>>, vector<1x16xf32>,
      %swap3A_319 = vector.shape_cast %swap3A_318 : vector<1x16xf32> to vector<16xf32>
      %swap3A_320 = vector.shape_cast %broadcast_in_dim3A_315 : vector<16xf32> to vector<1x16xf32>
      tpu.vector_store %arg15[%swap3A_316, %swap3A_317], %swap3A_320 {strides = array<i32>} : memref<632x16xf32, #tpu.memory_space<vmem>>, vector<1x16xf32>,
      %scan3A_321 = arith.constant 0 : i32
      scf.yield %scan3A_321 : i32
    }
    %scan3A_19 = arith.constant 632 : i32
    %broadcast_in_dim3A = arith.constant 0.000000e+00 : f32
    %broadcast_in_dim3A_20 = vector.broadcast %broadcast_in_dim3A : f32 to vector<16xf32>
    %swap3A = arith.constant 0 : index
    %swap3A_21 = tpu.vector_load %arg16[%swap3A] {strides = array<i32>} : memref<632xf32, #tpu.memory_space<vmem>>, vector<16xf32>,
    %swap3A_22 = vector.shape_cast %swap3A_21 : vector<16xf32> to vector<16xf32>
    %swap3A_23 = vector.shape_cast %broadcast_in_dim3A_20 : vector<16xf32> to vector<16xf32>
    tpu.vector_store %arg16[%swap3A], %swap3A_23 {strides = array<i32>} : memref<632xf32, #tpu.memory_space<vmem>>, vector<16xf32>,
    %swap3A_24 = arith.constant 16 : index
    %swap3A_25 = tpu.vector_load %arg16[%swap3A_24] {strides = array<i32>} : memref<632xf32, #tpu.memory_space<vmem>>, vector<16xf32>,
    %swap3A_26 = vector.shape_cast %swap3A_25 : vector<16xf32> to vector<16xf32>
    %swap3A_27 = vector.shape_cast %broadcast_in_dim3A_20 : vector<16xf32> to vector<16xf32>
    tpu.vector_store %arg16[%swap3A_24], %swap3A_27 {strides = array<i32>} : memref<632xf32, #tpu.memory_space<vmem>>, vector<16xf32>,
    %swap3A_28 = arith.constant 32 : index
    %swap3A_29 = tpu.vector_load %arg16[%swap3A_28] {strides = array<i32>} : memref<632xf32, #tpu.memory_space<vmem>>, vector<16xf32>,
    %swap3A_30 = vector.shape_cast %swap3A_29 : vector<16xf32> to vector<16xf32>
    %swap3A_31 = vector.shape_cast %broadcast_in_dim3A_20 : vector<16xf32> to vector<16xf32>
    tpu.vector_store %arg16[%swap3A_28], %swap3A_31 {strides = array<i32>} : memref<632xf32, #tpu.memory_space<vmem>>, vector<16xf32>,
    %swap3A_32 = arith.constant 48 : index
    %swap3A_33 = tpu.vector_load %arg16[%swap3A_32] {strides = array<i32>} : memref<632xf32, #tpu.memory_space<vmem>>, vector<16xf32>,
    %swap3A_34 = vector.shape_cast %swap3A_33 : vector<16xf32> to vector<16xf32>
    %swap3A_35 = vector.shape_cast %broadcast_in_dim3A_20 : vector<16xf32> to vector<16xf32>
    tpu.vector_store %arg16[%swap3A_32], %swap3A_35 {strides = array<i32>} : memref<632xf32, #tpu.memory_space<vmem>>, vector<16xf32>,
    %swap3A_36 = arith.constant 64 : index
    %swap3A_37 = tpu.vector_load %arg16[%swap3A_36] {strides = array<i32>} : memref<632xf32, #tpu.memory_space<vmem>>, vector<16xf32>,
    %swap3A_38 = vector.shape_cast %swap3A_37 : vector<16xf32> to vector<16xf32>
    %swap3A_39 = vector.shape_cast %broadcast_in_dim3A_20 : vector<16xf32> to vector<16xf32>
    tpu.vector_store %arg16[%swap3A_36], %swap3A_39 {strides = array<i32>} : memref<632xf32, #tpu.memory_space<vmem>>, vector<16xf32>,
    %swap3A_40 = arith.constant 80 : index
    %swap3A_41 = tpu.vector_load %arg16[%swap3A_40] {strides = array<i32>} : memref<632xf32, #tpu.memory_space<vmem>>, vector<16xf32>,
    %swap3A_42 = vector.shape_cast %swap3A_41 : vector<16xf32> to vector<16xf32>
    %swap3A_43 = vector.shape_cast %broadcast_in_dim3A_20 : vector<16xf32> to vector<16xf32>
    tpu.vector_store %arg16[%swap3A_40], %swap3A_43 {strides = array<i32>} : memref<632xf32, #tpu.memory_space<vmem>>, vector<16xf32>,
    %swap3A_44 = arith.constant 96 : index
    %swap3A_45 = tpu.vector_load %arg16[%swap3A_44] {strides = array<i32>} : memref<632xf32, #tpu.memory_space<vmem>>, vector<16xf32>,
    %swap3A_46 = vector.shape_cast %swap3A_45 : vector<16xf32> to vector<16xf32>
    %swap3A_47 = vector.shape_cast %broadcast_in_dim3A_20 : vector<16xf32> to vector<16xf32>
    tpu.vector_store %arg16[%swap3A_44], %swap3A_47 {strides = array<i32>} : memref<632xf32, #tpu.memory_space<vmem>>, vector<16xf32>,
    %swap3A_48 = arith.constant 112 : index
    %swap3A_49 = tpu.vector_load %arg16[%swap3A_48] {strides = array<i32>} : memref<632xf32, #tpu.memory_space<vmem>>, vector<16xf32>,
    %swap3A_50 = vector.shape_cast %swap3A_49 : vector<16xf32> to vector<16xf32>
    %swap3A_51 = vector.shape_cast %broadcast_in_dim3A_20 : vector<16xf32> to vector<16xf32>
    tpu.vector_store %arg16[%swap3A_48], %swap3A_51 {strides = array<i32>} : memref<632xf32, #tpu.memory_space<vmem>>, vector<16xf32>,
    %swap3A_52 = arith.constant 128 : index
    %swap3A_53 = tpu.vector_load %arg16[%swap3A_52] {strides = array<i32>} : memref<632xf32, #tpu.memory_space<vmem>>, vector<16xf32>,
    %swap3A_54 = vector.shape_cast %swap3A_53 : vector<16xf32> to vector<16xf32>
    %swap3A_55 = vector.shape_cast %broadcast_in_dim3A_20 : vector<16xf32> to vector<16xf32>
    tpu.vector_store %arg16[%swap3A_52], %swap3A_55 {strides = array<i32>} : memref<632xf32, #tpu.memory_space<vmem>>, vector<16xf32>,
    %swap3A_56 = arith.constant 144 : index
    %swap3A_57 = tpu.vector_load %arg16[%swap3A_56] {strides = array<i32>} : memref<632xf32, #tpu.memory_space<vmem>>, vector<16xf32>,
    %swap3A_58 = vector.shape_cast %swap3A_57 : vector<16xf32> to vector<16xf32>
    %swap3A_59 = vector.shape_cast %broadcast_in_dim3A_20 : vector<16xf32> to vector<16xf32>
    tpu.vector_store %arg16[%swap3A_56], %swap3A_59 {strides = array<i32>} : memref<632xf32, #tpu.memory_space<vmem>>, vector<16xf32>,
    %swap3A_60 = arith.constant 160 : index
    %swap3A_61 = tpu.vector_load %arg16[%swap3A_60] {strides = array<i32>} : memref<632xf32, #tpu.memory_space<vmem>>, vector<16xf32>,
    %swap3A_62 = vector.shape_cast %swap3A_61 : vector<16xf32> to vector<16xf32>
    %swap3A_63 = vector.shape_cast %broadcast_in_dim3A_20 : vector<16xf32> to vector<16xf32>
    tpu.vector_store %arg16[%swap3A_60], %swap3A_63 {strides = array<i32>} : memref<632xf32, #tpu.memory_space<vmem>>, vector<16xf32>,
    %swap3A_64 = arith.constant 176 : index
    %swap3A_65 = tpu.vector_load %arg16[%swap3A_64] {strides = array<i32>} : memref<632xf32, #tpu.memory_space<vmem>>, vector<16xf32>,
    %swap3A_66 = vector.shape_cast %swap3A_65 : vector<16xf32> to vector<16xf32>
    %swap3A_67 = vector.shape_cast %broadcast_in_dim3A_20 : vector<16xf32> to vector<16xf32>
    tpu.vector_store %arg16[%swap3A_64], %swap3A_67 {strides = array<i32>} : memref<632xf32, #tpu.memory_space<vmem>>, vector<16xf32>,
    %swap3A_68 = arith.constant 192 : index
    %swap3A_69 = tpu.vector_load %arg16[%swap3A_68] {strides = array<i32>} : memref<632xf32, #tpu.memory_space<vmem>>, vector<16xf32>,
    %swap3A_70 = vector.shape_cast %swap3A_69 : vector<16xf32> to vector<16xf32>
    %swap3A_71 = vector.shape_cast %broadcast_in_dim3A_20 : vector<16xf32> to vector<16xf32>
    tpu.vector_store %arg16[%swap3A_68], %swap3A_71 {strides = array<i32>} : memref<632xf32, #tpu.memory_space<vmem>>, vector<16xf32>,
    %swap3A_72 = arith.constant 208 : index
    %swap3A_73 = tpu.vector_load %arg16[%swap3A_72] {strides = array<i32>} : memref<632xf32, #tpu.memory_space<vmem>>, vector<16xf32>,
    %swap3A_74 = vector.shape_cast %swap3A_73 : vector<16xf32> to vector<16xf32>
    %swap3A_75 = vector.shape_cast %broadcast_in_dim3A_20 : vector<16xf32> to vector<16xf32>
    tpu.vector_store %arg16[%swap3A_72], %swap3A_75 {strides = array<i32>} : memref<632xf32, #tpu.memory_space<vmem>>, vector<16xf32>,
    %swap3A_76 = arith.constant 224 : index
    %swap3A_77 = tpu.vector_load %arg16[%swap3A_76] {strides = array<i32>} : memref<632xf32, #tpu.memory_space<vmem>>, vector<16xf32>,
    %swap3A_78 = vector.shape_cast %swap3A_77 : vector<16xf32> to vector<16xf32>
    %swap3A_79 = vector.shape_cast %broadcast_in_dim3A_20 : vector<16xf32> to vector<16xf32>
    tpu.vector_store %arg16[%swap3A_76], %swap3A_79 {strides = array<i32>} : memref<632xf32, #tpu.memory_space<vmem>>, vector<16xf32>,
    %swap3A_80 = arith.constant 240 : index
    %swap3A_81 = tpu.vector_load %arg16[%swap3A_80] {strides = array<i32>} : memref<632xf32, #tpu.memory_space<vmem>>, vector<16xf32>,
    %swap3A_82 = vector.shape_cast %swap3A_81 : vector<16xf32> to vector<16xf32>
    %swap3A_83 = vector.shape_cast %broadcast_in_dim3A_20 : vector<16xf32> to vector<16xf32>
    tpu.vector_store %arg16[%swap3A_80], %swap3A_83 {strides = array<i32>} : memref<632xf32, #tpu.memory_space<vmem>>, vector<16xf32>,
    %swap3A_84 = arith.constant 256 : index
    %swap3A_85 = tpu.vector_load %arg16[%swap3A_84] {strides = array<i32>} : memref<632xf32, #tpu.memory_space<vmem>>, vector<16xf32>,
    %swap3A_86 = vector.shape_cast %swap3A_85 : vector<16xf32> to vector<16xf32>
    %swap3A_87 = vector.shape_cast %broadcast_in_dim3A_20 : vector<16xf32> to vector<16xf32>
    tpu.vector_store %arg16[%swap3A_84], %swap3A_87 {strides = array<i32>} : memref<632xf32, #tpu.memory_space<vmem>>, vector<16xf32>,
    %swap3A_88 = arith.constant 272 : index
    %swap3A_89 = tpu.vector_load %arg16[%swap3A_88] {strides = array<i32>} : memref<632xf32, #tpu.memory_space<vmem>>, vector<16xf32>,
    %swap3A_90 = vector.shape_cast %swap3A_89 : vector<16xf32> to vector<16xf32>
    %swap3A_91 = vector.shape_cast %broadcast_in_dim3A_20 : vector<16xf32> to vector<16xf32>
    tpu.vector_store %arg16[%swap3A_88], %swap3A_91 {strides = array<i32>} : memref<632xf32, #tpu.memory_space<vmem>>, vector<16xf32>,
    %swap3A_92 = arith.constant 288 : index
    %swap3A_93 = tpu.vector_load %arg16[%swap3A_92] {strides = array<i32>} : memref<632xf32, #tpu.memory_space<vmem>>, vector<16xf32>,
    %swap3A_94 = vector.shape_cast %swap3A_93 : vector<16xf32> to vector<16xf32>
    %swap3A_95 = vector.shape_cast %broadcast_in_dim3A_20 : vector<16xf32> to vector<16xf32>
    tpu.vector_store %arg16[%swap3A_92], %swap3A_95 {strides = array<i32>} : memref<632xf32, #tpu.memory_space<vmem>>, vector<16xf32>,
    %swap3A_96 = arith.constant 304 : index
    %swap3A_97 = tpu.vector_load %arg16[%swap3A_96] {strides = array<i32>} : memref<632xf32, #tpu.memory_space<vmem>>, vector<16xf32>,
    %swap3A_98 = vector.shape_cast %swap3A_97 : vector<16xf32> to vector<16xf32>
    %swap3A_99 = vector.shape_cast %broadcast_in_dim3A_20 : vector<16xf32> to vector<16xf32>
    tpu.vector_store %arg16[%swap3A_96], %swap3A_99 {strides = array<i32>} : memref<632xf32, #tpu.memory_space<vmem>>, vector<16xf32>,
    %swap3A_100 = arith.constant 320 : index
    %swap3A_101 = tpu.vector_load %arg16[%swap3A_100] {strides = array<i32>} : memref<632xf32, #tpu.memory_space<vmem>>, vector<16xf32>,
    %swap3A_102 = vector.shape_cast %swap3A_101 : vector<16xf32> to vector<16xf32>
    %swap3A_103 = vector.shape_cast %broadcast_in_dim3A_20 : vector<16xf32> to vector<16xf32>
    tpu.vector_store %arg16[%swap3A_100], %swap3A_103 {strides = array<i32>} : memref<632xf32, #tpu.memory_space<vmem>>, vector<16xf32>,
    %swap3A_104 = arith.constant 336 : index
    %swap3A_105 = tpu.vector_load %arg16[%swap3A_104] {strides = array<i32>} : memref<632xf32, #tpu.memory_space<vmem>>, vector<16xf32>,
    %swap3A_106 = vector.shape_cast %swap3A_105 : vector<16xf32> to vector<16xf32>
    %swap3A_107 = vector.shape_cast %broadcast_in_dim3A_20 : vector<16xf32> to vector<16xf32>
    tpu.vector_store %arg16[%swap3A_104], %swap3A_107 {strides = array<i32>} : memref<632xf32, #tpu.memory_space<vmem>>, vector<16xf32>,
    %swap3A_108 = arith.constant 352 : index
    %swap3A_109 = tpu.vector_load %arg16[%swap3A_108] {strides = array<i32>} : memref<632xf32, #tpu.memory_space<vmem>>, vector<16xf32>,
    %swap3A_110 = vector.shape_cast %swap3A_109 : vector<16xf32> to vector<16xf32>
    %swap3A_111 = vector.shape_cast %broadcast_in_dim3A_20 : vector<16xf32> to vector<16xf32>
    tpu.vector_store %arg16[%swap3A_108], %swap3A_111 {strides = array<i32>} : memref<632xf32, #tpu.memory_space<vmem>>, vector<16xf32>,
    %swap3A_112 = arith.constant 368 : index
    %swap3A_113 = tpu.vector_load %arg16[%swap3A_112] {strides = array<i32>} : memref<632xf32, #tpu.memory_space<vmem>>, vector<16xf32>,
    %swap3A_114 = vector.shape_cast %swap3A_113 : vector<16xf32> to vector<16xf32>
    %swap3A_115 = vector.shape_cast %broadcast_in_dim3A_20 : vector<16xf32> to vector<16xf32>
    tpu.vector_store %arg16[%swap3A_112], %swap3A_115 {strides = array<i32>} : memref<632xf32, #tpu.memory_space<vmem>>, vector<16xf32>,
    %swap3A_116 = arith.constant 384 : index
    %swap3A_117 = tpu.vector_load %arg16[%swap3A_116] {strides = array<i32>} : memref<632xf32, #tpu.memory_space<vmem>>, vector<16xf32>,
    %swap3A_118 = vector.shape_cast %swap3A_117 : vector<16xf32> to vector<16xf32>
    %swap3A_119 = vector.shape_cast %broadcast_in_dim3A_20 : vector<16xf32> to vector<16xf32>
    tpu.vector_store %arg16[%swap3A_116], %swap3A_119 {strides = array<i32>} : memref<632xf32, #tpu.memory_space<vmem>>, vector<16xf32>,
    %swap3A_120 = arith.constant 400 : index
    %swap3A_121 = tpu.vector_load %arg16[%swap3A_120] {strides = array<i32>} : memref<632xf32, #tpu.memory_space<vmem>>, vector<16xf32>,
    %swap3A_122 = vector.shape_cast %swap3A_121 : vector<16xf32> to vector<16xf32>
    %swap3A_123 = vector.shape_cast %broadcast_in_dim3A_20 : vector<16xf32> to vector<16xf32>
    tpu.vector_store %arg16[%swap3A_120], %swap3A_123 {strides = array<i32>} : memref<632xf32, #tpu.memory_space<vmem>>, vector<16xf32>,
    %swap3A_124 = arith.constant 416 : index
    %swap3A_125 = tpu.vector_load %arg16[%swap3A_124] {strides = array<i32>} : memref<632xf32, #tpu.memory_space<vmem>>, vector<16xf32>,
    %swap3A_126 = vector.shape_cast %swap3A_125 : vector<16xf32> to vector<16xf32>
    %swap3A_127 = vector.shape_cast %broadcast_in_dim3A_20 : vector<16xf32> to vector<16xf32>
    tpu.vector_store %arg16[%swap3A_124], %swap3A_127 {strides = array<i32>} : memref<632xf32, #tpu.memory_space<vmem>>, vector<16xf32>,
    %swap3A_128 = arith.constant 432 : index
    %swap3A_129 = tpu.vector_load %arg16[%swap3A_128] {strides = array<i32>} : memref<632xf32, #tpu.memory_space<vmem>>, vector<16xf32>,
    %swap3A_130 = vector.shape_cast %swap3A_129 : vector<16xf32> to vector<16xf32>
    %swap3A_131 = vector.shape_cast %broadcast_in_dim3A_20 : vector<16xf32> to vector<16xf32>
    tpu.vector_store %arg16[%swap3A_128], %swap3A_131 {strides = array<i32>} : memref<632xf32, #tpu.memory_space<vmem>>, vector<16xf32>,
    %swap3A_132 = arith.constant 448 : index
    %swap3A_133 = tpu.vector_load %arg16[%swap3A_132] {strides = array<i32>} : memref<632xf32, #tpu.memory_space<vmem>>, vector<16xf32>,
    %swap3A_134 = vector.shape_cast %swap3A_133 : vector<16xf32> to vector<16xf32>
    %swap3A_135 = vector.shape_cast %broadcast_in_dim3A_20 : vector<16xf32> to vector<16xf32>
    tpu.vector_store %arg16[%swap3A_132], %swap3A_135 {strides = array<i32>} : memref<632xf32, #tpu.memory_space<vmem>>, vector<16xf32>,
    %swap3A_136 = arith.constant 464 : index
    %swap3A_137 = tpu.vector_load %arg16[%swap3A_136] {strides = array<i32>} : memref<632xf32, #tpu.memory_space<vmem>>, vector<16xf32>,
    %swap3A_138 = vector.shape_cast %swap3A_137 : vector<16xf32> to vector<16xf32>
    %swap3A_139 = vector.shape_cast %broadcast_in_dim3A_20 : vector<16xf32> to vector<16xf32>
    tpu.vector_store %arg16[%swap3A_136], %swap3A_139 {strides = array<i32>} : memref<632xf32, #tpu.memory_space<vmem>>, vector<16xf32>,
    %swap3A_140 = arith.constant 480 : index
    %swap3A_141 = tpu.vector_load %arg16[%swap3A_140] {strides = array<i32>} : memref<632xf32, #tpu.memory_space<vmem>>, vector<16xf32>,
    %swap3A_142 = vector.shape_cast %swap3A_141 : vector<16xf32> to vector<16xf32>
    %swap3A_143 = vector.shape_cast %broadcast_in_dim3A_20 : vector<16xf32> to vector<16xf32>
    tpu.vector_store %arg16[%swap3A_140], %swap3A_143 {strides = array<i32>} : memref<632xf32, #tpu.memory_space<vmem>>, vector<16xf32>,
    %swap3A_144 = arith.constant 496 : index
    %swap3A_145 = tpu.vector_load %arg16[%swap3A_144] {strides = array<i32>} : memref<632xf32, #tpu.memory_space<vmem>>, vector<16xf32>,
    %swap3A_146 = vector.shape_cast %swap3A_145 : vector<16xf32> to vector<16xf32>
    %swap3A_147 = vector.shape_cast %broadcast_in_dim3A_20 : vector<16xf32> to vector<16xf32>
    tpu.vector_store %arg16[%swap3A_144], %swap3A_147 {strides = array<i32>} : memref<632xf32, #tpu.memory_space<vmem>>, vector<16xf32>,
    %swap3A_148 = arith.constant 512 : index
    %swap3A_149 = tpu.vector_load %arg16[%swap3A_148] {strides = array<i32>} : memref<632xf32, #tpu.memory_space<vmem>>, vector<16xf32>,
    %swap3A_150 = vector.shape_cast %swap3A_149 : vector<16xf32> to vector<16xf32>
    %swap3A_151 = vector.shape_cast %broadcast_in_dim3A_20 : vector<16xf32> to vector<16xf32>
    tpu.vector_store %arg16[%swap3A_148], %swap3A_151 {strides = array<i32>} : memref<632xf32, #tpu.memory_space<vmem>>, vector<16xf32>,
    %swap3A_152 = arith.constant 528 : index
    %swap3A_153 = tpu.vector_load %arg16[%swap3A_152] {strides = array<i32>} : memref<632xf32, #tpu.memory_space<vmem>>, vector<16xf32>,
    %swap3A_154 = vector.shape_cast %swap3A_153 : vector<16xf32> to vector<16xf32>
    %swap3A_155 = vector.shape_cast %broadcast_in_dim3A_20 : vector<16xf32> to vector<16xf32>
    tpu.vector_store %arg16[%swap3A_152], %swap3A_155 {strides = array<i32>} : memref<632xf32, #tpu.memory_space<vmem>>, vector<16xf32>,
    %swap3A_156 = arith.constant 544 : index
    %swap3A_157 = tpu.vector_load %arg16[%swap3A_156] {strides = array<i32>} : memref<632xf32, #tpu.memory_space<vmem>>, vector<16xf32>,
    %swap3A_158 = vector.shape_cast %swap3A_157 : vector<16xf32> to vector<16xf32>
    %swap3A_159 = vector.shape_cast %broadcast_in_dim3A_20 : vector<16xf32> to vector<16xf32>
    tpu.vector_store %arg16[%swap3A_156], %swap3A_159 {strides = array<i32>} : memref<632xf32, #tpu.memory_space<vmem>>, vector<16xf32>,
    %swap3A_160 = arith.constant 560 : index
    %swap3A_161 = tpu.vector_load %arg16[%swap3A_160] {strides = array<i32>} : memref<632xf32, #tpu.memory_space<vmem>>, vector<16xf32>,
    %swap3A_162 = vector.shape_cast %swap3A_161 : vector<16xf32> to vector<16xf32>
    %swap3A_163 = vector.shape_cast %broadcast_in_dim3A_20 : vector<16xf32> to vector<16xf32>
    tpu.vector_store %arg16[%swap3A_160], %swap3A_163 {strides = array<i32>} : memref<632xf32, #tpu.memory_space<vmem>>, vector<16xf32>,
    %swap3A_164 = arith.constant 576 : index
    %swap3A_165 = tpu.vector_load %arg16[%swap3A_164] {strides = array<i32>} : memref<632xf32, #tpu.memory_space<vmem>>, vector<16xf32>,
    %swap3A_166 = vector.shape_cast %swap3A_165 : vector<16xf32> to vector<16xf32>
    %swap3A_167 = vector.shape_cast %broadcast_in_dim3A_20 : vector<16xf32> to vector<16xf32>
    tpu.vector_store %arg16[%swap3A_164], %swap3A_167 {strides = array<i32>} : memref<632xf32, #tpu.memory_space<vmem>>, vector<16xf32>,
    %swap3A_168 = arith.constant 592 : index
    %swap3A_169 = tpu.vector_load %arg16[%swap3A_168] {strides = array<i32>} : memref<632xf32, #tpu.memory_space<vmem>>, vector<16xf32>,
    %swap3A_170 = vector.shape_cast %swap3A_169 : vector<16xf32> to vector<16xf32>
    %swap3A_171 = vector.shape_cast %broadcast_in_dim3A_20 : vector<16xf32> to vector<16xf32>
    tpu.vector_store %arg16[%swap3A_168], %swap3A_171 {strides = array<i32>} : memref<632xf32, #tpu.memory_space<vmem>>, vector<16xf32>,
    %swap3A_172 = arith.constant 608 : index
    %swap3A_173 = tpu.vector_load %arg16[%swap3A_172] {strides = array<i32>} : memref<632xf32, #tpu.memory_space<vmem>>, vector<16xf32>,
    %swap3A_174 = vector.shape_cast %swap3A_173 : vector<16xf32> to vector<16xf32>
    %swap3A_175 = vector.shape_cast %broadcast_in_dim3A_20 : vector<16xf32> to vector<16xf32>
    tpu.vector_store %arg16[%swap3A_172], %swap3A_175 {strides = array<i32>} : memref<632xf32, #tpu.memory_space<vmem>>, vector<16xf32>,
    %swap3A_176 = arith.constant 616 : index
    %swap3A_177 = tpu.vector_load %arg16[%swap3A_176] {strides = array<i32>} : memref<632xf32, #tpu.memory_space<vmem>>, vector<16xf32>,
    %swap3A_178 = vector.shape_cast %swap3A_177 : vector<16xf32> to vector<16xf32>
    %swap3A_179 = vector.shape_cast %broadcast_in_dim3A_20 : vector<16xf32> to vector<16xf32>
    tpu.vector_store %arg16[%swap3A_176], %swap3A_179 {strides = array<i32>} : memref<632xf32, #tpu.memory_space<vmem>>, vector<16xf32>,
    %broadcast_in_dim3A_180 = arith.constant 1.000000e+00 : f32
    %broadcast_in_dim3A_181 = vector.broadcast %broadcast_in_dim3A_180 : f32 to vector<16xf32>
    %swap3A_182 = arith.constant 0 : index
    %swap3A_183 = tpu.vector_load %arg17[%swap3A_182] {strides = array<i32>} : memref<128xf32, #tpu.memory_space<vmem>>, vector<16xf32>,
    %swap3A_184 = vector.shape_cast %swap3A_183 : vector<16xf32> to vector<16xf32>
    %swap3A_185 = vector.shape_cast %broadcast_in_dim3A_181 : vector<16xf32> to vector<16xf32>
    tpu.vector_store %arg17[%swap3A_182], %swap3A_185 {strides = array<i32>} : memref<128xf32, #tpu.memory_space<vmem>>, vector<16xf32>,
    %swap3A_186 = arith.constant 16 : index
    %swap3A_187 = tpu.vector_load %arg17[%swap3A_186] {strides = array<i32>} : memref<128xf32, #tpu.memory_space<vmem>>, vector<16xf32>,
    %swap3A_188 = vector.shape_cast %swap3A_187 : vector<16xf32> to vector<16xf32>
    %swap3A_189 = vector.shape_cast %broadcast_in_dim3A_181 : vector<16xf32> to vector<16xf32>
    tpu.vector_store %arg17[%swap3A_186], %swap3A_189 {strides = array<i32>} : memref<128xf32, #tpu.memory_space<vmem>>, vector<16xf32>,
    %swap3A_190 = arith.constant 32 : index
    %swap3A_191 = tpu.vector_load %arg17[%swap3A_190] {strides = array<i32>} : memref<128xf32, #tpu.memory_space<vmem>>, vector<16xf32>,
    %swap3A_192 = vector.shape_cast %swap3A_191 : vector<16xf32> to vector<16xf32>
    %swap3A_193 = vector.shape_cast %broadcast_in_dim3A_181 : vector<16xf32> to vector<16xf32>
    tpu.vector_store %arg17[%swap3A_190], %swap3A_193 {strides = array<i32>} : memref<128xf32, #tpu.memory_space<vmem>>, vector<16xf32>,
    %swap3A_194 = arith.constant 48 : index
    %swap3A_195 = tpu.vector_load %arg17[%swap3A_194] {strides = array<i32>} : memref<128xf32, #tpu.memory_space<vmem>>, vector<16xf32>,
    %swap3A_196 = vector.shape_cast %swap3A_195 : vector<16xf32> to vector<16xf32>
    %swap3A_197 = vector.shape_cast %broadcast_in_dim3A_181 : vector<16xf32> to vector<16xf32>
    tpu.vector_store %arg17[%swap3A_194], %swap3A_197 {strides = array<i32>} : memref<128xf32, #tpu.memory_space<vmem>>, vector<16xf32>,
    %swap3A_198 = arith.constant 64 : index
    %swap3A_199 = tpu.vector_load %arg17[%swap3A_198] {strides = array<i32>} : memref<128xf32, #tpu.memory_space<vmem>>, vector<16xf32>,
    %swap3A_200 = vector.shape_cast %swap3A_199 : vector<16xf32> to vector<16xf32>
    %swap3A_201 = vector.shape_cast %broadcast_in_dim3A_181 : vector<16xf32> to vector<16xf32>
    tpu.vector_store %arg17[%swap3A_198], %swap3A_201 {strides = array<i32>} : memref<128xf32, #tpu.memory_space<vmem>>, vector<16xf32>,
    %swap3A_202 = arith.constant 80 : index
    %swap3A_203 = tpu.vector_load %arg17[%swap3A_202] {strides = array<i32>} : memref<128xf32, #tpu.memory_space<vmem>>, vector<16xf32>,
    %swap3A_204 = vector.shape_cast %swap3A_203 : vector<16xf32> to vector<16xf32>
    %swap3A_205 = vector.shape_cast %broadcast_in_dim3A_181 : vector<16xf32> to vector<16xf32>
    tpu.vector_store %arg17[%swap3A_202], %swap3A_205 {strides = array<i32>} : memref<128xf32, #tpu.memory_space<vmem>>, vector<16xf32>,
    %swap3A_206 = arith.constant 96 : index
    %swap3A_207 = tpu.vector_load %arg17[%swap3A_206] {strides = array<i32>} : memref<128xf32, #tpu.memory_space<vmem>>, vector<16xf32>,
    %swap3A_208 = vector.shape_cast %swap3A_207 : vector<16xf32> to vector<16xf32>
    %swap3A_209 = vector.shape_cast %broadcast_in_dim3A_181 : vector<16xf32> to vector<16xf32>
    tpu.vector_store %arg17[%swap3A_206], %swap3A_209 {strides = array<i32>} : memref<128xf32, #tpu.memory_space<vmem>>, vector<16xf32>,
    %swap3A_210 = arith.constant 112 : index
    %swap3A_211 = tpu.vector_load %arg17[%swap3A_210] {strides = array<i32>} : memref<128xf32, #tpu.memory_space<vmem>>, vector<16xf32>,
    %swap3A_212 = vector.shape_cast %swap3A_211 : vector<16xf32> to vector<16xf32>
    %swap3A_213 = vector.shape_cast %broadcast_in_dim3A_181 : vector<16xf32> to vector<16xf32>
    tpu.vector_store %arg17[%swap3A_210], %swap3A_213 {strides = array<i32>} : memref<128xf32, #tpu.memory_space<vmem>>, vector<16xf32>,
    "tpu.region"() ({
      %run_scoped3A = tpu.sem_alloc : memref<!tpu.dma_semaphore, #tpu.memory_space<semaphore_mem>>
      %dma_start3A_242 = arith.constant 0 : i32
      %dma_start3A_243 = tpu.memref_slice %arg8[%mul3A_0, %dma_start3A_242] : memref<10112x16xf32, #tpu.memory_space<vmem_shared>> -> memref<632x16xf32, #tpu.memory_space<vmem_shared>>
      %dma_start3A_244 = arith.constant 0 : i32
      %dma_start3A_245 = tpu.memref_slice %arg8[%mul3A_0, %dma_start3A_244] : memref<10112x16xf32, #tpu.memory_space<vmem_shared>> -> memref<632x16xf32, #tpu.memory_space<vmem_shared>>
      tpu.enqueue_dma source(%arg15 : memref<632x16xf32, #tpu.memory_space<vmem>>) target(%dma_start3A_245 : memref<632x16xf32, #tpu.memory_space<vmem_shared>>) target_semaphore(%run_scoped3A : memref<!tpu.dma_semaphore, #tpu.memory_space<semaphore_mem>>)
      %dma_wait3A_246 = arith.constant 0 : i32
      %dma_wait3A_247 = tpu.memref_slice %arg8[%mul3A_0, %dma_wait3A_246] : memref<10112x16xf32, #tpu.memory_space<vmem_shared>> -> memref<632x16xf32, #tpu.memory_space<vmem_shared>>
      %dma_wait3A_248 = arith.constant 0 : i32
      %dma_wait3A_249 = tpu.memref_slice %arg8[%mul3A_0, %dma_wait3A_248] : memref<10112x16xf32, #tpu.memory_space<vmem_shared>> -> memref<632x16xf32, #tpu.memory_space<vmem_shared>>
      tpu.wait_dma2 semaphore(%run_scoped3A : memref<!tpu.dma_semaphore, #tpu.memory_space<semaphore_mem>>) src(%arg15 : memref<632x16xf32, #tpu.memory_space<vmem>>) dst(%dma_wait3A_249 : memref<632x16xf32, #tpu.memory_space<vmem_shared>>)
      tpu.yield
    }) : () -> ()
    "tpu.region"() ({
      %run_scoped3A = tpu.sem_alloc : memref<!tpu.dma_semaphore, #tpu.memory_space<semaphore_mem>>
      %dma_start3A_242 = tpu.memref_slice %arg9[%mul3A_0] : memref<10112xf32, #tpu.memory_space<vmem_shared>> -> memref<632xf32, #tpu.memory_space<vmem_shared>>
      %dma_start3A_243 = tpu.memref_slice %arg9[%mul3A_0] : memref<10112xf32, #tpu.memory_space<vmem_shared>> -> memref<632xf32, #tpu.memory_space<vmem_shared>>
      tpu.enqueue_dma source(%arg16 : memref<632xf32, #tpu.memory_space<vmem>>) target(%dma_start3A_243 : memref<632xf32, #tpu.memory_space<vmem_shared>>) target_semaphore(%run_scoped3A : memref<!tpu.dma_semaphore, #tpu.memory_space<semaphore_mem>>)
      %dma_wait3A_244 = tpu.memref_slice %arg9[%mul3A_0] : memref<10112xf32, #tpu.memory_space<vmem_shared>> -> memref<632xf32, #tpu.memory_space<vmem_shared>>
      %dma_wait3A_245 = tpu.memref_slice %arg9[%mul3A_0] : memref<10112xf32, #tpu.memory_space<vmem_shared>> -> memref<632xf32, #tpu.memory_space<vmem_shared>>
      tpu.wait_dma2 semaphore(%run_scoped3A : memref<!tpu.dma_semaphore, #tpu.memory_space<semaphore_mem>>) src(%arg16 : memref<632xf32, #tpu.memory_space<vmem>>) dst(%dma_wait3A_245 : memref<632xf32, #tpu.memory_space<vmem_shared>>)
      tpu.yield
    }) : () -> ()
    "tpu.region"() ({
      %run_scoped3A = tpu.sem_alloc : memref<!tpu.dma_semaphore, #tpu.memory_space<semaphore_mem>>
      %dma_start3A_242 = tpu.memref_slice %arg10[%mul3A_0] : memref<10112xf32, #tpu.memory_space<vmem_shared>> -> memref<632xf32, #tpu.memory_space<vmem_shared>>
      %dma_start3A_243 = tpu.memref_slice %arg10[%mul3A_0] : memref<10112xf32, #tpu.memory_space<vmem_shared>> -> memref<632xf32, #tpu.memory_space<vmem_shared>>
      tpu.enqueue_dma source(%arg16 : memref<632xf32, #tpu.memory_space<vmem>>) target(%dma_start3A_243 : memref<632xf32, #tpu.memory_space<vmem_shared>>) target_semaphore(%run_scoped3A : memref<!tpu.dma_semaphore, #tpu.memory_space<semaphore_mem>>)
      %dma_wait3A_244 = tpu.memref_slice %arg10[%mul3A_0] : memref<10112xf32, #tpu.memory_space<vmem_shared>> -> memref<632xf32, #tpu.memory_space<vmem_shared>>
      %dma_wait3A_245 = tpu.memref_slice %arg10[%mul3A_0] : memref<10112xf32, #tpu.memory_space<vmem_shared>> -> memref<632xf32, #tpu.memory_space<vmem_shared>>
      tpu.wait_dma2 semaphore(%run_scoped3A : memref<!tpu.dma_semaphore, #tpu.memory_space<semaphore_mem>>) src(%arg16 : memref<632xf32, #tpu.memory_space<vmem>>) dst(%dma_wait3A_245 : memref<632xf32, #tpu.memory_space<vmem_shared>>)
      tpu.yield
    }) : () -> ()
    %dma_wait3A = arith.constant 0 : i32
    %dma_wait3A_214 = tpu.memref_slice %arg7[%mul3A_0, %dma_wait3A] : memref<10112x16xf32, #tpu.memory_space<vmem_shared>> -> memref<632x16xf32, #tpu.memory_space<vmem_shared>>
    %dma_wait3A_215 = arith.constant 0 : i32
    %dma_wait3A_216 = tpu.memref_slice %arg2[%mul3A_0, %dma_wait3A_215] : memref<10112x16xf32, #tpu.memory_space<hbm>> -> memref<632x16xf32, #tpu.memory_space<hbm>>
    tpu.wait_dma2 semaphore(%arg20 : memref<!tpu.dma_semaphore, #tpu.memory_space<semaphore_mem>>) src(%dma_wait3A_216 : memref<632x16xf32, #tpu.memory_space<hbm>>) dst(%dma_wait3A_214 : memref<632x16xf32, #tpu.memory_space<vmem_shared>>)
    %lt3A_217 = arith.constant 31 : i32
    %lt3A_218 = arith.cmpi slt, %add3A, %lt3A_217 : i32
    %convert_element_type3A_219 = arith.extui %lt3A_218 : i1 to i32
    %cond3A_220 = arith.constant 0 : i32
    %cond3A_221 = arith.cmpi ne, %convert_element_type3A_219, %cond3A_220 : i32
    scf.if %cond3A_221 {
      %dma_wait3A_242 = arith.constant 0 : i32
      %dma_wait3A_243 = arith.constant 0 : i32
      %dma_wait3A_244 = arith.constant 0 : i32
      %dma_wait3A_245 = tpu.memref_slice %arg3[%dma_wait3A_243, %dma_wait3A_242, %dma_wait3A_244] : memref<2500x2x128xi32, #tpu.memory_space<hbm>> -> memref<80x1x128xi32, #tpu.memory_space<hbm>>
      %dma_wait3A_246 = tpu.memref_squeeze %dma_wait3A_245 : memref<80x1x128xi32, #tpu.memory_space<hbm>> -> memref<80x128xi32, #tpu.memory_space<hbm>>
      %dma_wait3A_247 = arith.constant 0 : i32
      %dma_wait3A_248 = arith.constant 0 : i32
      %dma_wait3A_249 = tpu.memref_slice %arg3[%dma_wait3A_247, %dma_wait3A_242, %dma_wait3A_248] : memref<2500x2x128xi32, #tpu.memory_space<hbm>> -> memref<80x1x128xi32, #tpu.memory_space<hbm>>
      %dma_wait3A_250 = tpu.memref_squeeze %dma_wait3A_249 : memref<80x1x128xi32, #tpu.memory_space<hbm>> -> memref<80x128xi32, #tpu.memory_space<hbm>>
      tpu.wait_dma2 semaphore(%arg18 : memref<!tpu.dma_semaphore, #tpu.memory_space<semaphore_mem>>) src(%dma_wait3A_250 : memref<80x128xi32, #tpu.memory_space<hbm>>) dst(%arg11 : memref<80x128xi32, #tpu.memory_space<vmem>>)
      %dma_wait3A_251 = arith.constant 0 : i32
      %dma_wait3A_252 = arith.constant 0 : i32
      %dma_wait3A_253 = arith.constant 0 : i32
      %dma_wait3A_254 = tpu.memref_slice %arg3[%dma_wait3A_252, %dma_wait3A_251, %dma_wait3A_253] : memref<2500x2x128xi32, #tpu.memory_space<hbm>> -> memref<80x1x128xi32, #tpu.memory_space<hbm>>
      %dma_wait3A_255 = tpu.memref_squeeze %dma_wait3A_254 : memref<80x1x128xi32, #tpu.memory_space<hbm>> -> memref<80x128xi32, #tpu.memory_space<hbm>>
      %dma_wait3A_256 = arith.constant 0 : i32
      %dma_wait3A_257 = arith.constant 0 : i32
      %dma_wait3A_258 = tpu.memref_slice %arg3[%dma_wait3A_256, %dma_wait3A_251, %dma_wait3A_257] : memref<2500x2x128xi32, #tpu.memory_space<hbm>> -> memref<80x1x128xi32, #tpu.memory_space<hbm>>
      %dma_wait3A_259 = tpu.memref_squeeze %dma_wait3A_258 : memref<80x1x128xi32, #tpu.memory_space<hbm>> -> memref<80x128xi32, #tpu.memory_space<hbm>>
      tpu.wait_dma2 semaphore(%arg19 : memref<!tpu.dma_semaphore, #tpu.memory_space<semaphore_mem>>) src(%dma_wait3A_259 : memref<80x128xi32, #tpu.memory_space<hbm>>) dst(%arg12 : memref<80x128xi32, #tpu.memory_space<vmem>>)
    } else {
    }
    %eq3A_222 = arith.constant 31 : i32
    %eq3A_223 = arith.cmpi eq, %add3A, %eq3A_222 : i32
    %convert_element_type3A_224 = arith.extui %eq3A_223 : i1 to i32
    %cond3A_225 = arith.constant 0 : i32
    %cond3A_226 = arith.cmpi ne, %convert_element_type3A_224, %cond3A_225 : i32
    scf.if %cond3A_226 {
      %dma_wait3A_242 = arith.constant 0 : i32
      %dma_wait3A_243 = arith.constant 0 : i32
      %dma_wait3A_244 = arith.constant 0 : i32
      %dma_wait3A_245 = tpu.memref_slice %arg11[%dma_wait3A_243, %dma_wait3A_244] : memref<80x128xi32, #tpu.memory_space<vmem>> -> memref<20x128xi32, #tpu.memory_space<vmem>>
      %dma_wait3A_246 = arith.constant 0 : i32
      %dma_wait3A_247 = arith.constant 0 : i32
      %dma_wait3A_248 = tpu.memref_slice %arg3[%dma_wait3A_246, %dma_wait3A_242, %dma_wait3A_247] : memref<2500x2x128xi32, #tpu.memory_space<hbm>> -> memref<20x1x128xi32, #tpu.memory_space<hbm>>
      %dma_wait3A_249 = tpu.memref_squeeze %dma_wait3A_248 : memref<20x1x128xi32, #tpu.memory_space<hbm>> -> memref<20x128xi32, #tpu.memory_space<hbm>>
      %dma_wait3A_250 = arith.constant 0 : i32
      %dma_wait3A_251 = arith.constant 0 : i32
      %dma_wait3A_252 = tpu.memref_slice %arg11[%dma_wait3A_250, %dma_wait3A_251] : memref<80x128xi32, #tpu.memory_space<vmem>> -> memref<20x128xi32, #tpu.memory_space<vmem>>
      %dma_wait3A_253 = arith.constant 0 : i32
      %dma_wait3A_254 = arith.constant 0 : i32
      %dma_wait3A_255 = tpu.memref_slice %arg3[%dma_wait3A_253, %dma_wait3A_242, %dma_wait3A_254] : memref<2500x2x128xi32, #tpu.memory_space<hbm>> -> memref<20x1x128xi32, #tpu.memory_space<hbm>>
      %dma_wait3A_256 = tpu.memref_squeeze %dma_wait3A_255 : memref<20x1x128xi32, #tpu.memory_space<hbm>> -> memref<20x128xi32, #tpu.memory_space<hbm>>
      tpu.wait_dma2 semaphore(%arg18 : memref<!tpu.dma_semaphore, #tpu.memory_space<semaphore_mem>>) src(%dma_wait3A_256 : memref<20x128xi32, #tpu.memory_space<hbm>>) dst(%dma_wait3A_252 : memref<20x128xi32, #tpu.memory_space<vmem>>)
      %dma_wait3A_257 = arith.constant 0 : i32
      %dma_wait3A_258 = arith.constant 0 : i32
      %dma_wait3A_259 = arith.constant 0 : i32
      %dma_wait3A_260 = tpu.memref_slice %arg12[%dma_wait3A_258, %dma_wait3A_259] : memref<80x128xi32, #tpu.memory_space<vmem>> -> memref<20x128xi32, #tpu.memory_space<vmem>>
      %dma_wait3A_261 = arith.constant 0 : i32
      %dma_wait3A_262 = arith.constant 0 : i32
      %dma_wait3A_263 = tpu.memref_slice %arg3[%dma_wait3A_261, %dma_wait3A_257, %dma_wait3A_262] : memref<2500x2x128xi32, #tpu.memory_space<hbm>> -> memref<20x1x128xi32, #tpu.memory_space<hbm>>
      %dma_wait3A_264 = tpu.memref_squeeze %dma_wait3A_263 : memref<20x1x128xi32, #tpu.memory_space<hbm>> -> memref<20x128xi32, #tpu.memory_space<hbm>>
      %dma_wait3A_265 = arith.constant 0 : i32
      %dma_wait3A_266 = arith.constant 0 : i32
      %dma_wait3A_267 = tpu.memref_slice %arg12[%dma_wait3A_265, %dma_wait3A_266] : memref<80x128xi32, #tpu.memory_space<vmem>> -> memref<20x128xi32, #tpu.memory_space<vmem>>
      %dma_wait3A_268 = arith.constant 0 : i32
      %dma_wait3A_269 = arith.constant 0 : i32
      %dma_wait3A_270 = tpu.memref_slice %arg3[%dma_wait3A_268, %dma_wait3A_257, %dma_wait3A_269] : memref<2500x2x128xi32, #tpu.memory_space<hbm>> -> memref<20x1x128xi32, #tpu.memory_space<hbm>>
      %dma_wait3A_271 = tpu.memref_squeeze %dma_wait3A_270 : memref<20x1x128xi32, #tpu.memory_space<hbm>> -> memref<20x128xi32, #tpu.memory_space<hbm>>
      tpu.wait_dma2 semaphore(%arg19 : memref<!tpu.dma_semaphore, #tpu.memory_space<semaphore_mem>>) src(%dma_wait3A_271 : memref<20x128xi32, #tpu.memory_space<hbm>>) dst(%dma_wait3A_267 : memref<20x128xi32, #tpu.memory_space<vmem>>)
    } else {
    }
    %barrier3A = arith.constant 0 : index
    tpu.barrier barrier_id(%barrier3A)
    %dma_start3A_227 = arith.constant 0 : i32
    %dma_start3A_228 = arith.constant 0 : i32
    %dma_start3A_229 = tpu.memref_slice %arg11[%dma_start3A_227, %dma_start3A_228] : memref<80x128xi32, #tpu.memory_space<vmem>> -> memref<1x128xi32, #tpu.memory_space<vmem>>
    %dma_start3A_230 = tpu.memref_squeeze %dma_start3A_229 : memref<1x128xi32, #tpu.memory_space<vmem>> -> memref<128xi32, #tpu.memory_space<vmem>>
    %dma_start3A_231 = arith.constant 0 : i32
    %dma_start3A_232 = arith.constant 0 : i32
    %dma_start3A_233 = tpu.memref_slice %arg7[%dma_start3A_231, %dma_start3A_232] : memref<10112x16xf32, #tpu.memory_space<vmem_shared>> -> memref<10112x16xf32, #tpu.memory_space<vmem_shared>>
    tpu.enqueue_indirect_dma source(%dma_start3A_233 : memref<10112x16xf32, #tpu.memory_space<vmem_shared>>) target(%arg13 : memref<128x16xf32, #tpu.memory_space<vmem>>) offsets(%dma_start3A_230 : memref<128xi32, #tpu.memory_space<vmem>>) semaphore(%arg18 : memref<!tpu.dma_semaphore, #tpu.memory_space<semaphore_mem>>)
    %scan3A_234 = arith.constant 0 : i32
    %scan3A_235 = arith.constant 0 : i32
    %scan3A_236 = arith.constant 40 : i32
    %scan3A_237 = arith.addi %scan3A_235, %scan3A_236 : i32
    %scan3A_238 = arith.constant 1 : i32
    %scan3A_239 = scf.for %scan3A_242 = %scan3A_235 to %scan3A_237 step %scan3A_238 iter_args(%scan3A_243 = %scan3A_234) -> (i32)  : i32 {
      %mul3A_244 = arith.constant 2 : i32
      %mul3A_245 = arith.muli %mul3A_244, %scan3A_242 : i32
      %add3A_246 = arith.constant 1 : i32
      %add3A_247 = arith.addi %mul3A_245, %add3A_246 : i32
      %dma_start3A_248 = arith.constant 0 : i32
      %dma_start3A_249 = tpu.memref_slice %arg11[%add3A_247, %dma_start3A_248] : memref<80x128xi32, #tpu.memory_space<vmem>> -> memref<1x128xi32, #tpu.memory_space<vmem>>
      %dma_start3A_250 = tpu.memref_squeeze %dma_start3A_249 : memref<1x128xi32, #tpu.memory_space<vmem>> -> memref<128xi32, #tpu.memory_space<vmem>>
      %dma_start3A_251 = arith.constant 0 : i32
      %dma_start3A_252 = arith.constant 0 : i32
      %dma_start3A_253 = tpu.memref_slice %arg7[%dma_start3A_251, %dma_start3A_252] : memref<10112x16xf32, #tpu.memory_space<vmem_shared>> -> memref<10112x16xf32, #tpu.memory_space<vmem_shared>>
      tpu.enqueue_indirect_dma source(%dma_start3A_253 : memref<10112x16xf32, #tpu.memory_space<vmem_shared>>) target(%arg14 : memref<128x16xf32, #tpu.memory_space<vmem>>) offsets(%dma_start3A_250 : memref<128xi32, #tpu.memory_space<vmem>>) semaphore(%arg19 : memref<!tpu.dma_semaphore, #tpu.memory_space<semaphore_mem>>)
      %dma_wait3A_254 = arith.constant 0 : i32
      %dma_wait3A_255 = tpu.memref_slice %arg11[%mul3A_245, %dma_wait3A_254] : memref<80x128xi32, #tpu.memory_space<vmem>> -> memref<1x128xi32, #tpu.memory_space<vmem>>
      %dma_wait3A_256 = tpu.memref_squeeze %dma_wait3A_255 : memref<1x128xi32, #tpu.memory_space<vmem>> -> memref<128xi32, #tpu.memory_space<vmem>>
      %dma_wait3A_257 = arith.constant 0 : i32
      %dma_wait3A_258 = arith.constant 0 : i32
      %dma_wait3A_259 = tpu.memref_slice %arg7[%dma_wait3A_257, %dma_wait3A_258] : memref<10112x16xf32, #tpu.memory_space<vmem_shared>> -> memref<10112x16xf32, #tpu.memory_space<vmem_shared>>
      tpu.wait_indirect_dma semaphore(%arg18 : memref<!tpu.dma_semaphore, #tpu.memory_space<semaphore_mem>>) src(%dma_wait3A_259 : memref<10112x16xf32, #tpu.memory_space<vmem_shared>>) dst(%arg13 : memref<128x16xf32, #tpu.memory_space<vmem>>)
      %dma_start3A_260 = arith.constant 0 : i32
      %dma_start3A_261 = tpu.memref_slice %arg11[%mul3A_245, %dma_start3A_260] : memref<80x128xi32, #tpu.memory_space<vmem>> -> memref<1x128xi32, #tpu.memory_space<vmem>>
      %dma_start3A_262 = tpu.memref_squeeze %dma_start3A_261 : memref<1x128xi32, #tpu.memory_space<vmem>> -> memref<128xi32, #tpu.memory_space<vmem>>
      %dma_start3A_263 = arith.constant 0 : i32
      %dma_start3A_264 = tpu.memref_slice %arg9[%dma_start3A_263] : memref<10112xf32, #tpu.memory_space<vmem_shared>> -> memref<10112xf32, #tpu.memory_space<vmem_shared>>
      tpu.enqueue_indirect_dma source(%arg17 : memref<128xf32, #tpu.memory_space<vmem>>) target(%dma_start3A_264 : memref<10112xf32, #tpu.memory_space<vmem_shared>>) offsets(%dma_start3A_262 : memref<128xi32, #tpu.memory_space<vmem>>) semaphore(%arg20 : memref<!tpu.dma_semaphore, #tpu.memory_space<semaphore_mem>>) {add = true}
      %dma_start3A_265 = arith.constant 0 : i32
      %dma_start3A_266 = tpu.memref_slice %arg12[%mul3A_245, %dma_start3A_265] : memref<80x128xi32, #tpu.memory_space<vmem>> -> memref<1x128xi32, #tpu.memory_space<vmem>>
      %dma_start3A_267 = tpu.memref_squeeze %dma_start3A_266 : memref<1x128xi32, #tpu.memory_space<vmem>> -> memref<128xi32, #tpu.memory_space<vmem>>
      %dma_start3A_268 = arith.constant 0 : i32
      %dma_start3A_269 = tpu.memref_slice %arg10[%dma_start3A_268] : memref<10112xf32, #tpu.memory_space<vmem_shared>> -> memref<10112xf32, #tpu.memory_space<vmem_shared>>
      tpu.enqueue_indirect_dma source(%arg17 : memref<128xf32, #tpu.memory_space<vmem>>) target(%dma_start3A_269 : memref<10112xf32, #tpu.memory_space<vmem_shared>>) offsets(%dma_start3A_267 : memref<128xi32, #tpu.memory_space<vmem>>) semaphore(%arg21 : memref<!tpu.dma_semaphore, #tpu.memory_space<semaphore_mem>>) {add = true}
      "tpu.region"() ({
        %run_scoped3A = tpu.sem_alloc : memref<!tpu.dma_semaphore, #tpu.memory_space<semaphore_mem>>
        %dma_start3A_322 = arith.constant 0 : i32
        %dma_start3A_323 = tpu.memref_slice %arg12[%mul3A_245, %dma_start3A_322] : memref<80x128xi32, #tpu.memory_space<vmem>> -> memref<1x128xi32, #tpu.memory_space<vmem>>
        %dma_start3A_324 = tpu.memref_squeeze %dma_start3A_323 : memref<1x128xi32, #tpu.memory_space<vmem>> -> memref<128xi32, #tpu.memory_space<vmem>>
        %dma_start3A_325 = arith.constant 0 : i32
        %dma_start3A_326 = arith.constant 0 : i32
        %dma_start3A_327 = tpu.memref_slice %arg8[%dma_start3A_325, %dma_start3A_326] : memref<10112x16xf32, #tpu.memory_space<vmem_shared>> -> memref<10112x16xf32, #tpu.memory_space<vmem_shared>>
        tpu.enqueue_indirect_dma source(%arg13 : memref<128x16xf32, #tpu.memory_space<vmem>>) target(%dma_start3A_327 : memref<10112x16xf32, #tpu.memory_space<vmem_shared>>) offsets(%dma_start3A_324 : memref<128xi32, #tpu.memory_space<vmem>>) semaphore(%run_scoped3A : memref<!tpu.dma_semaphore, #tpu.memory_space<semaphore_mem>>) {add = true}
        %dma_wait3A_328 = arith.constant 0 : i32
        %dma_wait3A_329 = tpu.memref_slice %arg12[%mul3A_245, %dma_wait3A_328] : memref<80x128xi32, #tpu.memory_space<vmem>> -> memref<1x128xi32, #tpu.memory_space<vmem>>
        %dma_wait3A_330 = tpu.memref_squeeze %dma_wait3A_329 : memref<1x128xi32, #tpu.memory_space<vmem>> -> memref<128xi32, #tpu.memory_space<vmem>>
        %dma_wait3A_331 = arith.constant 0 : i32
        %dma_wait3A_332 = arith.constant 0 : i32
        %dma_wait3A_333 = tpu.memref_slice %arg8[%dma_wait3A_331, %dma_wait3A_332] : memref<10112x16xf32, #tpu.memory_space<vmem_shared>> -> memref<10112x16xf32, #tpu.memory_space<vmem_shared>>
        tpu.wait_indirect_dma semaphore(%run_scoped3A : memref<!tpu.dma_semaphore, #tpu.memory_space<semaphore_mem>>) src(%arg13 : memref<128x16xf32, #tpu.memory_space<vmem>>) dst(%dma_wait3A_333 : memref<10112x16xf32, #tpu.memory_space<vmem_shared>>)
        tpu.yield
      }) : () -> ()
      %dma_wait3A_270 = arith.constant 0 : i32
      %dma_wait3A_271 = tpu.memref_slice %arg11[%mul3A_245, %dma_wait3A_270] : memref<80x128xi32, #tpu.memory_space<vmem>> -> memref<1x128xi32, #tpu.memory_space<vmem>>
      %dma_wait3A_272 = tpu.memref_squeeze %dma_wait3A_271 : memref<1x128xi32, #tpu.memory_space<vmem>> -> memref<128xi32, #tpu.memory_space<vmem>>
      %dma_wait3A_273 = arith.constant 0 : i32
      %dma_wait3A_274 = tpu.memref_slice %arg9[%dma_wait3A_273] : memref<10112xf32, #tpu.memory_space<vmem_shared>> -> memref<10112xf32, #tpu.memory_space<vmem_shared>>
      tpu.wait_indirect_dma semaphore(%arg20 : memref<!tpu.dma_semaphore, #tpu.memory_space<semaphore_mem>>) src(%arg17 : memref<128xf32, #tpu.memory_space<vmem>>) dst(%dma_wait3A_274 : memref<10112xf32, #tpu.memory_space<vmem_shared>>)
      %dma_wait3A_275 = arith.constant 0 : i32
      %dma_wait3A_276 = tpu.memref_slice %arg12[%mul3A_245, %dma_wait3A_275] : memref<80x128xi32, #tpu.memory_space<vmem>> -> memref<1x128xi32, #tpu.memory_space<vmem>>
      %dma_wait3A_277 = tpu.memref_squeeze %dma_wait3A_276 : memref<1x128xi32, #tpu.memory_space<vmem>> -> memref<128xi32, #tpu.memory_space<vmem>>
      %dma_wait3A_278 = arith.constant 0 : i32
      %dma_wait3A_279 = tpu.memref_slice %arg10[%dma_wait3A_278] : memref<10112xf32, #tpu.memory_space<vmem_shared>> -> memref<10112xf32, #tpu.memory_space<vmem_shared>>
      tpu.wait_indirect_dma semaphore(%arg21 : memref<!tpu.dma_semaphore, #tpu.memory_space<semaphore_mem>>) src(%arg17 : memref<128xf32, #tpu.memory_space<vmem>>) dst(%dma_wait3A_279 : memref<10112xf32, #tpu.memory_space<vmem_shared>>)
      %add3A_280 = arith.constant 2 : i32
      %add3A_281 = arith.addi %mul3A_245, %add3A_280 : i32
      %lt3A_282 = arith.constant 80 : i32
      %lt3A_283 = arith.cmpi slt, %add3A_281, %lt3A_282 : i32
      %convert_element_type3A_284 = arith.extui %lt3A_283 : i1 to i32
      %cond3A_285 = arith.constant 0 : i32
      %cond3A_286 = arith.cmpi ne, %convert_element_type3A_284, %cond3A_285 : i32
      scf.if %cond3A_286 {
        %add3A_322 = arith.constant 2 : i32
        %add3A_323 = arith.addi %mul3A_245, %add3A_322 : i32
        %dma_start3A_324 = arith.constant 0 : i32
        %dma_start3A_325 = tpu.memref_slice %arg11[%add3A_323, %dma_start3A_324] : memref<80x128xi32, #tpu.memory_space<vmem>> -> memref<1x128xi32, #tpu.memory_space<vmem>>
        %dma_start3A_326 = tpu.memref_squeeze %dma_start3A_325 : memref<1x128xi32, #tpu.memory_space<vmem>> -> memref<128xi32, #tpu.memory_space<vmem>>
        %dma_start3A_327 = arith.constant 0 : i32
        %dma_start3A_328 = arith.constant 0 : i32
        %dma_start3A_329 = tpu.memref_slice %arg7[%dma_start3A_327, %dma_start3A_328] : memref<10112x16xf32, #tpu.memory_space<vmem_shared>> -> memref<10112x16xf32, #tpu.memory_space<vmem_shared>>
        tpu.enqueue_indirect_dma source(%dma_start3A_329 : memref<10112x16xf32, #tpu.memory_space<vmem_shared>>) target(%arg13 : memref<128x16xf32, #tpu.memory_space<vmem>>) offsets(%dma_start3A_326 : memref<128xi32, #tpu.memory_space<vmem>>) semaphore(%arg18 : memref<!tpu.dma_semaphore, #tpu.memory_space<semaphore_mem>>)
      } else {
      }
      %add3A_287 = arith.constant 1 : i32
      %add3A_288 = arith.addi %mul3A_245, %add3A_287 : i32
      %dma_wait3A_289 = arith.constant 0 : i32
      %dma_wait3A_290 = tpu.memref_slice %arg11[%add3A_288, %dma_wait3A_289] : memref<80x128xi32, #tpu.memory_space<vmem>> -> memref<1x128xi32, #tpu.memory_space<vmem>>
      %dma_wait3A_291 = tpu.memref_squeeze %dma_wait3A_290 : memref<1x128xi32, #tpu.memory_space<vmem>> -> memref<128xi32, #tpu.memory_space<vmem>>
      %dma_wait3A_292 = arith.constant 0 : i32
      %dma_wait3A_293 = arith.constant 0 : i32
      %dma_wait3A_294 = tpu.memref_slice %arg7[%dma_wait3A_292, %dma_wait3A_293] : memref<10112x16xf32, #tpu.memory_space<vmem_shared>> -> memref<10112x16xf32, #tpu.memory_space<vmem_shared>>
      tpu.wait_indirect_dma semaphore(%arg19 : memref<!tpu.dma_semaphore, #tpu.memory_space<semaphore_mem>>) src(%dma_wait3A_294 : memref<10112x16xf32, #tpu.memory_space<vmem_shared>>) dst(%arg14 : memref<128x16xf32, #tpu.memory_space<vmem>>)
      %add3A_295 = arith.constant 1 : i32
      %add3A_296 = arith.addi %mul3A_245, %add3A_295 : i32
      %dma_start3A_297 = arith.constant 0 : i32
      %dma_start3A_298 = tpu.memref_slice %arg11[%add3A_296, %dma_start3A_297] : memref<80x128xi32, #tpu.memory_space<vmem>> -> memref<1x128xi32, #tpu.memory_space<vmem>>
      %dma_start3A_299 = tpu.memref_squeeze %dma_start3A_298 : memref<1x128xi32, #tpu.memory_space<vmem>> -> memref<128xi32, #tpu.memory_space<vmem>>
      %dma_start3A_300 = arith.constant 0 : i32
      %dma_start3A_301 = tpu.memref_slice %arg9[%dma_start3A_300] : memref<10112xf32, #tpu.memory_space<vmem_shared>> -> memref<10112xf32, #tpu.memory_space<vmem_shared>>
      tpu.enqueue_indirect_dma source(%arg17 : memref<128xf32, #tpu.memory_space<vmem>>) target(%dma_start3A_301 : memref<10112xf32, #tpu.memory_space<vmem_shared>>) offsets(%dma_start3A_299 : memref<128xi32, #tpu.memory_space<vmem>>) semaphore(%arg20 : memref<!tpu.dma_semaphore, #tpu.memory_space<semaphore_mem>>) {add = true}
      %add3A_302 = arith.constant 1 : i32
      %add3A_303 = arith.addi %mul3A_245, %add3A_302 : i32
      %dma_start3A_304 = arith.constant 0 : i32
      %dma_start3A_305 = tpu.memref_slice %arg12[%add3A_303, %dma_start3A_304] : memref<80x128xi32, #tpu.memory_space<vmem>> -> memref<1x128xi32, #tpu.memory_space<vmem>>
      %dma_start3A_306 = tpu.memref_squeeze %dma_start3A_305 : memref<1x128xi32, #tpu.memory_space<vmem>> -> memref<128xi32, #tpu.memory_space<vmem>>
      %dma_start3A_307 = arith.constant 0 : i32
      %dma_start3A_308 = tpu.memref_slice %arg10[%dma_start3A_307] : memref<10112xf32, #tpu.memory_space<vmem_shared>> -> memref<10112xf32, #tpu.memory_space<vmem_shared>>
      tpu.enqueue_indirect_dma source(%arg17 : memref<128xf32, #tpu.memory_space<vmem>>) target(%dma_start3A_308 : memref<10112xf32, #tpu.memory_space<vmem_shared>>) offsets(%dma_start3A_306 : memref<128xi32, #tpu.memory_space<vmem>>) semaphore(%arg21 : memref<!tpu.dma_semaphore, #tpu.memory_space<semaphore_mem>>) {add = true}
      %add3A_309 = arith.constant 1 : i32
      %add3A_310 = arith.addi %mul3A_245, %add3A_309 : i32
      "tpu.region"() ({
        %run_scoped3A = tpu.sem_alloc : memref<!tpu.dma_semaphore, #tpu.memory_space<semaphore_mem>>
        %dma_start3A_322 = arith.constant 0 : i32
        %dma_start3A_323 = tpu.memref_slice %arg12[%add3A_310, %dma_start3A_322] : memref<80x128xi32, #tpu.memory_space<vmem>> -> memref<1x128xi32, #tpu.memory_space<vmem>>
        %dma_start3A_324 = tpu.memref_squeeze %dma_start3A_323 : memref<1x128xi32, #tpu.memory_space<vmem>> -> memref<128xi32, #tpu.memory_space<vmem>>
        %dma_start3A_325 = arith.constant 0 : i32
        %dma_start3A_326 = arith.constant 0 : i32
        %dma_start3A_327 = tpu.memref_slice %arg8[%dma_start3A_325, %dma_start3A_326] : memref<10112x16xf32, #tpu.memory_space<vmem_shared>> -> memref<10112x16xf32, #tpu.memory_space<vmem_shared>>
        tpu.enqueue_indirect_dma source(%arg14 : memref<128x16xf32, #tpu.memory_space<vmem>>) target(%dma_start3A_327 : memref<10112x16xf32, #tpu.memory_space<vmem_shared>>) offsets(%dma_start3A_324 : memref<128xi32, #tpu.memory_space<vmem>>) semaphore(%run_scoped3A : memref<!tpu.dma_semaphore, #tpu.memory_space<semaphore_mem>>) {add = true}
        %dma_wait3A_328 = arith.constant 0 : i32
        %dma_wait3A_329 = tpu.memref_slice %arg12[%add3A_310, %dma_wait3A_328] : memref<80x128xi32, #tpu.memory_space<vmem>> -> memref<1x128xi32, #tpu.memory_space<vmem>>
        %dma_wait3A_330 = tpu.memref_squeeze %dma_wait3A_329 : memref<1x128xi32, #tpu.memory_space<vmem>> -> memref<128xi32, #tpu.memory_space<vmem>>
        %dma_wait3A_331 = arith.constant 0 : i32
        %dma_wait3A_332 = arith.constant 0 : i32
        %dma_wait3A_333 = tpu.memref_slice %arg8[%dma_wait3A_331, %dma_wait3A_332] : memref<10112x16xf32, #tpu.memory_space<vmem_shared>> -> memref<10112x16xf32, #tpu.memory_space<vmem_shared>>
        tpu.wait_indirect_dma semaphore(%run_scoped3A : memref<!tpu.dma_semaphore, #tpu.memory_space<semaphore_mem>>) src(%arg14 : memref<128x16xf32, #tpu.memory_space<vmem>>) dst(%dma_wait3A_333 : memref<10112x16xf32, #tpu.memory_space<vmem_shared>>)
        tpu.yield
      }) : () -> ()
      %dma_wait3A_311 = arith.constant 0 : i32
      %dma_wait3A_312 = tpu.memref_slice %arg11[%add3A_296, %dma_wait3A_311] : memref<80x128xi32, #tpu.memory_space<vmem>> -> memref<1x128xi32, #tpu.memory_space<vmem>>
      %dma_wait3A_313 = tpu.memref_squeeze %dma_wait3A_312 : memref<1x128xi32, #tpu.memory_space<vmem>> -> memref<128xi32, #tpu.memory_space<vmem>>
      %dma_wait3A_314 = arith.constant 0 : i32
      %dma_wait3A_315 = tpu.memref_slice %arg9[%dma_wait3A_314] : memref<10112xf32, #tpu.memory_space<vmem_shared>> -> memref<10112xf32, #tpu.memory_space<vmem_shared>>
      tpu.wait_indirect_dma semaphore(%arg20 : memref<!tpu.dma_semaphore, #tpu.memory_space<semaphore_mem>>) src(%arg17 : memref<128xf32, #tpu.memory_space<vmem>>) dst(%dma_wait3A_315 : memref<10112xf32, #tpu.memory_space<vmem_shared>>)
      %dma_wait3A_316 = arith.constant 0 : i32
      %dma_wait3A_317 = tpu.memref_slice %arg12[%add3A_303, %dma_wait3A_316] : memref<80x128xi32, #tpu.memory_space<vmem>> -> memref<1x128xi32, #tpu.memory_space<vmem>>
      %dma_wait3A_318 = tpu.memref_squeeze %dma_wait3A_317 : memref<1x128xi32, #tpu.memory_space<vmem>> -> memref<128xi32, #tpu.memory_space<vmem>>
      %dma_wait3A_319 = arith.constant 0 : i32
      %dma_wait3A_320 = tpu.memref_slice %arg10[%dma_wait3A_319] : memref<10112xf32, #tpu.memory_space<vmem_shared>> -> memref<10112xf32, #tpu.memory_space<vmem_shared>>
      tpu.wait_indirect_dma semaphore(%arg21 : memref<!tpu.dma_semaphore, #tpu.memory_space<semaphore_mem>>) src(%arg17 : memref<128xf32, #tpu.memory_space<vmem>>) dst(%dma_wait3A_320 : memref<10112xf32, #tpu.memory_space<vmem_shared>>)
      %scan3A_321 = arith.constant 0 : i32
      scf.yield %scan3A_321 : i32
    }
    %scan3A_240 = arith.constant 40 : i32
    %barrier3A_241 = arith.constant 0 : index
    tpu.barrier barrier_id(%barrier3A_241)
    "tpu.region"() ({
      %run_scoped3A = tpu.sem_alloc : memref<!tpu.dma_semaphore, #tpu.memory_space<semaphore_mem>>
      %dma_start3A_242 = arith.constant 0 : i32
      %dma_start3A_243 = tpu.memref_slice %arg4[%arg0, %mul3A_0, %dma_start3A_242] : memref<2x10112x16xf32, #tpu.memory_space<hbm>> -> memref<1x632x16xf32, #tpu.memory_space<hbm>>
      %dma_start3A_244 = tpu.memref_squeeze %dma_start3A_243 : memref<1x632x16xf32, #tpu.memory_space<hbm>> -> memref<632x16xf32, #tpu.memory_space<hbm>>
      %dma_start3A_245 = arith.constant 0 : i32
      %dma_start3A_246 = tpu.memref_slice %arg8[%mul3A_0, %dma_start3A_245] : memref<10112x16xf32, #tpu.memory_space<vmem_shared>> -> memref<632x16xf32, #tpu.memory_space<vmem_shared>>
      tpu.enqueue_dma source(%dma_start3A_246 : memref<632x16xf32, #tpu.memory_space<vmem_shared>>) target(%dma_start3A_244 : memref<632x16xf32, #tpu.memory_space<hbm>>) target_semaphore(%run_scoped3A : memref<!tpu.dma_semaphore, #tpu.memory_space<semaphore_mem>>)
      %dma_wait3A_247 = arith.constant 0 : i32
      %dma_wait3A_248 = tpu.memref_slice %arg4[%arg0, %mul3A_0, %dma_wait3A_247] : memref<2x10112x16xf32, #tpu.memory_space<hbm>> -> memref<1x632x16xf32, #tpu.memory_space<hbm>>
      %dma_wait3A_249 = tpu.memref_squeeze %dma_wait3A_248 : memref<1x632x16xf32, #tpu.memory_space<hbm>> -> memref<632x16xf32, #tpu.memory_space<hbm>>
      %dma_wait3A_250 = arith.constant 0 : i32
      %dma_wait3A_251 = tpu.memref_slice %arg8[%mul3A_0, %dma_wait3A_250] : memref<10112x16xf32, #tpu.memory_space<vmem_shared>> -> memref<632x16xf32, #tpu.memory_space<vmem_shared>>
      tpu.wait_dma2 semaphore(%run_scoped3A : memref<!tpu.dma_semaphore, #tpu.memory_space<semaphore_mem>>) src(%dma_wait3A_251 : memref<632x16xf32, #tpu.memory_space<vmem_shared>>) dst(%dma_wait3A_249 : memref<632x16xf32, #tpu.memory_space<hbm>>)
      tpu.yield
    }) : () -> ()
    "tpu.region"() ({
      %run_scoped3A = tpu.sem_alloc : memref<!tpu.dma_semaphore, #tpu.memory_space<semaphore_mem>>
      %dma_start3A_242 = tpu.memref_slice %arg5[%arg0, %mul3A_0] : memref<2x10112xf32, #tpu.memory_space<hbm>> -> memref<1x632xf32, #tpu.memory_space<hbm>>
      %dma_start3A_243 = tpu.memref_squeeze %dma_start3A_242 : memref<1x632xf32, #tpu.memory_space<hbm>> -> memref<632xf32, #tpu.memory_space<hbm>>
      %dma_start3A_244 = tpu.memref_slice %arg9[%mul3A_0] : memref<10112xf32, #tpu.memory_space<vmem_shared>> -> memref<632xf32, #tpu.memory_space<vmem_shared>>
      tpu.enqueue_dma source(%dma_start3A_244 : memref<632xf32, #tpu.memory_space<vmem_shared>>) target(%dma_start3A_243 : memref<632xf32, #tpu.memory_space<hbm>>) target_semaphore(%run_scoped3A : memref<!tpu.dma_semaphore, #tpu.memory_space<semaphore_mem>>)
      %dma_wait3A_245 = tpu.memref_slice %arg5[%arg0, %mul3A_0] : memref<2x10112xf32, #tpu.memory_space<hbm>> -> memref<1x632xf32, #tpu.memory_space<hbm>>
      %dma_wait3A_246 = tpu.memref_squeeze %dma_wait3A_245 : memref<1x632xf32, #tpu.memory_space<hbm>> -> memref<632xf32, #tpu.memory_space<hbm>>
      %dma_wait3A_247 = tpu.memref_slice %arg9[%mul3A_0] : memref<10112xf32, #tpu.memory_space<vmem_shared>> -> memref<632xf32, #tpu.memory_space<vmem_shared>>
      tpu.wait_dma2 semaphore(%run_scoped3A : memref<!tpu.dma_semaphore, #tpu.memory_space<semaphore_mem>>) src(%dma_wait3A_247 : memref<632xf32, #tpu.memory_space<vmem_shared>>) dst(%dma_wait3A_246 : memref<632xf32, #tpu.memory_space<hbm>>)
      tpu.yield
    }) : () -> ()
    "tpu.region"() ({
      %run_scoped3A = tpu.sem_alloc : memref<!tpu.dma_semaphore, #tpu.memory_space<semaphore_mem>>
      %dma_start3A_242 = tpu.memref_slice %arg6[%arg0, %mul3A_0] : memref<2x10112xf32, #tpu.memory_space<hbm>> -> memref<1x632xf32, #tpu.memory_space<hbm>>
      %dma_start3A_243 = tpu.memref_squeeze %dma_start3A_242 : memref<1x632xf32, #tpu.memory_space<hbm>> -> memref<632xf32, #tpu.memory_space<hbm>>
      %dma_start3A_244 = tpu.memref_slice %arg10[%mul3A_0] : memref<10112xf32, #tpu.memory_space<vmem_shared>> -> memref<632xf32, #tpu.memory_space<vmem_shared>>
      tpu.enqueue_dma source(%dma_start3A_244 : memref<632xf32, #tpu.memory_space<vmem_shared>>) target(%dma_start3A_243 : memref<632xf32, #tpu.memory_space<hbm>>) target_semaphore(%run_scoped3A : memref<!tpu.dma_semaphore, #tpu.memory_space<semaphore_mem>>)
      %dma_wait3A_245 = tpu.memref_slice %arg6[%arg0, %mul3A_0] : memref<2x10112xf32, #tpu.memory_space<hbm>> -> memref<1x632xf32, #tpu.memory_space<hbm>>
      %dma_wait3A_246 = tpu.memref_squeeze %dma_wait3A_245 : memref<1x632xf32, #tpu.memory_space<hbm>> -> memref<632xf32, #tpu.memory_space<hbm>>
      %dma_wait3A_247 = tpu.memref_slice %arg10[%mul3A_0] : memref<10112xf32, #tpu.memory_space<vmem_shared>> -> memref<632xf32, #tpu.memory_space<vmem_shared>>
      tpu.wait_dma2 semaphore(%run_scoped3A : memref<!tpu.dma_semaphore, #tpu.memory_space<semaphore_mem>>) src(%dma_wait3A_247 : memref<632xf32, #tpu.memory_space<vmem_shared>>) dst(%dma_wait3A_246 : memref<632xf32, #tpu.memory_space<hbm>>)
      tpu.yield
    }) : () -> ()
    return
  }
}

module attributes {stable_mosaic.version = 14 : i64} {
  func.func @hgnn_tc_norm(%arg0: memref<2x1264x128xf32, #tpu.memory_space<vmem>>, %arg1: memref<2x79x128xf32, #tpu.memory_space<vmem>>, %arg2: memref<1264x128xf32, #tpu.memory_space<vmem>>) attributes {dimension_semantics = [], scalar_prefetch = 0 : i64, scratch_operands = 0 : i64, tpu.core_type = #tpu.core_type<tc>} {
    %get3A = arith.constant 0 : index
    %get3A_0 = arith.constant 0 : index
    %get3A_1 = arith.constant 0 : index
    %get3A_2 = vector.load %arg0[%get3A, %get3A_0, %get3A_1] : memref<2x1264x128xf32, #tpu.memory_space<vmem>>, vector<1x1264x128xf32>
    %get3A_3 = vector.shape_cast %get3A_2 : vector<1x1264x128xf32> to vector<1264x128xf32>
    %get3A_4 = arith.constant 1 : index
    %get3A_5 = arith.constant 0 : index
    %get3A_6 = arith.constant 0 : index
    %get3A_7 = vector.load %arg0[%get3A_4, %get3A_5, %get3A_6] : memref<2x1264x128xf32, #tpu.memory_space<vmem>>, vector<1x1264x128xf32>
    %get3A_8 = vector.shape_cast %get3A_7 : vector<1x1264x128xf32> to vector<1264x128xf32>
    %add3A = arith.addf %get3A_3, %get3A_8 : vector<1264x128xf32>
    %iota3A = tpu.iota {dimensions = array<i32: 0>} : vector<128x2048xi32>
    %iota3A_9 = tpu.iota {dimensions = array<i32: 1>} : vector<128x2048xi32>
    %jit3A = arith.constant 128 : i32
    %div3A = vector.broadcast %jit3A : i32 to vector<128x2048xi32>
    %div3A_10 = arith.divsi %iota3A_9, %div3A : vector<128x2048xi32>
    %sign3A = arith.constant 0 : i32
    %sign3A_11 = vector.broadcast %sign3A : i32 to vector<128x2048xi32>
    %sign3A_12 = arith.cmpi sgt, %iota3A_9, %sign3A_11 : vector<128x2048xi32>
    %sign3A_13 = arith.extui %sign3A_12 : vector<128x2048xi1> to vector<128x2048xi32>
    %sign3A_14 = arith.constant 0 : i32
    %sign3A_15 = vector.broadcast %sign3A_14 : i32 to vector<128x2048xi32>
    %sign3A_16 = arith.cmpi slt, %iota3A_9, %sign3A_15 : vector<128x2048xi32>
    %sign3A_17 = arith.extui %sign3A_16 : vector<128x2048xi1> to vector<128x2048xi32>
    %sign3A_18 = arith.subi %sign3A_13, %sign3A_17 : vector<128x2048xi32>
    %sign3A_19 = arith.constant 0 : i32
    %sign3A_20 = arith.cmpi sgt, %jit3A, %sign3A_19 : i32
    %sign3A_21 = arith.extui %sign3A_20 : i1 to i32
    %sign3A_22 = arith.constant 0 : i32
    %sign3A_23 = arith.cmpi slt, %jit3A, %sign3A_22 : i32
    %sign3A_24 = arith.extui %sign3A_23 : i1 to i32
    %sign3A_25 = arith.subi %sign3A_21, %sign3A_24 : i32
    %ne3A = vector.broadcast %sign3A_25 : i32 to vector<128x2048xi32>
    %ne3A_26 = arith.cmpi ne, %sign3A_18, %ne3A : vector<128x2048xi32>
    %rem3A = vector.broadcast %jit3A : i32 to vector<128x2048xi32>
    %rem3A_27 = arith.remsi %iota3A_9, %rem3A : vector<128x2048xi32>
    %ne3A_28 = arith.constant 0 : i32
    %ne3A_29 = vector.broadcast %ne3A_28 : i32 to vector<128x2048xi32>
    %ne3A_30 = arith.cmpi ne, %rem3A_27, %ne3A_29 : vector<128x2048xi32>
    %and3A = arith.andi %ne3A_26, %ne3A_30 : vector<128x2048xi1>
    %sub3A = arith.constant 1 : i32
    %sub3A_31 = vector.broadcast %sub3A : i32 to vector<128x2048xi32>
    %sub3A_32 = arith.subi %div3A_10, %sub3A_31 : vector<128x2048xi32>
    %select_n3A = arith.select %and3A, %sub3A_32, %div3A_10 : vector<128x2048xi1>, vector<128x2048xi32>
    %mul3A = arith.constant 8 : i32
    %mul3A_33 = vector.broadcast %mul3A : i32 to vector<128x2048xi32>
    %mul3A_34 = arith.muli %mul3A_33, %select_n3A : vector<128x2048xi32>
    %jit3A_35 = arith.constant 128 : i32
    %eq3A = arith.constant 0 : i32
    %eq3A_36 = arith.cmpi eq, %jit3A_35, %eq3A : i32
    %jit3A_37 = arith.constant 1 : i32
    %select_n3A_38 = arith.select %eq3A_36, %jit3A_37, %jit3A_35 : i32
    %rem3A_39 = vector.broadcast %select_n3A_38 : i32 to vector<128x2048xi32>
    %rem3A_40 = arith.remsi %iota3A_9, %rem3A_39 : vector<128x2048xi32>
    %ne3A_41 = arith.constant 0 : i32
    %ne3A_42 = vector.broadcast %ne3A_41 : i32 to vector<128x2048xi32>
    %ne3A_43 = arith.cmpi ne, %rem3A_40, %ne3A_42 : vector<128x2048xi32>
    %lt3A = arith.constant 0 : i32
    %lt3A_44 = vector.broadcast %lt3A : i32 to vector<128x2048xi32>
    %lt3A_45 = arith.cmpi slt, %rem3A_40, %lt3A_44 : vector<128x2048xi32>
    %lt3A_46 = arith.constant 0 : i32
    %lt3A_47 = arith.cmpi slt, %select_n3A_38, %lt3A_46 : i32
    %ne3A_48 = vector.broadcast %lt3A_47 : i1 to vector<128x2048xi1>
    %ne3A_49 = vector.broadcast %ne3A_48 : vector<128x2048xi1> to vector<128x2048xi1>
    %ne3A_50 = arith.xori %lt3A_45, %ne3A_49 : vector<128x2048xi1>
    %and3A_51 = arith.andi %ne3A_50, %ne3A_43 : vector<128x2048xi1>
    %add3A_52 = vector.broadcast %select_n3A_38 : i32 to vector<128x2048xi32>
    %add3A_53 = arith.addi %rem3A_40, %add3A_52 : vector<128x2048xi32>
    %select_n3A_54 = arith.select %and3A_51, %add3A_53, %rem3A_40 : vector<128x2048xi1>, vector<128x2048xi32>
    %jit3A_55 = arith.constant 16 : i32
    %div3A_56 = vector.broadcast %jit3A_55 : i32 to vector<128x2048xi32>
    %div3A_57 = arith.divsi %select_n3A_54, %div3A_56 : vector<128x2048xi32>
    %sign3A_58 = arith.constant 0 : i32
    %sign3A_59 = vector.broadcast %sign3A_58 : i32 to vector<128x2048xi32>
    %sign3A_60 = arith.cmpi sgt, %select_n3A_54, %sign3A_59 : vector<128x2048xi32>
    %sign3A_61 = arith.extui %sign3A_60 : vector<128x2048xi1> to vector<128x2048xi32>
    %sign3A_62 = arith.constant 0 : i32
    %sign3A_63 = vector.broadcast %sign3A_62 : i32 to vector<128x2048xi32>
    %sign3A_64 = arith.cmpi slt, %select_n3A_54, %sign3A_63 : vector<128x2048xi32>
    %sign3A_65 = arith.extui %sign3A_64 : vector<128x2048xi1> to vector<128x2048xi32>
    %sign3A_66 = arith.subi %sign3A_61, %sign3A_65 : vector<128x2048xi32>
    %sign3A_67 = arith.constant 0 : i32
    %sign3A_68 = arith.cmpi sgt, %jit3A_55, %sign3A_67 : i32
    %sign3A_69 = arith.extui %sign3A_68 : i1 to i32
    %sign3A_70 = arith.constant 0 : i32
    %sign3A_71 = arith.cmpi slt, %jit3A_55, %sign3A_70 : i32
    %sign3A_72 = arith.extui %sign3A_71 : i1 to i32
    %sign3A_73 = arith.subi %sign3A_69, %sign3A_72 : i32
    %ne3A_74 = vector.broadcast %sign3A_73 : i32 to vector<128x2048xi32>
    %ne3A_75 = arith.cmpi ne, %sign3A_66, %ne3A_74 : vector<128x2048xi32>
    %rem3A_76 = vector.broadcast %jit3A_55 : i32 to vector<128x2048xi32>
    %rem3A_77 = arith.remsi %select_n3A_54, %rem3A_76 : vector<128x2048xi32>
    %ne3A_78 = arith.constant 0 : i32
    %ne3A_79 = vector.broadcast %ne3A_78 : i32 to vector<128x2048xi32>
    %ne3A_80 = arith.cmpi ne, %rem3A_77, %ne3A_79 : vector<128x2048xi32>
    %and3A_81 = arith.andi %ne3A_75, %ne3A_80 : vector<128x2048xi1>
    %sub3A_82 = arith.constant 1 : i32
    %sub3A_83 = vector.broadcast %sub3A_82 : i32 to vector<128x2048xi32>
    %sub3A_84 = arith.subi %div3A_57, %sub3A_83 : vector<128x2048xi32>
    %select_n3A_85 = arith.select %and3A_81, %sub3A_84, %div3A_57 : vector<128x2048xi1>, vector<128x2048xi32>
    %add3A_86 = arith.addi %mul3A_34, %select_n3A_85 : vector<128x2048xi32>
    %eq3A_87 = arith.cmpi eq, %iota3A, %add3A_86 : vector<128x2048xi32>
    %jit3A_88 = arith.constant 1.000000e+00 : f32
    %jit3A_89 = arith.constant 0.000000e+00 : f32
    %broadcast_in_dim3A = vector.broadcast %jit3A_88 : f32 to vector<128x2048xf32>
    %broadcast_in_dim3A_90 = vector.broadcast %jit3A_89 : f32 to vector<128x2048xf32>
    %select_n3A_91 = arith.select %eq3A_87, %broadcast_in_dim3A, %broadcast_in_dim3A_90 : vector<128x2048xi1>, vector<128x2048xf32>
    %get3A_92 = arith.constant 0 : index
    %get3A_93 = arith.constant 0 : index
    %get3A_94 = arith.constant 0 : index
    %get3A_95 = vector.load %arg1[%get3A_92, %get3A_93, %get3A_94] : memref<2x79x128xf32, #tpu.memory_space<vmem>>, vector<1x79x128xf32>
    %get3A_96 = vector.shape_cast %get3A_95 : vector<1x79x128xf32> to vector<79x128xf32>
    %get3A_97 = arith.constant 1 : index
    %get3A_98 = arith.constant 0 : index
    %get3A_99 = arith.constant 0 : index
    %get3A_100 = vector.load %arg1[%get3A_97, %get3A_98, %get3A_99] : memref<2x79x128xf32, #tpu.memory_space<vmem>>, vector<1x79x128xf32>
    %get3A_101 = vector.shape_cast %get3A_100 : vector<1x79x128xf32> to vector<79x128xf32>
    %add3A_102 = arith.addf %get3A_96, %get3A_101 : vector<79x128xf32>
    %gt3A = arith.constant 0.000000e+00 : f32
    %gt3A_103 = vector.broadcast %gt3A : f32 to vector<79x128xf32>
    %gt3A_104 = arith.cmpf ogt, %add3A_102, %gt3A_103 : vector<79x128xf32>
    %div3A_105 = arith.constant 1.000000e+00 : f32
    %div3A_106 = vector.broadcast %div3A_105 : f32 to vector<79x128xf32>
    %div3A_107 = arith.divf %div3A_106, %add3A_102 : vector<79x128xf32>
    %jit3A_108 = arith.constant 0.000000e+00 : f32
    %broadcast_in_dim3A_109 = vector.broadcast %jit3A_108 : f32 to vector<79x128xf32>
    %select_n3A_110 = arith.select %gt3A_104, %div3A_107, %broadcast_in_dim3A_109 : vector<79x128xi1>, vector<79x128xf32>
    %dot_general3A = arith.constant dense<0.000000e+00> : vector<79x2048xf32>
    %dot_general3A_111 = tpu.matmul %select_n3A_110, %select_n3A_91, %dot_general3A {dimension_numbers = #tpu.dot_dimension_numbers<[1], [0], [0], [1], [0, 0, 1, 1], [], []>, transpose_lhs_hint = false} : vector<79x128xf32>, vector<128x2048xf32>, vector<79x2048xf32> -> vector<79x2048xf32>
    %reshape3A = vector.shape_cast %dot_general3A_111 : vector<79x2048xf32> to vector<79x16x128xf32>
    %reshape3A_112 = vector.shape_cast %reshape3A : vector<79x16x128xf32> to vector<1264x128xf32>
    %mul3A_113 = arith.mulf %add3A, %reshape3A_112 : vector<1264x128xf32>
    %swap3A = arith.constant 0 : index
    %swap3A_114 = arith.constant 0 : index
    %swap3A_115 = vector.load %arg2[%swap3A, %swap3A_114] : memref<1264x128xf32, #tpu.memory_space<vmem>>, vector<1264x128xf32>
    tpu.vector_store %arg2[%swap3A, %swap3A_114], %mul3A_113 {strides = array<i32>} : memref<1264x128xf32, #tpu.memory_space<vmem>>, vector<1264x128xf32>,
    return
  }
}

module attributes {stable_mosaic.version = 14 : i64} {
  func.func @hgnn_tc_in_proj(%arg0: memref<10000x128xf32, #tpu.memory_space<vmem>>, %arg1: memref<128x16xf32, #tpu.memory_space<vmem>>, %arg2: memref<1x16xf32, #tpu.memory_space<vmem>>, %arg3: memref<1264x128xf32, #tpu.memory_space<vmem>>) attributes {dimension_semantics = [], scalar_prefetch = 0 : i64, scratch_operands = 0 : i64, tpu.core_type = #tpu.core_type<tc>} {
    %get3A = arith.constant 0 : index
    %get3A_0 = arith.constant 0 : index
    %get3A_1 = vector.load %arg1[%get3A, %get3A_0] : memref<128x16xf32, #tpu.memory_space<vmem>>, vector<128x16xf32>
    %concatenate3A = tpu.concatenate %get3A_1, %get3A_1, %get3A_1, %get3A_1, %get3A_1, %get3A_1, %get3A_1, %get3A_1 in 1 : vector<128x16xf32>, vector<128x16xf32>, vector<128x16xf32>, vector<128x16xf32>, vector<128x16xf32>, vector<128x16xf32>, vector<128x16xf32>, vector<128x16xf32> -> vector<128x128xf32>
    %get3A_2 = arith.constant 0 : index
    %get3A_3 = arith.constant 0 : index
    %get3A_4 = vector.load %arg2[%get3A_2, %get3A_3] : memref<1x16xf32, #tpu.memory_space<vmem>>, vector<1x16xf32>
    %concatenate3A_5 = tpu.concatenate %get3A_4, %get3A_4, %get3A_4, %get3A_4, %get3A_4, %get3A_4, %get3A_4, %get3A_4 in 1 : vector<1x16xf32>, vector<1x16xf32>, vector<1x16xf32>, vector<1x16xf32>, vector<1x16xf32>, vector<1x16xf32>, vector<1x16xf32>, vector<1x16xf32> -> vector<1x128xf32>
    %get3A_6 = arith.constant 0 : index
    %get3A_7 = arith.constant 0 : index
    %get3A_8 = vector.load %arg0[%get3A_6, %get3A_7] : memref<10000x128xf32, #tpu.memory_space<vmem>>, vector<10000x128xf32>
    %dot_general3A = arith.constant dense<0.000000e+00> : vector<10000x128xf32>
    %dot_general3A_9 = tpu.matmul %get3A_8, %concatenate3A, %dot_general3A {dimension_numbers = #tpu.dot_dimension_numbers<[1], [0], [0], [1], [0, 0, 1, 1], [], []>, transpose_lhs_hint = false} : vector<10000x128xf32>, vector<128x128xf32>, vector<10000x128xf32> -> vector<10000x128xf32>
    %add3A = vector.broadcast %concatenate3A_5 : vector<1x128xf32> to vector<10000x128xf32>
    %add3A_10 = arith.addf %dot_general3A_9, %add3A : vector<10000x128xf32>
    %reshape3A = vector.shape_cast %add3A_10 : vector<10000x128xf32> to vector<1250x8x128xf32>
    %iota3A = tpu.iota {dimensions = array<i32: 2>} : vector<1250x8x128xi32>
    %jit3A = arith.constant 16 : i32
    %div3A = vector.broadcast %jit3A : i32 to vector<1250x8x128xi32>
    %div3A_11 = arith.divsi %iota3A, %div3A : vector<1250x8x128xi32>
    %sign3A = arith.constant 0 : i32
    %sign3A_12 = vector.broadcast %sign3A : i32 to vector<1250x8x128xi32>
    %sign3A_13 = arith.cmpi sgt, %iota3A, %sign3A_12 : vector<1250x8x128xi32>
    %sign3A_14 = arith.extui %sign3A_13 : vector<1250x8x128xi1> to vector<1250x8x128xi32>
    %sign3A_15 = arith.constant 0 : i32
    %sign3A_16 = vector.broadcast %sign3A_15 : i32 to vector<1250x8x128xi32>
    %sign3A_17 = arith.cmpi slt, %iota3A, %sign3A_16 : vector<1250x8x128xi32>
    %sign3A_18 = arith.extui %sign3A_17 : vector<1250x8x128xi1> to vector<1250x8x128xi32>
    %sign3A_19 = arith.subi %sign3A_14, %sign3A_18 : vector<1250x8x128xi32>
    %sign3A_20 = arith.constant 0 : i32
    %sign3A_21 = arith.cmpi sgt, %jit3A, %sign3A_20 : i32
    %sign3A_22 = arith.extui %sign3A_21 : i1 to i32
    %sign3A_23 = arith.constant 0 : i32
    %sign3A_24 = arith.cmpi slt, %jit3A, %sign3A_23 : i32
    %sign3A_25 = arith.extui %sign3A_24 : i1 to i32
    %sign3A_26 = arith.subi %sign3A_22, %sign3A_25 : i32
    %ne3A = vector.broadcast %sign3A_26 : i32 to vector<1250x8x128xi32>
    %ne3A_27 = arith.cmpi ne, %sign3A_19, %ne3A : vector<1250x8x128xi32>
    %rem3A = vector.broadcast %jit3A : i32 to vector<1250x8x128xi32>
    %rem3A_28 = arith.remsi %iota3A, %rem3A : vector<1250x8x128xi32>
    %ne3A_29 = arith.constant 0 : i32
    %ne3A_30 = vector.broadcast %ne3A_29 : i32 to vector<1250x8x128xi32>
    %ne3A_31 = arith.cmpi ne, %rem3A_28, %ne3A_30 : vector<1250x8x128xi32>
    %and3A = arith.andi %ne3A_27, %ne3A_31 : vector<1250x8x128xi1>
    %sub3A = arith.constant 1 : i32
    %sub3A_32 = vector.broadcast %sub3A : i32 to vector<1250x8x128xi32>
    %sub3A_33 = arith.subi %div3A_11, %sub3A_32 : vector<1250x8x128xi32>
    %select_n3A = arith.select %and3A, %sub3A_33, %div3A_11 : vector<1250x8x128xi1>, vector<1250x8x128xi32>
    %iota3A_34 = tpu.iota {dimensions = array<i32: 1>} : vector<1250x8x128xi32>
    %eq3A = arith.cmpi eq, %select_n3A, %iota3A_34 : vector<1250x8x128xi32>
    %jit3A_35 = arith.constant 0.000000e+00 : f32
    %broadcast_in_dim3A = vector.broadcast %jit3A_35 : f32 to vector<1250x8x128xf32>
    %select_n3A_36 = arith.select %eq3A, %reshape3A, %broadcast_in_dim3A : vector<1250x8x128xi1>, vector<1250x8x128xf32>
    %reduce_sum3A = arith.constant dense<0.000000e+00> : vector<1250x128xf32>
    %reduce_sum3A_37 = vector.multi_reduction <add>, %select_n3A_36, %reduce_sum3A [1] : vector<1250x8x128xf32> to vector<1250x128xf32>
    %broadcast_in_dim3A_38 = arith.constant 0.000000e+00 : f32
    %broadcast_in_dim3A_39 = vector.broadcast %broadcast_in_dim3A_38 : f32 to vector<14x128xf32>
    %concatenate3A_40 = tpu.concatenate %reduce_sum3A_37, %broadcast_in_dim3A_39 in 0 : vector<1250x128xf32>, vector<14x128xf32> -> vector<1264x128xf32>
    %swap3A = arith.constant 0 : index
    %swap3A_41 = arith.constant 0 : index
    %swap3A_42 = vector.load %arg3[%swap3A, %swap3A_41] : memref<1264x128xf32, #tpu.memory_space<vmem>>, vector<1264x128xf32>
    tpu.vector_store %arg3[%swap3A, %swap3A_41], %concatenate3A_40 {strides = array<i32>} : memref<1264x128xf32, #tpu.memory_space<vmem>>, vector<1264x128xf32>,
    return
  }
}

module attributes {stable_mosaic.version = 14 : i64} {
  func.func @hgnn_tc_mid(%arg0: memref<2x1264x128xf32, #tpu.memory_space<vmem>>, %arg1: memref<2x79x128xf32, #tpu.memory_space<vmem>>, %arg2: memref<16x16xf32, #tpu.memory_space<vmem>>, %arg3: memref<1x16xf32, #tpu.memory_space<vmem>>, %arg4: memref<1264x128xf32, #tpu.memory_space<vmem>>) attributes {dimension_semantics = [], scalar_prefetch = 0 : i64, scratch_operands = 0 : i64, tpu.core_type = #tpu.core_type<tc>} {
    %get3A = arith.constant 0 : index
    %get3A_0 = arith.constant 0 : index
    %get3A_1 = vector.load %arg2[%get3A, %get3A_0] : memref<16x16xf32, #tpu.memory_space<vmem>>, vector<16x16xf32>
    %concatenate3A = tpu.concatenate %get3A_1, %get3A_1, %get3A_1, %get3A_1, %get3A_1, %get3A_1, %get3A_1, %get3A_1 in 0 : vector<16x16xf32>, vector<16x16xf32>, vector<16x16xf32>, vector<16x16xf32>, vector<16x16xf32>, vector<16x16xf32>, vector<16x16xf32>, vector<16x16xf32> -> vector<128x16xf32>
    %concatenate3A_2 = tpu.concatenate %concatenate3A, %concatenate3A, %concatenate3A, %concatenate3A, %concatenate3A, %concatenate3A, %concatenate3A, %concatenate3A in 1 : vector<128x16xf32>, vector<128x16xf32>, vector<128x16xf32>, vector<128x16xf32>, vector<128x16xf32>, vector<128x16xf32>, vector<128x16xf32>, vector<128x16xf32> -> vector<128x128xf32>
    %iota3A = tpu.iota {dimensions = array<i32: 0>} : vector<128x128xi32>
    %jit3A = arith.constant 16 : i32
    %div3A = vector.broadcast %jit3A : i32 to vector<128x128xi32>
    %div3A_3 = arith.divsi %iota3A, %div3A : vector<128x128xi32>
    %sign3A = arith.constant 0 : i32
    %sign3A_4 = vector.broadcast %sign3A : i32 to vector<128x128xi32>
    %sign3A_5 = arith.cmpi sgt, %iota3A, %sign3A_4 : vector<128x128xi32>
    %sign3A_6 = arith.extui %sign3A_5 : vector<128x128xi1> to vector<128x128xi32>
    %sign3A_7 = arith.constant 0 : i32
    %sign3A_8 = vector.broadcast %sign3A_7 : i32 to vector<128x128xi32>
    %sign3A_9 = arith.cmpi slt, %iota3A, %sign3A_8 : vector<128x128xi32>
    %sign3A_10 = arith.extui %sign3A_9 : vector<128x128xi1> to vector<128x128xi32>
    %sign3A_11 = arith.subi %sign3A_6, %sign3A_10 : vector<128x128xi32>
    %sign3A_12 = arith.constant 0 : i32
    %sign3A_13 = arith.cmpi sgt, %jit3A, %sign3A_12 : i32
    %sign3A_14 = arith.extui %sign3A_13 : i1 to i32
    %sign3A_15 = arith.constant 0 : i32
    %sign3A_16 = arith.cmpi slt, %jit3A, %sign3A_15 : i32
    %sign3A_17 = arith.extui %sign3A_16 : i1 to i32
    %sign3A_18 = arith.subi %sign3A_14, %sign3A_17 : i32
    %ne3A = vector.broadcast %sign3A_18 : i32 to vector<128x128xi32>
    %ne3A_19 = arith.cmpi ne, %sign3A_11, %ne3A : vector<128x128xi32>
    %rem3A = vector.broadcast %jit3A : i32 to vector<128x128xi32>
    %rem3A_20 = arith.remsi %iota3A, %rem3A : vector<128x128xi32>
    %ne3A_21 = arith.constant 0 : i32
    %ne3A_22 = vector.broadcast %ne3A_21 : i32 to vector<128x128xi32>
    %ne3A_23 = arith.cmpi ne, %rem3A_20, %ne3A_22 : vector<128x128xi32>
    %and3A = arith.andi %ne3A_19, %ne3A_23 : vector<128x128xi1>
    %sub3A = arith.constant 1 : i32
    %sub3A_24 = vector.broadcast %sub3A : i32 to vector<128x128xi32>
    %sub3A_25 = arith.subi %div3A_3, %sub3A_24 : vector<128x128xi32>
    %select_n3A = arith.select %and3A, %sub3A_25, %div3A_3 : vector<128x128xi1>, vector<128x128xi32>
    %iota3A_26 = tpu.iota {dimensions = array<i32: 1>} : vector<128x128xi32>
    %jit3A_27 = arith.constant 16 : i32
    %div3A_28 = vector.broadcast %jit3A_27 : i32 to vector<128x128xi32>
    %div3A_29 = arith.divsi %iota3A_26, %div3A_28 : vector<128x128xi32>
    %sign3A_30 = arith.constant 0 : i32
    %sign3A_31 = vector.broadcast %sign3A_30 : i32 to vector<128x128xi32>
    %sign3A_32 = arith.cmpi sgt, %iota3A_26, %sign3A_31 : vector<128x128xi32>
    %sign3A_33 = arith.extui %sign3A_32 : vector<128x128xi1> to vector<128x128xi32>
    %sign3A_34 = arith.constant 0 : i32
    %sign3A_35 = vector.broadcast %sign3A_34 : i32 to vector<128x128xi32>
    %sign3A_36 = arith.cmpi slt, %iota3A_26, %sign3A_35 : vector<128x128xi32>
    %sign3A_37 = arith.extui %sign3A_36 : vector<128x128xi1> to vector<128x128xi32>
    %sign3A_38 = arith.subi %sign3A_33, %sign3A_37 : vector<128x128xi32>
    %sign3A_39 = arith.constant 0 : i32
    %sign3A_40 = arith.cmpi sgt, %jit3A_27, %sign3A_39 : i32
    %sign3A_41 = arith.extui %sign3A_40 : i1 to i32
    %sign3A_42 = arith.constant 0 : i32
    %sign3A_43 = arith.cmpi slt, %jit3A_27, %sign3A_42 : i32
    %sign3A_44 = arith.extui %sign3A_43 : i1 to i32
    %sign3A_45 = arith.subi %sign3A_41, %sign3A_44 : i32
    %ne3A_46 = vector.broadcast %sign3A_45 : i32 to vector<128x128xi32>
    %ne3A_47 = arith.cmpi ne, %sign3A_38, %ne3A_46 : vector<128x128xi32>
    %rem3A_48 = vector.broadcast %jit3A_27 : i32 to vector<128x128xi32>
    %rem3A_49 = arith.remsi %iota3A_26, %rem3A_48 : vector<128x128xi32>
    %ne3A_50 = arith.constant 0 : i32
    %ne3A_51 = vector.broadcast %ne3A_50 : i32 to vector<128x128xi32>
    %ne3A_52 = arith.cmpi ne, %rem3A_49, %ne3A_51 : vector<128x128xi32>
    %and3A_53 = arith.andi %ne3A_47, %ne3A_52 : vector<128x128xi1>
    %sub3A_54 = arith.constant 1 : i32
    %sub3A_55 = vector.broadcast %sub3A_54 : i32 to vector<128x128xi32>
    %sub3A_56 = arith.subi %div3A_29, %sub3A_55 : vector<128x128xi32>
    %select_n3A_57 = arith.select %and3A_53, %sub3A_56, %div3A_29 : vector<128x128xi1>, vector<128x128xi32>
    %eq3A = arith.cmpi eq, %select_n3A, %select_n3A_57 : vector<128x128xi32>
    %jit3A_58 = arith.constant 0.000000e+00 : f32
    %broadcast_in_dim3A = vector.broadcast %jit3A_58 : f32 to vector<128x128xf32>
    %select_n3A_59 = arith.select %eq3A, %concatenate3A_2, %broadcast_in_dim3A : vector<128x128xi1>, vector<128x128xf32>
    %get3A_60 = arith.constant 0 : index
    %get3A_61 = arith.constant 0 : index
    %get3A_62 = vector.load %arg3[%get3A_60, %get3A_61] : memref<1x16xf32, #tpu.memory_space<vmem>>, vector<1x16xf32>
    %concatenate3A_63 = tpu.concatenate %get3A_62, %get3A_62, %get3A_62, %get3A_62, %get3A_62, %get3A_62, %get3A_62, %get3A_62 in 1 : vector<1x16xf32>, vector<1x16xf32>, vector<1x16xf32>, vector<1x16xf32>, vector<1x16xf32>, vector<1x16xf32>, vector<1x16xf32>, vector<1x16xf32> -> vector<1x128xf32>
    %get3A_64 = arith.constant 0 : index
    %get3A_65 = arith.constant 0 : index
    %get3A_66 = arith.constant 0 : index
    %get3A_67 = vector.load %arg0[%get3A_64, %get3A_65, %get3A_66] : memref<2x1264x128xf32, #tpu.memory_space<vmem>>, vector<1x1264x128xf32>
    %get3A_68 = vector.shape_cast %get3A_67 : vector<1x1264x128xf32> to vector<1264x128xf32>
    %get3A_69 = arith.constant 1 : index
    %get3A_70 = arith.constant 0 : index
    %get3A_71 = arith.constant 0 : index
    %get3A_72 = vector.load %arg0[%get3A_69, %get3A_70, %get3A_71] : memref<2x1264x128xf32, #tpu.memory_space<vmem>>, vector<1x1264x128xf32>
    %get3A_73 = vector.shape_cast %get3A_72 : vector<1x1264x128xf32> to vector<1264x128xf32>
    %add3A = arith.addf %get3A_68, %get3A_73 : vector<1264x128xf32>
    %iota3A_74 = tpu.iota {dimensions = array<i32: 0>} : vector<128x2048xi32>
    %iota3A_75 = tpu.iota {dimensions = array<i32: 1>} : vector<128x2048xi32>
    %jit3A_76 = arith.constant 128 : i32
    %div3A_77 = vector.broadcast %jit3A_76 : i32 to vector<128x2048xi32>
    %div3A_78 = arith.divsi %iota3A_75, %div3A_77 : vector<128x2048xi32>
    %sign3A_79 = arith.constant 0 : i32
    %sign3A_80 = vector.broadcast %sign3A_79 : i32 to vector<128x2048xi32>
    %sign3A_81 = arith.cmpi sgt, %iota3A_75, %sign3A_80 : vector<128x2048xi32>
    %sign3A_82 = arith.extui %sign3A_81 : vector<128x2048xi1> to vector<128x2048xi32>
    %sign3A_83 = arith.constant 0 : i32
    %sign3A_84 = vector.broadcast %sign3A_83 : i32 to vector<128x2048xi32>
    %sign3A_85 = arith.cmpi slt, %iota3A_75, %sign3A_84 : vector<128x2048xi32>
    %sign3A_86 = arith.extui %sign3A_85 : vector<128x2048xi1> to vector<128x2048xi32>
    %sign3A_87 = arith.subi %sign3A_82, %sign3A_86 : vector<128x2048xi32>
    %sign3A_88 = arith.constant 0 : i32
    %sign3A_89 = arith.cmpi sgt, %jit3A_76, %sign3A_88 : i32
    %sign3A_90 = arith.extui %sign3A_89 : i1 to i32
    %sign3A_91 = arith.constant 0 : i32
    %sign3A_92 = arith.cmpi slt, %jit3A_76, %sign3A_91 : i32
    %sign3A_93 = arith.extui %sign3A_92 : i1 to i32
    %sign3A_94 = arith.subi %sign3A_90, %sign3A_93 : i32
    %ne3A_95 = vector.broadcast %sign3A_94 : i32 to vector<128x2048xi32>
    %ne3A_96 = arith.cmpi ne, %sign3A_87, %ne3A_95 : vector<128x2048xi32>
    %rem3A_97 = vector.broadcast %jit3A_76 : i32 to vector<128x2048xi32>
    %rem3A_98 = arith.remsi %iota3A_75, %rem3A_97 : vector<128x2048xi32>
    %ne3A_99 = arith.constant 0 : i32
    %ne3A_100 = vector.broadcast %ne3A_99 : i32 to vector<128x2048xi32>
    %ne3A_101 = arith.cmpi ne, %rem3A_98, %ne3A_100 : vector<128x2048xi32>
    %and3A_102 = arith.andi %ne3A_96, %ne3A_101 : vector<128x2048xi1>
    %sub3A_103 = arith.constant 1 : i32
    %sub3A_104 = vector.broadcast %sub3A_103 : i32 to vector<128x2048xi32>
    %sub3A_105 = arith.subi %div3A_78, %sub3A_104 : vector<128x2048xi32>
    %select_n3A_106 = arith.select %and3A_102, %sub3A_105, %div3A_78 : vector<128x2048xi1>, vector<128x2048xi32>
    %mul3A = arith.constant 8 : i32
    %mul3A_107 = vector.broadcast %mul3A : i32 to vector<128x2048xi32>
    %mul3A_108 = arith.muli %mul3A_107, %select_n3A_106 : vector<128x2048xi32>
    %jit3A_109 = arith.constant 128 : i32
    %eq3A_110 = arith.constant 0 : i32
    %eq3A_111 = arith.cmpi eq, %jit3A_109, %eq3A_110 : i32
    %jit3A_112 = arith.constant 1 : i32
    %select_n3A_113 = arith.select %eq3A_111, %jit3A_112, %jit3A_109 : i32
    %rem3A_114 = vector.broadcast %select_n3A_113 : i32 to vector<128x2048xi32>
    %rem3A_115 = arith.remsi %iota3A_75, %rem3A_114 : vector<128x2048xi32>
    %ne3A_116 = arith.constant 0 : i32
    %ne3A_117 = vector.broadcast %ne3A_116 : i32 to vector<128x2048xi32>
    %ne3A_118 = arith.cmpi ne, %rem3A_115, %ne3A_117 : vector<128x2048xi32>
    %lt3A = arith.constant 0 : i32
    %lt3A_119 = vector.broadcast %lt3A : i32 to vector<128x2048xi32>
    %lt3A_120 = arith.cmpi slt, %rem3A_115, %lt3A_119 : vector<128x2048xi32>
    %lt3A_121 = arith.constant 0 : i32
    %lt3A_122 = arith.cmpi slt, %select_n3A_113, %lt3A_121 : i32
    %ne3A_123 = vector.broadcast %lt3A_122 : i1 to vector<128x2048xi1>
    %ne3A_124 = vector.broadcast %ne3A_123 : vector<128x2048xi1> to vector<128x2048xi1>
    %ne3A_125 = arith.xori %lt3A_120, %ne3A_124 : vector<128x2048xi1>
    %and3A_126 = arith.andi %ne3A_125, %ne3A_118 : vector<128x2048xi1>
    %add3A_127 = vector.broadcast %select_n3A_113 : i32 to vector<128x2048xi32>
    %add3A_128 = arith.addi %rem3A_115, %add3A_127 : vector<128x2048xi32>
    %select_n3A_129 = arith.select %and3A_126, %add3A_128, %rem3A_115 : vector<128x2048xi1>, vector<128x2048xi32>
    %jit3A_130 = arith.constant 16 : i32
    %div3A_131 = vector.broadcast %jit3A_130 : i32 to vector<128x2048xi32>
    %div3A_132 = arith.divsi %select_n3A_129, %div3A_131 : vector<128x2048xi32>
    %sign3A_133 = arith.constant 0 : i32
    %sign3A_134 = vector.broadcast %sign3A_133 : i32 to vector<128x2048xi32>
    %sign3A_135 = arith.cmpi sgt, %select_n3A_129, %sign3A_134 : vector<128x2048xi32>
    %sign3A_136 = arith.extui %sign3A_135 : vector<128x2048xi1> to vector<128x2048xi32>
    %sign3A_137 = arith.constant 0 : i32
    %sign3A_138 = vector.broadcast %sign3A_137 : i32 to vector<128x2048xi32>
    %sign3A_139 = arith.cmpi slt, %select_n3A_129, %sign3A_138 : vector<128x2048xi32>
    %sign3A_140 = arith.extui %sign3A_139 : vector<128x2048xi1> to vector<128x2048xi32>
    %sign3A_141 = arith.subi %sign3A_136, %sign3A_140 : vector<128x2048xi32>
    %sign3A_142 = arith.constant 0 : i32
    %sign3A_143 = arith.cmpi sgt, %jit3A_130, %sign3A_142 : i32
    %sign3A_144 = arith.extui %sign3A_143 : i1 to i32
    %sign3A_145 = arith.constant 0 : i32
    %sign3A_146 = arith.cmpi slt, %jit3A_130, %sign3A_145 : i32
    %sign3A_147 = arith.extui %sign3A_146 : i1 to i32
    %sign3A_148 = arith.subi %sign3A_144, %sign3A_147 : i32
    %ne3A_149 = vector.broadcast %sign3A_148 : i32 to vector<128x2048xi32>
    %ne3A_150 = arith.cmpi ne, %sign3A_141, %ne3A_149 : vector<128x2048xi32>
    %rem3A_151 = vector.broadcast %jit3A_130 : i32 to vector<128x2048xi32>
    %rem3A_152 = arith.remsi %select_n3A_129, %rem3A_151 : vector<128x2048xi32>
    %ne3A_153 = arith.constant 0 : i32
    %ne3A_154 = vector.broadcast %ne3A_153 : i32 to vector<128x2048xi32>
    %ne3A_155 = arith.cmpi ne, %rem3A_152, %ne3A_154 : vector<128x2048xi32>
    %and3A_156 = arith.andi %ne3A_150, %ne3A_155 : vector<128x2048xi1>
    %sub3A_157 = arith.constant 1 : i32
    %sub3A_158 = vector.broadcast %sub3A_157 : i32 to vector<128x2048xi32>
    %sub3A_159 = arith.subi %div3A_132, %sub3A_158 : vector<128x2048xi32>
    %select_n3A_160 = arith.select %and3A_156, %sub3A_159, %div3A_132 : vector<128x2048xi1>, vector<128x2048xi32>
    %add3A_161 = arith.addi %mul3A_108, %select_n3A_160 : vector<128x2048xi32>
    %eq3A_162 = arith.cmpi eq, %iota3A_74, %add3A_161 : vector<128x2048xi32>
    %jit3A_163 = arith.constant 1.000000e+00 : f32
    %jit3A_164 = arith.constant 0.000000e+00 : f32
    %broadcast_in_dim3A_165 = vector.broadcast %jit3A_163 : f32 to vector<128x2048xf32>
    %broadcast_in_dim3A_166 = vector.broadcast %jit3A_164 : f32 to vector<128x2048xf32>
    %select_n3A_167 = arith.select %eq3A_162, %broadcast_in_dim3A_165, %broadcast_in_dim3A_166 : vector<128x2048xi1>, vector<128x2048xf32>
    %get3A_168 = arith.constant 0 : index
    %get3A_169 = arith.constant 0 : index
    %get3A_170 = arith.constant 0 : index
    %get3A_171 = vector.load %arg1[%get3A_168, %get3A_169, %get3A_170] : memref<2x79x128xf32, #tpu.memory_space<vmem>>, vector<1x79x128xf32>
    %get3A_172 = vector.shape_cast %get3A_171 : vector<1x79x128xf32> to vector<79x128xf32>
    %get3A_173 = arith.constant 1 : index
    %get3A_174 = arith.constant 0 : index
    %get3A_175 = arith.constant 0 : index
    %get3A_176 = vector.load %arg1[%get3A_173, %get3A_174, %get3A_175] : memref<2x79x128xf32, #tpu.memory_space<vmem>>, vector<1x79x128xf32>
    %get3A_177 = vector.shape_cast %get3A_176 : vector<1x79x128xf32> to vector<79x128xf32>
    %add3A_178 = arith.addf %get3A_172, %get3A_177 : vector<79x128xf32>
    %gt3A = arith.constant 0.000000e+00 : f32
    %gt3A_179 = vector.broadcast %gt3A : f32 to vector<79x128xf32>
    %gt3A_180 = arith.cmpf ogt, %add3A_178, %gt3A_179 : vector<79x128xf32>
    %div3A_181 = arith.constant 1.000000e+00 : f32
    %div3A_182 = vector.broadcast %div3A_181 : f32 to vector<79x128xf32>
    %div3A_183 = arith.divf %div3A_182, %add3A_178 : vector<79x128xf32>
    %jit3A_184 = arith.constant 0.000000e+00 : f32
    %broadcast_in_dim3A_185 = vector.broadcast %jit3A_184 : f32 to vector<79x128xf32>
    %select_n3A_186 = arith.select %gt3A_180, %div3A_183, %broadcast_in_dim3A_185 : vector<79x128xi1>, vector<79x128xf32>
    %dot_general3A = arith.constant dense<0.000000e+00> : vector<79x2048xf32>
    %dot_general3A_187 = tpu.matmul %select_n3A_186, %select_n3A_167, %dot_general3A {dimension_numbers = #tpu.dot_dimension_numbers<[1], [0], [0], [1], [0, 0, 1, 1], [], []>, transpose_lhs_hint = false} : vector<79x128xf32>, vector<128x2048xf32>, vector<79x2048xf32> -> vector<79x2048xf32>
    %reshape3A = vector.shape_cast %dot_general3A_187 : vector<79x2048xf32> to vector<79x16x128xf32>
    %reshape3A_188 = vector.shape_cast %reshape3A : vector<79x16x128xf32> to vector<1264x128xf32>
    %mul3A_189 = arith.mulf %add3A, %reshape3A_188 : vector<1264x128xf32>
    %ge3A = arith.constant 0.000000e+00 : f32
    %ge3A_190 = vector.broadcast %ge3A : f32 to vector<1264x128xf32>
    %ge3A_191 = arith.cmpf oge, %mul3A_189, %ge3A_190 : vector<1264x128xf32>
    %mul3A_192 = arith.constant 0.00999999977 : f32
    %mul3A_193 = vector.broadcast %mul3A_192 : f32 to vector<1264x128xf32>
    %mul3A_194 = arith.mulf %mul3A_193, %mul3A_189 : vector<1264x128xf32>
    %select_n3A_195 = arith.select %ge3A_191, %mul3A_189, %mul3A_194 : vector<1264x128xi1>, vector<1264x128xf32>
    %dot_general3A_196 = arith.constant dense<0.000000e+00> : vector<1264x128xf32>
    %dot_general3A_197 = tpu.matmul %select_n3A_195, %select_n3A_59, %dot_general3A_196 {dimension_numbers = #tpu.dot_dimension_numbers<[1], [0], [0], [1], [0, 0, 1, 1], [], []>, transpose_lhs_hint = false} : vector<1264x128xf32>, vector<128x128xf32>, vector<1264x128xf32> -> vector<1264x128xf32>
    %add3A_198 = vector.broadcast %concatenate3A_63 : vector<1x128xf32> to vector<1264x128xf32>
    %add3A_199 = arith.addf %dot_general3A_197, %add3A_198 : vector<1264x128xf32>
    %iota3A_200 = tpu.iota {dimensions = array<i32: 0>} : vector<1264x128xi32>
    %lt3A_201 = arith.constant 1250 : i32
    %lt3A_202 = vector.broadcast %lt3A_201 : i32 to vector<1264x128xi32>
    %lt3A_203 = arith.cmpi slt, %iota3A_200, %lt3A_202 : vector<1264x128xi32>
    %jit3A_204 = arith.constant 0.000000e+00 : f32
    %broadcast_in_dim3A_205 = vector.broadcast %jit3A_204 : f32 to vector<1264x128xf32>
    %select_n3A_206 = arith.select %lt3A_203, %add3A_199, %broadcast_in_dim3A_205 : vector<1264x128xi1>, vector<1264x128xf32>
    %swap3A = arith.constant 0 : index
    %swap3A_207 = arith.constant 0 : index
    %swap3A_208 = vector.load %arg4[%swap3A, %swap3A_207] : memref<1264x128xf32, #tpu.memory_space<vmem>>, vector<1264x128xf32>
    tpu.vector_store %arg4[%swap3A, %swap3A_207], %select_n3A_206 {strides = array<i32>} : memref<1264x128xf32, #tpu.memory_space<vmem>>, vector<1264x128xf32>,
    return
  }
}

module attributes {stable_mosaic.version = 14 : i64} {
  func.func @hgnn_tc_out(%arg0: memref<2x1264x128xf32, #tpu.memory_space<vmem>>, %arg1: memref<2x79x128xf32, #tpu.memory_space<vmem>>, %arg2: memref<1264x128xf32, #tpu.memory_space<vmem>>) attributes {dimension_semantics = [], scalar_prefetch = 0 : i64, scratch_operands = 0 : i64, tpu.core_type = #tpu.core_type<tc>} {
    %get3A = arith.constant 0 : index
    %get3A_0 = arith.constant 0 : index
    %get3A_1 = arith.constant 0 : index
    %get3A_2 = vector.load %arg0[%get3A, %get3A_0, %get3A_1] : memref<2x1264x128xf32, #tpu.memory_space<vmem>>, vector<1x1264x128xf32>
    %get3A_3 = vector.shape_cast %get3A_2 : vector<1x1264x128xf32> to vector<1264x128xf32>
    %get3A_4 = arith.constant 1 : index
    %get3A_5 = arith.constant 0 : index
    %get3A_6 = arith.constant 0 : index
    %get3A_7 = vector.load %arg0[%get3A_4, %get3A_5, %get3A_6] : memref<2x1264x128xf32, #tpu.memory_space<vmem>>, vector<1x1264x128xf32>
    %get3A_8 = vector.shape_cast %get3A_7 : vector<1x1264x128xf32> to vector<1264x128xf32>
    %add3A = arith.addf %get3A_3, %get3A_8 : vector<1264x128xf32>
    %iota3A = tpu.iota {dimensions = array<i32: 0>} : vector<128x2048xi32>
    %iota3A_9 = tpu.iota {dimensions = array<i32: 1>} : vector<128x2048xi32>
    %jit3A = arith.constant 128 : i32
    %div3A = vector.broadcast %jit3A : i32 to vector<128x2048xi32>
    %div3A_10 = arith.divsi %iota3A_9, %div3A : vector<128x2048xi32>
    %sign3A = arith.constant 0 : i32
    %sign3A_11 = vector.broadcast %sign3A : i32 to vector<128x2048xi32>
    %sign3A_12 = arith.cmpi sgt, %iota3A_9, %sign3A_11 : vector<128x2048xi32>
    %sign3A_13 = arith.extui %sign3A_12 : vector<128x2048xi1> to vector<128x2048xi32>
    %sign3A_14 = arith.constant 0 : i32
    %sign3A_15 = vector.broadcast %sign3A_14 : i32 to vector<128x2048xi32>
    %sign3A_16 = arith.cmpi slt, %iota3A_9, %sign3A_15 : vector<128x2048xi32>
    %sign3A_17 = arith.extui %sign3A_16 : vector<128x2048xi1> to vector<128x2048xi32>
    %sign3A_18 = arith.subi %sign3A_13, %sign3A_17 : vector<128x2048xi32>
    %sign3A_19 = arith.constant 0 : i32
    %sign3A_20 = arith.cmpi sgt, %jit3A, %sign3A_19 : i32
    %sign3A_21 = arith.extui %sign3A_20 : i1 to i32
    %sign3A_22 = arith.constant 0 : i32
    %sign3A_23 = arith.cmpi slt, %jit3A, %sign3A_22 : i32
    %sign3A_24 = arith.extui %sign3A_23 : i1 to i32
    %sign3A_25 = arith.subi %sign3A_21, %sign3A_24 : i32
    %ne3A = vector.broadcast %sign3A_25 : i32 to vector<128x2048xi32>
    %ne3A_26 = arith.cmpi ne, %sign3A_18, %ne3A : vector<128x2048xi32>
    %rem3A = vector.broadcast %jit3A : i32 to vector<128x2048xi32>
    %rem3A_27 = arith.remsi %iota3A_9, %rem3A : vector<128x2048xi32>
    %ne3A_28 = arith.constant 0 : i32
    %ne3A_29 = vector.broadcast %ne3A_28 : i32 to vector<128x2048xi32>
    %ne3A_30 = arith.cmpi ne, %rem3A_27, %ne3A_29 : vector<128x2048xi32>
    %and3A = arith.andi %ne3A_26, %ne3A_30 : vector<128x2048xi1>
    %sub3A = arith.constant 1 : i32
    %sub3A_31 = vector.broadcast %sub3A : i32 to vector<128x2048xi32>
    %sub3A_32 = arith.subi %div3A_10, %sub3A_31 : vector<128x2048xi32>
    %select_n3A = arith.select %and3A, %sub3A_32, %div3A_10 : vector<128x2048xi1>, vector<128x2048xi32>
    %mul3A = arith.constant 8 : i32
    %mul3A_33 = vector.broadcast %mul3A : i32 to vector<128x2048xi32>
    %mul3A_34 = arith.muli %mul3A_33, %select_n3A : vector<128x2048xi32>
    %jit3A_35 = arith.constant 128 : i32
    %eq3A = arith.constant 0 : i32
    %eq3A_36 = arith.cmpi eq, %jit3A_35, %eq3A : i32
    %jit3A_37 = arith.constant 1 : i32
    %select_n3A_38 = arith.select %eq3A_36, %jit3A_37, %jit3A_35 : i32
    %rem3A_39 = vector.broadcast %select_n3A_38 : i32 to vector<128x2048xi32>
    %rem3A_40 = arith.remsi %iota3A_9, %rem3A_39 : vector<128x2048xi32>
    %ne3A_41 = arith.constant 0 : i32
    %ne3A_42 = vector.broadcast %ne3A_41 : i32 to vector<128x2048xi32>
    %ne3A_43 = arith.cmpi ne, %rem3A_40, %ne3A_42 : vector<128x2048xi32>
    %lt3A = arith.constant 0 : i32
    %lt3A_44 = vector.broadcast %lt3A : i32 to vector<128x2048xi32>
    %lt3A_45 = arith.cmpi slt, %rem3A_40, %lt3A_44 : vector<128x2048xi32>
    %lt3A_46 = arith.constant 0 : i32
    %lt3A_47 = arith.cmpi slt, %select_n3A_38, %lt3A_46 : i32
    %ne3A_48 = vector.broadcast %lt3A_47 : i1 to vector<128x2048xi1>
    %ne3A_49 = vector.broadcast %ne3A_48 : vector<128x2048xi1> to vector<128x2048xi1>
    %ne3A_50 = arith.xori %lt3A_45, %ne3A_49 : vector<128x2048xi1>
    %and3A_51 = arith.andi %ne3A_50, %ne3A_43 : vector<128x2048xi1>
    %add3A_52 = vector.broadcast %select_n3A_38 : i32 to vector<128x2048xi32>
    %add3A_53 = arith.addi %rem3A_40, %add3A_52 : vector<128x2048xi32>
    %select_n3A_54 = arith.select %and3A_51, %add3A_53, %rem3A_40 : vector<128x2048xi1>, vector<128x2048xi32>
    %jit3A_55 = arith.constant 16 : i32
    %div3A_56 = vector.broadcast %jit3A_55 : i32 to vector<128x2048xi32>
    %div3A_57 = arith.divsi %select_n3A_54, %div3A_56 : vector<128x2048xi32>
    %sign3A_58 = arith.constant 0 : i32
    %sign3A_59 = vector.broadcast %sign3A_58 : i32 to vector<128x2048xi32>
    %sign3A_60 = arith.cmpi sgt, %select_n3A_54, %sign3A_59 : vector<128x2048xi32>
    %sign3A_61 = arith.extui %sign3A_60 : vector<128x2048xi1> to vector<128x2048xi32>
    %sign3A_62 = arith.constant 0 : i32
    %sign3A_63 = vector.broadcast %sign3A_62 : i32 to vector<128x2048xi32>
    %sign3A_64 = arith.cmpi slt, %select_n3A_54, %sign3A_63 : vector<128x2048xi32>
    %sign3A_65 = arith.extui %sign3A_64 : vector<128x2048xi1> to vector<128x2048xi32>
    %sign3A_66 = arith.subi %sign3A_61, %sign3A_65 : vector<128x2048xi32>
    %sign3A_67 = arith.constant 0 : i32
    %sign3A_68 = arith.cmpi sgt, %jit3A_55, %sign3A_67 : i32
    %sign3A_69 = arith.extui %sign3A_68 : i1 to i32
    %sign3A_70 = arith.constant 0 : i32
    %sign3A_71 = arith.cmpi slt, %jit3A_55, %sign3A_70 : i32
    %sign3A_72 = arith.extui %sign3A_71 : i1 to i32
    %sign3A_73 = arith.subi %sign3A_69, %sign3A_72 : i32
    %ne3A_74 = vector.broadcast %sign3A_73 : i32 to vector<128x2048xi32>
    %ne3A_75 = arith.cmpi ne, %sign3A_66, %ne3A_74 : vector<128x2048xi32>
    %rem3A_76 = vector.broadcast %jit3A_55 : i32 to vector<128x2048xi32>
    %rem3A_77 = arith.remsi %select_n3A_54, %rem3A_76 : vector<128x2048xi32>
    %ne3A_78 = arith.constant 0 : i32
    %ne3A_79 = vector.broadcast %ne3A_78 : i32 to vector<128x2048xi32>
    %ne3A_80 = arith.cmpi ne, %rem3A_77, %ne3A_79 : vector<128x2048xi32>
    %and3A_81 = arith.andi %ne3A_75, %ne3A_80 : vector<128x2048xi1>
    %sub3A_82 = arith.constant 1 : i32
    %sub3A_83 = vector.broadcast %sub3A_82 : i32 to vector<128x2048xi32>
    %sub3A_84 = arith.subi %div3A_57, %sub3A_83 : vector<128x2048xi32>
    %select_n3A_85 = arith.select %and3A_81, %sub3A_84, %div3A_57 : vector<128x2048xi1>, vector<128x2048xi32>
    %add3A_86 = arith.addi %mul3A_34, %select_n3A_85 : vector<128x2048xi32>
    %eq3A_87 = arith.cmpi eq, %iota3A, %add3A_86 : vector<128x2048xi32>
    %jit3A_88 = arith.constant 1.000000e+00 : f32
    %jit3A_89 = arith.constant 0.000000e+00 : f32
    %broadcast_in_dim3A = vector.broadcast %jit3A_88 : f32 to vector<128x2048xf32>
    %broadcast_in_dim3A_90 = vector.broadcast %jit3A_89 : f32 to vector<128x2048xf32>
    %select_n3A_91 = arith.select %eq3A_87, %broadcast_in_dim3A, %broadcast_in_dim3A_90 : vector<128x2048xi1>, vector<128x2048xf32>
    %get3A_92 = arith.constant 0 : index
    %get3A_93 = arith.constant 0 : index
    %get3A_94 = arith.constant 0 : index
    %get3A_95 = vector.load %arg1[%get3A_92, %get3A_93, %get3A_94] : memref<2x79x128xf32, #tpu.memory_space<vmem>>, vector<1x79x128xf32>
    %get3A_96 = vector.shape_cast %get3A_95 : vector<1x79x128xf32> to vector<79x128xf32>
    %get3A_97 = arith.constant 1 : index
    %get3A_98 = arith.constant 0 : index
    %get3A_99 = arith.constant 0 : index
    %get3A_100 = vector.load %arg1[%get3A_97, %get3A_98, %get3A_99] : memref<2x79x128xf32, #tpu.memory_space<vmem>>, vector<1x79x128xf32>
    %get3A_101 = vector.shape_cast %get3A_100 : vector<1x79x128xf32> to vector<79x128xf32>
    %add3A_102 = arith.addf %get3A_96, %get3A_101 : vector<79x128xf32>
    %gt3A = arith.constant 0.000000e+00 : f32
    %gt3A_103 = vector.broadcast %gt3A : f32 to vector<79x128xf32>
    %gt3A_104 = arith.cmpf ogt, %add3A_102, %gt3A_103 : vector<79x128xf32>
    %div3A_105 = arith.constant 1.000000e+00 : f32
    %div3A_106 = vector.broadcast %div3A_105 : f32 to vector<79x128xf32>
    %div3A_107 = arith.divf %div3A_106, %add3A_102 : vector<79x128xf32>
    %jit3A_108 = arith.constant 0.000000e+00 : f32
    %broadcast_in_dim3A_109 = vector.broadcast %jit3A_108 : f32 to vector<79x128xf32>
    %select_n3A_110 = arith.select %gt3A_104, %div3A_107, %broadcast_in_dim3A_109 : vector<79x128xi1>, vector<79x128xf32>
    %dot_general3A = arith.constant dense<0.000000e+00> : vector<79x2048xf32>
    %dot_general3A_111 = tpu.matmul %select_n3A_110, %select_n3A_91, %dot_general3A {dimension_numbers = #tpu.dot_dimension_numbers<[1], [0], [0], [1], [0, 0, 1, 1], [], []>, transpose_lhs_hint = false} : vector<79x128xf32>, vector<128x2048xf32>, vector<79x2048xf32> -> vector<79x2048xf32>
    %reshape3A = vector.shape_cast %dot_general3A_111 : vector<79x2048xf32> to vector<79x16x128xf32>
    %reshape3A_112 = vector.shape_cast %reshape3A : vector<79x16x128xf32> to vector<1264x128xf32>
    %mul3A_113 = arith.mulf %add3A, %reshape3A_112 : vector<1264x128xf32>
    %iota3A_114 = tpu.iota {dimensions = array<i32: 0>} : vector<128x128xi32>
    %jit3A_115 = arith.constant 16 : i32
    %div3A_116 = vector.broadcast %jit3A_115 : i32 to vector<128x128xi32>
    %div3A_117 = arith.divsi %iota3A_114, %div3A_116 : vector<128x128xi32>
    %sign3A_118 = arith.constant 0 : i32
    %sign3A_119 = vector.broadcast %sign3A_118 : i32 to vector<128x128xi32>
    %sign3A_120 = arith.cmpi sgt, %iota3A_114, %sign3A_119 : vector<128x128xi32>
    %sign3A_121 = arith.extui %sign3A_120 : vector<128x128xi1> to vector<128x128xi32>
    %sign3A_122 = arith.constant 0 : i32
    %sign3A_123 = vector.broadcast %sign3A_122 : i32 to vector<128x128xi32>
    %sign3A_124 = arith.cmpi slt, %iota3A_114, %sign3A_123 : vector<128x128xi32>
    %sign3A_125 = arith.extui %sign3A_124 : vector<128x128xi1> to vector<128x128xi32>
    %sign3A_126 = arith.subi %sign3A_121, %sign3A_125 : vector<128x128xi32>
    %sign3A_127 = arith.constant 0 : i32
    %sign3A_128 = arith.cmpi sgt, %jit3A_115, %sign3A_127 : i32
    %sign3A_129 = arith.extui %sign3A_128 : i1 to i32
    %sign3A_130 = arith.constant 0 : i32
    %sign3A_131 = arith.cmpi slt, %jit3A_115, %sign3A_130 : i32
    %sign3A_132 = arith.extui %sign3A_131 : i1 to i32
    %sign3A_133 = arith.subi %sign3A_129, %sign3A_132 : i32
    %ne3A_134 = vector.broadcast %sign3A_133 : i32 to vector<128x128xi32>
    %ne3A_135 = arith.cmpi ne, %sign3A_126, %ne3A_134 : vector<128x128xi32>
    %rem3A_136 = vector.broadcast %jit3A_115 : i32 to vector<128x128xi32>
    %rem3A_137 = arith.remsi %iota3A_114, %rem3A_136 : vector<128x128xi32>
    %ne3A_138 = arith.constant 0 : i32
    %ne3A_139 = vector.broadcast %ne3A_138 : i32 to vector<128x128xi32>
    %ne3A_140 = arith.cmpi ne, %rem3A_137, %ne3A_139 : vector<128x128xi32>
    %and3A_141 = arith.andi %ne3A_135, %ne3A_140 : vector<128x128xi1>
    %sub3A_142 = arith.constant 1 : i32
    %sub3A_143 = vector.broadcast %sub3A_142 : i32 to vector<128x128xi32>
    %sub3A_144 = arith.subi %div3A_117, %sub3A_143 : vector<128x128xi32>
    %select_n3A_145 = arith.select %and3A_141, %sub3A_144, %div3A_117 : vector<128x128xi1>, vector<128x128xi32>
    %iota3A_146 = tpu.iota {dimensions = array<i32: 1>} : vector<128x128xi32>
    %jit3A_147 = arith.constant 16 : i32
    %div3A_148 = vector.broadcast %jit3A_147 : i32 to vector<128x128xi32>
    %div3A_149 = arith.divsi %iota3A_146, %div3A_148 : vector<128x128xi32>
    %sign3A_150 = arith.constant 0 : i32
    %sign3A_151 = vector.broadcast %sign3A_150 : i32 to vector<128x128xi32>
    %sign3A_152 = arith.cmpi sgt, %iota3A_146, %sign3A_151 : vector<128x128xi32>
    %sign3A_153 = arith.extui %sign3A_152 : vector<128x128xi1> to vector<128x128xi32>
    %sign3A_154 = arith.constant 0 : i32
    %sign3A_155 = vector.broadcast %sign3A_154 : i32 to vector<128x128xi32>
    %sign3A_156 = arith.cmpi slt, %iota3A_146, %sign3A_155 : vector<128x128xi32>
    %sign3A_157 = arith.extui %sign3A_156 : vector<128x128xi1> to vector<128x128xi32>
    %sign3A_158 = arith.subi %sign3A_153, %sign3A_157 : vector<128x128xi32>
    %sign3A_159 = arith.constant 0 : i32
    %sign3A_160 = arith.cmpi sgt, %jit3A_147, %sign3A_159 : i32
    %sign3A_161 = arith.extui %sign3A_160 : i1 to i32
    %sign3A_162 = arith.constant 0 : i32
    %sign3A_163 = arith.cmpi slt, %jit3A_147, %sign3A_162 : i32
    %sign3A_164 = arith.extui %sign3A_163 : i1 to i32
    %sign3A_165 = arith.subi %sign3A_161, %sign3A_164 : i32
    %ne3A_166 = vector.broadcast %sign3A_165 : i32 to vector<128x128xi32>
    %ne3A_167 = arith.cmpi ne, %sign3A_158, %ne3A_166 : vector<128x128xi32>
    %rem3A_168 = vector.broadcast %jit3A_147 : i32 to vector<128x128xi32>
    %rem3A_169 = arith.remsi %iota3A_146, %rem3A_168 : vector<128x128xi32>
    %ne3A_170 = arith.constant 0 : i32
    %ne3A_171 = vector.broadcast %ne3A_170 : i32 to vector<128x128xi32>
    %ne3A_172 = arith.cmpi ne, %rem3A_169, %ne3A_171 : vector<128x128xi32>
    %and3A_173 = arith.andi %ne3A_167, %ne3A_172 : vector<128x128xi1>
    %sub3A_174 = arith.constant 1 : i32
    %sub3A_175 = vector.broadcast %sub3A_174 : i32 to vector<128x128xi32>
    %sub3A_176 = arith.subi %div3A_149, %sub3A_175 : vector<128x128xi32>
    %select_n3A_177 = arith.select %and3A_173, %sub3A_176, %div3A_149 : vector<128x128xi1>, vector<128x128xi32>
    %eq3A_178 = arith.cmpi eq, %select_n3A_145, %select_n3A_177 : vector<128x128xi32>
    %jit3A_179 = arith.constant 1.000000e+00 : f32
    %jit3A_180 = arith.constant 0.000000e+00 : f32
    %broadcast_in_dim3A_181 = vector.broadcast %jit3A_179 : f32 to vector<128x128xf32>
    %broadcast_in_dim3A_182 = vector.broadcast %jit3A_180 : f32 to vector<128x128xf32>
    %select_n3A_183 = arith.select %eq3A_178, %broadcast_in_dim3A_181, %broadcast_in_dim3A_182 : vector<128x128xi1>, vector<128x128xf32>
    %exp3A = math.exp %mul3A_113 : vector<1264x128xf32>
    %dot_general3A_184 = arith.constant dense<0.000000e+00> : vector<1264x128xf32>
    %dot_general3A_185 = tpu.matmul %exp3A, %select_n3A_183, %dot_general3A_184 {dimension_numbers = #tpu.dot_dimension_numbers<[1], [0], [0], [1], [0, 0, 1, 1], [], []>, transpose_lhs_hint = false} : vector<1264x128xf32>, vector<128x128xf32>, vector<1264x128xf32> -> vector<1264x128xf32>
    %log3A = math.log %dot_general3A_185 : vector<1264x128xf32>
    %sub3A_186 = arith.subf %mul3A_113, %log3A : vector<1264x128xf32>
    %swap3A = arith.constant 0 : index
    %swap3A_187 = arith.constant 0 : index
    %swap3A_188 = vector.load %arg2[%swap3A, %swap3A_187] : memref<1264x128xf32, #tpu.memory_space<vmem>>, vector<1264x128xf32>
    tpu.vector_store %arg2[%swap3A, %swap3A_187], %sub3A_186 {strides = array<i32>} : memref<1264x128xf32, #tpu.memory_space<vmem>>, vector<1264x128xf32>,
    return
  }
}

</mosaic_0001>

<sc_bundles>
// kernel: hgnn_sc_pass_a.3.cloned.1.call-start
scs
__scs_entry_jumppad:
0x0: {  	(pc) =	sbr.rel $0x88, $3  }
0x1: {  	(tag) =	ssettag $0x0;
	lr =	simm.s32 $0x1  }
0x2: {  	[smem:$0x3F9B] =	sst lr;
	_ =	strace $0xD0000000  }
0x3: {  	_ = 	snop  }
0x4: {  	_ = 	snop  }
0x5: {  	_ = 	snop  }
0x6: {  	_ = 	snop  }
0x7: {  	_ = 	snop  }
__scs_overlays_trampoline_lowered:
0x8: {  	[smem:$0x3FAA] =	sst s0  }
0x9: {  	[smem:$0x3FAB] =	sst s1  }
0xa: {  	[smem:$0x3FAC] =	sst s2  }
0xb: {  	[smem:$0x3FAD] =	sst s3  }
0xc: {  	[smem:$0x3FAE] =	sst s4  }
0xd: {  	[smem:$0x3FAF] =	sst s5  }
0xe: {  	[smem:$0x3FB0] =	sst s6  }
0xf: {  	[smem:$0x3FB1] =	sst s7  }
0x10: {  	[smem:$0x3FB2] =	sst s8  }
0x11: {  	[smem:$0x3FB3] =	sst s9;
	s0 =	simm.s32 @!p0 $0x0  }
0x12: {  	s1 =	sld [smem:$0x3F99];
	s0 =	simm.s32 @p0 $0x1  }
0x13: {  	[smem:$0x3FB4] =	sst s0;
	s0 =	simm.s32 @!p1 $0x0  }
0x14: {  	s2 =	sld [smem:$0x3F98];
	s0 =	simm.s32 @p1 $0x1  }
0x15: {  	[smem:$0x3FB5] =	sst s0;
	s0 =	simm.s32 @!p2 $0x0  }
0x16: {  	s3 =	sld [smem:$0x3FDB];
	s0 =	simm.s32 @p2 $0x1  }
0x17: {  	s4 =	simm.s32 $0x1BF5;
	[smem:$0x3FB7] =	sst s0  }
0x18: {  	s0 =	sld [smem:$0x3F9A];
	_ =	swait.ge [sflag:s4], $0x0  }
0x19: {  	s7 =	sld [smem:$0x3F9B]  }
0x1a: {  	s8 =	sadd.s32 $0xFFFFE003, lr  }
0x1b: {  	s9 =	sadd.s32 $0xFFFFFEF7, lr;
	s5 =	simm.s32 $0xFFFFFFFF;
	p2 =	slt.u32 s8, $0xFFFFF086  }
0x1c: {  	p1 =	slt.u32 s9, $0xF7A;
	s5 =	simm.s32 @!p2 $0x0  }
0x1d: {  	s5 =	simm.s32 @p1 $0x1;
	p0 =	seq.s32 s7, s2  }
0x1e: {  	s7 =	smul.u32 @!p0 $0xF7A, s2;
	p2 =	seq.s32 @!p0 s5, $0x0  }
0x1f: {  	s9 =	smul.u32 $0xF7A, s1;
	s8 =	simm.s32 @!p0 $0x1BF5;
	p2 =	por !p2, p0  }
0x20: {  	[sflag:s8] =	ssyncset.s32 @!p0 $0xFFFFF086;
	s6 =	sadd.s32 @!p0 s3, s7;
	s7 =	simm.s32 @!p0 $0x108  }
0x21: {  	s3 =	sadd.s32 s3, s9;
	s6 =	sadd.s32 @!p0 $0x88, s6;
	s7 =	simm.s32 @p2 $0x1082  }
0x22: {  	[simem:s7], [sflag:s8] =	dma.local @!p0 [hbm:s6], $0xF7A  }
0x23: {  	s9 =	sor.u32 $0xD0000000, s2;
	s6 =	simm.s32 $0x108;
	_ =	swait.ge @!p0 [sflag:s8], $0x0  }
0x24: {  	s3 =	sadd.s32 $0x88, s3;
	s6 =	simm.s32 @!p1 $0x1082;
	[sflag:s4] =	ssyncset.s32 $0xFFFFF086  }
0x25: {  	[simem:s6], [sflag:s4] =	dma.local [hbm:s3], $0xF7A  }
0x26: {  	[smem:$0x3F9B] =	sst s1;
	(tag) =	ssettag s2;
	_ =	strace s9  }
0x27: {  	s1 =	sld [smem:$0x3FAB]  }
0x28: {  	s2 =	sld [smem:$0x3FAC]  }
0x29: {  	s4 =	sld [smem:$0x3FAE]  }
0x2a: {  	p0 =	seq.s32 s5, $0x0;
	s5 =	sld [smem:$0x3FAF]  }
0x2b: {  	s6 =	sld [smem:$0x3FB0]  }
0x2c: {  	s7 =	sld [smem:$0x3FB1]  }
0x2d: {  	s3 =	simm.s32 $0x108;
	s8 =	sld [smem:$0x3FB2]  }
0x2e: {  	s3 =	simm.s32 @!p0 $0x1082;
	s9 =	sld [smem:$0x3FB3]  }
0x2f: {  	lr =	sadd.s32 s0, s3;
	s0 =	sld [smem:$0x3FAA]  }
0x30: {  	s3 =	sld [smem:$0x3FAD]  }
0x31: {  	[smem:$0x3FB6] =	sst s10  }
0x32: {  	s10 =	sld [smem:$0x3FB4];
	_ =	sdelay $0x3  }
0x33: {  	p0 =	seq.s32 s10, $0x1;
	s10 =	sld [smem:$0x3FB6];
	_ =	sdelay $0x3  }
0x34: {  	[smem:$0x3FB6] =	sst s10  }
0x35: {  	s10 =	sld [smem:$0x3FB5];
	_ =	sdelay $0x3  }
0x36: {  	p1 =	seq.s32 s10, $0x1;
	s10 =	sld [smem:$0x3FB6];
	_ =	sdelay $0x3  }
0x37: {  	[smem:$0x3FB6] =	sst s10  }
0x38: {  	s10 =	sld [smem:$0x3FB7]  }
0x39: {  	_ = 	snop;
	(pc) =	sbr.ind lr, $3  }
0x3a: {  	_ = 	snop  }
0x3b: {  	_ = 	snop  }
0x3c: {  	p2 =	seq.s32 s10, $0x1;
	s10 =	sld [smem:$0x3FB6]  }
0x3d: {  	_ =	shalt  }
0x3e: {  	_ =	shalt  }
0x3f: {  	_ =	shalt  }
0x40: {  	_ =	shalt  }
0x41: {  	_ =	shalt  }
0x42: {  	_ =	shalt  }
0x43: {  	_ =	shalt  }
0x44: {  	_ =	shalt  }
0x45: {  	_ =	shalt  }
0x46: {  	_ =	shalt  }
0x47: {  	_ =	shalt  }
0x48: {  	_ =	shalt  }
0x49: {  	_ =	shalt  }
0x4a: {  	_ =	shalt  }
0x4b: {  	_ =	shalt  }
0x4c: {  	_ =	shalt  }
0x4d: {  	_ =	shalt  }
0x4e: {  	_ =	shalt  }
0x4f: {  	_ =	shalt  }
0x50: {  	_ =	shalt  }
0x51: {  	_ =	shalt  }
0x52: {  	_ =	shalt  }
0x53: {  	_ =	shalt  }
0x54: {  	_ =	shalt  }
0x55: {  	_ =	shalt  }
0x56: {  	_ =	shalt  }
0x57: {  	_ =	shalt  }
0x58: {  	_ =	shalt  }
0x59: {  	_ =	shalt  }
0x5a: {  	_ =	shalt  }
0x5b: {  	_ =	shalt  }
0x5c: {  	_ =	shalt  }
0x5d: {  	_ =	shalt  }
0x5e: {  	_ =	shalt  }
0x5f: {  	_ =	shalt  }
0x60: {  	_ =	shalt  }
0x61: {  	_ =	shalt  }
0x62: {  	_ =	shalt  }
0x63: {  	_ =	shalt  }
0x64: {  	_ =	shalt  }
0x65: {  	_ =	shalt  }
0x66: {  	_ =	shalt  }
0x67: {  	_ =	shalt  }
0x68: {  	_ =	shalt  }
0x69: {  	_ =	shalt  }
0x6a: {  	_ =	shalt  }
0x6b: {  	_ =	shalt  }
0x6c: {  	_ =	shalt  }
0x6d: {  	_ =	shalt  }
0x6e: {  	_ =	shalt  }
0x6f: {  	_ =	shalt  }
0x70: {  	_ =	shalt  }
0x71: {  	_ =	shalt  }
0x72: {  	_ =	shalt  }
0x73: {  	_ =	shalt  }
0x74: {  	_ =	shalt  }
0x75: {  	_ =	shalt  }
0x76: {  	_ =	shalt  }
0x77: {  	_ =	shalt  }
0x78: {  	_ =	shalt  }
0x79: {  	_ =	shalt  }
0x7a: {  	_ =	shalt  }
0x7b: {  	_ =	shalt  }
0x7c: {  	_ =	shalt  }
0x7d: {  	_ =	shalt  }
0x7e: {  	_ =	shalt  }
0x7f: {  	_ =	shalt  }
0x80: {  	_ =	shalt  }
0x81: {  	_ =	shalt  }
0x82: {  	_ =	shalt  }
0x83: {  	_ =	shalt  }
0x84: {  	_ =	shalt  }
0x85: {  	_ =	shalt  }
0x86: {  	_ =	shalt  }
0x87: {  	_ =	shalt  }
.Lfunc_end0:
.L_simem_size_0:
called_computation.2_lowered:
.L_overlay_start_0:
0x88: {  	s2 =	sld [smem:$0x3FD9]  }
0x89: {  	s3 =	sld [smem:$0x3FFE];
	_ =	sdelay $0x1  }
0x8a: {  	s1 =	srdreg.scid  }
0x8b: {  	s0 =	sand.u32 $0x1, s1  }
0x8c: {  	s17 =	sshll.u32 s0, $0xA;
	s2 =	sadd.s32 s3, s2  }
0x8d: {  	s2 =	sadd.s32 s2, s17  }
0x8e: {  	[smem:$0x3FC2] =	sst s2  }
0x8f: {  	_ = 	snop  }
0x90: {  	s2 =	sld [smem:$0x3FC8]  }
0x91: {  	s18 =	sld [smem:$0x3FD0];
	(tm) =	ssettm $0x1  }
0x92: {  	s4 =	sld [smem:$0x3FFB];
	_ =	sdelay $0x3  }
0x93: {  	_ =	strace s4  }
0x94: {  	s4 =	sld [smem:$0x3FFC];
	_ =	sdelay $0x3  }
0x95: {  	_ =	strace s4  }
0x96: {  	s4 =	sld [smem:$0x3FFD];
	_ =	sdelay $0x3  }
0x97: {  	_ =	strace s4  }
0x98: {  	_ =	strace $0x8FFFFFFF  }
0x99: {  	s19 =	sld [smem:$0x3FDB];
	_ =	sdelay $0x1  }
0x9a: {  	s5 =	simm.s32 $_scs_section_size  }
0x9b: {  	s6 =	simm.s32 $_size__tile_overlayer_lowered;
	s7 =	simm.s32 $_tile_overlayer_lowered  }
0x9c: {  	s22 =	simm.s32 $0x1BFF;
	s21 =	sshll.u32 s7, $0x1;
	s4 =	sadd.s32 s5, s19  }
0x9d: {  	s8 =	simm.s32 $0x0;
	s20 =	sshll.u32 s6, $0x1;
	s6 =	sadd.s32 s21, s4  }
0x9e: {  	[timem:s8], [sflag:s22] =	dma.local [hbm:s6], s20  }
0x9f: {  	_ =	swait.ge [sflag:s22], s20  }
0xa0: {  	s5 =	ssub.s32 $0x0, s20;
	[sflag:s22] =	ssyncset.done $0x0  }
0xa1: {  	[sflag:s22] =	ssyncadd.s32 s5;
	_ =	sdelay $0x1  }
0xa2: {  	s23 =	simm.s32 $0x1B8B  }
0xa3: {  	_ =	swait.ge [sflag:s23], $0x1  }
0xa4: {  	[sflag:s23] =	ssyncset.done $0x0  }
0xa5: {  	s25 =	simm.s32 $0x1B8E;
	s24 =	sld [smem:$0x3FFE];
	[sflag:s23] =	ssyncadd.s32 $0xFFFFFFFF  }
0xa6: {  	s26 =	simm.s32 $execute0_lowered;
	[smem:$0x3FD2] =	sst s25  }
0xa7: {  	s6 =	sshll.u32 s26, $0x1;
	_ =	strace $0x8000004C;
	[dreg:$0x1] =	wrdreg $0xFFFFFFFF  }
0xa8: {  	s28 =	simm.s32 $_size_execute0_lowered;
	s4 =	sadd.s32 s4, s6;
	[dreg:$0x0] =	wrdreg $0x0  }
0xa9: {  	s6 =	sshll.u32 s28, $0x1;
	[dreg:$0x2] =	wrdreg s4  }
0xaa: {  	[dreg:$0x3] =	wrdreg s6  }
0xab: {  	[dreg:$0x4] =	wrdreg $0xC0  }
0xac: {  	_ =	task [dreg:s8], $0x5FFFF  }
0xad: {  	[dreg:$0x1] =	wrdreg $0xFFFFFFFF  }
0xae: {  	[dreg:$0x0] =	wrdreg $0x60  }
0xaf: {  	[dreg:$0x2] =	wrdreg s18  }
0xb0: {  	[dreg:$0x3] =	wrdreg s2  }
0xb1: {  	[dreg:$0x4] =	wrdreg s24  }
0xb2: {  	[dreg:$0x5] =	wrdreg $0x0  }
0xb3: {  	[dreg:$0x6] =	wrdreg $0x27800  }
0xb4: {  	[dreg:$0x7] =	wrdreg $0x9  }
0xb5: {  	_ =	task.clear_ibuf [dreg:s8], $0x8FFFF;
	_ =	strace $0x9000004C  }
0xb6: {  	s29 =	simm.s32 $0x9;
	_ =	strace $0x8000004E  }
0xb7: {  	_ =	swait.ge [sflag:s29], $0x1  }
0xb8: {  	[sflag:s29] =	ssyncadd.s32 $0xFFFFFFFF  }
0xb9: {  	_ =	strace $0x9000004E  }
0xba: {  	_ =	sfence  }
0xbb: {  	s30 =	sld [smem:$0x0];
	_ =	sdelay $0x2  }
0xbc: {  	s31 =	sshll.u32 s1, $0xD;
	s1 =	sshrl.u32 s1, $0x2  }
0xbd: {  	s3 =	sand.u32 $0x4000, s31;
	s1 =	sadd.s32 s1, s30  }
0xbe: {  	s0 =	sor.u32 s3, s0;
	s1 =	sshll.u32 s1, $0x11  }
0xbf: {  	s0 =	sor.u32 s1, s0  }
0xc0: {  	s0 =	sadd.s32 $0x8F2B, s0  }
0xc1: {  	[sflag:s0] =	ssyncadd.remote.s32 $0x1  }
0xc2: {  	_ =	sfence.sel $0xFFFF  }
0xc3: {  	[dreg:$0x0] =	wrdreg $0xFFFFFFFF;
	(pc) =	sbr.abs _section_cstart, $3  }
0xc4: {  	[dreg:$0x1] =	wrdreg $0xFFFFFFFF  }
0xc5: {  	_ =	task.clear_ibuf [dreg:s8], $0x2FFFF;
	_ =	strace $0x9FFFFFFF  }
0xc6: {  	(tm) =	ssettm $0x7FFFFFFF  }
0xc7: {  	_ =	shalt  }
tec
execute0_lowered:
.L_overlay_start_1:
0x0: {  	(tag) =	ssettag $0x1  }
0x1: {  	s0 =	rddreg [dreg:$0x0]  }
0x2: {  	s6 =	rddreg [dreg:$0x1]  }
0x3: {  	s7 =	rddreg [dreg:$0x2]  }
0x4: {  	s2 =	rddreg [dreg:$0x3];
	s4 =	srdreg.scid  }
0x5: {  	s3 =	rddreg [dreg:$0x4];
	s1 =	stileid.u32;
	s15 =	simm.s32 $0x4F00  }
0x6: {  	s31 =	simm.s32 $0x7700;
	s18 =	simm.s32 $0xAF00;
	s19 =	simm.s32 $0x4  }
0x7: {  	s20 =	simm.s32 $0x3;
	s21 =	simm.s32 $0x9F00;
	s22 =	simm.s32 $0xA700  }
0x8: {  	s23 =	simm.s32 $0x1;
	s24 =	simm.s32 $0x2;
	s25 =	simm.s32 $0x7680  }
0x9: {  	s28 =	simm.s32 $0x9E80;
	s5 =	sand.u32 $0x1, s4;
	s10 =	smul.u32 $0x2780, s1  }
0xa: {  	s4 =	simm.s32 $0x0;
	s29 =	sadd.s32 $0x13600, s6;
	s8 =	sshll.u32 s5, $0x4  }
0xb: {  	s9 =	smul.u32 $0x27800, s5;
	[smem:$0x7FF] =	sst s4;
	s11 =	ssub.s32 $0x2, s5  }
0xc: {  	s13 =	sor.u32 s1, s8;
	_ =	strace $0x8000004D;
	s12 =	sshrl.u32 s11, $0x1  }
0xd: {  	[dreg:$0x7] =	wrdreg s29;
	s30 =	sshrl.u32 s10, $0x3;
	s16 =	sadd.s32 s10, s2  }
0xe: {  	s8 =	smul.u32 $0xA00, s13;
	s9 =	sadd.s32 s10, s9;
	s12 =	ssub.s32 s11, s12  }
0xf: {  	s10 =	sadd.s32 s10, s3;
	p0 =	seq.s32 s13, $0x1F;
	s13 =	simm.s32 $0x80  }
0x10: {  	s17 =	sshrl.u32 s16, $0x3;
	s9 =	sshrl.u32 s9, $0x3;
	s12 =	smax.u32 s12, $0x1  }
0x11: {  	s5 =	sadd.s32 s6, s8;
	s14 =	sadd.s32 s9, s7;
	s8 =	sadd.s32 $0x13610, s6  }
0x12: {  	s9 =	sadd.s32 s0, s30;
	s26 =	sadd.s32 $0x10, s5;
	s11 =	sadd.s32 $0x2E00, s14  }
0x13: {  	v0 =	vlaneseq.u32;
	v1 =	vimm.f32 $0.0e+00;
	s14 =	simm.s32 $0x100;
	[dreg:$0x6] =	wrdreg s26;
	s26 =	simm.s32 $0x9E00  }
.LBB2_1:
.Ltmp0:
0x14: {  	(pc) =	sbr.rel @!p0 .LBB2_2-.Ltmp0, $1  }
0x15: {  	_ =	sdelay $0x3  }
0x16: {  	s0 =	simm.s32 $0xA00  }
0x17: {  	s29 =	simm.s32 $0xA70;
	v3 =	vmov s0  }
0x18: {  	s6 =	simm.s32 $0xA10;
	v2 =	vmov s29;
	v3 =	vshrl.u32 v3, $0x4  }
0x19: {  	s16 =	simm.s32 $0xA20;
	v4 =	vor.u32 s0, v0;
	v5 =	vmov s6;
	v3 =	vmulhi.u32 $0x24924925, v3  }
0x1a: {  	v6 =	vor.u32 s6, v0;
	v7 =	vor.u32 s16, v0;
	v5 =	vshrl.u32 v5, $0x4  }
0x1b: {  	s7 =	rddreg [dreg:$0x7];
	v8 =	vmov s16;
	s6 =	simm.s32 $0xA30;
	v5 =	vmulhi.u32 $0x24924925, v5;
	v3 =	vmul.u32 $0x70, v3  }
0x1c: {  	[tilespmem:s15], [sflag:$0x1] =	stream.strided.gather [hbm4b:s7+s13], $0xA00, s14, s13, $0x38;
	v8 =	vshrl.u32 v8, $0x4;
	v9 =	vmov s6;
	v10 =	vor.u32 s6, v0;
	[tilespmem:$0xD680] =	vst v63  }
0x1d: {  	s30 =	simm.s32 $0x5970;
	s7 =	simm.s32 $0xA40;
	v3 =	vsub.s32 v4, v3;
	v4 =	vmul.u32 $0x70, v5;
	v5 =	vmulhi.u32 $0x24924925, v8  }
0x1e: {  	v63 =	vmov s7;
	[tilespmem:s31], [sflag:$0x2] =	stream.strided.gather [hbm4b:s8+s13], $0xA00, s14, s13, $0x38;
	v8 =	vshrl.u32 v9, $0x4;
	v3 =	vadd.s32 $0x2710, v3;
	[tilespmem:$0xD680] =	vst v63  }
0x1f: {  	s6 =	simm.s32 $0xA50;
	s31 =	simm.s32 $0x8170;
	[tilespmem:s30+$0xFFFFFF90] =	vst v3;
	v4 =	vsub.s32 v6, v4;
	v5 =	vmul.u32 $0x70, v5;
	v6 =	vmulhi.u32 $0x24924925, v8  }
0x20: {  	v8 =	vmov s6;
	[tilespmem:s31+$0xFFFFFF90] =	vst v3;
	v3 =	vadd.s32 $0x2710, v4;
	v4 =	vshrl.u32 v63, $0x4  }
0x21: {  	s16 =	simm.s32 $0xA60;
	[tilespmem:s30+$0xFFFFFFA0] =	vst v3;
	v5 =	vsub.s32 v7, v5;
	v6 =	vmul.u32 $0x70, v6;
	v4 =	vmulhi.u32 $0x24924925, v4  }
0x22: {  	v7 =	vmov s16;
	[tilespmem:s31+$0xFFFFFFA0] =	vst v3;
	v3 =	vadd.s32 $0x2710, v5;
	v5 =	vshrl.u32 v8, $0x4  }
0x23: {  	[tilespmem:s30+$0xFFFFFFB0] =	vst v3;
	v6 =	vsub.s32 v10, v6;
	v4 =	vmul.u32 $0x70, v4;
	v5 =	vmulhi.u32 $0x24924925, v5  }
0x24: {  	v7 =	vshrl.u32 v7, $0x4;
	[tilespmem:s31+$0xFFFFFFB0] =	vst v3;
	v3 =	vadd.s32 $0x2710, v6;
	v6 =	vor.u32 s7, v0  }
0x25: {  	s0 =	simm.s32 $0xAF0;
	[tilespmem:s30+$0xFFFFFFC0] =	vst v3;
	v6 =	vsub.s32 v6, v4;
	v4 =	vmul.u32 $0x70, v5;
	v5 =	vmulhi.u32 $0x24924925, v7  }
.LBB2_4:
0x26: {  	p1 =	sne.s32 s0, $0x27F0;
	[tilespmem:s31+$0xFFFFFFC0] =	vst v3;
	v3 =	vadd.s32 $0x2710, v6;
	v6 =	vor.u32 s6, v0;
	v2 =	vshrl.u32 v2, $0x4  }
0x27: {  	[tilespmem:s30+$0xFFFFFFD0] =	vst v3;
	v4 =	vsub.s32 v6, v4;
	v5 =	vmul.u32 $0x70, v5;
	v2 =	vmulhi.u32 $0x24924925, v2  }
0x28: {  	[tilespmem:s31+$0xFFFFFFD0] =	vst v3;
	v3 =	vadd.s32 $0x2710, v4;
	v4 =	vor.u32 s16, v0  }
0x29: {  	s6 =	sadd.s32 $0xFFFFFF90, s0;
	[tilespmem:s30+$0xFFFFFFE0] =	vst v3;
	v4 =	vsub.s32 v4, v5;
	v5 =	vor.u32 s29, v0;
	v6 =	vmul.u32 $0x70, v2;
	s29 =	smov.u32 s0  }
0x2a: {  	v7 =	vmov s6;
	v2 =	vmov s0;
	[tilespmem:s31+$0xFFFFFFE0] =	vst v3;
	v3 =	vadd.s32 $0x2710, v4  }
0x2b: {  	v7 =	vshrl.u32 v7, $0x4;
	v4 =	vor.u32 s6, v0;
	s6 =	sadd.s32 $0xFFFFFFA0, s0;
	[tilespmem:s30+$0xFFFFFFF0] =	vst v3;
	v5 =	vsub.s32 v5, v6  }
0x2c: {  	s16 =	sadd.s32 $0xFFFFFFB0, s0;
	v6 =	vmulhi.u32 $0x24924925, v7;
	v7 =	vmov s6;
	[tilespmem:s31+$0xFFFFFFF0] =	vst v3;
	v3 =	vadd.s32 $0x2710, v5  }
0x2d: {  	v8 =	vor.u32 s16, v0;
	v5 =	vor.u32 s6, v0;
	v7 =	vshrl.u32 v7, $0x4;
	[tilespmem:s30+$0x0] =	vst v3  }
0x2e: {  	v9 =	vmov s16;
	s6 =	sadd.s32 $0xFFFFFFC0, s0;
	v6 =	vmul.u32 $0x70, v6;
	v7 =	vmulhi.u32 $0x24924925, v7;
	[tilespmem:s31+$0x0] =	vst v3  }
0x2f: {  	v10 =	vor.u32 s6, v0;
	v3 =	vshrl.u32 v9, $0x4;
	v9 =	vmov s6  }
0x30: {  	s7 =	sadd.s32 $0xFFFFFFD0, s0;
	v4 =	vsub.s32 v4, v6;
	v6 =	vmul.u32 $0x70, v7;
	v3 =	vmulhi.u32 $0x24924925, v3  }
0x31: {  	s30 =	sadd.s32 $0x80, s30;
	v7 =	vshrl.u32 v9, $0x4;
	v9 =	vmov s7;
	v4 =	vadd.s32 $0x2710, v4  }
0x32: {  	s6 =	sadd.s32 $0xFFFFFFE0, s0;
	s31 =	sadd.s32 $0x80, s31;
	v5 =	vsub.s32 v5, v6;
	v3 =	vmul.u32 $0x70, v3;
	v6 =	vmulhi.u32 $0x24924925, v7;
	[tilespmem:s30+$0xFFFFFF90] =	vst v4  }
0x33: {  	v7 =	vmov s6;
	[tilespmem:s31+$0xFFFFFF90] =	vst v4;
	v4 =	vadd.s32 $0x2710, v5;
	v5 =	vshrl.u32 v9, $0x4  }
.Ltmp1:
0x34: {  	s16 =	sadd.s32 $0xFFFFFFF0, s0;
	v3 =	vsub.s32 v8, v3;
	v6 =	vmul.u32 $0x70, v6;
	[tilespmem:s30+$0xFFFFFFA0] =	vst v4;
	v5 =	vmulhi.u32 $0x24924925, v5;
	(pc) =	sbr.rel @p1 .LBB2_4-.Ltmp1, $4  }
0x35: {  	v3 =	vadd.s32 $0x2710, v3;
	[tilespmem:s31+$0xFFFFFFA0] =	vst v4;
	v4 =	vshrl.u32 v7, $0x4;
	v7 =	vmov s16  }
0x36: {  	v6 =	vsub.s32 v10, v6;
	[tilespmem:s30+$0xFFFFFFB0] =	vst v3;
	v5 =	vmul.u32 $0x70, v5;
	v4 =	vmulhi.u32 $0x24924925, v4  }
0x37: {  	v7 =	vshrl.u32 v7, $0x4;
	[tilespmem:s31+$0xFFFFFFB0] =	vst v3;
	v3 =	vadd.s32 $0x2710, v6;
	v6 =	vor.u32 s7, v0  }
0x38: {  	s0 =	sadd.s32 $0x80, s0;
	[tilespmem:s30+$0xFFFFFFC0] =	vst v3;
	v6 =	vsub.s32 v6, v5;
	v4 =	vmul.u32 $0x70, v4;
	v5 =	vmulhi.u32 $0x24924925, v7  }
0x39: {  	[tilespmem:s31+$0xFFFFFFC0] =	vst v3;
	v3 =	vadd.s32 $0x2710, v6;
	v61 =	vor.u32 s6, v0;
	v2 =	vshrl.u32 v2, $0x4  }
0x3a: {  	[tilespmem:s30+$0xFFFFFFD0] =	vst v3;
	v4 =	vsub.s32 v61, v4;
	v5 =	vmul.u32 $0x70, v5;
	v2 =	vmulhi.u32 $0x24924925, v2  }
0x3b: {  	v62 =	vor.u32 s16, v0;
	[tilespmem:s31+$0xFFFFFFD0] =	vst v3;
	v3 =	vadd.s32 $0x2710, v4  }
0x3c: {  	[tilespmem:s30+$0xFFFFFFE0] =	vst v3;
	v4 =	vsub.s32 v62, v5;
	v2 =	vmul.u32 $0x70, v2  }
.Ltmp2:
0x3d: {  	v63 =	vor.u32 s29, v0;
	[tilespmem:s31+$0xFFFFFFE0] =	vst v3;
	v3 =	vadd.s32 $0x2710, v4;
	(pc) =	sbr.rel .LBB2_6-.Ltmp2, $4  }
0x3e: {  	[tilespmem:s30+$0xFFFFFFF0] =	vst v3;
	v2 =	vsub.s32 v63, v2  }
0x3f: {  	[tilespmem:s31+$0xFFFFFFF0] =	vst v3;
	v2 =	vadd.s32 $0x2710, v2  }
0x40: {  	[tilespmem:s30+$0x0] =	vst v2  }
0x41: {  	[tilespmem:s31+$0x0] =	vst v2;
	s31 =	simm.s32 $0x7700  }
.LBB2_2:
0x42: {  	[tilespmem:s15], [sflag:$0x1] =	stream.strided.gather [hbm4b:s5+s13], $0x2800, s14, s13, $0x38;
	[tilespmem:$0xD680] =	vst v63  }
0x43: {  	s0 =	rddreg [dreg:$0x6]  }
0x44: {  	[tilespmem:s31], [sflag:$0x2] =	stream.strided.gather [hbm4b:s0+s13], $0x2800, s14, s13, $0x38;
	[tilespmem:$0xD680] =	vst v63  }
.LBB2_6:
0x45: {  	s29 =	sshll.u32 s1, $0x6  }
0x46: {  	s0 =	sor.u32 $0x1C03, s29  }
0x47: {  	[spmem:s17], [sflag:s0] =	dma.local [hbm:s9], $0x4F0  }
0x48: {  	s0 =	simm.s32 $0xAF40  }
0x49: {  	[tilespmem:s0+$0xFFFFFFC0] =	vst v1  }
0x4a: {  	[tilespmem:s0+$0x30] =	vst v1  }
0x4b: {  	[tilespmem:s0+$0x20] =	vst v1  }
0x4c: {  	[tilespmem:s0+$0x10] =	vst v1  }
0x4d: {  	[tilespmem:s0+$0x0] =	vst v1  }
0x4e: {  	[tilespmem:s0+$0xFFFFFFF0] =	vst v1  }
0x4f: {  	s6 =	simm.s32 $0x0;
	[tilespmem:s0+$0xFFFFFFE0] =	vst v1  }
.LBB2_7:
0x50: {  	s6 =	sadd.s32 $0x8, s6;
	[tilespmem:s0+$0xFFFFFFD0] =	vst v1;
	s0 =	sadd.s32 $0x80, s0  }
0x51: {  	[tilespmem:s0+$0xFFFFFFC0] =	vst v1;
	p1 =	slt.u32 s6, $0x270  }
0x52: {  	[tilespmem:s0+$0x30] =	vst v1  }
.Ltmp3:
0x53: {  	[tilespmem:s0+$0x20] =	vst v1;
	(pc) =	sbr.rel @p1 .LBB2_7-.Ltmp3, $4  }
0x54: {  	[tilespmem:s0+$0x10] =	vst v1  }
0x55: {  	[tilespmem:s0+$0x0] =	vst v1  }
0x56: {  	[tilespmem:s0+$0xFFFFFFF0] =	vst v1  }
0x57: {  	[tilespmem:s0+$0xFFFFFFE0] =	vst v1  }
0x58: {  	[tilespmem:s0+$0xFFFFFFD0] =	vst v1  }
0x59: {  	[spmem:s10] =	stream.linear.scatter [tilespmem:s18], [sflag:$0x4], $0x2780, $0x38;
	[tilespmem:$0xD680] =	vst v63  }
0x5a: {  	_ =	swait.ge [sflag:s19], $0x2780  }
0x5b: {  	[sflag:s19] =	ssyncset.done $0x0  }
0x5c: {  	[sflag:s19] =	ssyncadd.s32 $0xFFFFD880  }
0x5d: {  	_ =	swait.ge [sflag:s20], $0x4F0  }
0x5e: {  	[sflag:s20] =	ssyncset.done $0x0  }
0x5f: {  	s0 =	simm.s32 @p0 $0x1;
	[sflag:s20] =	ssyncadd.s32 $0xFFFFFB10  }
0x60: {  	_ =	swait.ge @p0 [sflag:s0], $0xA00  }
0x61: {  	[sflag:s0] =	ssyncset.done @p0 $0x0  }
0x62: {  	[sflag:s0] =	ssyncadd.s32 @p0 $0xFFFFF600;
	s0 =	simm.s32 @p0 $0x2  }
0x63: {  	_ =	swait.ge @p0 [sflag:s0], $0xA00  }
0x64: {  	[sflag:s0] =	ssyncset.done @p0 $0x0  }
0x65: {  	[sflag:s0] =	ssyncadd.s32 @p0 $0xFFFFF600;
	s0 =	simm.s32 @!p0 $0x1  }
0x66: {  	_ =	swait.ge @!p0 [sflag:s0], $0x2800  }
0x67: {  	[sflag:s0] =	ssyncset.done @!p0 $0x0  }
0x68: {  	[sflag:s0] =	ssyncadd.s32 @!p0 $0xFFFFD800;
	s0 =	simm.s32 @!p0 $0x2  }
0x69: {  	_ =	swait.ge @!p0 [sflag:s0], $0x2800  }
0x6a: {  	[sflag:s0] =	ssyncset.done @!p0 $0x0  }
0x6b: {  	[sflag:s0] =	ssyncadd.s32 @!p0 $0xFFFFD800  }
0x6c: {  	[bflag:$0x0] =	sbarrier.arrive $0xFFFF  }
0x6d: {  	[tilespmem:s21], [sflag:$0x1] =	stream.indirect.gather [spmem:s2], $0x10, s15, s13, $0xb8;
	[tilespmem:$0xD680] =	vst v63  }
0x6e: {  	s6 =	simm.s32 $0x4F80  }
0x6f: {  	[tilespmem:s22], [sflag:$0x2] =	stream.indirect.gather [spmem:s2], $0x10, s6, s13, $0xb8;
	[tilespmem:$0xD680] =	vst v63  }
0x70: {  	_ =	swait.ge [sflag:s23], $0x800  }
0x71: {  	[sflag:s23] =	ssyncset.done $0x0  }
0x72: {  	s7 =	simm.s32 $0x7700;
	[sflag:s23] =	ssyncadd.s32 $0xFFFFF800  }
0x73: {  	[spmem:s3] =	stream.indirect.scatter.add.f32 [tilespmem:s21], [sflag:$0x4], $0x10, s7, s13, $0xb8;
	[tilespmem:$0xD680] =	vst v63  }
0x74: {  	_ =	swait.ge [sflag:s19], $0x800  }
0x75: {  	[sflag:s19] =	ssyncset.done $0x0  }
0x76: {  	s16 =	simm.s32 $0x5000;
	[sflag:s19] =	ssyncadd.s32 $0xFFFFF800  }
0x77: {  	[tilespmem:s21], [sflag:$0x1] =	stream.indirect.gather [spmem:s2], $0x10, s16, s13, $0xb8;
	[tilespmem:$0xD680] =	vst v63  }
0x78: {  	_ =	swait.ge [sflag:s24], $0x800  }
0x79: {  	[sflag:s24] =	ssyncset.done $0x0  }
0x7a: {  	s30 =	simm.s32 $0x7780;
	[sflag:s24] =	ssyncadd.s32 $0xFFFFF800  }
0x7b: {  	[spmem:s3] =	stream.indirect.scatter.add.f32 [tilespmem:s22], [sflag:$0x4], $0x10, s30, s13, $0xb8;
	[tilespmem:$0xD680] =	vst v63  }
0x7c: {  	_ =	swait.ge [sflag:s19], $0x800  }
0x7d: {  	s0 =	simm.s32 $0x100;
	s6 =	simm.s32 $0x800;
	[sflag:s19] =	ssyncset.done $0x0  }
.LBB2_9:
0x7e: {  	s7 =	sadd.s32 $0x4F80, s0  }
0x7f: {  	[sflag:s19] =	ssyncadd.s32 $0xFFFFF800;
	s16 =	smov.u32 s6;
	s30 =	sadd.s32 $0x400, s6  }
0x80: {  	[tilespmem:s22], [sflag:$0x2] =	stream.indirect.gather [spmem:s2], $0x10, s7, s13, $0xb8;
	[tilespmem:$0xD680] =	vst v63  }
0x81: {  	p1 =	sne.s32 s6, $0x9800;
	_ =	swait.ge [sflag:s23], $0x800  }
0x82: {  	[sflag:s23] =	ssyncset.done $0x0  }
0x83: {  	s6 =	sadd.s32 $0x7700, s0;
	[sflag:s23] =	ssyncadd.s32 $0xFFFFF800  }
0x84: {  	[spmem:s3] =	stream.indirect.scatter.add.f32 [tilespmem:s21], [sflag:$0x4], $0x10, s6, s13, $0xb8;
	[tilespmem:$0xD680] =	vst v63  }
0x85: {  	_ =	swait.ge [sflag:s19], $0x800  }
0x86: {  	[sflag:s19] =	ssyncset.done $0x0  }
0x87: {  	s6 =	sadd.s32 $0x5000, s0;
	[sflag:s19] =	ssyncadd.s32 $0xFFFFF800  }
0x88: {  	[tilespmem:s21], [sflag:$0x1] =	stream.indirect.gather [spmem:s2], $0x10, s6, s13, $0xb8;
	[tilespmem:$0xD680] =	vst v63  }
0x89: {  	_ =	swait.ge [sflag:s24], $0x800  }
.Ltmp4:
0x8a: {  	[sflag:s24] =	ssyncset.done $0x0;
	(pc) =	sbr.rel @p1 .LBB2_9-.Ltmp4, $4  }
0x8b: {  	s0 =	sadd.s32 $0x7780, s0;
	[sflag:s24] =	ssyncadd.s32 $0xFFFFF800  }
0x8c: {  	[spmem:s3] =	stream.indirect.scatter.add.f32 [tilespmem:s22], [sflag:$0x4], $0x10, s0, s13, $0xb8;
	[tilespmem:$0xD680] =	vst v63  }
0x8d: {  	_ =	swait.ge [sflag:s19], $0x800  }
0x8e: {  	s6 =	smov.u32 s30;
	s0 =	sshra.s32 s16, $0x2;
	[sflag:s19] =	ssyncset.done $0x0  }
0x8f: {  	s6 =	sadd.s32 $0x4F80, s0;
	[sflag:s19] =	ssyncadd.s32 $0xFFFFF800  }
0x90: {  	[tilespmem:s22], [sflag:$0x2] =	stream.indirect.gather [spmem:s2], $0x10, s6, s13, $0xb8;
	[tilespmem:$0xD680] =	vst v63  }
0x91: {  	_ =	swait.ge [sflag:s23], $0x800  }
0x92: {  	[sflag:s23] =	ssyncset.done $0x0  }
0x93: {  	s30 =	sadd.s32 $0x7700, s0;
	[sflag:s23] =	ssyncadd.s32 $0xFFFFF800  }
0x94: {  	[spmem:s3] =	stream.indirect.scatter.add.f32 [tilespmem:s21], [sflag:$0x4], $0x10, s30, s13, $0xb8;
	[tilespmem:$0xD680] =	vst v63  }
0x95: {  	_ =	swait.ge [sflag:s19], $0x800  }
0x96: {  	[sflag:s19] =	ssyncset.done $0x0  }
0x97: {  	s7 =	sadd.s32 $0x5000, s0;
	[sflag:s19] =	ssyncadd.s32 $0xFFFFF800  }
0x98: {  	[tilespmem:s21], [sflag:$0x1] =	stream.indirect.gather [spmem:s2], $0x10, s7, s13, $0xb8;
	[tilespmem:$0xD680] =	vst v63  }
0x99: {  	_ =	swait.ge [sflag:s24], $0x800  }
0x9a: {  	[sflag:s24] =	ssyncset.done $0x0  }
0x9b: {  	s16 =	sadd.s32 $0x7780, s0;
	[sflag:s24] =	ssyncadd.s32 $0xFFFFF800  }
0x9c: {  	[spmem:s3] =	stream.indirect.scatter.add.f32 [tilespmem:s22], [sflag:$0x4], $0x10, s16, s13, $0xb8;
	[tilespmem:$0xD680] =	vst v63  }
0x9d: {  	_ =	swait.ge [sflag:s19], $0x800  }
0x9e: {  	[sflag:s19] =	ssyncset.done $0x0  }
0x9f: {  	[sflag:s19] =	ssyncadd.s32 $0xFFFFF800  }
0xa0: {  	[tilespmem:s22], [sflag:$0x2] =	stream.indirect.gather [spmem:s2], $0x10, s25, s13, $0xb8;
	[tilespmem:$0xD680] =	vst v63  }
0xa1: {  	_ =	swait.ge [sflag:s23], $0x800  }
0xa2: {  	[sflag:s23] =	ssyncset.done $0x0  }
0xa3: {  	[sflag:s23] =	ssyncadd.s32 $0xFFFFF800  }
0xa4: {  	[spmem:s3] =	stream.indirect.scatter.add.f32 [tilespmem:s21], [sflag:$0x4], $0x10, s26, s13, $0xb8;
	[tilespmem:$0xD680] =	vst v63  }
0xa5: {  	_ =	swait.ge [sflag:s19], $0x800  }
0xa6: {  	[sflag:s19] =	ssyncset.done $0x0  }
0xa7: {  	[sflag:s19] =	ssyncadd.s32 $0xFFFFF800  }
0xa8: {  	_ =	swait.ge [sflag:s24], $0x800  }
0xa9: {  	[sflag:s24] =	ssyncset.done $0x0  }
0xaa: {  	[sflag:s24] =	ssyncadd.s32 $0xFFFFF800  }
0xab: {  	[spmem:s3] =	stream.indirect.scatter.add.f32 [tilespmem:s22], [sflag:$0x4], $0x10, s28, s13, $0xb8;
	[tilespmem:$0xD680] =	vst v63  }
0xac: {  	_ =	swait.ge [sflag:s19], $0x800  }
0xad: {  	s4 =	sadd.s32 $0x1, s4;
	[sflag:s19] =	ssyncset.done $0x0  }
0xae: {  	s29 =	sor.u32 $0x1C04, s29;
	p1 =	sne.s32 s4, s12;
	[sflag:s19] =	ssyncadd.s32 $0xFFFFF800  }
.Ltmp5:
0xaf: {  	s30 =	sshrl.u32 s10, $0x3;
	[bflag:$0x0] =	sbarrier.arrive $0xFFFF;
	(pc) =	sbr.rel @p1 .LBB2_1-.Ltmp5, $4  }
0xb0: {  	[hbm:s11], [sflag:s29] =	dma.local [spmem:s30], $0x4F0  }
0xb1: {  	_ =	swait.ge [sflag:s19], $0x4F0  }
0xb2: {  	[sflag:s19] =	ssyncset.done $0x0  }
0xb3: {  	[sflag:s19] =	ssyncadd.s32 $0xFFFFFB10  }
0xb4: {  	_ =	sfence.sel $0x180000  }
0xb5: {  	[bflag:$0x0] =	sbarrier.arrive $0xFFFF  }
0xb6: {  	_ =	strace $0x9000004D  }
0xb7: {  	[bflag:$0x2] =	sbarrier.arrive $0xFFFF  }
0xb8: {  	p0 =	sne.s32 s1, $0x0;
	s0 =	rddreg [dreg:$0x5]  }
0xb9: {  	s0 =	sadd.s32 @!p0 $0x100000, s0  }
0xba: {  	[sflag:s0] =	ssyncadd.tile.s32 @!p0 $0x1;
	_ =	shalt  }
.Lfunc_end2:
_tile_overlayer_lowered:
.L_overlay_start_2:
0xbb: {  	(tag) =	ssettag $0x2  }
0xbc: {  	s0 =	rddreg [dreg:$0x0];
	s2 =	stileid.u32  }
0xbd: {  	s1 =	rddreg [dreg:$0x1];
	p0 =	sne.s32 s2, $0x0  }
0xbe: {  	s3 =	rddreg [dreg:$0x2];
	[bflag:$0x3] =	sbarrier.arrive $0xFFFF;
	s2 =	simm.s32 @!p0 $0x1C04  }
0xbf: {  	[timem:s3], [sflag:s2] =	dma.local @!p0 [hbm:s0], s1  }
0xc0: {  	s0 =	simm.s32 @!p0 $0x4  }
0xc1: {  	_ =	swait.ge @!p0 [sflag:s0], s1  }
0xc2: {  	s1 =	ssub.s32 @!p0 $0x0, s1;
	[sflag:s0] =	ssyncset.done @!p0 $0x0  }
0xc3: {  	[sflag:s0] =	ssyncadd.s32 @!p0 s1  }
0xc4: {  	[bflag:$0x3] =	sbarrier.arrive $0xFFFF  }
0xc5: {  	_ =	shalt  }

// kernel: hgnn_sc_pass_b.4.cloned.1.call-start
scs
__scs_entry_jumppad:
0x0: {  	(pc) =	sbr.rel $0x88, $3  }
0x1: {  	(tag) =	ssettag $0x0;
	lr =	simm.s32 $0x1  }
0x2: {  	[smem:$0x3F9B] =	sst lr;
	_ =	strace $0xD0000000  }
0x3: {  	_ = 	snop  }
0x4: {  	_ = 	snop  }
0x5: {  	_ = 	snop  }
0x6: {  	_ = 	snop  }
0x7: {  	_ = 	snop  }
__scs_overlays_trampoline_lowered:
0x8: {  	[smem:$0x3FAA] =	sst s0  }
0x9: {  	[smem:$0x3FAB] =	sst s1  }
0xa: {  	[smem:$0x3FAC] =	sst s2  }
0xb: {  	[smem:$0x3FAD] =	sst s3  }
0xc: {  	[smem:$0x3FAE] =	sst s4  }
0xd: {  	[smem:$0x3FAF] =	sst s5  }
0xe: {  	[smem:$0x3FB0] =	sst s6  }
0xf: {  	[smem:$0x3FB1] =	sst s7  }
0x10: {  	[smem:$0x3FB2] =	sst s8  }
0x11: {  	[smem:$0x3FB3] =	sst s9;
	s0 =	simm.s32 @!p0 $0x0  }
0x12: {  	s1 =	sld [smem:$0x3F99];
	s0 =	simm.s32 @p0 $0x1  }
0x13: {  	[smem:$0x3FB4] =	sst s0;
	s0 =	simm.s32 @!p1 $0x0  }
0x14: {  	s2 =	sld [smem:$0x3F98];
	s0 =	simm.s32 @p1 $0x1  }
0x15: {  	[smem:$0x3FB5] =	sst s0;
	s0 =	simm.s32 @!p2 $0x0  }
0x16: {  	s3 =	sld [smem:$0x3FDB];
	s0 =	simm.s32 @p2 $0x1  }
0x17: {  	s4 =	simm.s32 $0x1BF5;
	[smem:$0x3FB7] =	sst s0  }
0x18: {  	s0 =	sld [smem:$0x3F9A];
	_ =	swait.ge [sflag:s4], $0x0  }
0x19: {  	s7 =	sld [smem:$0x3F9B]  }
0x1a: {  	s8 =	sadd.s32 $0xFFFFE003, lr  }
0x1b: {  	s9 =	sadd.s32 $0xFFFFFEF7, lr;
	s5 =	simm.s32 $0xFFFFFFFF;
	p2 =	slt.u32 s8, $0xFFFFF086  }
0x1c: {  	p1 =	slt.u32 s9, $0xF7A;
	s5 =	simm.s32 @!p2 $0x0  }
0x1d: {  	s5 =	simm.s32 @p1 $0x1;
	p0 =	seq.s32 s7, s2  }
0x1e: {  	s7 =	smul.u32 @!p0 $0xF7A, s2;
	p2 =	seq.s32 @!p0 s5, $0x0  }
0x1f: {  	s9 =	smul.u32 $0xF7A, s1;
	s8 =	simm.s32 @!p0 $0x1BF5;
	p2 =	por !p2, p0  }
0x20: {  	[sflag:s8] =	ssyncset.s32 @!p0 $0xFFFFF086;
	s6 =	sadd.s32 @!p0 s3, s7;
	s7 =	simm.s32 @!p0 $0x108  }
0x21: {  	s3 =	sadd.s32 s3, s9;
	s6 =	sadd.s32 @!p0 $0x88, s6;
	s7 =	simm.s32 @p2 $0x1082  }
0x22: {  	[simem:s7], [sflag:s8] =	dma.local @!p0 [hbm:s6], $0xF7A  }
0x23: {  	s9 =	sor.u32 $0xD0000000, s2;
	s6 =	simm.s32 $0x108;
	_ =	swait.ge @!p0 [sflag:s8], $0x0  }
0x24: {  	s3 =	sadd.s32 $0x88, s3;
	s6 =	simm.s32 @!p1 $0x1082;
	[sflag:s4] =	ssyncset.s32 $0xFFFFF086  }
0x25: {  	[simem:s6], [sflag:s4] =	dma.local [hbm:s3], $0xF7A  }
0x26: {  	[smem:$0x3F9B] =	sst s1;
	(tag) =	ssettag s2;
	_ =	strace s9  }
0x27: {  	s1 =	sld [smem:$0x3FAB]  }
0x28: {  	s2 =	sld [smem:$0x3FAC]  }
0x29: {  	s4 =	sld [smem:$0x3FAE]  }
0x2a: {  	p0 =	seq.s32 s5, $0x0;
	s5 =	sld [smem:$0x3FAF]  }
0x2b: {  	s6 =	sld [smem:$0x3FB0]  }
0x2c: {  	s7 =	sld [smem:$0x3FB1]  }
0x2d: {  	s3 =	simm.s32 $0x108;
	s8 =	sld [smem:$0x3FB2]  }
0x2e: {  	s3 =	simm.s32 @!p0 $0x1082;
	s9 =	sld [smem:$0x3FB3]  }
0x2f: {  	lr =	sadd.s32 s0, s3;
	s0 =	sld [smem:$0x3FAA]  }
0x30: {  	s3 =	sld [smem:$0x3FAD]  }
0x31: {  	[smem:$0x3FB6] =	sst s10  }
0x32: {  	s10 =	sld [smem:$0x3FB4];
	_ =	sdelay $0x3  }
0x33: {  	p0 =	seq.s32 s10, $0x1;
	s10 =	sld [smem:$0x3FB6];
	_ =	sdelay $0x3  }
0x34: {  	[smem:$0x3FB6] =	sst s10  }
0x35: {  	s10 =	sld [smem:$0x3FB5];
	_ =	sdelay $0x3  }
0x36: {  	p1 =	seq.s32 s10, $0x1;
	s10 =	sld [smem:$0x3FB6];
	_ =	sdelay $0x3  }
0x37: {  	[smem:$0x3FB6] =	sst s10  }
0x38: {  	s10 =	sld [smem:$0x3FB7]  }
0x39: {  	_ = 	snop;
	(pc) =	sbr.ind lr, $3  }
0x3a: {  	_ = 	snop  }
0x3b: {  	_ = 	snop  }
0x3c: {  	p2 =	seq.s32 s10, $0x1;
	s10 =	sld [smem:$0x3FB6]  }
0x3d: {  	_ =	shalt  }
0x3e: {  	_ =	shalt  }
0x3f: {  	_ =	shalt  }
0x40: {  	_ =	shalt  }
0x41: {  	_ =	shalt  }
0x42: {  	_ =	shalt  }
0x43: {  	_ =	shalt  }
0x44: {  	_ =	shalt  }
0x45: {  	_ =	shalt  }
0x46: {  	_ =	shalt  }
0x47: {  	_ =	shalt  }
0x48: {  	_ =	shalt  }
0x49: {  	_ =	shalt  }
0x4a: {  	_ =	shalt  }
0x4b: {  	_ =	shalt  }
0x4c: {  	_ =	shalt  }
0x4d: {  	_ =	shalt  }
0x4e: {  	_ =	shalt  }
0x4f: {  	_ =	shalt  }
0x50: {  	_ =	shalt  }
0x51: {  	_ =	shalt  }
0x52: {  	_ =	shalt  }
0x53: {  	_ =	shalt  }
0x54: {  	_ =	shalt  }
0x55: {  	_ =	shalt  }
0x56: {  	_ =	shalt  }
0x57: {  	_ =	shalt  }
0x58: {  	_ =	shalt  }
0x59: {  	_ =	shalt  }
0x5a: {  	_ =	shalt  }
0x5b: {  	_ =	shalt  }
0x5c: {  	_ =	shalt  }
0x5d: {  	_ =	shalt  }
0x5e: {  	_ =	shalt  }
0x5f: {  	_ =	shalt  }
0x60: {  	_ =	shalt  }
0x61: {  	_ =	shalt  }
0x62: {  	_ =	shalt  }
0x63: {  	_ =	shalt  }
0x64: {  	_ =	shalt  }
0x65: {  	_ =	shalt  }
0x66: {  	_ =	shalt  }
0x67: {  	_ =	shalt  }
0x68: {  	_ =	shalt  }
0x69: {  	_ =	shalt  }
0x6a: {  	_ =	shalt  }
0x6b: {  	_ =	shalt  }
0x6c: {  	_ =	shalt  }
0x6d: {  	_ =	shalt  }
0x6e: {  	_ =	shalt  }
0x6f: {  	_ =	shalt  }
0x70: {  	_ =	shalt  }
0x71: {  	_ =	shalt  }
0x72: {  	_ =	shalt  }
0x73: {  	_ =	shalt  }
0x74: {  	_ =	shalt  }
0x75: {  	_ =	shalt  }
0x76: {  	_ =	shalt  }
0x77: {  	_ =	shalt  }
0x78: {  	_ =	shalt  }
0x79: {  	_ =	shalt  }
0x7a: {  	_ =	shalt  }
0x7b: {  	_ =	shalt  }
0x7c: {  	_ =	shalt  }
0x7d: {  	_ =	shalt  }
0x7e: {  	_ =	shalt  }
0x7f: {  	_ =	shalt  }
0x80: {  	_ =	shalt  }
0x81: {  	_ =	shalt  }
0x82: {  	_ =	shalt  }
0x83: {  	_ =	shalt  }
0x84: {  	_ =	shalt  }
0x85: {  	_ =	shalt  }
0x86: {  	_ =	shalt  }
0x87: {  	_ =	shalt  }
.Lfunc_end0:
.L_simem_size_0:
called_computation.1_lowered:
.L_overlay_start_0:
0x88: {  	s2 =	sld [smem:$0x3FD9]  }
0x89: {  	s3 =	sld [smem:$0x3FFE];
	_ =	sdelay $0x1  }
0x8a: {  	s1 =	srdreg.scid  }
0x8b: {  	s0 =	sand.u32 $0x1, s1  }
0x8c: {  	s17 =	sshll.u32 s0, $0xA;
	s2 =	sadd.s32 s3, s2  }
0x8d: {  	s2 =	sadd.s32 s2, s17  }
0x8e: {  	[smem:$0x3FC2] =	sst s2  }
0x8f: {  	_ = 	snop  }
0x90: {  	s2 =	sld [smem:$0x3FC8]  }
0x91: {  	s18 =	sld [smem:$0x3FD0];
	(tm) =	ssettm $0x1  }
0x92: {  	s4 =	sld [smem:$0x3FFB];
	_ =	sdelay $0x3  }
0x93: {  	_ =	strace s4  }
0x94: {  	s4 =	sld [smem:$0x3FFC];
	_ =	sdelay $0x3  }
0x95: {  	_ =	strace s4  }
0x96: {  	s4 =	sld [smem:$0x3FFD];
	_ =	sdelay $0x3  }
0x97: {  	_ =	strace s4  }
0x98: {  	_ =	strace $0x8FFFFFFF  }
0x99: {  	s19 =	sld [smem:$0x3FDB];
	_ =	sdelay $0x1  }
0x9a: {  	s5 =	simm.s32 $_scs_section_size  }
0x9b: {  	s6 =	simm.s32 $_size__tile_overlayer_lowered;
	s7 =	simm.s32 $_tile_overlayer_lowered  }
0x9c: {  	s22 =	simm.s32 $0x1BFF;
	s21 =	sshll.u32 s7, $0x1;
	s4 =	sadd.s32 s5, s19  }
0x9d: {  	s8 =	simm.s32 $0x0;
	s20 =	sshll.u32 s6, $0x1;
	s6 =	sadd.s32 s21, s4  }
0x9e: {  	[timem:s8], [sflag:s22] =	dma.local [hbm:s6], s20  }
0x9f: {  	_ =	swait.ge [sflag:s22], s20  }
0xa0: {  	s5 =	ssub.s32 $0x0, s20;
	[sflag:s22] =	ssyncset.done $0x0  }
0xa1: {  	[sflag:s22] =	ssyncadd.s32 s5;
	_ =	sdelay $0x1  }
0xa2: {  	s23 =	simm.s32 $0x1B8B  }
0xa3: {  	_ =	swait.ge [sflag:s23], $0x1  }
0xa4: {  	[sflag:s23] =	ssyncset.done $0x0  }
0xa5: {  	s25 =	simm.s32 $0x1B8E;
	s24 =	sld [smem:$0x3FFE];
	[sflag:s23] =	ssyncadd.s32 $0xFFFFFFFF  }
0xa6: {  	s26 =	simm.s32 $execute0_lowered;
	[smem:$0x3FD2] =	sst s25  }
0xa7: {  	s6 =	sshll.u32 s26, $0x1;
	_ =	strace $0x80000049;
	[dreg:$0x1] =	wrdreg $0xFFFFFFFF  }
0xa8: {  	s28 =	simm.s32 $_size_execute0_lowered;
	s4 =	sadd.s32 s4, s6;
	[dreg:$0x0] =	wrdreg $0x0  }
0xa9: {  	s6 =	sshll.u32 s28, $0x1;
	[dreg:$0x2] =	wrdreg s4  }
0xaa: {  	[dreg:$0x3] =	wrdreg s6  }
0xab: {  	[dreg:$0x4] =	wrdreg $0xC0  }
0xac: {  	_ =	task [dreg:s8], $0x5FFFF  }
0xad: {  	[dreg:$0x1] =	wrdreg $0xFFFFFFFF  }
0xae: {  	[dreg:$0x0] =	wrdreg $0x60  }
0xaf: {  	[dreg:$0x2] =	wrdreg s18  }
0xb0: {  	[dreg:$0x3] =	wrdreg s2  }
0xb1: {  	[dreg:$0x4] =	wrdreg s24  }
0xb2: {  	[dreg:$0x5] =	wrdreg $0x0  }
0xb3: {  	[dreg:$0x6] =	wrdreg $0x27800  }
0xb4: {  	[dreg:$0x7] =	wrdreg $0x9  }
0xb5: {  	_ =	task.clear_ibuf [dreg:s8], $0x8FFFF;
	_ =	strace $0x90000049  }
0xb6: {  	s29 =	simm.s32 $0x9;
	_ =	strace $0x8000004B  }
0xb7: {  	_ =	swait.ge [sflag:s29], $0x1  }
0xb8: {  	[sflag:s29] =	ssyncadd.s32 $0xFFFFFFFF  }
0xb9: {  	_ =	strace $0x9000004B  }
0xba: {  	_ =	sfence  }
0xbb: {  	s30 =	sld [smem:$0x0];
	_ =	sdelay $0x2  }
0xbc: {  	s31 =	sshll.u32 s1, $0xD;
	s1 =	sshrl.u32 s1, $0x2  }
0xbd: {  	s3 =	sand.u32 $0x4000, s31;
	s1 =	sadd.s32 s1, s30  }
0xbe: {  	s0 =	sor.u32 s3, s0;
	s1 =	sshll.u32 s1, $0x11  }
0xbf: {  	s0 =	sor.u32 s1, s0  }
0xc0: {  	s0 =	sadd.s32 $0x8F2B, s0  }
0xc1: {  	[sflag:s0] =	ssyncadd.remote.s32 $0x1  }
0xc2: {  	_ =	sfence.sel $0xFFFF  }
0xc3: {  	[dreg:$0x0] =	wrdreg $0xFFFFFFFF;
	(pc) =	sbr.abs _section_cstart, $3  }
0xc4: {  	[dreg:$0x1] =	wrdreg $0xFFFFFFFF  }
0xc5: {  	_ =	task.clear_ibuf [dreg:s8], $0x2FFFF;
	_ =	strace $0x9FFFFFFF  }
0xc6: {  	(tm) =	ssettm $0x7FFFFFFF  }
0xc7: {  	_ =	shalt  }
tec
execute0_lowered:
.L_overlay_start_1:
0x0: {  	(tag) =	ssettag $0x1  }
0x1: {  	s0 =	rddreg [dreg:$0x0]  }
0x2: {  	s6 =	rddreg [dreg:$0x1]  }
0x3: {  	s7 =	rddreg [dreg:$0x2]  }
0x4: {  	s2 =	rddreg [dreg:$0x3];
	s4 =	srdreg.scid  }
0x5: {  	s3 =	rddreg [dreg:$0x4];
	s1 =	stileid.u32;
	s15 =	simm.s32 $0x4F00  }
0x6: {  	s31 =	simm.s32 $0x7700;
	s18 =	simm.s32 $0xAF00;
	s19 =	simm.s32 $0x4  }
0x7: {  	s20 =	simm.s32 $0x3;
	s21 =	simm.s32 $0x9F00;
	s22 =	simm.s32 $0xA700  }
0x8: {  	s23 =	simm.s32 $0x1;
	s24 =	simm.s32 $0x2;
	s25 =	simm.s32 $0x7680  }
0x9: {  	s28 =	simm.s32 $0x9E80;
	s5 =	sand.u32 $0x1, s4;
	s10 =	smul.u32 $0x2780, s1  }
0xa: {  	s4 =	simm.s32 $0x0;
	s29 =	sadd.s32 $0x13610, s6;
	s8 =	sshll.u32 s5, $0x4  }
0xb: {  	s9 =	smul.u32 $0x27800, s5;
	[smem:$0x7FF] =	sst s4;
	s11 =	ssub.s32 $0x2, s5  }
0xc: {  	s13 =	sor.u32 s1, s8;
	_ =	strace $0x8000004A;
	s12 =	sshrl.u32 s11, $0x1  }
0xd: {  	[dreg:$0x7] =	wrdreg s29;
	s30 =	sshrl.u32 s10, $0x3;
	s16 =	sadd.s32 s10, s2  }
0xe: {  	s8 =	smul.u32 $0xA00, s13;
	s9 =	sadd.s32 s10, s9;
	s12 =	ssub.s32 s11, s12  }
0xf: {  	s10 =	sadd.s32 s10, s3;
	p0 =	seq.s32 s13, $0x1F;
	s13 =	simm.s32 $0x80  }
0x10: {  	s17 =	sshrl.u32 s16, $0x3;
	s9 =	sshrl.u32 s9, $0x3;
	s12 =	smax.u32 s12, $0x1  }
0x11: {  	s5 =	sadd.s32 s6, s8;
	s14 =	sadd.s32 s9, s7;
	s8 =	sadd.s32 $0x13600, s6  }
0x12: {  	s9 =	sadd.s32 s0, s30;
	s26 =	sadd.s32 $0x10, s5;
	s11 =	sadd.s32 $0x2E00, s14  }
0x13: {  	v0 =	vlaneseq.u32;
	v1 =	vimm.f32 $0.0e+00;
	s14 =	simm.s32 $0x100;
	[dreg:$0x6] =	wrdreg s26;
	s26 =	simm.s32 $0x9E00  }
.LBB2_1:
.Ltmp0:
0x14: {  	(pc) =	sbr.rel @!p0 .LBB2_2-.Ltmp0, $1  }
0x15: {  	_ =	sdelay $0x3  }
0x16: {  	s0 =	simm.s32 $0xA00  }
0x17: {  	s29 =	simm.s32 $0xA70;
	v3 =	vmov s0  }
0x18: {  	s6 =	simm.s32 $0xA10;
	v2 =	vmov s29;
	v3 =	vshrl.u32 v3, $0x4  }
0x19: {  	s16 =	simm.s32 $0xA20;
	v4 =	vor.u32 s0, v0;
	v5 =	vmov s6;
	v3 =	vmulhi.u32 $0x24924925, v3  }
0x1a: {  	v6 =	vor.u32 s6, v0;
	v7 =	vor.u32 s16, v0;
	v5 =	vshrl.u32 v5, $0x4  }
0x1b: {  	s7 =	rddreg [dreg:$0x7];
	v8 =	vmov s16;
	s6 =	simm.s32 $0xA30;
	v5 =	vmulhi.u32 $0x24924925, v5;
	v3 =	vmul.u32 $0x70, v3  }
0x1c: {  	[tilespmem:s15], [sflag:$0x1] =	stream.strided.gather [hbm4b:s7+s13], $0xA00, s14, s13, $0x38;
	v8 =	vshrl.u32 v8, $0x4;
	v9 =	vmov s6;
	v10 =	vor.u32 s6, v0;
	[tilespmem:$0xD680] =	vst v63  }
0x1d: {  	s30 =	simm.s32 $0x5970;
	s7 =	simm.s32 $0xA40;
	v3 =	vsub.s32 v4, v3;
	v4 =	vmul.u32 $0x70, v5;
	v5 =	vmulhi.u32 $0x24924925, v8  }
0x1e: {  	v63 =	vmov s7;
	[tilespmem:s31], [sflag:$0x2] =	stream.strided.gather [hbm4b:s8+s13], $0xA00, s14, s13, $0x38;
	v8 =	vshrl.u32 v9, $0x4;
	v3 =	vadd.s32 $0x2710, v3;
	[tilespmem:$0xD680] =	vst v63  }
0x1f: {  	s6 =	simm.s32 $0xA50;
	s31 =	simm.s32 $0x8170;
	[tilespmem:s30+$0xFFFFFF90] =	vst v3;
	v4 =	vsub.s32 v6, v4;
	v5 =	vmul.u32 $0x70, v5;
	v6 =	vmulhi.u32 $0x24924925, v8  }
0x20: {  	v8 =	vmov s6;
	[tilespmem:s31+$0xFFFFFF90] =	vst v3;
	v3 =	vadd.s32 $0x2710, v4;
	v4 =	vshrl.u32 v63, $0x4  }
0x21: {  	s16 =	simm.s32 $0xA60;
	[tilespmem:s30+$0xFFFFFFA0] =	vst v3;
	v5 =	vsub.s32 v7, v5;
	v6 =	vmul.u32 $0x70, v6;
	v4 =	vmulhi.u32 $0x24924925, v4  }
0x22: {  	v7 =	vmov s16;
	[tilespmem:s31+$0xFFFFFFA0] =	vst v3;
	v3 =	vadd.s32 $0x2710, v5;
	v5 =	vshrl.u32 v8, $0x4  }
0x23: {  	[tilespmem:s30+$0xFFFFFFB0] =	vst v3;
	v6 =	vsub.s32 v10, v6;
	v4 =	vmul.u32 $0x70, v4;
	v5 =	vmulhi.u32 $0x24924925, v5  }
0x24: {  	v7 =	vshrl.u32 v7, $0x4;
	[tilespmem:s31+$0xFFFFFFB0] =	vst v3;
	v3 =	vadd.s32 $0x2710, v6;
	v6 =	vor.u32 s7, v0  }
0x25: {  	s0 =	simm.s32 $0xAF0;
	[tilespmem:s30+$0xFFFFFFC0] =	vst v3;
	v6 =	vsub.s32 v6, v4;
	v4 =	vmul.u32 $0x70, v5;
	v5 =	vmulhi.u32 $0x24924925, v7  }
.LBB2_4:
0x26: {  	p1 =	sne.s32 s0, $0x27F0;
	[tilespmem:s31+$0xFFFFFFC0] =	vst v3;
	v3 =	vadd.s32 $0x2710, v6;
	v6 =	vor.u32 s6, v0;
	v2 =	vshrl.u32 v2, $0x4  }
0x27: {  	[tilespmem:s30+$0xFFFFFFD0] =	vst v3;
	v4 =	vsub.s32 v6, v4;
	v5 =	vmul.u32 $0x70, v5;
	v2 =	vmulhi.u32 $0x24924925, v2  }
0x28: {  	[tilespmem:s31+$0xFFFFFFD0] =	vst v3;
	v3 =	vadd.s32 $0x2710, v4;
	v4 =	vor.u32 s16, v0  }
0x29: {  	s6 =	sadd.s32 $0xFFFFFF90, s0;
	[tilespmem:s30+$0xFFFFFFE0] =	vst v3;
	v4 =	vsub.s32 v4, v5;
	v5 =	vor.u32 s29, v0;
	v6 =	vmul.u32 $0x70, v2;
	s29 =	smov.u32 s0  }
0x2a: {  	v7 =	vmov s6;
	v2 =	vmov s0;
	[tilespmem:s31+$0xFFFFFFE0] =	vst v3;
	v3 =	vadd.s32 $0x2710, v4  }
0x2b: {  	v7 =	vshrl.u32 v7, $0x4;
	v4 =	vor.u32 s6, v0;
	s6 =	sadd.s32 $0xFFFFFFA0, s0;
	[tilespmem:s30+$0xFFFFFFF0] =	vst v3;
	v5 =	vsub.s32 v5, v6  }
0x2c: {  	s16 =	sadd.s32 $0xFFFFFFB0, s0;
	v6 =	vmulhi.u32 $0x24924925, v7;
	v7 =	vmov s6;
	[tilespmem:s31+$0xFFFFFFF0] =	vst v3;
	v3 =	vadd.s32 $0x2710, v5  }
0x2d: {  	v8 =	vor.u32 s16, v0;
	v5 =	vor.u32 s6, v0;
	v7 =	vshrl.u32 v7, $0x4;
	[tilespmem:s30+$0x0] =	vst v3  }
0x2e: {  	v9 =	vmov s16;
	s6 =	sadd.s32 $0xFFFFFFC0, s0;
	v6 =	vmul.u32 $0x70, v6;
	v7 =	vmulhi.u32 $0x24924925, v7;
	[tilespmem:s31+$0x0] =	vst v3  }
0x2f: {  	v10 =	vor.u32 s6, v0;
	v3 =	vshrl.u32 v9, $0x4;
	v9 =	vmov s6  }
0x30: {  	s7 =	sadd.s32 $0xFFFFFFD0, s0;
	v4 =	vsub.s32 v4, v6;
	v6 =	vmul.u32 $0x70, v7;
	v3 =	vmulhi.u32 $0x24924925, v3  }
0x31: {  	s30 =	sadd.s32 $0x80, s30;
	v7 =	vshrl.u32 v9, $0x4;
	v9 =	vmov s7;
	v4 =	vadd.s32 $0x2710, v4  }
0x32: {  	s6 =	sadd.s32 $0xFFFFFFE0, s0;
	s31 =	sadd.s32 $0x80, s31;
	v5 =	vsub.s32 v5, v6;
	v3 =	vmul.u32 $0x70, v3;
	v6 =	vmulhi.u32 $0x24924925, v7;
	[tilespmem:s30+$0xFFFFFF90] =	vst v4  }
0x33: {  	v7 =	vmov s6;
	[tilespmem:s31+$0xFFFFFF90] =	vst v4;
	v4 =	vadd.s32 $0x2710, v5;
	v5 =	vshrl.u32 v9, $0x4  }
.Ltmp1:
0x34: {  	s16 =	sadd.s32 $0xFFFFFFF0, s0;
	v3 =	vsub.s32 v8, v3;
	v6 =	vmul.u32 $0x70, v6;
	[tilespmem:s30+$0xFFFFFFA0] =	vst v4;
	v5 =	vmulhi.u32 $0x24924925, v5;
	(pc) =	sbr.rel @p1 .LBB2_4-.Ltmp1, $4  }
0x35: {  	v3 =	vadd.s32 $0x2710, v3;
	[tilespmem:s31+$0xFFFFFFA0] =	vst v4;
	v4 =	vshrl.u32 v7, $0x4;
	v7 =	vmov s16  }
0x36: {  	v6 =	vsub.s32 v10, v6;
	[tilespmem:s30+$0xFFFFFFB0] =	vst v3;
	v5 =	vmul.u32 $0x70, v5;
	v4 =	vmulhi.u32 $0x24924925, v4  }
0x37: {  	v7 =	vshrl.u32 v7, $0x4;
	[tilespmem:s31+$0xFFFFFFB0] =	vst v3;
	v3 =	vadd.s32 $0x2710, v6;
	v6 =	vor.u32 s7, v0  }
0x38: {  	s0 =	sadd.s32 $0x80, s0;
	[tilespmem:s30+$0xFFFFFFC0] =	vst v3;
	v6 =	vsub.s32 v6, v5;
	v4 =	vmul.u32 $0x70, v4;
	v5 =	vmulhi.u32 $0x24924925, v7  }
0x39: {  	[tilespmem:s31+$0xFFFFFFC0] =	vst v3;
	v3 =	vadd.s32 $0x2710, v6;
	v61 =	vor.u32 s6, v0;
	v2 =	vshrl.u32 v2, $0x4  }
0x3a: {  	[tilespmem:s30+$0xFFFFFFD0] =	vst v3;
	v4 =	vsub.s32 v61, v4;
	v5 =	vmul.u32 $0x70, v5;
	v2 =	vmulhi.u32 $0x24924925, v2  }
0x3b: {  	v62 =	vor.u32 s16, v0;
	[tilespmem:s31+$0xFFFFFFD0] =	vst v3;
	v3 =	vadd.s32 $0x2710, v4  }
0x3c: {  	[tilespmem:s30+$0xFFFFFFE0] =	vst v3;
	v4 =	vsub.s32 v62, v5;
	v2 =	vmul.u32 $0x70, v2  }
.Ltmp2:
0x3d: {  	v63 =	vor.u32 s29, v0;
	[tilespmem:s31+$0xFFFFFFE0] =	vst v3;
	v3 =	vadd.s32 $0x2710, v4;
	(pc) =	sbr.rel .LBB2_6-.Ltmp2, $4  }
0x3e: {  	[tilespmem:s30+$0xFFFFFFF0] =	vst v3;
	v2 =	vsub.s32 v63, v2  }
0x3f: {  	[tilespmem:s31+$0xFFFFFFF0] =	vst v3;
	v2 =	vadd.s32 $0x2710, v2  }
0x40: {  	[tilespmem:s30+$0x0] =	vst v2  }
0x41: {  	[tilespmem:s31+$0x0] =	vst v2;
	s31 =	simm.s32 $0x7700  }
.LBB2_2:
0x42: {  	s0 =	rddreg [dreg:$0x6]  }
0x43: {  	[tilespmem:s15], [sflag:$0x1] =	stream.strided.gather [hbm4b:s0+s13], $0x2800, s14, s13, $0x38;
	[tilespmem:$0xD680] =	vst v63  }
0x44: {  	_ = 	snop  }
0x45: {  	[tilespmem:s31], [sflag:$0x2] =	stream.strided.gather [hbm4b:s5+s13], $0x2800, s14, s13, $0x38;
	[tilespmem:$0xD680] =	vst v63  }
.LBB2_6:
0x46: {  	s29 =	sshll.u32 s1, $0x6  }
0x47: {  	s0 =	sor.u32 $0x1C03, s29  }
0x48: {  	[spmem:s17], [sflag:s0] =	dma.local [hbm:s9], $0x4F0  }
0x49: {  	s0 =	simm.s32 $0xAF40  }
0x4a: {  	[tilespmem:s0+$0xFFFFFFC0] =	vst v1  }
0x4b: {  	[tilespmem:s0+$0x30] =	vst v1  }
0x4c: {  	[tilespmem:s0+$0x20] =	vst v1  }
0x4d: {  	[tilespmem:s0+$0x10] =	vst v1  }
0x4e: {  	[tilespmem:s0+$0x0] =	vst v1  }
0x4f: {  	[tilespmem:s0+$0xFFFFFFF0] =	vst v1  }
0x50: {  	s6 =	simm.s32 $0x0;
	[tilespmem:s0+$0xFFFFFFE0] =	vst v1  }
.LBB2_7:
0x51: {  	s6 =	sadd.s32 $0x8, s6;
	[tilespmem:s0+$0xFFFFFFD0] =	vst v1;
	s0 =	sadd.s32 $0x80, s0  }
0x52: {  	[tilespmem:s0+$0xFFFFFFC0] =	vst v1;
	p1 =	slt.u32 s6, $0x270  }
0x53: {  	[tilespmem:s0+$0x30] =	vst v1  }
.Ltmp3:
0x54: {  	[tilespmem:s0+$0x20] =	vst v1;
	(pc) =	sbr.rel @p1 .LBB2_7-.Ltmp3, $4  }
0x55: {  	[tilespmem:s0+$0x10] =	vst v1  }
0x56: {  	[tilespmem:s0+$0x0] =	vst v1  }
0x57: {  	[tilespmem:s0+$0xFFFFFFF0] =	vst v1  }
0x58: {  	[tilespmem:s0+$0xFFFFFFE0] =	vst v1  }
0x59: {  	[tilespmem:s0+$0xFFFFFFD0] =	vst v1  }
0x5a: {  	[spmem:s10] =	stream.linear.scatter [tilespmem:s18], [sflag:$0x4], $0x2780, $0x38;
	[tilespmem:$0xD680] =	vst v63  }
0x5b: {  	_ =	swait.ge [sflag:s19], $0x2780  }
0x5c: {  	[sflag:s19] =	ssyncset.done $0x0  }
0x5d: {  	[sflag:s19] =	ssyncadd.s32 $0xFFFFD880  }
0x5e: {  	_ =	swait.ge [sflag:s20], $0x4F0  }
0x5f: {  	[sflag:s20] =	ssyncset.done $0x0  }
0x60: {  	s0 =	simm.s32 @p0 $0x1;
	[sflag:s20] =	ssyncadd.s32 $0xFFFFFB10  }
0x61: {  	_ =	swait.ge @p0 [sflag:s0], $0xA00  }
0x62: {  	[sflag:s0] =	ssyncset.done @p0 $0x0  }
0x63: {  	[sflag:s0] =	ssyncadd.s32 @p0 $0xFFFFF600;
	s0 =	simm.s32 @p0 $0x2  }
0x64: {  	_ =	swait.ge @p0 [sflag:s0], $0xA00  }
0x65: {  	[sflag:s0] =	ssyncset.done @p0 $0x0  }
0x66: {  	[sflag:s0] =	ssyncadd.s32 @p0 $0xFFFFF600;
	s0 =	simm.s32 @!p0 $0x1  }
0x67: {  	_ =	swait.ge @!p0 [sflag:s0], $0x2800  }
0x68: {  	[sflag:s0] =	ssyncset.done @!p0 $0x0  }
0x69: {  	[sflag:s0] =	ssyncadd.s32 @!p0 $0xFFFFD800;
	s0 =	simm.s32 @!p0 $0x2  }
0x6a: {  	_ =	swait.ge @!p0 [sflag:s0], $0x2800  }
0x6b: {  	[sflag:s0] =	ssyncset.done @!p0 $0x0  }
0x6c: {  	[sflag:s0] =	ssyncadd.s32 @!p0 $0xFFFFD800  }
0x6d: {  	[bflag:$0x0] =	sbarrier.arrive $0xFFFF  }
0x6e: {  	[tilespmem:s21], [sflag:$0x1] =	stream.indirect.gather [spmem:s2], $0x10, s15, s13, $0xb8;
	[tilespmem:$0xD680] =	vst v63  }
0x6f: {  	s6 =	simm.s32 $0x4F80  }
0x70: {  	[tilespmem:s22], [sflag:$0x2] =	stream.indirect.gather [spmem:s2], $0x10, s6, s13, $0xb8;
	[tilespmem:$0xD680] =	vst v63  }
0x71: {  	_ =	swait.ge [sflag:s23], $0x800  }
0x72: {  	[sflag:s23] =	ssyncset.done $0x0  }
0x73: {  	s7 =	simm.s32 $0x7700;
	[sflag:s23] =	ssyncadd.s32 $0xFFFFF800  }
0x74: {  	[spmem:s3] =	stream.indirect.scatter.add.f32 [tilespmem:s21], [sflag:$0x4], $0x10, s7, s13, $0xb8;
	[tilespmem:$0xD680] =	vst v63  }
0x75: {  	_ =	swait.ge [sflag:s19], $0x800  }
0x76: {  	[sflag:s19] =	ssyncset.done $0x0  }
0x77: {  	s16 =	simm.s32 $0x5000;
	[sflag:s19] =	ssyncadd.s32 $0xFFFFF800  }
0x78: {  	[tilespmem:s21], [sflag:$0x1] =	stream.indirect.gather [spmem:s2], $0x10, s16, s13, $0xb8;
	[tilespmem:$0xD680] =	vst v63  }
0x79: {  	_ =	swait.ge [sflag:s24], $0x800  }
0x7a: {  	[sflag:s24] =	ssyncset.done $0x0  }
0x7b: {  	s30 =	simm.s32 $0x7780;
	[sflag:s24] =	ssyncadd.s32 $0xFFFFF800  }
0x7c: {  	[spmem:s3] =	stream.indirect.scatter.add.f32 [tilespmem:s22], [sflag:$0x4], $0x10, s30, s13, $0xb8;
	[tilespmem:$0xD680] =	vst v63  }
0x7d: {  	_ =	swait.ge [sflag:s19], $0x800  }
0x7e: {  	s0 =	simm.s32 $0x100;
	s6 =	simm.s32 $0x800;
	[sflag:s19] =	ssyncset.done $0x0  }
.LBB2_9:
0x7f: {  	s7 =	sadd.s32 $0x4F80, s0  }
0x80: {  	[sflag:s19] =	ssyncadd.s32 $0xFFFFF800;
	s16 =	smov.u32 s6;
	s30 =	sadd.s32 $0x400, s6  }
0x81: {  	[tilespmem:s22], [sflag:$0x2] =	stream.indirect.gather [spmem:s2], $0x10, s7, s13, $0xb8;
	[tilespmem:$0xD680] =	vst v63  }
0x82: {  	p1 =	sne.s32 s6, $0x9800;
	_ =	swait.ge [sflag:s23], $0x800  }
0x83: {  	[sflag:s23] =	ssyncset.done $0x0  }
0x84: {  	s6 =	sadd.s32 $0x7700, s0;
	[sflag:s23] =	ssyncadd.s32 $0xFFFFF800  }
0x85: {  	[spmem:s3] =	stream.indirect.scatter.add.f32 [tilespmem:s21], [sflag:$0x4], $0x10, s6, s13, $0xb8;
	[tilespmem:$0xD680] =	vst v63  }
0x86: {  	_ =	swait.ge [sflag:s19], $0x800  }
0x87: {  	[sflag:s19] =	ssyncset.done $0x0  }
0x88: {  	s6 =	sadd.s32 $0x5000, s0;
	[sflag:s19] =	ssyncadd.s32 $0xFFFFF800  }
0x89: {  	[tilespmem:s21], [sflag:$0x1] =	stream.indirect.gather [spmem:s2], $0x10, s6, s13, $0xb8;
	[tilespmem:$0xD680] =	vst v63  }
0x8a: {  	_ =	swait.ge [sflag:s24], $0x800  }
.Ltmp4:
0x8b: {  	[sflag:s24] =	ssyncset.done $0x0;
	(pc) =	sbr.rel @p1 .LBB2_9-.Ltmp4, $4  }
0x8c: {  	s0 =	sadd.s32 $0x7780, s0;
	[sflag:s24] =	ssyncadd.s32 $0xFFFFF800  }
0x8d: {  	[spmem:s3] =	stream.indirect.scatter.add.f32 [tilespmem:s22], [sflag:$0x4], $0x10, s0, s13, $0xb8;
	[tilespmem:$0xD680] =	vst v63  }
0x8e: {  	_ =	swait.ge [sflag:s19], $0x800  }
0x8f: {  	s6 =	smov.u32 s30;
	s0 =	sshra.s32 s16, $0x2;
	[sflag:s19] =	ssyncset.done $0x0  }
0x90: {  	s6 =	sadd.s32 $0x4F80, s0;
	[sflag:s19] =	ssyncadd.s32 $0xFFFFF800  }
0x91: {  	[tilespmem:s22], [sflag:$0x2] =	stream.indirect.gather [spmem:s2], $0x10, s6, s13, $0xb8;
	[tilespmem:$0xD680] =	vst v63  }
0x92: {  	_ =	swait.ge [sflag:s23], $0x800  }
0x93: {  	[sflag:s23] =	ssyncset.done $0x0  }
0x94: {  	s30 =	sadd.s32 $0x7700, s0;
	[sflag:s23] =	ssyncadd.s32 $0xFFFFF800  }
0x95: {  	[spmem:s3] =	stream.indirect.scatter.add.f32 [tilespmem:s21], [sflag:$0x4], $0x10, s30, s13, $0xb8;
	[tilespmem:$0xD680] =	vst v63  }
0x96: {  	_ =	swait.ge [sflag:s19], $0x800  }
0x97: {  	[sflag:s19] =	ssyncset.done $0x0  }
0x98: {  	s7 =	sadd.s32 $0x5000, s0;
	[sflag:s19] =	ssyncadd.s32 $0xFFFFF800  }
0x99: {  	[tilespmem:s21], [sflag:$0x1] =	stream.indirect.gather [spmem:s2], $0x10, s7, s13, $0xb8;
	[tilespmem:$0xD680] =	vst v63  }
0x9a: {  	_ =	swait.ge [sflag:s24], $0x800  }
0x9b: {  	[sflag:s24] =	ssyncset.done $0x0  }
0x9c: {  	s16 =	sadd.s32 $0x7780, s0;
	[sflag:s24] =	ssyncadd.s32 $0xFFFFF800  }
0x9d: {  	[spmem:s3] =	stream.indirect.scatter.add.f32 [tilespmem:s22], [sflag:$0x4], $0x10, s16, s13, $0xb8;
	[tilespmem:$0xD680] =	vst v63  }
0x9e: {  	_ =	swait.ge [sflag:s19], $0x800  }
0x9f: {  	[sflag:s19] =	ssyncset.done $0x0  }
0xa0: {  	[sflag:s19] =	ssyncadd.s32 $0xFFFFF800  }
0xa1: {  	[tilespmem:s22], [sflag:$0x2] =	stream.indirect.gather [spmem:s2], $0x10, s25, s13, $0xb8;
	[tilespmem:$0xD680] =	vst v63  }
0xa2: {  	_ =	swait.ge [sflag:s23], $0x800  }
0xa3: {  	[sflag:s23] =	ssyncset.done $0x0  }
0xa4: {  	[sflag:s23] =	ssyncadd.s32 $0xFFFFF800  }
0xa5: {  	[spmem:s3] =	stream.indirect.scatter.add.f32 [tilespmem:s21], [sflag:$0x4], $0x10, s26, s13, $0xb8;
	[tilespmem:$0xD680] =	vst v63  }
0xa6: {  	_ =	swait.ge [sflag:s19], $0x800  }
0xa7: {  	[sflag:s19] =	ssyncset.done $0x0  }
0xa8: {  	[sflag:s19] =	ssyncadd.s32 $0xFFFFF800  }
0xa9: {  	_ =	swait.ge [sflag:s24], $0x800  }
0xaa: {  	[sflag:s24] =	ssyncset.done $0x0  }
0xab: {  	[sflag:s24] =	ssyncadd.s32 $0xFFFFF800  }
0xac: {  	[spmem:s3] =	stream.indirect.scatter.add.f32 [tilespmem:s22], [sflag:$0x4], $0x10, s28, s13, $0xb8;
	[tilespmem:$0xD680] =	vst v63  }
0xad: {  	_ =	swait.ge [sflag:s19], $0x800  }
0xae: {  	s4 =	sadd.s32 $0x1, s4;
	[sflag:s19] =	ssyncset.done $0x0  }
0xaf: {  	s29 =	sor.u32 $0x1C04, s29;
	p1 =	sne.s32 s4, s12;
	[sflag:s19] =	ssyncadd.s32 $0xFFFFF800  }
.Ltmp5:
0xb0: {  	s30 =	sshrl.u32 s10, $0x3;
	[bflag:$0x0] =	sbarrier.arrive $0xFFFF;
	(pc) =	sbr.rel @p1 .LBB2_1-.Ltmp5, $4  }
0xb1: {  	[hbm:s11], [sflag:s29] =	dma.local [spmem:s30], $0x4F0  }
0xb2: {  	_ =	swait.ge [sflag:s19], $0x4F0  }
0xb3: {  	[sflag:s19] =	ssyncset.done $0x0  }
0xb4: {  	[sflag:s19] =	ssyncadd.s32 $0xFFFFFB10  }
0xb5: {  	_ =	sfence.sel $0x180000  }
0xb6: {  	[bflag:$0x0] =	sbarrier.arrive $0xFFFF  }
0xb7: {  	_ =	strace $0x9000004A  }
0xb8: {  	[bflag:$0x2] =	sbarrier.arrive $0xFFFF  }
0xb9: {  	p0 =	sne.s32 s1, $0x0;
	s0 =	rddreg [dreg:$0x5]  }
0xba: {  	s0 =	sadd.s32 @!p0 $0x100000, s0  }
0xbb: {  	[sflag:s0] =	ssyncadd.tile.s32 @!p0 $0x1;
	_ =	shalt  }
.Lfunc_end2:
_tile_overlayer_lowered:
.L_overlay_start_2:
0xbc: {  	(tag) =	ssettag $0x2  }
0xbd: {  	s0 =	rddreg [dreg:$0x0];
	s2 =	stileid.u32  }
0xbe: {  	s1 =	rddreg [dreg:$0x1];
	p0 =	sne.s32 s2, $0x0  }
0xbf: {  	s3 =	rddreg [dreg:$0x2];
	[bflag:$0x3] =	sbarrier.arrive $0xFFFF;
	s2 =	simm.s32 @!p0 $0x1C04  }
0xc0: {  	[timem:s3], [sflag:s2] =	dma.local @!p0 [hbm:s0], s1  }
0xc1: {  	s0 =	simm.s32 @!p0 $0x4  }
0xc2: {  	_ =	swait.ge @!p0 [sflag:s0], s1  }
0xc3: {  	s1 =	ssub.s32 @!p0 $0x0, s1;
	[sflag:s0] =	ssyncset.done @!p0 $0x0  }
0xc4: {  	[sflag:s0] =	ssyncadd.s32 @!p0 s1  }
0xc5: {  	[bflag:$0x3] =	sbarrier.arrive $0xFFFF  }
0xc6: {  	_ =	shalt  }

// kernel: hgnn_sc_pass_b.7.cloned.1.call-start
scs
__scs_entry_jumppad:
0x0: {  	(pc) =	sbr.rel $0x88, $3  }
0x1: {  	(tag) =	ssettag $0x0;
	lr =	simm.s32 $0x1  }
0x2: {  	[smem:$0x3F9B] =	sst lr;
	_ =	strace $0xD0000000  }
0x3: {  	_ = 	snop  }
0x4: {  	_ = 	snop  }
0x5: {  	_ = 	snop  }
0x6: {  	_ = 	snop  }
0x7: {  	_ = 	snop  }
__scs_overlays_trampoline_lowered:
0x8: {  	[smem:$0x3FAA] =	sst s0  }
0x9: {  	[smem:$0x3FAB] =	sst s1  }
0xa: {  	[smem:$0x3FAC] =	sst s2  }
0xb: {  	[smem:$0x3FAD] =	sst s3  }
0xc: {  	[smem:$0x3FAE] =	sst s4  }
0xd: {  	[smem:$0x3FAF] =	sst s5  }
0xe: {  	[smem:$0x3FB0] =	sst s6  }
0xf: {  	[smem:$0x3FB1] =	sst s7  }
0x10: {  	[smem:$0x3FB2] =	sst s8  }
0x11: {  	[smem:$0x3FB3] =	sst s9;
	s0 =	simm.s32 @!p0 $0x0  }
0x12: {  	s1 =	sld [smem:$0x3F99];
	s0 =	simm.s32 @p0 $0x1  }
0x13: {  	[smem:$0x3FB4] =	sst s0;
	s0 =	simm.s32 @!p1 $0x0  }
0x14: {  	s2 =	sld [smem:$0x3F98];
	s0 =	simm.s32 @p1 $0x1  }
0x15: {  	[smem:$0x3FB5] =	sst s0;
	s0 =	simm.s32 @!p2 $0x0  }
0x16: {  	s3 =	sld [smem:$0x3FDB];
	s0 =	simm.s32 @p2 $0x1  }
0x17: {  	s4 =	simm.s32 $0x1BF5;
	[smem:$0x3FB7] =	sst s0  }
0x18: {  	s0 =	sld [smem:$0x3F9A];
	_ =	swait.ge [sflag:s4], $0x0  }
0x19: {  	s7 =	sld [smem:$0x3F9B]  }
0x1a: {  	s8 =	sadd.s32 $0xFFFFE003, lr  }
0x1b: {  	s9 =	sadd.s32 $0xFFFFFEF7, lr;
	s5 =	simm.s32 $0xFFFFFFFF;
	p2 =	slt.u32 s8, $0xFFFFF086  }
0x1c: {  	p1 =	slt.u32 s9, $0xF7A;
	s5 =	simm.s32 @!p2 $0x0  }
0x1d: {  	s5 =	simm.s32 @p1 $0x1;
	p0 =	seq.s32 s7, s2  }
0x1e: {  	s7 =	smul.u32 @!p0 $0xF7A, s2;
	p2 =	seq.s32 @!p0 s5, $0x0  }
0x1f: {  	s9 =	smul.u32 $0xF7A, s1;
	s8 =	simm.s32 @!p0 $0x1BF5;
	p2 =	por !p2, p0  }
0x20: {  	[sflag:s8] =	ssyncset.s32 @!p0 $0xFFFFF086;
	s6 =	sadd.s32 @!p0 s3, s7;
	s7 =	simm.s32 @!p0 $0x108  }
0x21: {  	s3 =	sadd.s32 s3, s9;
	s6 =	sadd.s32 @!p0 $0x88, s6;
	s7 =	simm.s32 @p2 $0x1082  }
0x22: {  	[simem:s7], [sflag:s8] =	dma.local @!p0 [hbm:s6], $0xF7A  }
0x23: {  	s9 =	sor.u32 $0xD0000000, s2;
	s6 =	simm.s32 $0x108;
	_ =	swait.ge @!p0 [sflag:s8], $0x0  }
0x24: {  	s3 =	sadd.s32 $0x88, s3;
	s6 =	simm.s32 @!p1 $0x1082;
	[sflag:s4] =	ssyncset.s32 $0xFFFFF086  }
0x25: {  	[simem:s6], [sflag:s4] =	dma.local [hbm:s3], $0xF7A  }
0x26: {  	[smem:$0x3F9B] =	sst s1;
	(tag) =	ssettag s2;
	_ =	strace s9  }
0x27: {  	s1 =	sld [smem:$0x3FAB]  }
0x28: {  	s2 =	sld [smem:$0x3FAC]  }
0x29: {  	s4 =	sld [smem:$0x3FAE]  }
0x2a: {  	p0 =	seq.s32 s5, $0x0;
	s5 =	sld [smem:$0x3FAF]  }
0x2b: {  	s6 =	sld [smem:$0x3FB0]  }
0x2c: {  	s7 =	sld [smem:$0x3FB1]  }
0x2d: {  	s3 =	simm.s32 $0x108;
	s8 =	sld [smem:$0x3FB2]  }
0x2e: {  	s3 =	simm.s32 @!p0 $0x1082;
	s9 =	sld [smem:$0x3FB3]  }
0x2f: {  	lr =	sadd.s32 s0, s3;
	s0 =	sld [smem:$0x3FAA]  }
0x30: {  	s3 =	sld [smem:$0x3FAD]  }
0x31: {  	[smem:$0x3FB6] =	sst s10  }
0x32: {  	s10 =	sld [smem:$0x3FB4];
	_ =	sdelay $0x3  }
0x33: {  	p0 =	seq.s32 s10, $0x1;
	s10 =	sld [smem:$0x3FB6];
	_ =	sdelay $0x3  }
0x34: {  	[smem:$0x3FB6] =	sst s10  }
0x35: {  	s10 =	sld [smem:$0x3FB5];
	_ =	sdelay $0x3  }
0x36: {  	p1 =	seq.s32 s10, $0x1;
	s10 =	sld [smem:$0x3FB6];
	_ =	sdelay $0x3  }
0x37: {  	[smem:$0x3FB6] =	sst s10  }
0x38: {  	s10 =	sld [smem:$0x3FB7]  }
0x39: {  	_ = 	snop;
	(pc) =	sbr.ind lr, $3  }
0x3a: {  	_ = 	snop  }
0x3b: {  	_ = 	snop  }
0x3c: {  	p2 =	seq.s32 s10, $0x1;
	s10 =	sld [smem:$0x3FB6]  }
0x3d: {  	_ =	shalt  }
0x3e: {  	_ =	shalt  }
0x3f: {  	_ =	shalt  }
0x40: {  	_ =	shalt  }
0x41: {  	_ =	shalt  }
0x42: {  	_ =	shalt  }
0x43: {  	_ =	shalt  }
0x44: {  	_ =	shalt  }
0x45: {  	_ =	shalt  }
0x46: {  	_ =	shalt  }
0x47: {  	_ =	shalt  }
0x48: {  	_ =	shalt  }
0x49: {  	_ =	shalt  }
0x4a: {  	_ =	shalt  }
0x4b: {  	_ =	shalt  }
0x4c: {  	_ =	shalt  }
0x4d: {  	_ =	shalt  }
0x4e: {  	_ =	shalt  }
0x4f: {  	_ =	shalt  }
0x50: {  	_ =	shalt  }
0x51: {  	_ =	shalt  }
0x52: {  	_ =	shalt  }
0x53: {  	_ =	shalt  }
0x54: {  	_ =	shalt  }
0x55: {  	_ =	shalt  }
0x56: {  	_ =	shalt  }
0x57: {  	_ =	shalt  }
0x58: {  	_ =	shalt  }
0x59: {  	_ =	shalt  }
0x5a: {  	_ =	shalt  }
0x5b: {  	_ =	shalt  }
0x5c: {  	_ =	shalt  }
0x5d: {  	_ =	shalt  }
0x5e: {  	_ =	shalt  }
0x5f: {  	_ =	shalt  }
0x60: {  	_ =	shalt  }
0x61: {  	_ =	shalt  }
0x62: {  	_ =	shalt  }
0x63: {  	_ =	shalt  }
0x64: {  	_ =	shalt  }
0x65: {  	_ =	shalt  }
0x66: {  	_ =	shalt  }
0x67: {  	_ =	shalt  }
0x68: {  	_ =	shalt  }
0x69: {  	_ =	shalt  }
0x6a: {  	_ =	shalt  }
0x6b: {  	_ =	shalt  }
0x6c: {  	_ =	shalt  }
0x6d: {  	_ =	shalt  }
0x6e: {  	_ =	shalt  }
0x6f: {  	_ =	shalt  }
0x70: {  	_ =	shalt  }
0x71: {  	_ =	shalt  }
0x72: {  	_ =	shalt  }
0x73: {  	_ =	shalt  }
0x74: {  	_ =	shalt  }
0x75: {  	_ =	shalt  }
0x76: {  	_ =	shalt  }
0x77: {  	_ =	shalt  }
0x78: {  	_ =	shalt  }
0x79: {  	_ =	shalt  }
0x7a: {  	_ =	shalt  }
0x7b: {  	_ =	shalt  }
0x7c: {  	_ =	shalt  }
0x7d: {  	_ =	shalt  }
0x7e: {  	_ =	shalt  }
0x7f: {  	_ =	shalt  }
0x80: {  	_ =	shalt  }
0x81: {  	_ =	shalt  }
0x82: {  	_ =	shalt  }
0x83: {  	_ =	shalt  }
0x84: {  	_ =	shalt  }
0x85: {  	_ =	shalt  }
0x86: {  	_ =	shalt  }
0x87: {  	_ =	shalt  }
.Lfunc_end0:
.L_simem_size_0:
called_computation.3_lowered:
.L_overlay_start_0:
0x88: {  	s2 =	sld [smem:$0x3FD9]  }
0x89: {  	s3 =	sld [smem:$0x3FFE];
	_ =	sdelay $0x1  }
0x8a: {  	s1 =	srdreg.scid  }
0x8b: {  	s0 =	sand.u32 $0x1, s1  }
0x8c: {  	s17 =	sshll.u32 s0, $0xA;
	s2 =	sadd.s32 s3, s2  }
0x8d: {  	s2 =	sadd.s32 s2, s17  }
0x8e: {  	[smem:$0x3FC2] =	sst s2  }
0x8f: {  	_ = 	snop  }
0x90: {  	s2 =	sld [smem:$0x3FC8]  }
0x91: {  	s18 =	sld [smem:$0x3FD0];
	(tm) =	ssettm $0x1  }
0x92: {  	s4 =	sld [smem:$0x3FFB];
	_ =	sdelay $0x3  }
0x93: {  	_ =	strace s4  }
0x94: {  	s4 =	sld [smem:$0x3FFC];
	_ =	sdelay $0x3  }
0x95: {  	_ =	strace s4  }
0x96: {  	s4 =	sld [smem:$0x3FFD];
	_ =	sdelay $0x3  }
0x97: {  	_ =	strace s4  }
0x98: {  	_ =	strace $0x8FFFFFFF  }
0x99: {  	s19 =	sld [smem:$0x3FDB];
	_ =	sdelay $0x1  }
0x9a: {  	s5 =	simm.s32 $_scs_section_size  }
0x9b: {  	s6 =	simm.s32 $_size__tile_overlayer_lowered;
	s7 =	simm.s32 $_tile_overlayer_lowered  }
0x9c: {  	s22 =	simm.s32 $0x1BFF;
	s21 =	sshll.u32 s7, $0x1;
	s4 =	sadd.s32 s5, s19  }
0x9d: {  	s8 =	simm.s32 $0x0;
	s20 =	sshll.u32 s6, $0x1;
	s6 =	sadd.s32 s21, s4  }
0x9e: {  	[timem:s8], [sflag:s22] =	dma.local [hbm:s6], s20  }
0x9f: {  	_ =	swait.ge [sflag:s22], s20  }
0xa0: {  	s5 =	ssub.s32 $0x0, s20;
	[sflag:s22] =	ssyncset.done $0x0  }
0xa1: {  	[sflag:s22] =	ssyncadd.s32 s5;
	_ =	sdelay $0x1  }
0xa2: {  	s23 =	simm.s32 $0x1B8B  }
0xa3: {  	_ =	swait.ge [sflag:s23], $0x1  }
0xa4: {  	[sflag:s23] =	ssyncset.done $0x0  }
0xa5: {  	s25 =	simm.s32 $0x1B8E;
	s24 =	sld [smem:$0x3FFE];
	[sflag:s23] =	ssyncadd.s32 $0xFFFFFFFF  }
0xa6: {  	s26 =	simm.s32 $execute0_lowered;
	[smem:$0x3FD2] =	sst s25  }
0xa7: {  	s6 =	sshll.u32 s26, $0x1;
	_ =	strace $0x8000004F;
	[dreg:$0x1] =	wrdreg $0xFFFFFFFF  }
0xa8: {  	s28 =	simm.s32 $_size_execute0_lowered;
	s4 =	sadd.s32 s4, s6;
	[dreg:$0x0] =	wrdreg $0x0  }
0xa9: {  	s6 =	sshll.u32 s28, $0x1;
	[dreg:$0x2] =	wrdreg s4  }
0xaa: {  	[dreg:$0x3] =	wrdreg s6  }
0xab: {  	[dreg:$0x4] =	wrdreg $0xC0  }
0xac: {  	_ =	task [dreg:s8], $0x5FFFF  }
0xad: {  	[dreg:$0x1] =	wrdreg $0xFFFFFFFF  }
0xae: {  	[dreg:$0x0] =	wrdreg $0x60  }
0xaf: {  	[dreg:$0x2] =	wrdreg s18  }
0xb0: {  	[dreg:$0x3] =	wrdreg s2  }
0xb1: {  	[dreg:$0x4] =	wrdreg s24  }
0xb2: {  	[dreg:$0x5] =	wrdreg $0x0  }
0xb3: {  	[dreg:$0x6] =	wrdreg $0x27800  }
0xb4: {  	[dreg:$0x7] =	wrdreg $0x9  }
0xb5: {  	_ =	task.clear_ibuf [dreg:s8], $0x8FFFF;
	_ =	strace $0x9000004F  }
0xb6: {  	s29 =	simm.s32 $0x9;
	_ =	strace $0x80000051  }
0xb7: {  	_ =	swait.ge [sflag:s29], $0x1  }
0xb8: {  	[sflag:s29] =	ssyncadd.s32 $0xFFFFFFFF  }
0xb9: {  	_ =	strace $0x90000051  }
0xba: {  	_ =	sfence  }
0xbb: {  	s30 =	sld [smem:$0x0];
	_ =	sdelay $0x2  }
0xbc: {  	s31 =	sshll.u32 s1, $0xD;
	s1 =	sshrl.u32 s1, $0x2  }
0xbd: {  	s3 =	sand.u32 $0x4000, s31;
	s1 =	sadd.s32 s1, s30  }
0xbe: {  	s0 =	sor.u32 s3, s0;
	s1 =	sshll.u32 s1, $0x11  }
0xbf: {  	s0 =	sor.u32 s1, s0  }
0xc0: {  	s0 =	sadd.s32 $0x8F2B, s0  }
0xc1: {  	[sflag:s0] =	ssyncadd.remote.s32 $0x1  }
0xc2: {  	_ =	sfence.sel $0xFFFF  }
0xc3: {  	[dreg:$0x0] =	wrdreg $0xFFFFFFFF;
	(pc) =	sbr.abs _section_cstart, $3  }
0xc4: {  	[dreg:$0x1] =	wrdreg $0xFFFFFFFF  }
0xc5: {  	_ =	task.clear_ibuf [dreg:s8], $0x2FFFF;
	_ =	strace $0x9FFFFFFF  }
0xc6: {  	(tm) =	ssettm $0x7FFFFFFF  }
0xc7: {  	_ =	shalt  }
tec
execute0_lowered:
.L_overlay_start_1:
0x0: {  	(tag) =	ssettag $0x1  }
0x1: {  	s0 =	rddreg [dreg:$0x0]  }
0x2: {  	s6 =	rddreg [dreg:$0x1]  }
0x3: {  	s7 =	rddreg [dreg:$0x2]  }
0x4: {  	s2 =	rddreg [dreg:$0x3];
	s4 =	srdreg.scid  }
0x5: {  	s3 =	rddreg [dreg:$0x4];
	s1 =	stileid.u32;
	s15 =	simm.s32 $0x4F00  }
0x6: {  	s31 =	simm.s32 $0x7700;
	s18 =	simm.s32 $0xAF00;
	s19 =	simm.s32 $0x4  }
0x7: {  	s20 =	simm.s32 $0x3;
	s21 =	simm.s32 $0x9F00;
	s22 =	simm.s32 $0xA700  }
0x8: {  	s23 =	simm.s32 $0x1;
	s24 =	simm.s32 $0x2;
	s25 =	simm.s32 $0x7680  }
0x9: {  	s28 =	simm.s32 $0x9E80;
	s5 =	sand.u32 $0x1, s4;
	s10 =	smul.u32 $0x2780, s1  }
0xa: {  	s4 =	simm.s32 $0x0;
	s29 =	sadd.s32 $0x13610, s6;
	s8 =	sshll.u32 s5, $0x4  }
0xb: {  	s9 =	smul.u32 $0x27800, s5;
	[smem:$0x7FF] =	sst s4;
	s11 =	ssub.s32 $0x2, s5  }
0xc: {  	s13 =	sor.u32 s1, s8;
	_ =	strace $0x80000050;
	s12 =	sshrl.u32 s11, $0x1  }
0xd: {  	[dreg:$0x7] =	wrdreg s29;
	s30 =	sshrl.u32 s10, $0x3;
	s16 =	sadd.s32 s10, s2  }
0xe: {  	s8 =	smul.u32 $0xA00, s13;
	s9 =	sadd.s32 s10, s9;
	s12 =	ssub.s32 s11, s12  }
0xf: {  	s10 =	sadd.s32 s10, s3;
	p0 =	seq.s32 s13, $0x1F;
	s13 =	simm.s32 $0x80  }
0x10: {  	s17 =	sshrl.u32 s16, $0x3;
	s9 =	sshrl.u32 s9, $0x3;
	s12 =	smax.u32 s12, $0x1  }
0x11: {  	s5 =	sadd.s32 s6, s8;
	s14 =	sadd.s32 s9, s7;
	s8 =	sadd.s32 $0x13600, s6  }
0x12: {  	s9 =	sadd.s32 s0, s30;
	s26 =	sadd.s32 $0x10, s5;
	s11 =	sadd.s32 $0x2E00, s14  }
0x13: {  	v0 =	vlaneseq.u32;
	v1 =	vimm.f32 $0.0e+00;
	s14 =	simm.s32 $0x100;
	[dreg:$0x6] =	wrdreg s26;
	s26 =	simm.s32 $0x9E00  }
.LBB2_1:
.Ltmp0:
0x14: {  	(pc) =	sbr.rel @!p0 .LBB2_2-.Ltmp0, $1  }
0x15: {  	_ =	sdelay $0x3  }
0x16: {  	s0 =	simm.s32 $0xA00  }
0x17: {  	s29 =	simm.s32 $0xA70;
	v3 =	vmov s0  }
0x18: {  	s6 =	simm.s32 $0xA10;
	v2 =	vmov s29;
	v3 =	vshrl.u32 v3, $0x4  }
0x19: {  	s16 =	simm.s32 $0xA20;
	v4 =	vor.u32 s0, v0;
	v5 =	vmov s6;
	v3 =	vmulhi.u32 $0x24924925, v3  }
0x1a: {  	v6 =	vor.u32 s6, v0;
	v7 =	vor.u32 s16, v0;
	v5 =	vshrl.u32 v5, $0x4  }
0x1b: {  	s7 =	rddreg [dreg:$0x7];
	v8 =	vmov s16;
	s6 =	simm.s32 $0xA30;
	v5 =	vmulhi.u32 $0x24924925, v5;
	v3 =	vmul.u32 $0x70, v3  }
0x1c: {  	[tilespmem:s15], [sflag:$0x1] =	stream.strided.gather [hbm4b:s7+s13], $0xA00, s14, s13, $0x38;
	v8 =	vshrl.u32 v8, $0x4;
	v9 =	vmov s6;
	v10 =	vor.u32 s6, v0;
	[tilespmem:$0xD680] =	vst v63  }
0x1d: {  	s30 =	simm.s32 $0x5970;
	s7 =	simm.s32 $0xA40;
	v3 =	vsub.s32 v4, v3;
	v4 =	vmul.u32 $0x70, v5;
	v5 =	vmulhi.u32 $0x24924925, v8  }
0x1e: {  	v63 =	vmov s7;
	[tilespmem:s31], [sflag:$0x2] =	stream.strided.gather [hbm4b:s8+s13], $0xA00, s14, s13, $0x38;
	v8 =	vshrl.u32 v9, $0x4;
	v3 =	vadd.s32 $0x2710, v3;
	[tilespmem:$0xD680] =	vst v63  }
0x1f: {  	s6 =	simm.s32 $0xA50;
	s31 =	simm.s32 $0x8170;
	[tilespmem:s30+$0xFFFFFF90] =	vst v3;
	v4 =	vsub.s32 v6, v4;
	v5 =	vmul.u32 $0x70, v5;
	v6 =	vmulhi.u32 $0x24924925, v8  }
0x20: {  	v8 =	vmov s6;
	[tilespmem:s31+$0xFFFFFF90] =	vst v3;
	v3 =	vadd.s32 $0x2710, v4;
	v4 =	vshrl.u32 v63, $0x4  }
0x21: {  	s16 =	simm.s32 $0xA60;
	[tilespmem:s30+$0xFFFFFFA0] =	vst v3;
	v5 =	vsub.s32 v7, v5;
	v6 =	vmul.u32 $0x70, v6;
	v4 =	vmulhi.u32 $0x24924925, v4  }
0x22: {  	v7 =	vmov s16;
	[tilespmem:s31+$0xFFFFFFA0] =	vst v3;
	v3 =	vadd.s32 $0x2710, v5;
	v5 =	vshrl.u32 v8, $0x4  }
0x23: {  	[tilespmem:s30+$0xFFFFFFB0] =	vst v3;
	v6 =	vsub.s32 v10, v6;
	v4 =	vmul.u32 $0x70, v4;
	v5 =	vmulhi.u32 $0x24924925, v5  }
0x24: {  	v7 =	vshrl.u32 v7, $0x4;
	[tilespmem:s31+$0xFFFFFFB0] =	vst v3;
	v3 =	vadd.s32 $0x2710, v6;
	v6 =	vor.u32 s7, v0  }
0x25: {  	s0 =	simm.s32 $0xAF0;
	[tilespmem:s30+$0xFFFFFFC0] =	vst v3;
	v6 =	vsub.s32 v6, v4;
	v4 =	vmul.u32 $0x70, v5;
	v5 =	vmulhi.u32 $0x24924925, v7  }
.LBB2_4:
0x26: {  	p1 =	sne.s32 s0, $0x27F0;
	[tilespmem:s31+$0xFFFFFFC0] =	vst v3;
	v3 =	vadd.s32 $0x2710, v6;
	v6 =	vor.u32 s6, v0;
	v2 =	vshrl.u32 v2, $0x4  }
0x27: {  	[tilespmem:s30+$0xFFFFFFD0] =	vst v3;
	v4 =	vsub.s32 v6, v4;
	v5 =	vmul.u32 $0x70, v5;
	v2 =	vmulhi.u32 $0x24924925, v2  }
0x28: {  	[tilespmem:s31+$0xFFFFFFD0] =	vst v3;
	v3 =	vadd.s32 $0x2710, v4;
	v4 =	vor.u32 s16, v0  }
0x29: {  	s6 =	sadd.s32 $0xFFFFFF90, s0;
	[tilespmem:s30+$0xFFFFFFE0] =	vst v3;
	v4 =	vsub.s32 v4, v5;
	v5 =	vor.u32 s29, v0;
	v6 =	vmul.u32 $0x70, v2;
	s29 =	smov.u32 s0  }
0x2a: {  	v7 =	vmov s6;
	v2 =	vmov s0;
	[tilespmem:s31+$0xFFFFFFE0] =	vst v3;
	v3 =	vadd.s32 $0x2710, v4  }
0x2b: {  	v7 =	vshrl.u32 v7, $0x4;
	v4 =	vor.u32 s6, v0;
	s6 =	sadd.s32 $0xFFFFFFA0, s0;
	[tilespmem:s30+$0xFFFFFFF0] =	vst v3;
	v5 =	vsub.s32 v5, v6  }
0x2c: {  	s16 =	sadd.s32 $0xFFFFFFB0, s0;
	v6 =	vmulhi.u32 $0x24924925, v7;
	v7 =	vmov s6;
	[tilespmem:s31+$0xFFFFFFF0] =	vst v3;
	v3 =	vadd.s32 $0x2710, v5  }
0x2d: {  	v8 =	vor.u32 s16, v0;
	v5 =	vor.u32 s6, v0;
	v7 =	vshrl.u32 v7, $0x4;
	[tilespmem:s30+$0x0] =	vst v3  }
0x2e: {  	v9 =	vmov s16;
	s6 =	sadd.s32 $0xFFFFFFC0, s0;
	v6 =	vmul.u32 $0x70, v6;
	v7 =	vmulhi.u32 $0x24924925, v7;
	[tilespmem:s31+$0x0] =	vst v3  }
0x2f: {  	v10 =	vor.u32 s6, v0;
	v3 =	vshrl.u32 v9, $0x4;
	v9 =	vmov s6  }
0x30: {  	s7 =	sadd.s32 $0xFFFFFFD0, s0;
	v4 =	vsub.s32 v4, v6;
	v6 =	vmul.u32 $0x70, v7;
	v3 =	vmulhi.u32 $0x24924925, v3  }
0x31: {  	s30 =	sadd.s32 $0x80, s30;
	v7 =	vshrl.u32 v9, $0x4;
	v9 =	vmov s7;
	v4 =	vadd.s32 $0x2710, v4  }
0x32: {  	s6 =	sadd.s32 $0xFFFFFFE0, s0;
	s31 =	sadd.s32 $0x80, s31;
	v5 =	vsub.s32 v5, v6;
	v3 =	vmul.u32 $0x70, v3;
	v6 =	vmulhi.u32 $0x24924925, v7;
	[tilespmem:s30+$0xFFFFFF90] =	vst v4  }
0x33: {  	v7 =	vmov s6;
	[tilespmem:s31+$0xFFFFFF90] =	vst v4;
	v4 =	vadd.s32 $0x2710, v5;
	v5 =	vshrl.u32 v9, $0x4  }
.Ltmp1:
0x34: {  	s16 =	sadd.s32 $0xFFFFFFF0, s0;
	v3 =	vsub.s32 v8, v3;
	v6 =	vmul.u32 $0x70, v6;
	[tilespmem:s30+$0xFFFFFFA0] =	vst v4;
	v5 =	vmulhi.u32 $0x24924925, v5;
	(pc) =	sbr.rel @p1 .LBB2_4-.Ltmp1, $4  }
0x35: {  	v3 =	vadd.s32 $0x2710, v3;
	[tilespmem:s31+$0xFFFFFFA0] =	vst v4;
	v4 =	vshrl.u32 v7, $0x4;
	v7 =	vmov s16  }
0x36: {  	v6 =	vsub.s32 v10, v6;
	[tilespmem:s30+$0xFFFFFFB0] =	vst v3;
	v5 =	vmul.u32 $0x70, v5;
	v4 =	vmulhi.u32 $0x24924925, v4  }
0x37: {  	v7 =	vshrl.u32 v7, $0x4;
	[tilespmem:s31+$0xFFFFFFB0] =	vst v3;
	v3 =	vadd.s32 $0x2710, v6;
	v6 =	vor.u32 s7, v0  }
0x38: {  	s0 =	sadd.s32 $0x80, s0;
	[tilespmem:s30+$0xFFFFFFC0] =	vst v3;
	v6 =	vsub.s32 v6, v5;
	v4 =	vmul.u32 $0x70, v4;
	v5 =	vmulhi.u32 $0x24924925, v7  }
0x39: {  	[tilespmem:s31+$0xFFFFFFC0] =	vst v3;
	v3 =	vadd.s32 $0x2710, v6;
	v61 =	vor.u32 s6, v0;
	v2 =	vshrl.u32 v2, $0x4  }
0x3a: {  	[tilespmem:s30+$0xFFFFFFD0] =	vst v3;
	v4 =	vsub.s32 v61, v4;
	v5 =	vmul.u32 $0x70, v5;
	v2 =	vmulhi.u32 $0x24924925, v2  }
0x3b: {  	v62 =	vor.u32 s16, v0;
	[tilespmem:s31+$0xFFFFFFD0] =	vst v3;
	v3 =	vadd.s32 $0x2710, v4  }
0x3c: {  	[tilespmem:s30+$0xFFFFFFE0] =	vst v3;
	v4 =	vsub.s32 v62, v5;
	v2 =	vmul.u32 $0x70, v2  }
.Ltmp2:
0x3d: {  	v63 =	vor.u32 s29, v0;
	[tilespmem:s31+$0xFFFFFFE0] =	vst v3;
	v3 =	vadd.s32 $0x2710, v4;
	(pc) =	sbr.rel .LBB2_6-.Ltmp2, $4  }
0x3e: {  	[tilespmem:s30+$0xFFFFFFF0] =	vst v3;
	v2 =	vsub.s32 v63, v2  }
0x3f: {  	[tilespmem:s31+$0xFFFFFFF0] =	vst v3;
	v2 =	vadd.s32 $0x2710, v2  }
0x40: {  	[tilespmem:s30+$0x0] =	vst v2  }
0x41: {  	[tilespmem:s31+$0x0] =	vst v2;
	s31 =	simm.s32 $0x7700  }
.LBB2_2:
0x42: {  	s0 =	rddreg [dreg:$0x6]  }
0x43: {  	[tilespmem:s15], [sflag:$0x1] =	stream.strided.gather [hbm4b:s0+s13], $0x2800, s14, s13, $0x38;
	[tilespmem:$0xD680] =	vst v63  }
0x44: {  	_ = 	snop  }
0x45: {  	[tilespmem:s31], [sflag:$0x2] =	stream.strided.gather [hbm4b:s5+s13], $0x2800, s14, s13, $0x38;
	[tilespmem:$0xD680] =	vst v63  }
.LBB2_6:
0x46: {  	s29 =	sshll.u32 s1, $0x6  }
0x47: {  	s0 =	sor.u32 $0x1C03, s29  }
0x48: {  	[spmem:s17], [sflag:s0] =	dma.local [hbm:s9], $0x4F0  }
0x49: {  	s0 =	simm.s32 $0xAF40  }
0x4a: {  	[tilespmem:s0+$0xFFFFFFC0] =	vst v1  }
0x4b: {  	[tilespmem:s0+$0x30] =	vst v1  }
0x4c: {  	[tilespmem:s0+$0x20] =	vst v1  }
0x4d: {  	[tilespmem:s0+$0x10] =	vst v1  }
0x4e: {  	[tilespmem:s0+$0x0] =	vst v1  }
0x4f: {  	[tilespmem:s0+$0xFFFFFFF0] =	vst v1  }
0x50: {  	s6 =	simm.s32 $0x0;
	[tilespmem:s0+$0xFFFFFFE0] =	vst v1  }
.LBB2_7:
0x51: {  	s6 =	sadd.s32 $0x8, s6;
	[tilespmem:s0+$0xFFFFFFD0] =	vst v1;
	s0 =	sadd.s32 $0x80, s0  }
0x52: {  	[tilespmem:s0+$0xFFFFFFC0] =	vst v1;
	p1 =	slt.u32 s6, $0x270  }
0x53: {  	[tilespmem:s0+$0x30] =	vst v1  }
.Ltmp3:
0x54: {  	[tilespmem:s0+$0x20] =	vst v1;
	(pc) =	sbr.rel @p1 .LBB2_7-.Ltmp3, $4  }
0x55: {  	[tilespmem:s0+$0x10] =	vst v1  }
0x56: {  	[tilespmem:s0+$0x0] =	vst v1  }
0x57: {  	[tilespmem:s0+$0xFFFFFFF0] =	vst v1  }
0x58: {  	[tilespmem:s0+$0xFFFFFFE0] =	vst v1  }
0x59: {  	[tilespmem:s0+$0xFFFFFFD0] =	vst v1  }
0x5a: {  	[spmem:s10] =	stream.linear.scatter [tilespmem:s18], [sflag:$0x4], $0x2780, $0x38;
	[tilespmem:$0xD680] =	vst v63  }
0x5b: {  	_ =	swait.ge [sflag:s19], $0x2780  }
0x5c: {  	[sflag:s19] =	ssyncset.done $0x0  }
0x5d: {  	[sflag:s19] =	ssyncadd.s32 $0xFFFFD880  }
0x5e: {  	_ =	swait.ge [sflag:s20], $0x4F0  }
0x5f: {  	[sflag:s20] =	ssyncset.done $0x0  }
0x60: {  	s0 =	simm.s32 @p0 $0x1;
	[sflag:s20] =	ssyncadd.s32 $0xFFFFFB10  }
0x61: {  	_ =	swait.ge @p0 [sflag:s0], $0xA00  }
0x62: {  	[sflag:s0] =	ssyncset.done @p0 $0x0  }
0x63: {  	[sflag:s0] =	ssyncadd.s32 @p0 $0xFFFFF600;
	s0 =	simm.s32 @p0 $0x2  }
0x64: {  	_ =	swait.ge @p0 [sflag:s0], $0xA00  }
0x65: {  	[sflag:s0] =	ssyncset.done @p0 $0x0  }
0x66: {  	[sflag:s0] =	ssyncadd.s32 @p0 $0xFFFFF600;
	s0 =	simm.s32 @!p0 $0x1  }
0x67: {  	_ =	swait.ge @!p0 [sflag:s0], $0x2800  }
0x68: {  	[sflag:s0] =	ssyncset.done @!p0 $0x0  }
0x69: {  	[sflag:s0] =	ssyncadd.s32 @!p0 $0xFFFFD800;
	s0 =	simm.s32 @!p0 $0x2  }
0x6a: {  	_ =	swait.ge @!p0 [sflag:s0], $0x2800  }
0x6b: {  	[sflag:s0] =	ssyncset.done @!p0 $0x0  }
0x6c: {  	[sflag:s0] =	ssyncadd.s32 @!p0 $0xFFFFD800  }
0x6d: {  	[bflag:$0x0] =	sbarrier.arrive $0xFFFF  }
0x6e: {  	[tilespmem:s21], [sflag:$0x1] =	stream.indirect.gather [spmem:s2], $0x10, s15, s13, $0xb8;
	[tilespmem:$0xD680] =	vst v63  }
0x6f: {  	s6 =	simm.s32 $0x4F80  }
0x70: {  	[tilespmem:s22], [sflag:$0x2] =	stream.indirect.gather [spmem:s2], $0x10, s6, s13, $0xb8;
	[tilespmem:$0xD680] =	vst v63  }
0x71: {  	_ =	swait.ge [sflag:s23], $0x800  }
0x72: {  	[sflag:s23] =	ssyncset.done $0x0  }
0x73: {  	s7 =	simm.s32 $0x7700;
	[sflag:s23] =	ssyncadd.s32 $0xFFFFF800  }
0x74: {  	[spmem:s3] =	stream.indirect.scatter.add.f32 [tilespmem:s21], [sflag:$0x4], $0x10, s7, s13, $0xb8;
	[tilespmem:$0xD680] =	vst v63  }
0x75: {  	_ =	swait.ge [sflag:s19], $0x800  }
0x76: {  	[sflag:s19] =	ssyncset.done $0x0  }
0x77: {  	s16 =	simm.s32 $0x5000;
	[sflag:s19] =	ssyncadd.s32 $0xFFFFF800  }
0x78: {  	[tilespmem:s21], [sflag:$0x1] =	stream.indirect.gather [spmem:s2], $0x10, s16, s13, $0xb8;
	[tilespmem:$0xD680] =	vst v63  }
0x79: {  	_ =	swait.ge [sflag:s24], $0x800  }
0x7a: {  	[sflag:s24] =	ssyncset.done $0x0  }
0x7b: {  	s30 =	simm.s32 $0x7780;
	[sflag:s24] =	ssyncadd.s32 $0xFFFFF800  }
0x7c: {  	[spmem:s3] =	stream.indirect.scatter.add.f32 [tilespmem:s22], [sflag:$0x4], $0x10, s30, s13, $0xb8;
	[tilespmem:$0xD680] =	vst v63  }
0x7d: {  	_ =	swait.ge [sflag:s19], $0x800  }
0x7e: {  	s0 =	simm.s32 $0x100;
	s6 =	simm.s32 $0x800;
	[sflag:s19] =	ssyncset.done $0x0  }
.LBB2_9:
0x7f: {  	s7 =	sadd.s32 $0x4F80, s0  }
0x80: {  	[sflag:s19] =	ssyncadd.s32 $0xFFFFF800;
	s16 =	smov.u32 s6;
	s30 =	sadd.s32 $0x400, s6  }
0x81: {  	[tilespmem:s22], [sflag:$0x2] =	stream.indirect.gather [spmem:s2], $0x10, s7, s13, $0xb8;
	[tilespmem:$0xD680] =	vst v63  }
0x82: {  	p1 =	sne.s32 s6, $0x9800;
	_ =	swait.ge [sflag:s23], $0x800  }
0x83: {  	[sflag:s23] =	ssyncset.done $0x0  }
0x84: {  	s6 =	sadd.s32 $0x7700, s0;
	[sflag:s23] =	ssyncadd.s32 $0xFFFFF800  }
0x85: {  	[spmem:s3] =	stream.indirect.scatter.add.f32 [tilespmem:s21], [sflag:$0x4], $0x10, s6, s13, $0xb8;
	[tilespmem:$0xD680] =	vst v63  }
0x86: {  	_ =	swait.ge [sflag:s19], $0x800  }
0x87: {  	[sflag:s19] =	ssyncset.done $0x0  }
0x88: {  	s6 =	sadd.s32 $0x5000, s0;
	[sflag:s19] =	ssyncadd.s32 $0xFFFFF800  }
0x89: {  	[tilespmem:s21], [sflag:$0x1] =	stream.indirect.gather [spmem:s2], $0x10, s6, s13, $0xb8;
	[tilespmem:$0xD680] =	vst v63  }
0x8a: {  	_ =	swait.ge [sflag:s24], $0x800  }
.Ltmp4:
0x8b: {  	[sflag:s24] =	ssyncset.done $0x0;
	(pc) =	sbr.rel @p1 .LBB2_9-.Ltmp4, $4  }
0x8c: {  	s0 =	sadd.s32 $0x7780, s0;
	[sflag:s24] =	ssyncadd.s32 $0xFFFFF800  }
0x8d: {  	[spmem:s3] =	stream.indirect.scatter.add.f32 [tilespmem:s22], [sflag:$0x4], $0x10, s0, s13, $0xb8;
	[tilespmem:$0xD680] =	vst v63  }
0x8e: {  	_ =	swait.ge [sflag:s19], $0x800  }
0x8f: {  	s6 =	smov.u32 s30;
	s0 =	sshra.s32 s16, $0x2;
	[sflag:s19] =	ssyncset.done $0x0  }
0x90: {  	s6 =	sadd.s32 $0x4F80, s0;
	[sflag:s19] =	ssyncadd.s32 $0xFFFFF800  }
0x91: {  	[tilespmem:s22], [sflag:$0x2] =	stream.indirect.gather [spmem:s2], $0x10, s6, s13, $0xb8;
	[tilespmem:$0xD680] =	vst v63  }
0x92: {  	_ =	swait.ge [sflag:s23], $0x800  }
0x93: {  	[sflag:s23] =	ssyncset.done $0x0  }
0x94: {  	s30 =	sadd.s32 $0x7700, s0;
	[sflag:s23] =	ssyncadd.s32 $0xFFFFF800  }
0x95: {  	[spmem:s3] =	stream.indirect.scatter.add.f32 [tilespmem:s21], [sflag:$0x4], $0x10, s30, s13, $0xb8;
	[tilespmem:$0xD680] =	vst v63  }
0x96: {  	_ =	swait.ge [sflag:s19], $0x800  }
0x97: {  	[sflag:s19] =	ssyncset.done $0x0  }
0x98: {  	s7 =	sadd.s32 $0x5000, s0;
	[sflag:s19] =	ssyncadd.s32 $0xFFFFF800  }
0x99: {  	[tilespmem:s21], [sflag:$0x1] =	stream.indirect.gather [spmem:s2], $0x10, s7, s13, $0xb8;
	[tilespmem:$0xD680] =	vst v63  }
0x9a: {  	_ =	swait.ge [sflag:s24], $0x800  }
0x9b: {  	[sflag:s24] =	ssyncset.done $0x0  }
0x9c: {  	s16 =	sadd.s32 $0x7780, s0;
	[sflag:s24] =	ssyncadd.s32 $0xFFFFF800  }
0x9d: {  	[spmem:s3] =	stream.indirect.scatter.add.f32 [tilespmem:s22], [sflag:$0x4], $0x10, s16, s13, $0xb8;
	[tilespmem:$0xD680] =	vst v63  }
0x9e: {  	_ =	swait.ge [sflag:s19], $0x800  }
0x9f: {  	[sflag:s19] =	ssyncset.done $0x0  }
0xa0: {  	[sflag:s19] =	ssyncadd.s32 $0xFFFFF800  }
0xa1: {  	[tilespmem:s22], [sflag:$0x2] =	stream.indirect.gather [spmem:s2], $0x10, s25, s13, $0xb8;
	[tilespmem:$0xD680] =	vst v63  }
0xa2: {  	_ =	swait.ge [sflag:s23], $0x800  }
0xa3: {  	[sflag:s23] =	ssyncset.done $0x0  }
0xa4: {  	[sflag:s23] =	ssyncadd.s32 $0xFFFFF800  }
0xa5: {  	[spmem:s3] =	stream.indirect.scatter.add.f32 [tilespmem:s21], [sflag:$0x4], $0x10, s26, s13, $0xb8;
	[tilespmem:$0xD680] =	vst v63  }
0xa6: {  	_ =	swait.ge [sflag:s19], $0x800  }
0xa7: {  	[sflag:s19] =	ssyncset.done $0x0  }
0xa8: {  	[sflag:s19] =	ssyncadd.s32 $0xFFFFF800  }
0xa9: {  	_ =	swait.ge [sflag:s24], $0x800  }
0xaa: {  	[sflag:s24] =	ssyncset.done $0x0  }
0xab: {  	[sflag:s24] =	ssyncadd.s32 $0xFFFFF800  }
0xac: {  	[spmem:s3] =	stream.indirect.scatter.add.f32 [tilespmem:s22], [sflag:$0x4], $0x10, s28, s13, $0xb8;
	[tilespmem:$0xD680] =	vst v63  }
0xad: {  	_ =	swait.ge [sflag:s19], $0x800  }
0xae: {  	s4 =	sadd.s32 $0x1, s4;
	[sflag:s19] =	ssyncset.done $0x0  }
0xaf: {  	s29 =	sor.u32 $0x1C04, s29;
	p1 =	sne.s32 s4, s12;
	[sflag:s19] =	ssyncadd.s32 $0xFFFFF800  }
.Ltmp5:
0xb0: {  	s30 =	sshrl.u32 s10, $0x3;
	[bflag:$0x0] =	sbarrier.arrive $0xFFFF;
	(pc) =	sbr.rel @p1 .LBB2_1-.Ltmp5, $4  }
0xb1: {  	[hbm:s11], [sflag:s29] =	dma.local [spmem:s30], $0x4F0  }
0xb2: {  	_ =	swait.ge [sflag:s19], $0x4F0  }
0xb3: {  	[sflag:s19] =	ssyncset.done $0x0  }
0xb4: {  	[sflag:s19] =	ssyncadd.s32 $0xFFFFFB10  }
0xb5: {  	_ =	sfence.sel $0x180000  }
0xb6: {  	[bflag:$0x0] =	sbarrier.arrive $0xFFFF  }
0xb7: {  	_ =	strace $0x90000050  }
0xb8: {  	[bflag:$0x2] =	sbarrier.arrive $0xFFFF  }
0xb9: {  	p0 =	sne.s32 s1, $0x0;
	s0 =	rddreg [dreg:$0x5]  }
0xba: {  	s0 =	sadd.s32 @!p0 $0x100000, s0  }
0xbb: {  	[sflag:s0] =	ssyncadd.tile.s32 @!p0 $0x1;
	_ =	shalt  }
.Lfunc_end2:
_tile_overlayer_lowered:
.L_overlay_start_2:
0xbc: {  	(tag) =	ssettag $0x2  }
0xbd: {  	s0 =	rddreg [dreg:$0x0];
	s2 =	stileid.u32  }
0xbe: {  	s1 =	rddreg [dreg:$0x1];
	p0 =	sne.s32 s2, $0x0  }
0xbf: {  	s3 =	rddreg [dreg:$0x2];
	[bflag:$0x3] =	sbarrier.arrive $0xFFFF;
	s2 =	simm.s32 @!p0 $0x1C04  }
0xc0: {  	[timem:s3], [sflag:s2] =	dma.local @!p0 [hbm:s0], s1  }
0xc1: {  	s0 =	simm.s32 @!p0 $0x4  }
0xc2: {  	_ =	swait.ge @!p0 [sflag:s0], s1  }
0xc3: {  	s1 =	ssub.s32 @!p0 $0x0, s1;
	[sflag:s0] =	ssyncset.done @!p0 $0x0  }
0xc4: {  	[sflag:s0] =	ssyncadd.s32 @!p0 s1  }
0xc5: {  	[bflag:$0x3] =	sbarrier.arrive $0xFFFF  }
0xc6: {  	_ =	shalt  }

// kernel: hgnn_sc_pass_deg.3.cloned.1.call-start
scs
__scs_entry_jumppad:
0x0: {  	(pc) =	sbr.rel $0x88, $3  }
0x1: {  	(tag) =	ssettag $0x0;
	lr =	simm.s32 $0x1  }
0x2: {  	[smem:$0x3F9B] =	sst lr;
	_ =	strace $0xD0000000  }
0x3: {  	_ = 	snop  }
0x4: {  	_ = 	snop  }
0x5: {  	_ = 	snop  }
0x6: {  	_ = 	snop  }
0x7: {  	_ = 	snop  }
__scs_overlays_trampoline_lowered:
0x8: {  	[smem:$0x3FAA] =	sst s0  }
0x9: {  	[smem:$0x3FAB] =	sst s1  }
0xa: {  	[smem:$0x3FAC] =	sst s2  }
0xb: {  	[smem:$0x3FAD] =	sst s3  }
0xc: {  	[smem:$0x3FAE] =	sst s4  }
0xd: {  	[smem:$0x3FAF] =	sst s5  }
0xe: {  	[smem:$0x3FB0] =	sst s6  }
0xf: {  	[smem:$0x3FB1] =	sst s7  }
0x10: {  	[smem:$0x3FB2] =	sst s8  }
0x11: {  	[smem:$0x3FB3] =	sst s9;
	s0 =	simm.s32 @!p0 $0x0  }
0x12: {  	s1 =	sld [smem:$0x3F99];
	s0 =	simm.s32 @p0 $0x1  }
0x13: {  	[smem:$0x3FB4] =	sst s0;
	s0 =	simm.s32 @!p1 $0x0  }
0x14: {  	s2 =	sld [smem:$0x3F98];
	s0 =	simm.s32 @p1 $0x1  }
0x15: {  	[smem:$0x3FB5] =	sst s0;
	s0 =	simm.s32 @!p2 $0x0  }
0x16: {  	s3 =	sld [smem:$0x3FDB];
	s0 =	simm.s32 @p2 $0x1  }
0x17: {  	s4 =	simm.s32 $0x1BF5;
	[smem:$0x3FB7] =	sst s0  }
0x18: {  	s0 =	sld [smem:$0x3F9A];
	_ =	swait.ge [sflag:s4], $0x0  }
0x19: {  	s7 =	sld [smem:$0x3F9B]  }
0x1a: {  	s8 =	sadd.s32 $0xFFFFE003, lr  }
0x1b: {  	s9 =	sadd.s32 $0xFFFFFEF7, lr;
	s5 =	simm.s32 $0xFFFFFFFF;
	p2 =	slt.u32 s8, $0xFFFFF086  }
0x1c: {  	p1 =	slt.u32 s9, $0xF7A;
	s5 =	simm.s32 @!p2 $0x0  }
0x1d: {  	s5 =	simm.s32 @p1 $0x1;
	p0 =	seq.s32 s7, s2  }
0x1e: {  	s7 =	smul.u32 @!p0 $0xF7A, s2;
	p2 =	seq.s32 @!p0 s5, $0x0  }
0x1f: {  	s9 =	smul.u32 $0xF7A, s1;
	s8 =	simm.s32 @!p0 $0x1BF5;
	p2 =	por !p2, p0  }
0x20: {  	[sflag:s8] =	ssyncset.s32 @!p0 $0xFFFFF086;
	s6 =	sadd.s32 @!p0 s3, s7;
	s7 =	simm.s32 @!p0 $0x108  }
0x21: {  	s3 =	sadd.s32 s3, s9;
	s6 =	sadd.s32 @!p0 $0x88, s6;
	s7 =	simm.s32 @p2 $0x1082  }
0x22: {  	[simem:s7], [sflag:s8] =	dma.local @!p0 [hbm:s6], $0xF7A  }
0x23: {  	s9 =	sor.u32 $0xD0000000, s2;
	s6 =	simm.s32 $0x108;
	_ =	swait.ge @!p0 [sflag:s8], $0x0  }
0x24: {  	s3 =	sadd.s32 $0x88, s3;
	s6 =	simm.s32 @!p1 $0x1082;
	[sflag:s4] =	ssyncset.s32 $0xFFFFF086  }
0x25: {  	[simem:s6], [sflag:s4] =	dma.local [hbm:s3], $0xF7A  }
0x26: {  	[smem:$0x3F9B] =	sst s1;
	(tag) =	ssettag s2;
	_ =	strace s9  }
0x27: {  	s1 =	sld [smem:$0x3FAB]  }
0x28: {  	s2 =	sld [smem:$0x3FAC]  }
0x29: {  	s4 =	sld [smem:$0x3FAE]  }
0x2a: {  	p0 =	seq.s32 s5, $0x0;
	s5 =	sld [smem:$0x3FAF]  }
0x2b: {  	s6 =	sld [smem:$0x3FB0]  }
0x2c: {  	s7 =	sld [smem:$0x3FB1]  }
0x2d: {  	s3 =	simm.s32 $0x108;
	s8 =	sld [smem:$0x3FB2]  }
0x2e: {  	s3 =	simm.s32 @!p0 $0x1082;
	s9 =	sld [smem:$0x3FB3]  }
0x2f: {  	lr =	sadd.s32 s0, s3;
	s0 =	sld [smem:$0x3FAA]  }
0x30: {  	s3 =	sld [smem:$0x3FAD]  }
0x31: {  	[smem:$0x3FB6] =	sst s10  }
0x32: {  	s10 =	sld [smem:$0x3FB4];
	_ =	sdelay $0x3  }
0x33: {  	p0 =	seq.s32 s10, $0x1;
	s10 =	sld [smem:$0x3FB6];
	_ =	sdelay $0x3  }
0x34: {  	[smem:$0x3FB6] =	sst s10  }
0x35: {  	s10 =	sld [smem:$0x3FB5];
	_ =	sdelay $0x3  }
0x36: {  	p1 =	seq.s32 s10, $0x1;
	s10 =	sld [smem:$0x3FB6];
	_ =	sdelay $0x3  }
0x37: {  	[smem:$0x3FB6] =	sst s10  }
0x38: {  	s10 =	sld [smem:$0x3FB7]  }
0x39: {  	_ = 	snop;
	(pc) =	sbr.ind lr, $3  }
0x3a: {  	_ = 	snop  }
0x3b: {  	_ = 	snop  }
0x3c: {  	p2 =	seq.s32 s10, $0x1;
	s10 =	sld [smem:$0x3FB6]  }
0x3d: {  	_ =	shalt  }
0x3e: {  	_ =	shalt  }
0x3f: {  	_ =	shalt  }
0x40: {  	_ =	shalt  }
0x41: {  	_ =	shalt  }
0x42: {  	_ =	shalt  }
0x43: {  	_ =	shalt  }
0x44: {  	_ =	shalt  }
0x45: {  	_ =	shalt  }
0x46: {  	_ =	shalt  }
0x47: {  	_ =	shalt  }
0x48: {  	_ =	shalt  }
0x49: {  	_ =	shalt  }
0x4a: {  	_ =	shalt  }
0x4b: {  	_ =	shalt  }
0x4c: {  	_ =	shalt  }
0x4d: {  	_ =	shalt  }
0x4e: {  	_ =	shalt  }
0x4f: {  	_ =	shalt  }
0x50: {  	_ =	shalt  }
0x51: {  	_ =	shalt  }
0x52: {  	_ =	shalt  }
0x53: {  	_ =	shalt  }
0x54: {  	_ =	shalt  }
0x55: {  	_ =	shalt  }
0x56: {  	_ =	shalt  }
0x57: {  	_ =	shalt  }
0x58: {  	_ =	shalt  }
0x59: {  	_ =	shalt  }
0x5a: {  	_ =	shalt  }
0x5b: {  	_ =	shalt  }
0x5c: {  	_ =	shalt  }
0x5d: {  	_ =	shalt  }
0x5e: {  	_ =	shalt  }
0x5f: {  	_ =	shalt  }
0x60: {  	_ =	shalt  }
0x61: {  	_ =	shalt  }
0x62: {  	_ =	shalt  }
0x63: {  	_ =	shalt  }
0x64: {  	_ =	shalt  }
0x65: {  	_ =	shalt  }
0x66: {  	_ =	shalt  }
0x67: {  	_ =	shalt  }
0x68: {  	_ =	shalt  }
0x69: {  	_ =	shalt  }
0x6a: {  	_ =	shalt  }
0x6b: {  	_ =	shalt  }
0x6c: {  	_ =	shalt  }
0x6d: {  	_ =	shalt  }
0x6e: {  	_ =	shalt  }
0x6f: {  	_ =	shalt  }
0x70: {  	_ =	shalt  }
0x71: {  	_ =	shalt  }
0x72: {  	_ =	shalt  }
0x73: {  	_ =	shalt  }
0x74: {  	_ =	shalt  }
0x75: {  	_ =	shalt  }
0x76: {  	_ =	shalt  }
0x77: {  	_ =	shalt  }
0x78: {  	_ =	shalt  }
0x79: {  	_ =	shalt  }
0x7a: {  	_ =	shalt  }
0x7b: {  	_ =	shalt  }
0x7c: {  	_ =	shalt  }
0x7d: {  	_ =	shalt  }
0x7e: {  	_ =	shalt  }
0x7f: {  	_ =	shalt  }
0x80: {  	_ =	shalt  }
0x81: {  	_ =	shalt  }
0x82: {  	_ =	shalt  }
0x83: {  	_ =	shalt  }
0x84: {  	_ =	shalt  }
0x85: {  	_ =	shalt  }
0x86: {  	_ =	shalt  }
0x87: {  	_ =	shalt  }
.Lfunc_end0:
.L_simem_size_0:
called_computation_lowered:
.L_overlay_start_0:
0x88: {  	s2 =	sld [smem:$0x3FD9]  }
0x89: {  	s3 =	sld [smem:$0x3FFE];
	_ =	sdelay $0x1  }
0x8a: {  	s1 =	srdreg.scid  }
0x8b: {  	s0 =	sand.u32 $0x1, s1  }
0x8c: {  	s17 =	sshll.u32 s0, $0xA;
	s2 =	sadd.s32 s3, s2  }
0x8d: {  	s2 =	sadd.s32 s2, s17  }
0x8e: {  	[smem:$0x3FC2] =	sst s2  }
0x8f: {  	_ = 	snop  }
0x90: {  	s2 =	sld [smem:$0x3FC8]  }
0x91: {  	s18 =	sld [smem:$0x3FD0];
	(tm) =	ssettm $0x1  }
0x92: {  	s4 =	sld [smem:$0x3FFB];
	_ =	sdelay $0x3  }
0x93: {  	_ =	strace s4  }
0x94: {  	s4 =	sld [smem:$0x3FFC];
	_ =	sdelay $0x3  }
0x95: {  	_ =	strace s4  }
0x96: {  	s4 =	sld [smem:$0x3FFD];
	_ =	sdelay $0x3  }
0x97: {  	_ =	strace s4  }
0x98: {  	_ =	strace $0x8FFFFFFF  }
0x99: {  	s19 =	sld [smem:$0x3FDB];
	_ =	sdelay $0x1  }
0x9a: {  	s5 =	simm.s32 $_scs_section_size  }
0x9b: {  	s6 =	simm.s32 $_size__tile_overlayer_lowered;
	s7 =	simm.s32 $_tile_overlayer_lowered  }
0x9c: {  	s22 =	simm.s32 $0x1BFF;
	s21 =	sshll.u32 s7, $0x1;
	s4 =	sadd.s32 s5, s19  }
0x9d: {  	s8 =	simm.s32 $0x0;
	s20 =	sshll.u32 s6, $0x1;
	s6 =	sadd.s32 s21, s4  }
0x9e: {  	[timem:s8], [sflag:s22] =	dma.local [hbm:s6], s20  }
0x9f: {  	_ =	swait.ge [sflag:s22], s20  }
0xa0: {  	s5 =	ssub.s32 $0x0, s20;
	[sflag:s22] =	ssyncset.done $0x0  }
0xa1: {  	[sflag:s22] =	ssyncadd.s32 s5;
	_ =	sdelay $0x1  }
0xa2: {  	s23 =	simm.s32 $0x1B8B  }
0xa3: {  	_ =	swait.ge [sflag:s23], $0x1  }
0xa4: {  	[sflag:s23] =	ssyncset.done $0x0  }
0xa5: {  	s25 =	simm.s32 $0x1B8E;
	s24 =	sld [smem:$0x3FFE];
	[sflag:s23] =	ssyncadd.s32 $0xFFFFFFFF  }
0xa6: {  	s26 =	simm.s32 $execute0_lowered;
	[smem:$0x3FD2] =	sst s25  }
0xa7: {  	s6 =	sshll.u32 s26, $0x1;
	_ =	strace $0x80000046;
	[dreg:$0x1] =	wrdreg $0xFFFFFFFF  }
0xa8: {  	s28 =	simm.s32 $_size_execute0_lowered;
	s4 =	sadd.s32 s4, s6;
	[dreg:$0x0] =	wrdreg $0x0  }
0xa9: {  	s6 =	sshll.u32 s28, $0x1;
	[dreg:$0x2] =	wrdreg s4  }
0xaa: {  	[dreg:$0x3] =	wrdreg s6  }
0xab: {  	[dreg:$0x4] =	wrdreg $0xC0  }
0xac: {  	_ =	task [dreg:s8], $0x5FFFF  }
0xad: {  	[dreg:$0x1] =	wrdreg $0xFFFFFFFF  }
0xae: {  	[dreg:$0x0] =	wrdreg $0x60  }
0xaf: {  	[dreg:$0x2] =	wrdreg s18  }
0xb0: {  	[dreg:$0x3] =	wrdreg s2  }
0xb1: {  	[dreg:$0x4] =	wrdreg s24  }
0xb2: {  	[dreg:$0x5] =	wrdreg $0x0  }
0xb3: {  	[dreg:$0x6] =	wrdreg $0x27800  }
0xb4: {  	[dreg:$0x7] =	wrdreg $0x4F000  }
0xb5: {  	[dreg:$0x8] =	wrdreg $0x51780  }
0xb6: {  	[dreg:$0x9] =	wrdreg $0x9  }
0xb7: {  	_ =	task.clear_ibuf [dreg:s8], $0xAFFFF;
	_ =	strace $0x90000046  }
0xb8: {  	s29 =	simm.s32 $0x9;
	_ =	strace $0x80000048  }
0xb9: {  	_ =	swait.ge [sflag:s29], $0x1  }
0xba: {  	[sflag:s29] =	ssyncadd.s32 $0xFFFFFFFF  }
0xbb: {  	_ =	strace $0x90000048  }
0xbc: {  	_ =	sfence  }
0xbd: {  	s30 =	sld [smem:$0x0];
	_ =	sdelay $0x2  }
0xbe: {  	s31 =	sshll.u32 s1, $0xD;
	s1 =	sshrl.u32 s1, $0x2  }
0xbf: {  	s3 =	sand.u32 $0x4000, s31;
	s1 =	sadd.s32 s1, s30  }
0xc0: {  	s0 =	sor.u32 s3, s0;
	s1 =	sshll.u32 s1, $0x11  }
0xc1: {  	s0 =	sor.u32 s1, s0  }
0xc2: {  	s0 =	sadd.s32 $0x8F2B, s0  }
0xc3: {  	[sflag:s0] =	ssyncadd.remote.s32 $0x1  }
0xc4: {  	_ =	sfence.sel $0xFFFF  }
0xc5: {  	[dreg:$0x0] =	wrdreg $0xFFFFFFFF;
	(pc) =	sbr.abs _section_cstart, $3  }
0xc6: {  	[dreg:$0x1] =	wrdreg $0xFFFFFFFF  }
0xc7: {  	_ =	task.clear_ibuf [dreg:s8], $0x2FFFF;
	_ =	strace $0x9FFFFFFF  }
0xc8: {  	(tm) =	ssettm $0x7FFFFFFF  }
0xc9: {  	_ =	shalt  }
tec
execute0_lowered:
.L_overlay_start_1:
0x0: {  	(tag) =	ssettag $0x1  }
0x1: {  	s0 =	rddreg [dreg:$0x0]  }
0x2: {  	s3 =	rddreg [dreg:$0x1]  }
0x3: {  	s7 =	rddreg [dreg:$0x2]  }
0x4: {  	s1 =	rddreg [dreg:$0x3]  }
0x5: {  	s2 =	rddreg [dreg:$0x4]  }
0x6: {  	s4 =	rddreg [dreg:$0x5]  }
0x7: {  	s6 =	srdreg.scid;
	s21 =	stileid.u32  }
0x8: {  	s5 =	rddreg [dreg:$0x6];
	s19 =	simm.s32 $0x80;
	s28 =	simm.s32 $0x3  }
0x9: {  	s29 =	simm.s32 $0xA3F0;
	s30 =	simm.s32 $0xABF0;
	s9 =	smul.u32 $0x2780, s21  }
0xa: {  	s31 =	simm.s32 $0x1;
	s8 =	sand.u32 $0x1, s6;
	s11 =	smul.u32 $0x278, s21  }
0xb: {  	s6 =	simm.s32 $0x0;
	s22 =	sadd.s32 $0x13600, s3;
	s10 =	smul.u32 $0x27800, s8  }
0xc: {  	[smem:$0x7FF] =	sst s6;
	s12 =	smul.u32 $0x2780, s8;
	s13 =	sshll.u32 s8, $0x4  }
0xd: {  	s8 =	ssub.s32 $0x2, s8;
	_ =	strace $0x80000047;
	s15 =	sor.u32 s21, s13  }
0xe: {  	s14 =	sshrl.u32 s8, $0x1;
	[dreg:$0xa] =	wrdreg s22;
	s23 =	sshrl.u32 s9, $0x3  }
0xf: {  	s24 =	sadd.s32 s9, s1;
	s22 =	simm.s32 $0x4;
	s10 =	sadd.s32 s9, s10  }
0x10: {  	s12 =	sadd.s32 s11, s12;
	s13 =	smul.u32 $0xA00, s15;
	s8 =	ssub.s32 s8, s14  }
0x11: {  	s0 =	sadd.s32 s0, s23;
	s14 =	sadd.s32 s11, s5;
	p0 =	seq.s32 s15, $0x1F  }
0x12: {  	s23 =	sshrl.u32 s24, $0x3;
	s24 =	simm.s32 $0xA370;
	s10 =	sshrl.u32 s10, $0x3  }
0x13: {  	s12 =	sshrl.u32 s12, $0x3;
	[dreg:$0xc] =	wrdreg s0;
	s18 =	smax.u32 s8, $0x1  }
0x14: {  	s8 =	simm.s32 $0x2;
	s10 =	sadd.s32 s10, s7;
	s20 =	sadd.s32 s3, s13  }
0x15: {  	s7 =	sadd.s32 s12, s7;
	s3 =	sadd.s32 $0x13610, s3;
	[dreg:$0x8] =	wrdreg s20  }
0x16: {  	s13 =	sadd.s32 s11, s4;
	s12 =	sadd.s32 $0x10, s20;
	[dreg:$0xb] =	wrdreg s3  }
0x17: {  	s25 =	sadd.s32 $0x3800, s10;
	s26 =	sadd.s32 $0xD600, s7;
	[dreg:$0x9] =	wrdreg s12  }
0x18: {  	s17 =	sadd.s32 $0x2E00, s7;
	s3 =	simm.s32 $0xDDE8;
	[dreg:$0xd] =	wrdreg s25  }
0x19: {  	s10 =	simm.s32 $0xA2F0;
	s12 =	sadd.s32 s9, s2;
	[dreg:$0xe] =	wrdreg s26  }
0x1a: {  	v0 =	vlaneseq.u32;
	v1 =	vimm.f32 $0.0e+00;
	v2 =	vimm.f32 $1.000000000e+00;
	s25 =	simm.s32 $0x5;
	s26 =	simm.s32 $0xDB70;
	s9 =	simm.s32 $0x7B70  }
.LBB2_1:
.Ltmp0:
0x1b: {  	(pc) =	sbr.rel @!p0 .LBB2_2-.Ltmp0, $1  }
0x1c: {  	_ =	sdelay $0x3  }
0x1d: {  	s7 =	simm.s32 $0xA00  }
0x1e: {  	s0 =	simm.s32 $0xA70;
	v4 =	vmov s7  }
0x1f: {  	s11 =	simm.s32 $0xA10;
	s21 =	simm.s32 $0xA20;
	v3 =	vmov s0;
	v4 =	vshrl.u32 v4, $0x4  }
0x20: {  	s15 =	rddreg [dreg:$0xa];
	s16 =	simm.s32 $0x100;
	s20 =	simm.s32 $0x53F0;
	v5 =	vor.u32 s7, v0;
	v6 =	vmov s11;
	v4 =	vmulhi.u32 $0x24924925, v4  }
0x21: {  	[tilespmem:s20], [sflag:$0x1] =	stream.strided.gather [hbm4b:s15+s19], $0xA00, s16, s19, $0x38;
	v7 =	vor.u32 s11, v0;
	v8 =	vor.u32 s21, v0;
	v6 =	vshrl.u32 v6, $0x4;
	[tilespmem:$0xDE68] =	vst v63  }
0x22: {  	v9 =	vmov s21;
	s7 =	simm.s32 $0xA30;
	s20 =	rddreg [dreg:$0xb];
	s21 =	simm.s32 $0x7BF0;
	v6 =	vmulhi.u32 $0x24924925, v6;
	v4 =	vmul.u32 $0x70, v4  }
0x23: {  	v9 =	vshrl.u32 v9, $0x4;
	v10 =	vmov s7;
	v11 =	vor.u32 s7, v0;
	[tilespmem:s21], [sflag:$0x2] =	stream.strided.gather [hbm4b:s20+s19], $0xA00, s16, s19, $0x38;
	[tilespmem:$0xDE68] =	vst v63  }
0x24: {  	s16 =	simm.s32 $0xA40;
	v4 =	vsub.s32 v5, v4;
	v5 =	vmul.u32 $0x70, v6;
	v6 =	vmulhi.u32 $0x24924925, v9  }
0x25: {  	s7 =	simm.s32 $0x5E60;
	v61 =	vshrl.u32 v10, $0x4;
	v62 =	vmov s16;
	v4 =	vadd.s32 $0x2710, v4  }
0x26: {  	s11 =	simm.s32 $0x8660;
	s21 =	simm.s32 $0xA50;
	[tilespmem:s7+$0xFFFFFF90] =	vst v4;
	v5 =	vsub.s32 v7, v5;
	v6 =	vmul.u32 $0x70, v6;
	v7 =	vmulhi.u32 $0x24924925, v61  }
0x27: {  	v63 =	vmov s21;
	[tilespmem:s11+$0xFFFFFF90] =	vst v4;
	v4 =	vadd.s32 $0x2710, v5;
	v5 =	vshrl.u32 v62, $0x4  }
0x28: {  	s15 =	simm.s32 $0xA60;
	[tilespmem:s7+$0xFFFFFFA0] =	vst v4;
	v6 =	vsub.s32 v8, v6;
	v7 =	vmul.u32 $0x70, v7;
	v5 =	vmulhi.u32 $0x24924925, v5  }
0x29: {  	v8 =	vmov s15;
	[tilespmem:s11+$0xFFFFFFA0] =	vst v4;
	v4 =	vadd.s32 $0x2710, v6;
	v6 =	vshrl.u32 v63, $0x4  }
0x2a: {  	[tilespmem:s7+$0xFFFFFFB0] =	vst v4;
	v7 =	vsub.s32 v11, v7;
	v5 =	vmul.u32 $0x70, v5;
	v6 =	vmulhi.u32 $0x24924925, v6  }
0x2b: {  	v8 =	vshrl.u32 v8, $0x4;
	[tilespmem:s11+$0xFFFFFFB0] =	vst v4;
	v4 =	vadd.s32 $0x2710, v7;
	v7 =	vor.u32 s16, v0  }
0x2c: {  	s20 =	simm.s32 $0xAF0;
	[tilespmem:s7+$0xFFFFFFC0] =	vst v4;
	v7 =	vsub.s32 v7, v5;
	v5 =	vmul.u32 $0x70, v6;
	v6 =	vmulhi.u32 $0x24924925, v8  }
.LBB2_4:
0x2d: {  	p1 =	sne.s32 s20, $0x27F0;
	[tilespmem:s11+$0xFFFFFFC0] =	vst v4;
	v4 =	vadd.s32 $0x2710, v7;
	v7 =	vor.u32 s21, v0;
	v3 =	vshrl.u32 v3, $0x4  }
0x2e: {  	[tilespmem:s7+$0xFFFFFFD0] =	vst v4;
	v5 =	vsub.s32 v7, v5;
	v6 =	vmul.u32 $0x70, v6;
	v3 =	vmulhi.u32 $0x24924925, v3  }
0x2f: {  	[tilespmem:s11+$0xFFFFFFD0] =	vst v4;
	v4 =	vadd.s32 $0x2710, v5;
	v5 =	vor.u32 s15, v0  }
0x30: {  	s15 =	sadd.s32 $0xFFFFFF90, s20;
	[tilespmem:s7+$0xFFFFFFE0] =	vst v4;
	v5 =	vsub.s32 v5, v6;
	v6 =	vor.u32 s0, v0;
	v7 =	vmul.u32 $0x70, v3;
	s0 =	smov.u32 s20  }
0x31: {  	v8 =	vmov s15;
	v3 =	vmov s20;
	[tilespmem:s11+$0xFFFFFFE0] =	vst v4;
	v4 =	vadd.s32 $0x2710, v5  }
0x32: {  	v5 =	vor.u32 s15, v0;
	v8 =	vshrl.u32 v8, $0x4;
	s15 =	sadd.s32 $0xFFFFFFA0, s20;
	[tilespmem:s7+$0xFFFFFFF0] =	vst v4;
	v6 =	vsub.s32 v6, v7  }
0x33: {  	s21 =	sadd.s32 $0xFFFFFFB0, s20;
	v7 =	vmulhi.u32 $0x24924925, v8;
	v8 =	vmov s15;
	[tilespmem:s11+$0xFFFFFFF0] =	vst v4;
	v4 =	vadd.s32 $0x2710, v6  }
0x34: {  	v9 =	vor.u32 s21, v0;
	v6 =	vor.u32 s15, v0;
	v8 =	vshrl.u32 v8, $0x4;
	[tilespmem:s7+$0x0] =	vst v4  }
0x35: {  	v10 =	vmov s21;
	s15 =	sadd.s32 $0xFFFFFFC0, s20;
	v7 =	vmul.u32 $0x70, v7;
	v8 =	vmulhi.u32 $0x24924925, v8;
	[tilespmem:s11+$0x0] =	vst v4  }
0x36: {  	v11 =	vor.u32 s15, v0;
	v4 =	vshrl.u32 v10, $0x4;
	v10 =	vmov s15  }
0x37: {  	s16 =	sadd.s32 $0xFFFFFFD0, s20;
	v5 =	vsub.s32 v5, v7;
	v7 =	vmul.u32 $0x70, v8;
	v4 =	vmulhi.u32 $0x24924925, v4  }
0x38: {  	s7 =	sadd.s32 $0x80, s7;
	v8 =	vshrl.u32 v10, $0x4;
	v10 =	vmov s16;
	v5 =	vadd.s32 $0x2710, v5  }
0x39: {  	s21 =	sadd.s32 $0xFFFFFFE0, s20;
	s11 =	sadd.s32 $0x80, s11;
	v6 =	vsub.s32 v6, v7;
	v4 =	vmul.u32 $0x70, v4;
	v7 =	vmulhi.u32 $0x24924925, v8;
	[tilespmem:s7+$0xFFFFFF90] =	vst v5  }
0x3a: {  	v8 =	vmov s21;
	[tilespmem:s11+$0xFFFFFF90] =	vst v5;
	v5 =	vadd.s32 $0x2710, v6;
	v6 =	vshrl.u32 v10, $0x4  }
.Ltmp1:
0x3b: {  	s15 =	sadd.s32 $0xFFFFFFF0, s20;
	v4 =	vsub.s32 v9, v4;
	v7 =	vmul.u32 $0x70, v7;
	[tilespmem:s7+$0xFFFFFFA0] =	vst v5;
	v6 =	vmulhi.u32 $0x24924925, v6;
	(pc) =	sbr.rel @p1 .LBB2_4-.Ltmp1, $4  }
0x3c: {  	v4 =	vadd.s32 $0x2710, v4;
	[tilespmem:s11+$0xFFFFFFA0] =	vst v5;
	v5 =	vshrl.u32 v8, $0x4;
	v8 =	vmov s15  }
0x3d: {  	v7 =	vsub.s32 v11, v7;
	[tilespmem:s7+$0xFFFFFFB0] =	vst v4;
	v6 =	vmul.u32 $0x70, v6;
	v5 =	vmulhi.u32 $0x24924925, v5  }
0x3e: {  	v8 =	vshrl.u32 v8, $0x4;
	[tilespmem:s11+$0xFFFFFFB0] =	vst v4;
	v4 =	vadd.s32 $0x2710, v7;
	v7 =	vor.u32 s16, v0  }
0x3f: {  	s20 =	sadd.s32 $0x80, s20;
	[tilespmem:s7+$0xFFFFFFC0] =	vst v4;
	v7 =	vsub.s32 v7, v6;
	v5 =	vmul.u32 $0x70, v5;
	v6 =	vmulhi.u32 $0x24924925, v8  }
0x40: {  	[tilespmem:s11+$0xFFFFFFC0] =	vst v4;
	v58 =	vadd.s32 $0x2710, v7;
	v59 =	vor.u32 s21, v0;
	v3 =	vshrl.u32 v3, $0x4  }
0x41: {  	[tilespmem:s7+$0xFFFFFFD0] =	vst v58;
	v5 =	vsub.s32 v59, v5;
	v6 =	vmul.u32 $0x70, v6;
	v3 =	vmulhi.u32 $0x24924925, v3  }
0x42: {  	v61 =	vor.u32 s15, v0;
	[tilespmem:s11+$0xFFFFFFD0] =	vst v58;
	v60 =	vadd.s32 $0x2710, v5  }
0x43: {  	[tilespmem:s7+$0xFFFFFFE0] =	vst v60;
	v5 =	vsub.s32 v61, v6;
	v3 =	vmul.u32 $0x70, v3  }
.Ltmp2:
0x44: {  	v62 =	vor.u32 s0, v0;
	[tilespmem:s11+$0xFFFFFFE0] =	vst v60;
	v63 =	vadd.s32 $0x2710, v5;
	(pc) =	sbr.rel .LBB2_6-.Ltmp2, $4  }
0x45: {  	[tilespmem:s7+$0xFFFFFFF0] =	vst v63;
	v3 =	vsub.s32 v62, v3  }
0x46: {  	[tilespmem:s11+$0xFFFFFFF0] =	vst v63;
	v3 =	vadd.s32 $0x2710, v3  }
0x47: {  	[tilespmem:s7+$0x0] =	vst v3  }
0x48: {  	s21 =	stileid.u32;
	[tilespmem:s11+$0x0] =	vst v3  }
.LBB2_2:
0x49: {  	s0 =	rddreg [dreg:$0x8];
	s7 =	simm.s32 $0x100;
	s11 =	simm.s32 $0x53F0  }
0x4a: {  	[tilespmem:s11], [sflag:$0x1] =	stream.strided.gather [hbm4b:s0+s19], $0x2800, s7, s19, $0x38;
	[tilespmem:$0xDE68] =	vst v63  }
0x4b: {  	s16 =	rddreg [dreg:$0x9];
	s20 =	simm.s32 $0x7BF0  }
0x4c: {  	[tilespmem:s20], [sflag:$0x2] =	stream.strided.gather [hbm4b:s16+s19], $0x2800, s7, s19, $0x38;
	[tilespmem:$0xDE68] =	vst v63  }
.LBB2_6:
0x4d: {  	s0 =	sshll.u32 s21, $0x6  }
0x4e: {  	s11 =	rddreg [dreg:$0xc];
	s7 =	sor.u32 $0x1C03, s0  }
0x4f: {  	[spmem:s23], [sflag:s7] =	dma.local [hbm:s11], $0x4F0  }
0x50: {  	s7 =	simm.s32 $0xB430  }
0x51: {  	[tilespmem:s7+$0xFFFFFFC0] =	vst v1  }
0x52: {  	[tilespmem:s7+$0x30] =	vst v1  }
0x53: {  	[tilespmem:s7+$0x20] =	vst v1  }
0x54: {  	[tilespmem:s7+$0x10] =	vst v1  }
0x55: {  	[tilespmem:s7+$0x0] =	vst v1  }
0x56: {  	[tilespmem:s7+$0xFFFFFFF0] =	vst v1  }
0x57: {  	s11 =	simm.s32 $0x0;
	[tilespmem:s7+$0xFFFFFFE0] =	vst v1  }
.LBB2_7:
0x58: {  	s11 =	sadd.s32 $0x8, s11;
	[tilespmem:s7+$0xFFFFFFD0] =	vst v1;
	s7 =	sadd.s32 $0x80, s7  }
0x59: {  	[tilespmem:s7+$0xFFFFFFC0] =	vst v1;
	p1 =	slt.u32 s11, $0x270  }
0x5a: {  	[tilespmem:s7+$0x30] =	vst v1  }
.Ltmp3:
0x5b: {  	[tilespmem:s7+$0x20] =	vst v1;
	(pc) =	sbr.rel @p1 .LBB2_7-.Ltmp3, $4  }
0x5c: {  	[tilespmem:s7+$0x10] =	vst v1  }
0x5d: {  	[tilespmem:s7+$0x0] =	vst v1  }
0x5e: {  	[tilespmem:s7+$0xFFFFFFF0] =	vst v1  }
0x5f: {  	[tilespmem:s7+$0xFFFFFFE0] =	vst v1  }
0x60: {  	[tilespmem:s7+$0xFFFFFFD0] =	vst v1  }
0x61: {  	[tilespmem:$0xDB70] =	vst v1  }
0x62: {  	[tilespmem:$0xDB80] =	vst v1  }
0x63: {  	[tilespmem:$0xDB90] =	vst v1  }
0x64: {  	[tilespmem:$0xDBA0] =	vst v1  }
0x65: {  	[tilespmem:$0xDBB0] =	vst v1  }
0x66: {  	[tilespmem:$0xDBC0] =	vst v1  }
0x67: {  	[tilespmem:$0xDBD0] =	vst v1  }
0x68: {  	[tilespmem:$0xDBE0] =	vst v1  }
0x69: {  	[tilespmem:$0xDBF0] =	vst v1  }
0x6a: {  	[tilespmem:$0xDC00] =	vst v1  }
0x6b: {  	[tilespmem:$0xDC10] =	vst v1  }
0x6c: {  	[tilespmem:$0xDC20] =	vst v1  }
0x6d: {  	[tilespmem:$0xDC30] =	vst v1  }
0x6e: {  	[tilespmem:$0xDC40] =	vst v1  }
0x6f: {  	[tilespmem:$0xDC50] =	vst v1  }
0x70: {  	[tilespmem:$0xDC60] =	vst v1  }
0x71: {  	[tilespmem:$0xDC70] =	vst v1  }
0x72: {  	[tilespmem:$0xDC80] =	vst v1  }
0x73: {  	[tilespmem:$0xDC90] =	vst v1  }
0x74: {  	[tilespmem:$0xDCA0] =	vst v1  }
0x75: {  	[tilespmem:$0xDCB0] =	vst v1  }
0x76: {  	[tilespmem:$0xDCC0] =	vst v1  }
0x77: {  	[tilespmem:$0xDCD0] =	vst v1  }
0x78: {  	[tilespmem:$0xDCE0] =	vst v1  }
0x79: {  	[tilespmem:$0xDCF0] =	vst v1  }
0x7a: {  	[tilespmem:$0xDD00] =	vst v1  }
0x7b: {  	[tilespmem:$0xDD10] =	vst v1  }
0x7c: {  	[tilespmem:$0xDD20] =	vst v1  }
0x7d: {  	[tilespmem:$0xDD30] =	vst v1  }
0x7e: {  	[tilespmem:$0xDD40] =	vst v1  }
0x7f: {  	[tilespmem:$0xDD50] =	vst v1  }
0x80: {  	[tilespmem:$0xDD60] =	vst v1  }
0x81: {  	[tilespmem:$0xDD70] =	vst v1  }
0x82: {  	[tilespmem:$0xDD80] =	vst v1  }
0x83: {  	[tilespmem:$0xDD90] =	vst v1  }
0x84: {  	[tilespmem:$0xDDA0] =	vst v1  }
0x85: {  	[tilespmem:$0xDDB0] =	vst v1  }
0x86: {  	[tilespmem:$0xDDC0] =	vst v1  }
0x87: {  	[tilespmem:$0xDDD0] =	vst v1  }
0x88: {  	[tilespmem:$0xDDE8] =	vst v2  }
0x89: {  	[tilespmem:$0xDDF8] =	vst v2  }
0x8a: {  	[tilespmem:$0xDE08] =	vst v2  }
0x8b: {  	[tilespmem:$0xDE18] =	vst v2  }
0x8c: {  	[tilespmem:$0xDE28] =	vst v2  }
0x8d: {  	[tilespmem:$0xDE38] =	vst v2  }
0x8e: {  	[tilespmem:$0xDE48] =	vst v2  }
0x8f: {  	[tilespmem:$0xDE58] =	vst v2  }
0x90: {  	s15 =	simm.s32 $0xB3F0;
	[tilespmem:$0xDDD8] =	vst v1  }
0x91: {  	[spmem:s12] =	stream.linear.scatter [tilespmem:s15], [sflag:$0x5], $0x2780, $0x38;
	[tilespmem:$0xDE68] =	vst v63  }
0x92: {  	_ =	swait.ge [sflag:s25], $0x2780  }
0x93: {  	[sflag:s25] =	ssyncset.done $0x0  }
0x94: {  	[sflag:s25] =	ssyncadd.s32 $0xFFFFD880  }
0x95: {  	[spmem:s13] =	stream.linear.scatter [tilespmem:s26], [sflag:$0x5], $0x278, $0x38;
	[tilespmem:$0xDE68] =	vst v63  }
0x96: {  	_ =	swait.ge [sflag:s25], $0x278  }
0x97: {  	[sflag:s25] =	ssyncset.done $0x0  }
0x98: {  	[sflag:s25] =	ssyncadd.s32 $0xFFFFFD88  }
0x99: {  	[spmem:s14] =	stream.linear.scatter [tilespmem:s26], [sflag:$0x5], $0x278, $0x38;
	[tilespmem:$0xDE68] =	vst v63  }
0x9a: {  	_ =	swait.ge [sflag:s25], $0x278  }
0x9b: {  	[sflag:s25] =	ssyncset.done $0x0  }
0x9c: {  	[sflag:s25] =	ssyncadd.s32 $0xFFFFFD88  }
0x9d: {  	_ =	swait.ge [sflag:s28], $0x4F0  }
0x9e: {  	[sflag:s28] =	ssyncset.done $0x0  }
0x9f: {  	s7 =	simm.s32 @p0 $0x1;
	[sflag:s28] =	ssyncadd.s32 $0xFFFFFB10  }
0xa0: {  	_ =	swait.ge @p0 [sflag:s7], $0xA00  }
0xa1: {  	[sflag:s7] =	ssyncset.done @p0 $0x0  }
0xa2: {  	[sflag:s7] =	ssyncadd.s32 @p0 $0xFFFFF600;
	s7 =	simm.s32 @p0 $0x2  }
0xa3: {  	_ =	swait.ge @p0 [sflag:s7], $0xA00  }
0xa4: {  	[sflag:s7] =	ssyncset.done @p0 $0x0  }
0xa5: {  	[sflag:s7] =	ssyncadd.s32 @p0 $0xFFFFF600;
	s7 =	simm.s32 @!p0 $0x1  }
0xa6: {  	_ =	swait.ge @!p0 [sflag:s7], $0x2800  }
0xa7: {  	[sflag:s7] =	ssyncset.done @!p0 $0x0  }
0xa8: {  	[sflag:s7] =	ssyncadd.s32 @!p0 $0xFFFFD800;
	s7 =	simm.s32 @!p0 $0x2  }
0xa9: {  	_ =	swait.ge @!p0 [sflag:s7], $0x2800  }
0xaa: {  	[sflag:s7] =	ssyncset.done @!p0 $0x0  }
0xab: {  	[sflag:s7] =	ssyncadd.s32 @!p0 $0xFFFFD800  }
0xac: {  	s16 =	simm.s32 $0x53F0;
	[bflag:$0x0] =	sbarrier.arrive $0xFFFF  }
0xad: {  	[tilespmem:s29], [sflag:$0x1] =	stream.indirect.gather [spmem:s1], $0x10, s16, s19, $0xb8;
	[tilespmem:$0xDE68] =	vst v63  }
0xae: {  	s20 =	simm.s32 $0x5470  }
0xaf: {  	[tilespmem:s30], [sflag:$0x2] =	stream.indirect.gather [spmem:s1], $0x10, s20, s19, $0xb8;
	[tilespmem:$0xDE68] =	vst v63  }
0xb0: {  	_ =	swait.ge [sflag:s31], $0x800  }
0xb1: {  	[sflag:s31] =	ssyncset.done $0x0  }
0xb2: {  	s11 =	simm.s32 $0x53F0;
	[sflag:s31] =	ssyncadd.s32 $0xFFFFF800  }
0xb3: {  	[spmem:s4] =	stream.indirect.scatter.add.f32 [tilespmem:s3], [sflag:$0x3], $0x1, s11, s19, $0xb8;
	[tilespmem:$0xDE68] =	vst v63  }
0xb4: {  	s15 =	simm.s32 $0x7BF0  }
0xb5: {  	[spmem:s5] =	stream.indirect.scatter.add.f32 [tilespmem:s3], [sflag:$0x4], $0x1, s15, s19, $0xb8;
	[tilespmem:$0xDE68] =	vst v63  }
0xb6: {  	_ = 	snop  }
0xb7: {  	[spmem:s2] =	stream.indirect.scatter.add.f32 [tilespmem:s29], [sflag:$0x5], $0x10, s15, s19, $0xb8;
	[tilespmem:$0xDE68] =	vst v63  }
0xb8: {  	_ =	swait.ge [sflag:s25], $0x800  }
0xb9: {  	[sflag:s25] =	ssyncset.done $0x0  }
0xba: {  	[sflag:s25] =	ssyncadd.s32 $0xFFFFF800  }
0xbb: {  	_ =	swait.ge [sflag:s28], $0x80  }
0xbc: {  	[sflag:s28] =	ssyncset.done $0x0  }
0xbd: {  	[sflag:s28] =	ssyncadd.s32 $0xFFFFFF80  }
0xbe: {  	_ =	swait.ge [sflag:s22], $0x80  }
0xbf: {  	[sflag:s22] =	ssyncset.done $0x0  }
0xc0: {  	s16 =	simm.s32 $0x54F0;
	[sflag:s22] =	ssyncadd.s32 $0xFFFFFF80  }
0xc1: {  	[tilespmem:s29], [sflag:$0x1] =	stream.indirect.gather [spmem:s1], $0x10, s16, s19, $0xb8;
	[tilespmem:$0xDE68] =	vst v63  }
0xc2: {  	_ =	swait.ge [sflag:s8], $0x800  }
0xc3: {  	[sflag:s8] =	ssyncset.done $0x0  }
0xc4: {  	[sflag:s8] =	ssyncadd.s32 $0xFFFFF800  }
0xc5: {  	[spmem:s4] =	stream.indirect.scatter.add.f32 [tilespmem:s3], [sflag:$0x3], $0x1, s20, s19, $0xb8;
	[tilespmem:$0xDE68] =	vst v63  }
0xc6: {  	s20 =	simm.s32 $0x7C70  }
0xc7: {  	[spmem:s5] =	stream.indirect.scatter.add.f32 [tilespmem:s3], [sflag:$0x4], $0x1, s20, s19, $0xb8;
	[tilespmem:$0xDE68] =	vst v63  }
0xc8: {  	_ = 	snop  }
0xc9: {  	[spmem:s2] =	stream.indirect.scatter.add.f32 [tilespmem:s30], [sflag:$0x5], $0x10, s20, s19, $0xb8;
	[tilespmem:$0xDE68] =	vst v63  }
0xca: {  	_ =	swait.ge [sflag:s25], $0x800  }
0xcb: {  	[sflag:s25] =	ssyncset.done $0x0  }
0xcc: {  	[sflag:s25] =	ssyncadd.s32 $0xFFFFF800  }
0xcd: {  	_ =	swait.ge [sflag:s28], $0x80  }
0xce: {  	[sflag:s28] =	ssyncset.done $0x0  }
0xcf: {  	[sflag:s28] =	ssyncadd.s32 $0xFFFFFF80  }
0xd0: {  	_ =	swait.ge [sflag:s22], $0x80  }
0xd1: {  	s7 =	simm.s32 $0x100;
	s15 =	simm.s32 $0x800;
	[sflag:s22] =	ssyncset.done $0x0  }
.LBB2_9:
0xd2: {  	s16 =	sadd.s32 $0x5470, s7  }
0xd3: {  	[sflag:s22] =	ssyncadd.s32 $0xFFFFFF80;
	s20 =	smov.u32 s15;
	s11 =	sadd.s32 $0x400, s15  }
0xd4: {  	[tilespmem:s30], [sflag:$0x2] =	stream.indirect.gather [spmem:s1], $0x10, s16, s19, $0xb8;
	[tilespmem:$0xDE68] =	vst v63  }
0xd5: {  	p1 =	sne.s32 s15, $0x9800;
	_ =	swait.ge [sflag:s31], $0x800  }
0xd6: {  	[sflag:s31] =	ssyncset.done $0x0  }
0xd7: {  	s15 =	sadd.s32 $0x53F0, s7;
	[sflag:s31] =	ssyncadd.s32 $0xFFFFF800  }
0xd8: {  	[spmem:s4] =	stream.indirect.scatter.add.f32 [tilespmem:s3], [sflag:$0x3], $0x1, s15, s19, $0xb8;
	[tilespmem:$0xDE68] =	vst v63  }
0xd9: {  	s15 =	sadd.s32 $0x7BF0, s7  }
0xda: {  	[spmem:s5] =	stream.indirect.scatter.add.f32 [tilespmem:s3], [sflag:$0x4], $0x1, s15, s19, $0xb8;
	[tilespmem:$0xDE68] =	vst v63  }
0xdb: {  	_ = 	snop  }
0xdc: {  	[spmem:s2] =	stream.indirect.scatter.add.f32 [tilespmem:s29], [sflag:$0x5], $0x10, s15, s19, $0xb8;
	[tilespmem:$0xDE68] =	vst v63  }
0xdd: {  	_ =	swait.ge [sflag:s25], $0x800  }
0xde: {  	[sflag:s25] =	ssyncset.done $0x0  }
0xdf: {  	[sflag:s25] =	ssyncadd.s32 $0xFFFFF800  }
0xe0: {  	_ =	swait.ge [sflag:s28], $0x80  }
0xe1: {  	[sflag:s28] =	ssyncset.done $0x0  }
0xe2: {  	[sflag:s28] =	ssyncadd.s32 $0xFFFFFF80  }
0xe3: {  	_ =	swait.ge [sflag:s22], $0x80  }
0xe4: {  	[sflag:s22] =	ssyncset.done $0x0  }
0xe5: {  	s15 =	sadd.s32 $0x54F0, s7;
	[sflag:s22] =	ssyncadd.s32 $0xFFFFFF80  }
0xe6: {  	[tilespmem:s29], [sflag:$0x1] =	stream.indirect.gather [spmem:s1], $0x10, s15, s19, $0xb8;
	[tilespmem:$0xDE68] =	vst v63  }
0xe7: {  	_ =	swait.ge [sflag:s8], $0x800  }
0xe8: {  	[sflag:s8] =	ssyncset.done $0x0  }
0xe9: {  	[sflag:s8] =	ssyncadd.s32 $0xFFFFF800  }
0xea: {  	[spmem:s4] =	stream.indirect.scatter.add.f32 [tilespmem:s3], [sflag:$0x3], $0x1, s16, s19, $0xb8;
	[tilespmem:$0xDE68] =	vst v63  }
0xeb: {  	s7 =	sadd.s32 $0x7C70, s7  }
0xec: {  	[spmem:s5] =	stream.indirect.scatter.add.f32 [tilespmem:s3], [sflag:$0x4], $0x1, s7, s19, $0xb8;
	[tilespmem:$0xDE68] =	vst v63  }
0xed: {  	_ = 	snop  }
0xee: {  	[spmem:s2] =	stream.indirect.scatter.add.f32 [tilespmem:s30], [sflag:$0x5], $0x10, s7, s19, $0xb8;
	[tilespmem:$0xDE68] =	vst v63  }
0xef: {  	_ =	swait.ge [sflag:s25], $0x800  }
0xf0: {  	[sflag:s25] =	ssyncset.done $0x0  }
0xf1: {  	[sflag:s25] =	ssyncadd.s32 $0xFFFFF800  }
.Ltmp4:
0xf2: {  	_ =	swait.ge [sflag:s28], $0x80;
	(pc) =	sbr.rel @p1 .LBB2_9-.Ltmp4, $4  }
0xf3: {  	[sflag:s28] =	ssyncset.done $0x0  }
0xf4: {  	[sflag:s28] =	ssyncadd.s32 $0xFFFFFF80  }
0xf5: {  	_ =	swait.ge [sflag:s22], $0x80  }
0xf6: {  	s15 =	smov.u32 s11;
	s7 =	sshra.s32 s20, $0x2;
	[sflag:s22] =	ssyncset.done $0x0  }
0xf7: {  	s11 =	sadd.s32 $0x5470, s7;
	[sflag:s22] =	ssyncadd.s32 $0xFFFFFF80  }
0xf8: {  	[tilespmem:s30], [sflag:$0x2] =	stream.indirect.gather [spmem:s1], $0x10, s11, s19, $0xb8;
	[tilespmem:$0xDE68] =	vst v63  }
0xf9: {  	_ =	swait.ge [sflag:s31], $0x800  }
0xfa: {  	[sflag:s31] =	ssyncset.done $0x0  }
0xfb: {  	s15 =	sadd.s32 $0x53F0, s7;
	[sflag:s31] =	ssyncadd.s32 $0xFFFFF800  }
0xfc: {  	[spmem:s4] =	stream.indirect.scatter.add.f32 [tilespmem:s3], [sflag:$0x3], $0x1, s15, s19, $0xb8;
	[tilespmem:$0xDE68] =	vst v63  }
0xfd: {  	s16 =	sadd.s32 $0x7BF0, s7  }
0xfe: {  	[spmem:s5] =	stream.indirect.scatter.add.f32 [tilespmem:s3], [sflag:$0x4], $0x1, s16, s19, $0xb8;
	[tilespmem:$0xDE68] =	vst v63  }
0xff: {  	_ = 	snop  }
0x100: {  	[spmem:s2] =	stream.indirect.scatter.add.f32 [tilespmem:s29], [sflag:$0x5], $0x10, s16, s19, $0xb8;
	[tilespmem:$0xDE68] =	vst v63  }
0x101: {  	_ =	swait.ge [sflag:s25], $0x800  }
0x102: {  	[sflag:s25] =	ssyncset.done $0x0  }
0x103: {  	[sflag:s25] =	ssyncadd.s32 $0xFFFFF800  }
0x104: {  	_ =	swait.ge [sflag:s28], $0x80  }
0x105: {  	[sflag:s28] =	ssyncset.done $0x0  }
0x106: {  	[sflag:s28] =	ssyncadd.s32 $0xFFFFFF80  }
0x107: {  	_ =	swait.ge [sflag:s22], $0x80  }
0x108: {  	[sflag:s22] =	ssyncset.done $0x0  }
0x109: {  	s20 =	sadd.s32 $0x54F0, s7;
	[sflag:s22] =	ssyncadd.s32 $0xFFFFFF80  }
0x10a: {  	[tilespmem:s29], [sflag:$0x1] =	stream.indirect.gather [spmem:s1], $0x10, s20, s19, $0xb8;
	[tilespmem:$0xDE68] =	vst v63  }
0x10b: {  	_ =	swait.ge [sflag:s8], $0x800  }
0x10c: {  	[sflag:s8] =	ssyncset.done $0x0  }
0x10d: {  	[sflag:s8] =	ssyncadd.s32 $0xFFFFF800  }
0x10e: {  	[spmem:s4] =	stream.indirect.scatter.add.f32 [tilespmem:s3], [sflag:$0x3], $0x1, s11, s19, $0xb8;
	[tilespmem:$0xDE68] =	vst v63  }
0x10f: {  	s11 =	sadd.s32 $0x7C70, s7  }
0x110: {  	[spmem:s5] =	stream.indirect.scatter.add.f32 [tilespmem:s3], [sflag:$0x4], $0x1, s11, s19, $0xb8;
	[tilespmem:$0xDE68] =	vst v63  }
0x111: {  	_ = 	snop  }
0x112: {  	[spmem:s2] =	stream.indirect.scatter.add.f32 [tilespmem:s30], [sflag:$0x5], $0x10, s11, s19, $0xb8;
	[tilespmem:$0xDE68] =	vst v63  }
0x113: {  	_ =	swait.ge [sflag:s25], $0x800  }
0x114: {  	[sflag:s25] =	ssyncset.done $0x0  }
0x115: {  	[sflag:s25] =	ssyncadd.s32 $0xFFFFF800  }
0x116: {  	_ =	swait.ge [sflag:s28], $0x80  }
0x117: {  	[sflag:s28] =	ssyncset.done $0x0  }
0x118: {  	[sflag:s28] =	ssyncadd.s32 $0xFFFFFF80  }
0x119: {  	_ =	swait.ge [sflag:s22], $0x80  }
0x11a: {  	[sflag:s22] =	ssyncset.done $0x0  }
0x11b: {  	[sflag:s22] =	ssyncadd.s32 $0xFFFFFF80  }
0x11c: {  	[tilespmem:s30], [sflag:$0x2] =	stream.indirect.gather [spmem:s1], $0x10, s9, s19, $0xb8;
	[tilespmem:$0xDE68] =	vst v63  }
0x11d: {  	_ =	swait.ge [sflag:s31], $0x800  }
0x11e: {  	[sflag:s31] =	ssyncset.done $0x0  }
0x11f: {  	s15 =	simm.s32 $0x7AF0;
	[sflag:s31] =	ssyncadd.s32 $0xFFFFF800  }
0x120: {  	[spmem:s4] =	stream.indirect.scatter.add.f32 [tilespmem:s3], [sflag:$0x3], $0x1, s15, s19, $0xb8;
	[tilespmem:$0xDE68] =	vst v63  }
0x121: {  	_ = 	snop  }
0x122: {  	[spmem:s5] =	stream.indirect.scatter.add.f32 [tilespmem:s3], [sflag:$0x4], $0x1, s10, s19, $0xb8;
	[tilespmem:$0xDE68] =	vst v63  }
0x123: {  	_ = 	snop  }
0x124: {  	[spmem:s2] =	stream.indirect.scatter.add.f32 [tilespmem:s29], [sflag:$0x5], $0x10, s10, s19, $0xb8;
	[tilespmem:$0xDE68] =	vst v63  }
0x125: {  	_ =	swait.ge [sflag:s25], $0x800  }
0x126: {  	[sflag:s25] =	ssyncset.done $0x0  }
0x127: {  	[sflag:s25] =	ssyncadd.s32 $0xFFFFF800  }
0x128: {  	_ =	swait.ge [sflag:s28], $0x80  }
0x129: {  	[sflag:s28] =	ssyncset.done $0x0  }
0x12a: {  	[sflag:s28] =	ssyncadd.s32 $0xFFFFFF80  }
0x12b: {  	_ =	swait.ge [sflag:s22], $0x80  }
0x12c: {  	[sflag:s22] =	ssyncset.done $0x0  }
0x12d: {  	[sflag:s22] =	ssyncadd.s32 $0xFFFFFF80  }
0x12e: {  	_ =	swait.ge [sflag:s8], $0x800  }
0x12f: {  	[sflag:s8] =	ssyncset.done $0x0  }
0x130: {  	[sflag:s8] =	ssyncadd.s32 $0xFFFFF800  }
0x131: {  	[spmem:s4] =	stream.indirect.scatter.add.f32 [tilespmem:s3], [sflag:$0x3], $0x1, s9, s19, $0xb8;
	[tilespmem:$0xDE68] =	vst v63  }
0x132: {  	_ = 	snop  }
0x133: {  	[spmem:s5] =	stream.indirect.scatter.add.f32 [tilespmem:s3], [sflag:$0x4], $0x1, s24, s19, $0xb8;
	[tilespmem:$0xDE68] =	vst v63  }
0x134: {  	_ = 	snop  }
0x135: {  	[spmem:s2] =	stream.indirect.scatter.add.f32 [tilespmem:s30], [sflag:$0x5], $0x10, s24, s19, $0xb8;
	[tilespmem:$0xDE68] =	vst v63  }
0x136: {  	_ =	swait.ge [sflag:s25], $0x800  }
0x137: {  	[sflag:s25] =	ssyncset.done $0x0  }
0x138: {  	[sflag:s25] =	ssyncadd.s32 $0xFFFFF800  }
0x139: {  	_ =	swait.ge [sflag:s28], $0x80  }
0x13a: {  	[sflag:s28] =	ssyncset.done $0x0  }
0x13b: {  	[sflag:s28] =	ssyncadd.s32 $0xFFFFFF80  }
0x13c: {  	_ =	swait.ge [sflag:s22], $0x80  }
0x13d: {  	[sflag:s22] =	ssyncset.done $0x0  }
0x13e: {  	[sflag:s22] =	ssyncadd.s32 $0xFFFFFF80  }
0x13f: {  	[bflag:$0x0] =	sbarrier.arrive $0xFFFF  }
0x140: {  	s0 =	sor.u32 $0x1C05, s0;
	s16 =	sshrl.u32 s12, $0x3;
	s20 =	rddreg [dreg:$0xd]  }
0x141: {  	[hbm:s20], [sflag:s0] =	dma.local [spmem:s16], $0x4F0  }
0x142: {  	_ =	swait.ge [sflag:s25], $0x4F0  }
0x143: {  	[sflag:s25] =	ssyncset.done $0x0  }
0x144: {  	s15 =	sshrl.u32 s13, $0x3;
	s16 =	rddreg [dreg:$0xe];
	[sflag:s25] =	ssyncadd.s32 $0xFFFFFB10  }
0x145: {  	[hbm:s16], [sflag:s0] =	dma.local [spmem:s15], $0x4F  }
0x146: {  	s6 =	sadd.s32 $0x1, s6;
	_ =	swait.ge [sflag:s25], $0x4F  }
0x147: {  	p1 =	sne.s32 s6, s18;
	[sflag:s25] =	ssyncset.done $0x0  }
.Ltmp5:
0x148: {  	s20 =	sshrl.u32 s14, $0x3;
	[sflag:s25] =	ssyncadd.s32 $0xFFFFFFB1;
	(pc) =	sbr.rel @p1 .LBB2_1-.Ltmp5, $4  }
0x149: {  	[hbm:s17], [sflag:s0] =	dma.local [spmem:s20], $0x4F  }
0x14a: {  	_ =	swait.ge [sflag:s25], $0x4F  }
0x14b: {  	[sflag:s25] =	ssyncset.done $0x0  }
0x14c: {  	[sflag:s25] =	ssyncadd.s32 $0xFFFFFFB1  }
0x14d: {  	_ =	sfence.sel $0x180000  }
0x14e: {  	[bflag:$0x0] =	sbarrier.arrive $0xFFFF  }
0x14f: {  	_ =	strace $0x90000047  }
0x150: {  	[bflag:$0x2] =	sbarrier.arrive $0xFFFF  }
0x151: {  	p0 =	sne.s32 s21, $0x0;
	s0 =	rddreg [dreg:$0x7]  }
0x152: {  	s0 =	sadd.s32 @!p0 $0x100000, s0  }
0x153: {  	[sflag:s0] =	ssyncadd.tile.s32 @!p0 $0x1;
	_ =	shalt  }
.Lfunc_end2:
_tile_overlayer_lowered:
.L_overlay_start_2:
0x154: {  	(tag) =	ssettag $0x2  }
0x155: {  	s0 =	rddreg [dreg:$0x0];
	s2 =	stileid.u32  }
0x156: {  	s1 =	rddreg [dreg:$0x1];
	p0 =	sne.s32 s2, $0x0  }
0x157: {  	s3 =	rddreg [dreg:$0x2];
	[bflag:$0x3] =	sbarrier.arrive $0xFFFF;
	s2 =	simm.s32 @!p0 $0x1C05  }
0x158: {  	[timem:s3], [sflag:s2] =	dma.local @!p0 [hbm:s0], s1  }
0x159: {  	s0 =	simm.s32 @!p0 $0x5  }
0x15a: {  	_ =	swait.ge @!p0 [sflag:s0], s1  }
0x15b: {  	s1 =	ssub.s32 @!p0 $0x0, s1;
	[sflag:s0] =	ssyncset.done @!p0 $0x0  }
0x15c: {  	[sflag:s0] =	ssyncadd.s32 @!p0 s1  }
0x15d: {  	[bflag:$0x3] =	sbarrier.arrive $0xFFFF  }
0x15e: {  	_ =	shalt  }

</sc_bundles>
